<compile_context>
chip_gen: v7x
topology: tpu7x:2x2x1
jax: 0.10.2.dev20260603
libtpu: 0.0.44.dev20260713+nightly
codegen_flags: <defaults>
</compile_context>

<pallas_src>
import functools

import jax
import jax.numpy as jnp
from jax import lax
from jax.experimental import pallas as pl
from jax.experimental.pallas import tpu as pltpu
from jax.experimental.pallas import tpu_sc as plsc

VOCAB = 1000
CPAD = 1024
B, T = 1024, 200
N_TOK = B * T

_NC, _NS = 2, 16
_NW = _NC * _NS
_TOK_PER_W = N_TOK // _NW

_CHUNK = 40
_NCHUNK = _TOK_PER_W // _CHUNK

_LCHUNK = 128
_NLCH = _TOK_PER_W // _LCHUNK


def _lse_body(tab_ref, out_ref):
    x = tab_ref[...]
    m = jnp.max(x, axis=1)
    s = jnp.sum(jnp.exp(x - m[:, None]), axis=1)
    out_ref[...] = m + jnp.log(s)


def _loss_body(p_ref, out_ref):
    out_ref[...] = (jnp.sum(p_ref[...]) * (1.0 / N_TOK)).reshape(1, 1)


_NCT = 7
_TAILW = VOCAB - _NCT * 128
_SP_TOK = N_TOK
_SP_PER_W = _SP_TOK // _NW
_SP_NCHUNK = _SP_PER_W // _CHUNK


def _rowgather_body(idx_hbm, tgt_hbm, table8_hbm, tail_hbm, tabflat_hbm,
                    lse_hbm, out_hbm, part_hbm,
                    idx0_v, idx1_v, tgt0_v, tgt1_v, fidx0_v, fidx1_v,
                    fi0_v, fi1_v, rows0_v, rows1_v, slab0_v, slab1_v,
                    lsg0_v, lsg1_v, pck0_v, pck1_v, acc_v,
                    gsem0, gsem1, ssem0, ssem1, isem0, isem1):
    wid = lax.axis_index("s") * _NC + lax.axis_index("c")
    base = wid * _SP_PER_W

    idx_r = (idx0_v, idx1_v)
    tgt_r = (tgt0_v, tgt1_v)
    fidx_r = (fidx0_v, fidx1_v)
    fi_r = (fi0_v, fi1_v)
    rows_r = (rows0_v, rows1_v)
    slab_r = (slab0_v, slab1_v)
    lsg_r = (lsg0_v, lsg1_v)
    pck_r = (pck0_v, pck1_v)
    gsem = (gsem0, gsem1)
    ssem = (ssem0, ssem1)
    isem = (isem0, isem1)

    _SLICES = (0, 16, _CHUNK - 16)

    def compute_fidx(b):
        for ct in range(_NCT):
            for o in _SLICES:
                sl = pl.ds(o, 16)
                fidx_r[b][pl.ds(ct * _CHUNK + o, 16)] = (
                    (idx_r[b][sl] << 3) + ct)
        for o in _SLICES:
            sl = pl.ds(o, 16)
            fi_r[b][sl] = idx_r[b][sl] * VOCAB + tgt_r[b][sl]

    def start_gathers(b):
        for ct in range(_NCT):
            pltpu.async_copy(
                table8_hbm.at[fidx_r[b].at[pl.ds(ct * _CHUNK, _CHUNK)]],
                rows_r[b].at[:, pl.ds(ct * 128, 128)], gsem[b])
        pltpu.async_copy(tail_hbm.at[idx_r[b]], slab_r[b], gsem[b])
        pltpu.async_copy(lse_hbm.at[idx_r[b]], lsg_r[b], gsem[b])
        pltpu.async_copy(tabflat_hbm.at[fi_r[b]], pck_r[b], gsem[b])

    def wait_gathers(b):
        for ct in range(_NCT):
            pltpu.make_async_copy(
                table8_hbm.at[fidx_r[b].at[pl.ds(ct * _CHUNK, _CHUNK)]],
                rows_r[b].at[:, pl.ds(ct * 128, 128)], gsem[b]).wait()
        pltpu.make_async_copy(tail_hbm.at[idx_r[b]], slab_r[b],
                              gsem[b]).wait()
        pltpu.make_async_copy(lse_hbm.at[idx_r[b]], lsg_r[b],
                              gsem[b]).wait()
        pltpu.make_async_copy(tabflat_hbm.at[fi_r[b]], pck_r[b],
                              gsem[b]).wait()

    def fill_tail(b):
        def row(r, carry):
            for o in (0, 16, 32, 48, 64, _TAILW - 32, _TAILW - 16):
                rows_r[b][r, pl.ds(_NCT * 128 + o, 16)] = (
                    slab_r[b][r, pl.ds(o, 16)])
            return carry
        lax.fori_loop(0, _CHUNK, row, 0)

    def acc_update(b):
        lanes = lax.iota(jnp.int32, 16)
        for o in _SLICES:
            sl = pl.ds(o, 16)
            d = lsg_r[b][sl] - pck_r[b][sl]
            if o == _CHUNK - 16:
                d = jnp.where(lanes >= 8, d, 0.0)
            acc_v[...] = acc_v[...] + d

    def out_write_start(b, tok):
        pltpu.async_copy(rows_r[b], out_hbm.at[pl.ds(tok, _CHUNK)],
                         ssem[b])

    def out_write_wait(b, tok):
        pltpu.make_async_copy(rows_r[b], out_hbm.at[pl.ds(tok, _CHUNK)],
                              ssem[b]).wait()

    acc_v[...] = jnp.zeros((16,), jnp.float32)

    for b in (0, 1):
        tok0 = base + b * _CHUNK
        pltpu.sync_copy(idx_hbm.at[pl.ds(tok0, _CHUNK)], idx_r[b])
        pltpu.sync_copy(tgt_hbm.at[pl.ds(tok0, _CHUNK)], tgt_r[b])
        compute_fidx(b)
        start_gathers(b)

    def pair(k, carry):
        for b in (0, 1):
            c = 2 * k + b
            tok_c = base + c * _CHUNK
            tok_n = tok_c + 2 * _CHUNK
            wait_gathers(b)
            fill_tail(b)
            out_write_start(b, tok_c)
            acc_update(b)
            pltpu.async_copy(idx_hbm.at[pl.ds(tok_n, _CHUNK)], idx_r[b],
                             isem[b])
            pltpu.async_copy(tgt_hbm.at[pl.ds(tok_n, _CHUNK)], tgt_r[b],
                             isem[b])
            pltpu.make_async_copy(idx_hbm.at[pl.ds(tok_n, _CHUNK)],
                                  idx_r[b], isem[b]).wait()
            pltpu.make_async_copy(tgt_hbm.at[pl.ds(tok_n, _CHUNK)],
                                  tgt_r[b], isem[b]).wait()
            compute_fidx(b)
            out_write_wait(b, tok_c)
            start_gathers(b)
        return carry

    lax.fori_loop(0, _SP_NCHUNK // 2 - 1, pair, 0)

    for b in (0, 1):
        c = _SP_NCHUNK - 2 + b
        tok_c = base + c * _CHUNK
        wait_gathers(b)
        fill_tail(b)
        out_write_start(b, tok_c)
        acc_update(b)
        out_write_wait(b, tok_c)

    pltpu.sync_copy(acc_v, part_hbm.at[pl.ds(wid * 16, 16)])


@functools.partial(
    pl.kernel,
    out_type=[
        jax.ShapeDtypeStruct((_SP_TOK, VOCAB), jnp.float32),
        jax.ShapeDtypeStruct((_NW * 16,), jnp.float32),
    ],
    mesh=plsc.VectorSubcoreMesh(core_axis_name="c", subcore_axis_name="s"),
    compiler_params=pltpu.CompilerParams(needs_layout_passes=False),
    scratch_types=(
        [pltpu.VMEM((_CHUNK,), jnp.int32)] * 4
        + [pltpu.VMEM((_NCT * _CHUNK,), jnp.int32)] * 2
        + [pltpu.VMEM((_CHUNK,), jnp.int32)] * 2
        + [pltpu.VMEM((_CHUNK, VOCAB), jnp.float32)] * 2
        + [pltpu.VMEM((_CHUNK, 128), jnp.float32)] * 2
        + [pltpu.VMEM((_CHUNK,), jnp.float32)] * 4
        + [pltpu.VMEM((16,), jnp.float32)]
        + [pltpu.SemaphoreType.DMA] * 6
    ),
)
def _sc_rowgather(idx_hbm, tgt_hbm, table8_hbm, tail_hbm, tabflat_hbm,
                  lse_hbm, out_hbm, part_hbm, *scratch):
    _rowgather_body(idx_hbm, tgt_hbm, table8_hbm, tail_hbm, tabflat_hbm,
                    lse_hbm, out_hbm, part_hbm, *scratch)


def kernel(idx, targets, table):
    idx_f = idx.reshape(-1).astype(jnp.int32)
    tgt_f = targets.reshape(-1).astype(jnp.int32)
    table = table.astype(jnp.float32)

    tab_pad = jnp.pad(table, ((0, 0), (0, CPAD - VOCAB)),
                      constant_values=-1e30)

    lse_table = pl.pallas_call(
        _lse_body,
        out_shape=jax.ShapeDtypeStruct((VOCAB,), jnp.float32),
    )(tab_pad)

    tab8 = tab_pad.reshape(VOCAB * 8, 128)
    tab_tail = jnp.pad(table[:, _NCT * 128:], ((0, 0), (0, 128 - _TAILW)))
    tab_flat = jnp.pad(table.reshape(-1), (0, 8))
    logits2, partials = _sc_rowgather(idx_f, tgt_f, tab8, tab_tail,
                                      tab_flat, lse_table)

    loss = pl.pallas_call(
        _loss_body,
        out_shape=jax.ShapeDtypeStruct((1, 1), jnp.float32),
    )(partials)[0, 0]

    return (logits2, loss)

# --- scband reference (transcript-rebuilt; emitter-appended) ---
"""Pipeline reference for scband-bigram-language-model-80290118631596 (READ-ONLY COPY).

The authoritative reference and input builder live on the scoring server;
editing this copy changes nothing except your own understanding.
"""

import jax, jax.numpy as jnp
import numpy as np

VOCAB = 1000
B, T = 1024, 200

def setup_inputs(seed: int = 0) -> dict:
    key = jax.random.key(seed)
    k1, k2, k3 = jax.random.split(key, 3)
    idx = jax.random.randint(k1, (B, T), 0, VOCAB, dtype=jnp.int64 if jax.config.jax_enable_x64 else jnp.int32)
    targets = jax.random.randint(k2, (B, T), 0, VOCAB, dtype=jnp.int64 if jax.config.jax_enable_x64 else jnp.int32)
    table = jax.random.normal(k3, (VOCAB, VOCAB), dtype=jnp.float32)
    return {"idx": idx, "targets": targets, "table": table}

def reference(idx, targets, table):
    # nn.Embedding lookup: logits[b, t, :] = table[idx[b, t], :]
    logits = jnp.take(table, idx, axis=0)  # [B, T, C]
    Bv, Tv, C = logits.shape
    logits2 = logits.reshape(Bv * Tv, C)
    t = targets.reshape(Bv * Tv)
    # cross entropy (mean reduction, matching F.cross_entropy)
    lse = jax.scipy.special.logsumexp(logits2, axis=-1)
    picked = jnp.take_along_axis(logits2, t[:, None], axis=1)[:, 0]
    loss = jnp.mean(lse - picked)
    return (logits2, loss)

if __name__ == "__main__":
    import jax
    _d = setup_inputs()
    print(jax.jit(kernel)(*tuple(_d.values())))

</pallas_src>

<mosaic_0001>
#map = affine_map<(d0, d1) -> (0)>
#map1 = affine_map<(d0, d1) -> (0, 0)>
module attributes {stable_mosaic.version = 14 : i64} {
  func.func @_sc_rowgather(%arg0: i32, %arg1: i32, %arg2: memref<204800xi32, #tpu.memory_space<hbm>>, %arg3: memref<204800xi32, #tpu.memory_space<hbm>>, %arg4: memref<8000x128xf32, #tpu.memory_space<hbm>>, %arg5: memref<1000x128xf32, #tpu.memory_space<hbm>>, %arg6: memref<1000008xf32, #tpu.memory_space<hbm>>, %arg7: memref<1000xf32, #tpu.memory_space<hbm>>, %arg8: memref<204800x1000xf32, #tpu.memory_space<hbm>>, %arg9: memref<512xf32, #tpu.memory_space<hbm>>, %arg10: memref<40xi32, #tpu.memory_space<vmem>>, %arg11: memref<40xi32, #tpu.memory_space<vmem>>, %arg12: memref<40xi32, #tpu.memory_space<vmem>>, %arg13: memref<40xi32, #tpu.memory_space<vmem>>, %arg14: memref<280xi32, #tpu.memory_space<vmem>>, %arg15: memref<280xi32, #tpu.memory_space<vmem>>, %arg16: memref<40xi32, #tpu.memory_space<vmem>>, %arg17: memref<40xi32, #tpu.memory_space<vmem>>, %arg18: memref<40x1000xf32, #tpu.memory_space<vmem>>, %arg19: memref<40x1000xf32, #tpu.memory_space<vmem>>, %arg20: memref<40x128xf32, #tpu.memory_space<vmem>>, %arg21: memref<40x128xf32, #tpu.memory_space<vmem>>, %arg22: memref<40xf32, #tpu.memory_space<vmem>>, %arg23: memref<40xf32, #tpu.memory_space<vmem>>, %arg24: memref<40xf32, #tpu.memory_space<vmem>>, %arg25: memref<40xf32, #tpu.memory_space<vmem>>, %arg26: memref<16xf32, #tpu.memory_space<vmem>>, %arg27: memref<!tpu.dma_semaphore, #tpu.memory_space<semaphore_mem>>, %arg28: memref<!tpu.dma_semaphore, #tpu.memory_space<semaphore_mem>>, %arg29: memref<!tpu.dma_semaphore, #tpu.memory_space<semaphore_mem>>, %arg30: memref<!tpu.dma_semaphore, #tpu.memory_space<semaphore_mem>>, %arg31: memref<!tpu.dma_semaphore, #tpu.memory_space<semaphore_mem>>, %arg32: memref<!tpu.dma_semaphore, #tpu.memory_space<semaphore_mem>>) attributes {dimension_semantics = [#tpu.dimension_semantics<core_parallel>, #tpu.dimension_semantics<subcore_parallel>], iteration_bounds = array<i64: 2, 16>, scalar_prefetch = 0 : i64, scratch_operands = 23 : i64, tpu.core_type = #tpu.core_type<sc_vector_subcore>, window_params = [{transform_indices = #map}, {transform_indices = #map}, {transform_indices = #map1}, {transform_indices = #map1}, {transform_indices = #map}, {transform_indices = #map}, {transform_indices = #map1}, {transform_indices = #map}]} {
    %mul3A = arith.constant 2 : i32
    %mul3A_0 = arith.muli %arg1, %mul3A : i32
    %add3A = arith.addi %mul3A_0, %arg0 : i32
    %mul3A_1 = arith.constant 6400 : i32
    %mul3A_2 = arith.muli %add3A, %mul3A_1 : i32
    %broadcast_in_dim3A = arith.constant 0.000000e+00 : f32
    %broadcast_in_dim3A_3 = vector.broadcast %broadcast_in_dim3A : f32 to vector<16xf32>
    %swap3A = arith.constant 0 : index
    %swap3A_4 = tpu.vector_load %arg26[%swap3A] {strides = array<i32>} : memref<16xf32, #tpu.memory_space<vmem>>, vector<16xf32>,
    tpu.vector_store %arg26[%swap3A], %broadcast_in_dim3A_3 {strides = array<i32>} : memref<16xf32, #tpu.memory_space<vmem>>, vector<16xf32>,
    %add3A_5 = arith.constant 0 : i32
    %add3A_6 = arith.addi %mul3A_2, %add3A_5 : i32
    "tpu.region"() ({
      %run_scoped3A = tpu.sem_alloc : memref<!tpu.dma_semaphore, #tpu.memory_space<semaphore_mem>>
      %dma_start3A_845 = tpu.memref_slice %arg2[%add3A_6] : memref<204800xi32, #tpu.memory_space<hbm>> -> memref<40xi32, #tpu.memory_space<hbm>>
      %dma_start3A_846 = tpu.memref_slice %arg2[%add3A_6] : memref<204800xi32, #tpu.memory_space<hbm>> -> memref<40xi32, #tpu.memory_space<hbm>>
      tpu.enqueue_dma source(%dma_start3A_846 : memref<40xi32, #tpu.memory_space<hbm>>) target(%arg10 : memref<40xi32, #tpu.memory_space<vmem>>) target_semaphore(%run_scoped3A : memref<!tpu.dma_semaphore, #tpu.memory_space<semaphore_mem>>)
      %dma_wait3A_847 = tpu.memref_slice %arg2[%add3A_6] : memref<204800xi32, #tpu.memory_space<hbm>> -> memref<40xi32, #tpu.memory_space<hbm>>
      %dma_wait3A_848 = tpu.memref_slice %arg2[%add3A_6] : memref<204800xi32, #tpu.memory_space<hbm>> -> memref<40xi32, #tpu.memory_space<hbm>>
      tpu.wait_dma2 semaphore(%run_scoped3A : memref<!tpu.dma_semaphore, #tpu.memory_space<semaphore_mem>>) src(%dma_wait3A_848 : memref<40xi32, #tpu.memory_space<hbm>>) dst(%arg10 : memref<40xi32, #tpu.memory_space<vmem>>)
      tpu.yield
    }) : () -> ()
    "tpu.region"() ({
      %run_scoped3A = tpu.sem_alloc : memref<!tpu.dma_semaphore, #tpu.memory_space<semaphore_mem>>
      %dma_start3A_845 = tpu.memref_slice %arg3[%add3A_6] : memref<204800xi32, #tpu.memory_space<hbm>> -> memref<40xi32, #tpu.memory_space<hbm>>
      %dma_start3A_846 = tpu.memref_slice %arg3[%add3A_6] : memref<204800xi32, #tpu.memory_space<hbm>> -> memref<40xi32, #tpu.memory_space<hbm>>
      tpu.enqueue_dma source(%dma_start3A_846 : memref<40xi32, #tpu.memory_space<hbm>>) target(%arg12 : memref<40xi32, #tpu.memory_space<vmem>>) target_semaphore(%run_scoped3A : memref<!tpu.dma_semaphore, #tpu.memory_space<semaphore_mem>>)
      %dma_wait3A_847 = tpu.memref_slice %arg3[%add3A_6] : memref<204800xi32, #tpu.memory_space<hbm>> -> memref<40xi32, #tpu.memory_space<hbm>>
      %dma_wait3A_848 = tpu.memref_slice %arg3[%add3A_6] : memref<204800xi32, #tpu.memory_space<hbm>> -> memref<40xi32, #tpu.memory_space<hbm>>
      tpu.wait_dma2 semaphore(%run_scoped3A : memref<!tpu.dma_semaphore, #tpu.memory_space<semaphore_mem>>) src(%dma_wait3A_848 : memref<40xi32, #tpu.memory_space<hbm>>) dst(%arg12 : memref<40xi32, #tpu.memory_space<vmem>>)
      tpu.yield
    }) : () -> ()
    %get3A = arith.constant 0 : index
    %get3A_7 = tpu.vector_load %arg10[%get3A] {strides = array<i32>} : memref<40xi32, #tpu.memory_space<vmem>>, vector<16xi32>,
    %shift_left3A = arith.constant 3 : i32
    %shift_left3A_8 = vector.broadcast %shift_left3A : i32 to vector<16xi32>
    %shift_left3A_9 = arith.shli %get3A_7, %shift_left3A_8 : vector<16xi32>
    %add3A_10 = arith.constant 0 : i32
    %add3A_11 = vector.broadcast %add3A_10 : i32 to vector<16xi32>
    %add3A_12 = arith.addi %shift_left3A_9, %add3A_11 : vector<16xi32>
    %swap3A_13 = arith.constant 0 : index
    %swap3A_14 = tpu.vector_load %arg14[%swap3A_13] {strides = array<i32>} : memref<280xi32, #tpu.memory_space<vmem>>, vector<16xi32>,
    tpu.vector_store %arg14[%swap3A_13], %add3A_12 {strides = array<i32>} : memref<280xi32, #tpu.memory_space<vmem>>, vector<16xi32>,
    %get3A_15 = arith.constant 16 : index
    %get3A_16 = tpu.vector_load %arg10[%get3A_15] {strides = array<i32>} : memref<40xi32, #tpu.memory_space<vmem>>, vector<16xi32>,
    %shift_left3A_17 = arith.constant 3 : i32
    %shift_left3A_18 = vector.broadcast %shift_left3A_17 : i32 to vector<16xi32>
    %shift_left3A_19 = arith.shli %get3A_16, %shift_left3A_18 : vector<16xi32>
    %add3A_20 = arith.constant 0 : i32
    %add3A_21 = vector.broadcast %add3A_20 : i32 to vector<16xi32>
    %add3A_22 = arith.addi %shift_left3A_19, %add3A_21 : vector<16xi32>
    %swap3A_23 = arith.constant 16 : index
    %swap3A_24 = tpu.vector_load %arg14[%swap3A_23] {strides = array<i32>} : memref<280xi32, #tpu.memory_space<vmem>>, vector<16xi32>,
    tpu.vector_store %arg14[%swap3A_23], %add3A_22 {strides = array<i32>} : memref<280xi32, #tpu.memory_space<vmem>>, vector<16xi32>,
    %get3A_25 = arith.constant 24 : index
    %get3A_26 = tpu.vector_load %arg10[%get3A_25] {strides = array<i32>} : memref<40xi32, #tpu.memory_space<vmem>>, vector<16xi32>,
    %shift_left3A_27 = arith.constant 3 : i32
    %shift_left3A_28 = vector.broadcast %shift_left3A_27 : i32 to vector<16xi32>
    %shift_left3A_29 = arith.shli %get3A_26, %shift_left3A_28 : vector<16xi32>
    %add3A_30 = arith.constant 0 : i32
    %add3A_31 = vector.broadcast %add3A_30 : i32 to vector<16xi32>
    %add3A_32 = arith.addi %shift_left3A_29, %add3A_31 : vector<16xi32>
    %swap3A_33 = arith.constant 24 : index
    %swap3A_34 = tpu.vector_load %arg14[%swap3A_33] {strides = array<i32>} : memref<280xi32, #tpu.memory_space<vmem>>, vector<16xi32>,
    tpu.vector_store %arg14[%swap3A_33], %add3A_32 {strides = array<i32>} : memref<280xi32, #tpu.memory_space<vmem>>, vector<16xi32>,
    %get3A_35 = arith.constant 0 : index
    %get3A_36 = tpu.vector_load %arg10[%get3A_35] {strides = array<i32>} : memref<40xi32, #tpu.memory_space<vmem>>, vector<16xi32>,
    %shift_left3A_37 = arith.constant 3 : i32
    %shift_left3A_38 = vector.broadcast %shift_left3A_37 : i32 to vector<16xi32>
    %shift_left3A_39 = arith.shli %get3A_36, %shift_left3A_38 : vector<16xi32>
    %add3A_40 = arith.constant 1 : i32
    %add3A_41 = vector.broadcast %add3A_40 : i32 to vector<16xi32>
    %add3A_42 = arith.addi %shift_left3A_39, %add3A_41 : vector<16xi32>
    %swap3A_43 = arith.constant 40 : index
    %swap3A_44 = tpu.vector_load %arg14[%swap3A_43] {strides = array<i32>} : memref<280xi32, #tpu.memory_space<vmem>>, vector<16xi32>,
    tpu.vector_store %arg14[%swap3A_43], %add3A_42 {strides = array<i32>} : memref<280xi32, #tpu.memory_space<vmem>>, vector<16xi32>,
    %get3A_45 = arith.constant 16 : index
    %get3A_46 = tpu.vector_load %arg10[%get3A_45] {strides = array<i32>} : memref<40xi32, #tpu.memory_space<vmem>>, vector<16xi32>,
    %shift_left3A_47 = arith.constant 3 : i32
    %shift_left3A_48 = vector.broadcast %shift_left3A_47 : i32 to vector<16xi32>
    %shift_left3A_49 = arith.shli %get3A_46, %shift_left3A_48 : vector<16xi32>
    %add3A_50 = arith.constant 1 : i32
    %add3A_51 = vector.broadcast %add3A_50 : i32 to vector<16xi32>
    %add3A_52 = arith.addi %shift_left3A_49, %add3A_51 : vector<16xi32>
    %swap3A_53 = arith.constant 56 : index
    %swap3A_54 = tpu.vector_load %arg14[%swap3A_53] {strides = array<i32>} : memref<280xi32, #tpu.memory_space<vmem>>, vector<16xi32>,
    tpu.vector_store %arg14[%swap3A_53], %add3A_52 {strides = array<i32>} : memref<280xi32, #tpu.memory_space<vmem>>, vector<16xi32>,
    %get3A_55 = arith.constant 24 : index
    %get3A_56 = tpu.vector_load %arg10[%get3A_55] {strides = array<i32>} : memref<40xi32, #tpu.memory_space<vmem>>, vector<16xi32>,
    %shift_left3A_57 = arith.constant 3 : i32
    %shift_left3A_58 = vector.broadcast %shift_left3A_57 : i32 to vector<16xi32>
    %shift_left3A_59 = arith.shli %get3A_56, %shift_left3A_58 : vector<16xi32>
    %add3A_60 = arith.constant 1 : i32
    %add3A_61 = vector.broadcast %add3A_60 : i32 to vector<16xi32>
    %add3A_62 = arith.addi %shift_left3A_59, %add3A_61 : vector<16xi32>
    %swap3A_63 = arith.constant 64 : index
    %swap3A_64 = tpu.vector_load %arg14[%swap3A_63] {strides = array<i32>} : memref<280xi32, #tpu.memory_space<vmem>>, vector<16xi32>,
    tpu.vector_store %arg14[%swap3A_63], %add3A_62 {strides = array<i32>} : memref<280xi32, #tpu.memory_space<vmem>>, vector<16xi32>,
    %get3A_65 = arith.constant 0 : index
    %get3A_66 = tpu.vector_load %arg10[%get3A_65] {strides = array<i32>} : memref<40xi32, #tpu.memory_space<vmem>>, vector<16xi32>,
    %shift_left3A_67 = arith.constant 3 : i32
    %shift_left3A_68 = vector.broadcast %shift_left3A_67 : i32 to vector<16xi32>
    %shift_left3A_69 = arith.shli %get3A_66, %shift_left3A_68 : vector<16xi32>
    %add3A_70 = arith.constant 2 : i32
    %add3A_71 = vector.broadcast %add3A_70 : i32 to vector<16xi32>
    %add3A_72 = arith.addi %shift_left3A_69, %add3A_71 : vector<16xi32>
    %swap3A_73 = arith.constant 80 : index
    %swap3A_74 = tpu.vector_load %arg14[%swap3A_73] {strides = array<i32>} : memref<280xi32, #tpu.memory_space<vmem>>, vector<16xi32>,
    tpu.vector_store %arg14[%swap3A_73], %add3A_72 {strides = array<i32>} : memref<280xi32, #tpu.memory_space<vmem>>, vector<16xi32>,
    %get3A_75 = arith.constant 16 : index
    %get3A_76 = tpu.vector_load %arg10[%get3A_75] {strides = array<i32>} : memref<40xi32, #tpu.memory_space<vmem>>, vector<16xi32>,
    %shift_left3A_77 = arith.constant 3 : i32
    %shift_left3A_78 = vector.broadcast %shift_left3A_77 : i32 to vector<16xi32>
    %shift_left3A_79 = arith.shli %get3A_76, %shift_left3A_78 : vector<16xi32>
    %add3A_80 = arith.constant 2 : i32
    %add3A_81 = vector.broadcast %add3A_80 : i32 to vector<16xi32>
    %add3A_82 = arith.addi %shift_left3A_79, %add3A_81 : vector<16xi32>
    %swap3A_83 = arith.constant 96 : index
    %swap3A_84 = tpu.vector_load %arg14[%swap3A_83] {strides = array<i32>} : memref<280xi32, #tpu.memory_space<vmem>>, vector<16xi32>,
    tpu.vector_store %arg14[%swap3A_83], %add3A_82 {strides = array<i32>} : memref<280xi32, #tpu.memory_space<vmem>>, vector<16xi32>,
    %get3A_85 = arith.constant 24 : index
    %get3A_86 = tpu.vector_load %arg10[%get3A_85] {strides = array<i32>} : memref<40xi32, #tpu.memory_space<vmem>>, vector<16xi32>,
    %shift_left3A_87 = arith.constant 3 : i32
    %shift_left3A_88 = vector.broadcast %shift_left3A_87 : i32 to vector<16xi32>
    %shift_left3A_89 = arith.shli %get3A_86, %shift_left3A_88 : vector<16xi32>
    %add3A_90 = arith.constant 2 : i32
    %add3A_91 = vector.broadcast %add3A_90 : i32 to vector<16xi32>
    %add3A_92 = arith.addi %shift_left3A_89, %add3A_91 : vector<16xi32>
    %swap3A_93 = arith.constant 104 : index
    %swap3A_94 = tpu.vector_load %arg14[%swap3A_93] {strides = array<i32>} : memref<280xi32, #tpu.memory_space<vmem>>, vector<16xi32>,
    tpu.vector_store %arg14[%swap3A_93], %add3A_92 {strides = array<i32>} : memref<280xi32, #tpu.memory_space<vmem>>, vector<16xi32>,
    %get3A_95 = arith.constant 0 : index
    %get3A_96 = tpu.vector_load %arg10[%get3A_95] {strides = array<i32>} : memref<40xi32, #tpu.memory_space<vmem>>, vector<16xi32>,
    %shift_left3A_97 = arith.constant 3 : i32
    %shift_left3A_98 = vector.broadcast %shift_left3A_97 : i32 to vector<16xi32>
    %shift_left3A_99 = arith.shli %get3A_96, %shift_left3A_98 : vector<16xi32>
    %add3A_100 = arith.constant 3 : i32
    %add3A_101 = vector.broadcast %add3A_100 : i32 to vector<16xi32>
    %add3A_102 = arith.addi %shift_left3A_99, %add3A_101 : vector<16xi32>
    %swap3A_103 = arith.constant 120 : index
    %swap3A_104 = tpu.vector_load %arg14[%swap3A_103] {strides = array<i32>} : memref<280xi32, #tpu.memory_space<vmem>>, vector<16xi32>,
    tpu.vector_store %arg14[%swap3A_103], %add3A_102 {strides = array<i32>} : memref<280xi32, #tpu.memory_space<vmem>>, vector<16xi32>,
    %get3A_105 = arith.constant 16 : index
    %get3A_106 = tpu.vector_load %arg10[%get3A_105] {strides = array<i32>} : memref<40xi32, #tpu.memory_space<vmem>>, vector<16xi32>,
    %shift_left3A_107 = arith.constant 3 : i32
    %shift_left3A_108 = vector.broadcast %shift_left3A_107 : i32 to vector<16xi32>
    %shift_left3A_109 = arith.shli %get3A_106, %shift_left3A_108 : vector<16xi32>
    %add3A_110 = arith.constant 3 : i32
    %add3A_111 = vector.broadcast %add3A_110 : i32 to vector<16xi32>
    %add3A_112 = arith.addi %shift_left3A_109, %add3A_111 : vector<16xi32>
    %swap3A_113 = arith.constant 136 : index
    %swap3A_114 = tpu.vector_load %arg14[%swap3A_113] {strides = array<i32>} : memref<280xi32, #tpu.memory_space<vmem>>, vector<16xi32>,
    tpu.vector_store %arg14[%swap3A_113], %add3A_112 {strides = array<i32>} : memref<280xi32, #tpu.memory_space<vmem>>, vector<16xi32>,
    %get3A_115 = arith.constant 24 : index
    %get3A_116 = tpu.vector_load %arg10[%get3A_115] {strides = array<i32>} : memref<40xi32, #tpu.memory_space<vmem>>, vector<16xi32>,
    %shift_left3A_117 = arith.constant 3 : i32
    %shift_left3A_118 = vector.broadcast %shift_left3A_117 : i32 to vector<16xi32>
    %shift_left3A_119 = arith.shli %get3A_116, %shift_left3A_118 : vector<16xi32>
    %add3A_120 = arith.constant 3 : i32
    %add3A_121 = vector.broadcast %add3A_120 : i32 to vector<16xi32>
    %add3A_122 = arith.addi %shift_left3A_119, %add3A_121 : vector<16xi32>
    %swap3A_123 = arith.constant 144 : index
    %swap3A_124 = tpu.vector_load %arg14[%swap3A_123] {strides = array<i32>} : memref<280xi32, #tpu.memory_space<vmem>>, vector<16xi32>,
    tpu.vector_store %arg14[%swap3A_123], %add3A_122 {strides = array<i32>} : memref<280xi32, #tpu.memory_space<vmem>>, vector<16xi32>,
    %get3A_125 = arith.constant 0 : index
    %get3A_126 = tpu.vector_load %arg10[%get3A_125] {strides = array<i32>} : memref<40xi32, #tpu.memory_space<vmem>>, vector<16xi32>,
    %shift_left3A_127 = arith.constant 3 : i32
    %shift_left3A_128 = vector.broadcast %shift_left3A_127 : i32 to vector<16xi32>
    %shift_left3A_129 = arith.shli %get3A_126, %shift_left3A_128 : vector<16xi32>
    %add3A_130 = arith.constant 4 : i32
    %add3A_131 = vector.broadcast %add3A_130 : i32 to vector<16xi32>
    %add3A_132 = arith.addi %shift_left3A_129, %add3A_131 : vector<16xi32>
    %swap3A_133 = arith.constant 160 : index
    %swap3A_134 = tpu.vector_load %arg14[%swap3A_133] {strides = array<i32>} : memref<280xi32, #tpu.memory_space<vmem>>, vector<16xi32>,
    tpu.vector_store %arg14[%swap3A_133], %add3A_132 {strides = array<i32>} : memref<280xi32, #tpu.memory_space<vmem>>, vector<16xi32>,
    %get3A_135 = arith.constant 16 : index
    %get3A_136 = tpu.vector_load %arg10[%get3A_135] {strides = array<i32>} : memref<40xi32, #tpu.memory_space<vmem>>, vector<16xi32>,
    %shift_left3A_137 = arith.constant 3 : i32
    %shift_left3A_138 = vector.broadcast %shift_left3A_137 : i32 to vector<16xi32>
    %shift_left3A_139 = arith.shli %get3A_136, %shift_left3A_138 : vector<16xi32>
    %add3A_140 = arith.constant 4 : i32
    %add3A_141 = vector.broadcast %add3A_140 : i32 to vector<16xi32>
    %add3A_142 = arith.addi %shift_left3A_139, %add3A_141 : vector<16xi32>
    %swap3A_143 = arith.constant 176 : index
    %swap3A_144 = tpu.vector_load %arg14[%swap3A_143] {strides = array<i32>} : memref<280xi32, #tpu.memory_space<vmem>>, vector<16xi32>,
    tpu.vector_store %arg14[%swap3A_143], %add3A_142 {strides = array<i32>} : memref<280xi32, #tpu.memory_space<vmem>>, vector<16xi32>,
    %get3A_145 = arith.constant 24 : index
    %get3A_146 = tpu.vector_load %arg10[%get3A_145] {strides = array<i32>} : memref<40xi32, #tpu.memory_space<vmem>>, vector<16xi32>,
    %shift_left3A_147 = arith.constant 3 : i32
    %shift_left3A_148 = vector.broadcast %shift_left3A_147 : i32 to vector<16xi32>
    %shift_left3A_149 = arith.shli %get3A_146, %shift_left3A_148 : vector<16xi32>
    %add3A_150 = arith.constant 4 : i32
    %add3A_151 = vector.broadcast %add3A_150 : i32 to vector<16xi32>
    %add3A_152 = arith.addi %shift_left3A_149, %add3A_151 : vector<16xi32>
    %swap3A_153 = arith.constant 184 : index
    %swap3A_154 = tpu.vector_load %arg14[%swap3A_153] {strides = array<i32>} : memref<280xi32, #tpu.memory_space<vmem>>, vector<16xi32>,
    tpu.vector_store %arg14[%swap3A_153], %add3A_152 {strides = array<i32>} : memref<280xi32, #tpu.memory_space<vmem>>, vector<16xi32>,
    %get3A_155 = arith.constant 0 : index
    %get3A_156 = tpu.vector_load %arg10[%get3A_155] {strides = array<i32>} : memref<40xi32, #tpu.memory_space<vmem>>, vector<16xi32>,
    %shift_left3A_157 = arith.constant 3 : i32
    %shift_left3A_158 = vector.broadcast %shift_left3A_157 : i32 to vector<16xi32>
    %shift_left3A_159 = arith.shli %get3A_156, %shift_left3A_158 : vector<16xi32>
    %add3A_160 = arith.constant 5 : i32
    %add3A_161 = vector.broadcast %add3A_160 : i32 to vector<16xi32>
    %add3A_162 = arith.addi %shift_left3A_159, %add3A_161 : vector<16xi32>
    %swap3A_163 = arith.constant 200 : index
    %swap3A_164 = tpu.vector_load %arg14[%swap3A_163] {strides = array<i32>} : memref<280xi32, #tpu.memory_space<vmem>>, vector<16xi32>,
    tpu.vector_store %arg14[%swap3A_163], %add3A_162 {strides = array<i32>} : memref<280xi32, #tpu.memory_space<vmem>>, vector<16xi32>,
    %get3A_165 = arith.constant 16 : index
    %get3A_166 = tpu.vector_load %arg10[%get3A_165] {strides = array<i32>} : memref<40xi32, #tpu.memory_space<vmem>>, vector<16xi32>,
    %shift_left3A_167 = arith.constant 3 : i32
    %shift_left3A_168 = vector.broadcast %shift_left3A_167 : i32 to vector<16xi32>
    %shift_left3A_169 = arith.shli %get3A_166, %shift_left3A_168 : vector<16xi32>
    %add3A_170 = arith.constant 5 : i32
    %add3A_171 = vector.broadcast %add3A_170 : i32 to vector<16xi32>
    %add3A_172 = arith.addi %shift_left3A_169, %add3A_171 : vector<16xi32>
    %swap3A_173 = arith.constant 216 : index
    %swap3A_174 = tpu.vector_load %arg14[%swap3A_173] {strides = array<i32>} : memref<280xi32, #tpu.memory_space<vmem>>, vector<16xi32>,
    tpu.vector_store %arg14[%swap3A_173], %add3A_172 {strides = array<i32>} : memref<280xi32, #tpu.memory_space<vmem>>, vector<16xi32>,
    %get3A_175 = arith.constant 24 : index
    %get3A_176 = tpu.vector_load %arg10[%get3A_175] {strides = array<i32>} : memref<40xi32, #tpu.memory_space<vmem>>, vector<16xi32>,
    %shift_left3A_177 = arith.constant 3 : i32
    %shift_left3A_178 = vector.broadcast %shift_left3A_177 : i32 to vector<16xi32>
    %shift_left3A_179 = arith.shli %get3A_176, %shift_left3A_178 : vector<16xi32>
    %add3A_180 = arith.constant 5 : i32
    %add3A_181 = vector.broadcast %add3A_180 : i32 to vector<16xi32>
    %add3A_182 = arith.addi %shift_left3A_179, %add3A_181 : vector<16xi32>
    %swap3A_183 = arith.constant 224 : index
    %swap3A_184 = tpu.vector_load %arg14[%swap3A_183] {strides = array<i32>} : memref<280xi32, #tpu.memory_space<vmem>>, vector<16xi32>,
    tpu.vector_store %arg14[%swap3A_183], %add3A_182 {strides = array<i32>} : memref<280xi32, #tpu.memory_space<vmem>>, vector<16xi32>,
    %get3A_185 = arith.constant 0 : index
    %get3A_186 = tpu.vector_load %arg10[%get3A_185] {strides = array<i32>} : memref<40xi32, #tpu.memory_space<vmem>>, vector<16xi32>,
    %shift_left3A_187 = arith.constant 3 : i32
    %shift_left3A_188 = vector.broadcast %shift_left3A_187 : i32 to vector<16xi32>
    %shift_left3A_189 = arith.shli %get3A_186, %shift_left3A_188 : vector<16xi32>
    %add3A_190 = arith.constant 6 : i32
    %add3A_191 = vector.broadcast %add3A_190 : i32 to vector<16xi32>
    %add3A_192 = arith.addi %shift_left3A_189, %add3A_191 : vector<16xi32>
    %swap3A_193 = arith.constant 240 : index
    %swap3A_194 = tpu.vector_load %arg14[%swap3A_193] {strides = array<i32>} : memref<280xi32, #tpu.memory_space<vmem>>, vector<16xi32>,
    tpu.vector_store %arg14[%swap3A_193], %add3A_192 {strides = array<i32>} : memref<280xi32, #tpu.memory_space<vmem>>, vector<16xi32>,
    %get3A_195 = arith.constant 16 : index
    %get3A_196 = tpu.vector_load %arg10[%get3A_195] {strides = array<i32>} : memref<40xi32, #tpu.memory_space<vmem>>, vector<16xi32>,
    %shift_left3A_197 = arith.constant 3 : i32
    %shift_left3A_198 = vector.broadcast %shift_left3A_197 : i32 to vector<16xi32>
    %shift_left3A_199 = arith.shli %get3A_196, %shift_left3A_198 : vector<16xi32>
    %add3A_200 = arith.constant 6 : i32
    %add3A_201 = vector.broadcast %add3A_200 : i32 to vector<16xi32>
    %add3A_202 = arith.addi %shift_left3A_199, %add3A_201 : vector<16xi32>
    %swap3A_203 = arith.constant 256 : index
    %swap3A_204 = tpu.vector_load %arg14[%swap3A_203] {strides = array<i32>} : memref<280xi32, #tpu.memory_space<vmem>>, vector<16xi32>,
    tpu.vector_store %arg14[%swap3A_203], %add3A_202 {strides = array<i32>} : memref<280xi32, #tpu.memory_space<vmem>>, vector<16xi32>,
    %get3A_205 = arith.constant 24 : index
    %get3A_206 = tpu.vector_load %arg10[%get3A_205] {strides = array<i32>} : memref<40xi32, #tpu.memory_space<vmem>>, vector<16xi32>,
    %shift_left3A_207 = arith.constant 3 : i32
    %shift_left3A_208 = vector.broadcast %shift_left3A_207 : i32 to vector<16xi32>
    %shift_left3A_209 = arith.shli %get3A_206, %shift_left3A_208 : vector<16xi32>
    %add3A_210 = arith.constant 6 : i32
    %add3A_211 = vector.broadcast %add3A_210 : i32 to vector<16xi32>
    %add3A_212 = arith.addi %shift_left3A_209, %add3A_211 : vector<16xi32>
    %swap3A_213 = arith.constant 264 : index
    %swap3A_214 = tpu.vector_load %arg14[%swap3A_213] {strides = array<i32>} : memref<280xi32, #tpu.memory_space<vmem>>, vector<16xi32>,
    tpu.vector_store %arg14[%swap3A_213], %add3A_212 {strides = array<i32>} : memref<280xi32, #tpu.memory_space<vmem>>, vector<16xi32>,
    %get3A_215 = arith.constant 0 : index
    %get3A_216 = tpu.vector_load %arg10[%get3A_215] {strides = array<i32>} : memref<40xi32, #tpu.memory_space<vmem>>, vector<16xi32>,
    %mul3A_217 = arith.constant 1000 : i32
    %mul3A_218 = vector.broadcast %mul3A_217 : i32 to vector<16xi32>
    %mul3A_219 = arith.muli %get3A_216, %mul3A_218 : vector<16xi32>
    %get3A_220 = arith.constant 0 : index
    %get3A_221 = tpu.vector_load %arg12[%get3A_220] {strides = array<i32>} : memref<40xi32, #tpu.memory_space<vmem>>, vector<16xi32>,
    %add3A_222 = arith.addi %mul3A_219, %get3A_221 : vector<16xi32>
    %swap3A_223 = arith.constant 0 : index
    %swap3A_224 = tpu.vector_load %arg16[%swap3A_223] {strides = array<i32>} : memref<40xi32, #tpu.memory_space<vmem>>, vector<16xi32>,
    tpu.vector_store %arg16[%swap3A_223], %add3A_222 {strides = array<i32>} : memref<40xi32, #tpu.memory_space<vmem>>, vector<16xi32>,
    %get3A_225 = arith.constant 16 : index
    %get3A_226 = tpu.vector_load %arg10[%get3A_225] {strides = array<i32>} : memref<40xi32, #tpu.memory_space<vmem>>, vector<16xi32>,
    %mul3A_227 = arith.constant 1000 : i32
    %mul3A_228 = vector.broadcast %mul3A_227 : i32 to vector<16xi32>
    %mul3A_229 = arith.muli %get3A_226, %mul3A_228 : vector<16xi32>
    %get3A_230 = arith.constant 16 : index
    %get3A_231 = tpu.vector_load %arg12[%get3A_230] {strides = array<i32>} : memref<40xi32, #tpu.memory_space<vmem>>, vector<16xi32>,
    %add3A_232 = arith.addi %mul3A_229, %get3A_231 : vector<16xi32>
    %swap3A_233 = arith.constant 16 : index
    %swap3A_234 = tpu.vector_load %arg16[%swap3A_233] {strides = array<i32>} : memref<40xi32, #tpu.memory_space<vmem>>, vector<16xi32>,
    tpu.vector_store %arg16[%swap3A_233], %add3A_232 {strides = array<i32>} : memref<40xi32, #tpu.memory_space<vmem>>, vector<16xi32>,
    %get3A_235 = arith.constant 24 : index
    %get3A_236 = tpu.vector_load %arg10[%get3A_235] {strides = array<i32>} : memref<40xi32, #tpu.memory_space<vmem>>, vector<16xi32>,
    %mul3A_237 = arith.constant 1000 : i32
    %mul3A_238 = vector.broadcast %mul3A_237 : i32 to vector<16xi32>
    %mul3A_239 = arith.muli %get3A_236, %mul3A_238 : vector<16xi32>
    %get3A_240 = arith.constant 24 : index
    %get3A_241 = tpu.vector_load %arg12[%get3A_240] {strides = array<i32>} : memref<40xi32, #tpu.memory_space<vmem>>, vector<16xi32>,
    %add3A_242 = arith.addi %mul3A_239, %get3A_241 : vector<16xi32>
    %swap3A_243 = arith.constant 24 : index
    %swap3A_244 = tpu.vector_load %arg16[%swap3A_243] {strides = array<i32>} : memref<40xi32, #tpu.memory_space<vmem>>, vector<16xi32>,
    tpu.vector_store %arg16[%swap3A_243], %add3A_242 {strides = array<i32>} : memref<40xi32, #tpu.memory_space<vmem>>, vector<16xi32>,
    %dma_start3A = arith.constant 0 : i32
    %dma_start3A_245 = arith.constant 0 : i32
    %dma_start3A_246 = tpu.memref_slice %arg18[%dma_start3A, %dma_start3A_245] : memref<40x1000xf32, #tpu.memory_space<vmem>> -> memref<40x128xf32, #tpu.memory_space<vmem>>
    %dma_start3A_247 = arith.constant 0 : i32
    %dma_start3A_248 = tpu.memref_slice %arg14[%dma_start3A_247] : memref<280xi32, #tpu.memory_space<vmem>> -> memref<40xi32, #tpu.memory_space<vmem>>
    %dma_start3A_249 = arith.constant 0 : i32
    %dma_start3A_250 = arith.constant 0 : i32
    %dma_start3A_251 = tpu.memref_slice %arg4[%dma_start3A_249, %dma_start3A_250] : memref<8000x128xf32, #tpu.memory_space<hbm>> -> memref<8000x128xf32, #tpu.memory_space<hbm>>
    tpu.enqueue_indirect_dma source(%dma_start3A_251 : memref<8000x128xf32, #tpu.memory_space<hbm>>) target(%dma_start3A_246 : memref<40x128xf32, #tpu.memory_space<vmem>>) offsets(%dma_start3A_248 : memref<40xi32, #tpu.memory_space<vmem>>) semaphore(%arg27 : memref<!tpu.dma_semaphore, #tpu.memory_space<semaphore_mem>>)
    %dma_start3A_252 = arith.constant 0 : i32
    %dma_start3A_253 = arith.constant 128 : i32
    %dma_start3A_254 = tpu.memref_slice %arg18[%dma_start3A_252, %dma_start3A_253] : memref<40x1000xf32, #tpu.memory_space<vmem>> -> memref<40x128xf32, #tpu.memory_space<vmem>>
    %dma_start3A_255 = arith.constant 40 : i32
    %dma_start3A_256 = tpu.memref_slice %arg14[%dma_start3A_255] : memref<280xi32, #tpu.memory_space<vmem>> -> memref<40xi32, #tpu.memory_space<vmem>>
    %dma_start3A_257 = arith.constant 0 : i32
    %dma_start3A_258 = arith.constant 0 : i32
    %dma_start3A_259 = tpu.memref_slice %arg4[%dma_start3A_257, %dma_start3A_258] : memref<8000x128xf32, #tpu.memory_space<hbm>> -> memref<8000x128xf32, #tpu.memory_space<hbm>>
    tpu.enqueue_indirect_dma source(%dma_start3A_259 : memref<8000x128xf32, #tpu.memory_space<hbm>>) target(%dma_start3A_254 : memref<40x128xf32, #tpu.memory_space<vmem>>) offsets(%dma_start3A_256 : memref<40xi32, #tpu.memory_space<vmem>>) semaphore(%arg27 : memref<!tpu.dma_semaphore, #tpu.memory_space<semaphore_mem>>)
    %dma_start3A_260 = arith.constant 0 : i32
    %dma_start3A_261 = arith.constant 256 : i32
    %dma_start3A_262 = tpu.memref_slice %arg18[%dma_start3A_260, %dma_start3A_261] : memref<40x1000xf32, #tpu.memory_space<vmem>> -> memref<40x128xf32, #tpu.memory_space<vmem>>
    %dma_start3A_263 = arith.constant 80 : i32
    %dma_start3A_264 = tpu.memref_slice %arg14[%dma_start3A_263] : memref<280xi32, #tpu.memory_space<vmem>> -> memref<40xi32, #tpu.memory_space<vmem>>
    %dma_start3A_265 = arith.constant 0 : i32
    %dma_start3A_266 = arith.constant 0 : i32
    %dma_start3A_267 = tpu.memref_slice %arg4[%dma_start3A_265, %dma_start3A_266] : memref<8000x128xf32, #tpu.memory_space<hbm>> -> memref<8000x128xf32, #tpu.memory_space<hbm>>
    tpu.enqueue_indirect_dma source(%dma_start3A_267 : memref<8000x128xf32, #tpu.memory_space<hbm>>) target(%dma_start3A_262 : memref<40x128xf32, #tpu.memory_space<vmem>>) offsets(%dma_start3A_264 : memref<40xi32, #tpu.memory_space<vmem>>) semaphore(%arg27 : memref<!tpu.dma_semaphore, #tpu.memory_space<semaphore_mem>>)
    %dma_start3A_268 = arith.constant 0 : i32
    %dma_start3A_269 = arith.constant 384 : i32
    %dma_start3A_270 = tpu.memref_slice %arg18[%dma_start3A_268, %dma_start3A_269] : memref<40x1000xf32, #tpu.memory_space<vmem>> -> memref<40x128xf32, #tpu.memory_space<vmem>>
    %dma_start3A_271 = arith.constant 120 : i32
    %dma_start3A_272 = tpu.memref_slice %arg14[%dma_start3A_271] : memref<280xi32, #tpu.memory_space<vmem>> -> memref<40xi32, #tpu.memory_space<vmem>>
    %dma_start3A_273 = arith.constant 0 : i32
    %dma_start3A_274 = arith.constant 0 : i32
    %dma_start3A_275 = tpu.memref_slice %arg4[%dma_start3A_273, %dma_start3A_274] : memref<8000x128xf32, #tpu.memory_space<hbm>> -> memref<8000x128xf32, #tpu.memory_space<hbm>>
    tpu.enqueue_indirect_dma source(%dma_start3A_275 : memref<8000x128xf32, #tpu.memory_space<hbm>>) target(%dma_start3A_270 : memref<40x128xf32, #tpu.memory_space<vmem>>) offsets(%dma_start3A_272 : memref<40xi32, #tpu.memory_space<vmem>>) semaphore(%arg27 : memref<!tpu.dma_semaphore, #tpu.memory_space<semaphore_mem>>)
    %dma_start3A_276 = arith.constant 0 : i32
    %dma_start3A_277 = arith.constant 512 : i32
    %dma_start3A_278 = tpu.memref_slice %arg18[%dma_start3A_276, %dma_start3A_277] : memref<40x1000xf32, #tpu.memory_space<vmem>> -> memref<40x128xf32, #tpu.memory_space<vmem>>
    %dma_start3A_279 = arith.constant 160 : i32
    %dma_start3A_280 = tpu.memref_slice %arg14[%dma_start3A_279] : memref<280xi32, #tpu.memory_space<vmem>> -> memref<40xi32, #tpu.memory_space<vmem>>
    %dma_start3A_281 = arith.constant 0 : i32
    %dma_start3A_282 = arith.constant 0 : i32
    %dma_start3A_283 = tpu.memref_slice %arg4[%dma_start3A_281, %dma_start3A_282] : memref<8000x128xf32, #tpu.memory_space<hbm>> -> memref<8000x128xf32, #tpu.memory_space<hbm>>
    tpu.enqueue_indirect_dma source(%dma_start3A_283 : memref<8000x128xf32, #tpu.memory_space<hbm>>) target(%dma_start3A_278 : memref<40x128xf32, #tpu.memory_space<vmem>>) offsets(%dma_start3A_280 : memref<40xi32, #tpu.memory_space<vmem>>) semaphore(%arg27 : memref<!tpu.dma_semaphore, #tpu.memory_space<semaphore_mem>>)
    %dma_start3A_284 = arith.constant 0 : i32
    %dma_start3A_285 = arith.constant 640 : i32
    %dma_start3A_286 = tpu.memref_slice %arg18[%dma_start3A_284, %dma_start3A_285] : memref<40x1000xf32, #tpu.memory_space<vmem>> -> memref<40x128xf32, #tpu.memory_space<vmem>>
    %dma_start3A_287 = arith.constant 200 : i32
    %dma_start3A_288 = tpu.memref_slice %arg14[%dma_start3A_287] : memref<280xi32, #tpu.memory_space<vmem>> -> memref<40xi32, #tpu.memory_space<vmem>>
    %dma_start3A_289 = arith.constant 0 : i32
    %dma_start3A_290 = arith.constant 0 : i32
    %dma_start3A_291 = tpu.memref_slice %arg4[%dma_start3A_289, %dma_start3A_290] : memref<8000x128xf32, #tpu.memory_space<hbm>> -> memref<8000x128xf32, #tpu.memory_space<hbm>>
    tpu.enqueue_indirect_dma source(%dma_start3A_291 : memref<8000x128xf32, #tpu.memory_space<hbm>>) target(%dma_start3A_286 : memref<40x128xf32, #tpu.memory_space<vmem>>) offsets(%dma_start3A_288 : memref<40xi32, #tpu.memory_space<vmem>>) semaphore(%arg27 : memref<!tpu.dma_semaphore, #tpu.memory_space<semaphore_mem>>)
    %dma_start3A_292 = arith.constant 0 : i32
    %dma_start3A_293 = arith.constant 768 : i32
    %dma_start3A_294 = tpu.memref_slice %arg18[%dma_start3A_292, %dma_start3A_293] : memref<40x1000xf32, #tpu.memory_space<vmem>> -> memref<40x128xf32, #tpu.memory_space<vmem>>
    %dma_start3A_295 = arith.constant 240 : i32
    %dma_start3A_296 = tpu.memref_slice %arg14[%dma_start3A_295] : memref<280xi32, #tpu.memory_space<vmem>> -> memref<40xi32, #tpu.memory_space<vmem>>
    %dma_start3A_297 = arith.constant 0 : i32
    %dma_start3A_298 = arith.constant 0 : i32
    %dma_start3A_299 = tpu.memref_slice %arg4[%dma_start3A_297, %dma_start3A_298] : memref<8000x128xf32, #tpu.memory_space<hbm>> -> memref<8000x128xf32, #tpu.memory_space<hbm>>
    tpu.enqueue_indirect_dma source(%dma_start3A_299 : memref<8000x128xf32, #tpu.memory_space<hbm>>) target(%dma_start3A_294 : memref<40x128xf32, #tpu.memory_space<vmem>>) offsets(%dma_start3A_296 : memref<40xi32, #tpu.memory_space<vmem>>) semaphore(%arg27 : memref<!tpu.dma_semaphore, #tpu.memory_space<semaphore_mem>>)
    %dma_start3A_300 = arith.constant 0 : i32
    %dma_start3A_301 = arith.constant 0 : i32
    %dma_start3A_302 = tpu.memref_slice %arg5[%dma_start3A_300, %dma_start3A_301] : memref<1000x128xf32, #tpu.memory_space<hbm>> -> memref<1000x128xf32, #tpu.memory_space<hbm>>
    tpu.enqueue_indirect_dma source(%dma_start3A_302 : memref<1000x128xf32, #tpu.memory_space<hbm>>) target(%arg20 : memref<40x128xf32, #tpu.memory_space<vmem>>) offsets(%arg10 : memref<40xi32, #tpu.memory_space<vmem>>) semaphore(%arg27 : memref<!tpu.dma_semaphore, #tpu.memory_space<semaphore_mem>>)
    %dma_start3A_303 = arith.constant 0 : i32
    %dma_start3A_304 = tpu.memref_slice %arg7[%dma_start3A_303] : memref<1000xf32, #tpu.memory_space<hbm>> -> memref<1000xf32, #tpu.memory_space<hbm>>
    tpu.enqueue_indirect_dma source(%dma_start3A_304 : memref<1000xf32, #tpu.memory_space<hbm>>) target(%arg22 : memref<40xf32, #tpu.memory_space<vmem>>) offsets(%arg10 : memref<40xi32, #tpu.memory_space<vmem>>) semaphore(%arg27 : memref<!tpu.dma_semaphore, #tpu.memory_space<semaphore_mem>>)
    %dma_start3A_305 = arith.constant 0 : i32
    %dma_start3A_306 = tpu.memref_slice %arg6[%dma_start3A_305] : memref<1000008xf32, #tpu.memory_space<hbm>> -> memref<1000008xf32, #tpu.memory_space<hbm>>
    tpu.enqueue_indirect_dma source(%dma_start3A_306 : memref<1000008xf32, #tpu.memory_space<hbm>>) target(%arg24 : memref<40xf32, #tpu.memory_space<vmem>>) offsets(%arg16 : memref<40xi32, #tpu.memory_space<vmem>>) semaphore(%arg27 : memref<!tpu.dma_semaphore, #tpu.memory_space<semaphore_mem>>)
    %add3A_307 = arith.constant 40 : i32
    %add3A_308 = arith.addi %mul3A_2, %add3A_307 : i32
    "tpu.region"() ({
      %run_scoped3A = tpu.sem_alloc : memref<!tpu.dma_semaphore, #tpu.memory_space<semaphore_mem>>
      %dma_start3A_845 = tpu.memref_slice %arg2[%add3A_308] : memref<204800xi32, #tpu.memory_space<hbm>> -> memref<40xi32, #tpu.memory_space<hbm>>
      %dma_start3A_846 = tpu.memref_slice %arg2[%add3A_308] : memref<204800xi32, #tpu.memory_space<hbm>> -> memref<40xi32, #tpu.memory_space<hbm>>
      tpu.enqueue_dma source(%dma_start3A_846 : memref<40xi32, #tpu.memory_space<hbm>>) target(%arg11 : memref<40xi32, #tpu.memory_space<vmem>>) target_semaphore(%run_scoped3A : memref<!tpu.dma_semaphore, #tpu.memory_space<semaphore_mem>>)
      %dma_wait3A_847 = tpu.memref_slice %arg2[%add3A_308] : memref<204800xi32, #tpu.memory_space<hbm>> -> memref<40xi32, #tpu.memory_space<hbm>>
      %dma_wait3A_848 = tpu.memref_slice %arg2[%add3A_308] : memref<204800xi32, #tpu.memory_space<hbm>> -> memref<40xi32, #tpu.memory_space<hbm>>
      tpu.wait_dma2 semaphore(%run_scoped3A : memref<!tpu.dma_semaphore, #tpu.memory_space<semaphore_mem>>) src(%dma_wait3A_848 : memref<40xi32, #tpu.memory_space<hbm>>) dst(%arg11 : memref<40xi32, #tpu.memory_space<vmem>>)
      tpu.yield
    }) : () -> ()
    "tpu.region"() ({
      %run_scoped3A = tpu.sem_alloc : memref<!tpu.dma_semaphore, #tpu.memory_space<semaphore_mem>>
      %dma_start3A_845 = tpu.memref_slice %arg3[%add3A_308] : memref<204800xi32, #tpu.memory_space<hbm>> -> memref<40xi32, #tpu.memory_space<hbm>>
      %dma_start3A_846 = tpu.memref_slice %arg3[%add3A_308] : memref<204800xi32, #tpu.memory_space<hbm>> -> memref<40xi32, #tpu.memory_space<hbm>>
      tpu.enqueue_dma source(%dma_start3A_846 : memref<40xi32, #tpu.memory_space<hbm>>) target(%arg13 : memref<40xi32, #tpu.memory_space<vmem>>) target_semaphore(%run_scoped3A : memref<!tpu.dma_semaphore, #tpu.memory_space<semaphore_mem>>)
      %dma_wait3A_847 = tpu.memref_slice %arg3[%add3A_308] : memref<204800xi32, #tpu.memory_space<hbm>> -> memref<40xi32, #tpu.memory_space<hbm>>
      %dma_wait3A_848 = tpu.memref_slice %arg3[%add3A_308] : memref<204800xi32, #tpu.memory_space<hbm>> -> memref<40xi32, #tpu.memory_space<hbm>>
      tpu.wait_dma2 semaphore(%run_scoped3A : memref<!tpu.dma_semaphore, #tpu.memory_space<semaphore_mem>>) src(%dma_wait3A_848 : memref<40xi32, #tpu.memory_space<hbm>>) dst(%arg13 : memref<40xi32, #tpu.memory_space<vmem>>)
      tpu.yield
    }) : () -> ()
    %get3A_309 = arith.constant 0 : index
    %get3A_310 = tpu.vector_load %arg11[%get3A_309] {strides = array<i32>} : memref<40xi32, #tpu.memory_space<vmem>>, vector<16xi32>,
    %shift_left3A_311 = arith.constant 3 : i32
    %shift_left3A_312 = vector.broadcast %shift_left3A_311 : i32 to vector<16xi32>
    %shift_left3A_313 = arith.shli %get3A_310, %shift_left3A_312 : vector<16xi32>
    %add3A_314 = arith.constant 0 : i32
    %add3A_315 = vector.broadcast %add3A_314 : i32 to vector<16xi32>
    %add3A_316 = arith.addi %shift_left3A_313, %add3A_315 : vector<16xi32>
    %swap3A_317 = arith.constant 0 : index
    %swap3A_318 = tpu.vector_load %arg15[%swap3A_317] {strides = array<i32>} : memref<280xi32, #tpu.memory_space<vmem>>, vector<16xi32>,
    tpu.vector_store %arg15[%swap3A_317], %add3A_316 {strides = array<i32>} : memref<280xi32, #tpu.memory_space<vmem>>, vector<16xi32>,
    %get3A_319 = arith.constant 16 : index
    %get3A_320 = tpu.vector_load %arg11[%get3A_319] {strides = array<i32>} : memref<40xi32, #tpu.memory_space<vmem>>, vector<16xi32>,
    %shift_left3A_321 = arith.constant 3 : i32
    %shift_left3A_322 = vector.broadcast %shift_left3A_321 : i32 to vector<16xi32>
    %shift_left3A_323 = arith.shli %get3A_320, %shift_left3A_322 : vector<16xi32>
    %add3A_324 = arith.constant 0 : i32
    %add3A_325 = vector.broadcast %add3A_324 : i32 to vector<16xi32>
    %add3A_326 = arith.addi %shift_left3A_323, %add3A_325 : vector<16xi32>
    %swap3A_327 = arith.constant 16 : index
    %swap3A_328 = tpu.vector_load %arg15[%swap3A_327] {strides = array<i32>} : memref<280xi32, #tpu.memory_space<vmem>>, vector<16xi32>,
    tpu.vector_store %arg15[%swap3A_327], %add3A_326 {strides = array<i32>} : memref<280xi32, #tpu.memory_space<vmem>>, vector<16xi32>,
    %get3A_329 = arith.constant 24 : index
    %get3A_330 = tpu.vector_load %arg11[%get3A_329] {strides = array<i32>} : memref<40xi32, #tpu.memory_space<vmem>>, vector<16xi32>,
    %shift_left3A_331 = arith.constant 3 : i32
    %shift_left3A_332 = vector.broadcast %shift_left3A_331 : i32 to vector<16xi32>
    %shift_left3A_333 = arith.shli %get3A_330, %shift_left3A_332 : vector<16xi32>
    %add3A_334 = arith.constant 0 : i32
    %add3A_335 = vector.broadcast %add3A_334 : i32 to vector<16xi32>
    %add3A_336 = arith.addi %shift_left3A_333, %add3A_335 : vector<16xi32>
    %swap3A_337 = arith.constant 24 : index
    %swap3A_338 = tpu.vector_load %arg15[%swap3A_337] {strides = array<i32>} : memref<280xi32, #tpu.memory_space<vmem>>, vector<16xi32>,
    tpu.vector_store %arg15[%swap3A_337], %add3A_336 {strides = array<i32>} : memref<280xi32, #tpu.memory_space<vmem>>, vector<16xi32>,
    %get3A_339 = arith.constant 0 : index
    %get3A_340 = tpu.vector_load %arg11[%get3A_339] {strides = array<i32>} : memref<40xi32, #tpu.memory_space<vmem>>, vector<16xi32>,
    %shift_left3A_341 = arith.constant 3 : i32
    %shift_left3A_342 = vector.broadcast %shift_left3A_341 : i32 to vector<16xi32>
    %shift_left3A_343 = arith.shli %get3A_340, %shift_left3A_342 : vector<16xi32>
    %add3A_344 = arith.constant 1 : i32
    %add3A_345 = vector.broadcast %add3A_344 : i32 to vector<16xi32>
    %add3A_346 = arith.addi %shift_left3A_343, %add3A_345 : vector<16xi32>
    %swap3A_347 = arith.constant 40 : index
    %swap3A_348 = tpu.vector_load %arg15[%swap3A_347] {strides = array<i32>} : memref<280xi32, #tpu.memory_space<vmem>>, vector<16xi32>,
    tpu.vector_store %arg15[%swap3A_347], %add3A_346 {strides = array<i32>} : memref<280xi32, #tpu.memory_space<vmem>>, vector<16xi32>,
    %get3A_349 = arith.constant 16 : index
    %get3A_350 = tpu.vector_load %arg11[%get3A_349] {strides = array<i32>} : memref<40xi32, #tpu.memory_space<vmem>>, vector<16xi32>,
    %shift_left3A_351 = arith.constant 3 : i32
    %shift_left3A_352 = vector.broadcast %shift_left3A_351 : i32 to vector<16xi32>
    %shift_left3A_353 = arith.shli %get3A_350, %shift_left3A_352 : vector<16xi32>
    %add3A_354 = arith.constant 1 : i32
    %add3A_355 = vector.broadcast %add3A_354 : i32 to vector<16xi32>
    %add3A_356 = arith.addi %shift_left3A_353, %add3A_355 : vector<16xi32>
    %swap3A_357 = arith.constant 56 : index
    %swap3A_358 = tpu.vector_load %arg15[%swap3A_357] {strides = array<i32>} : memref<280xi32, #tpu.memory_space<vmem>>, vector<16xi32>,
    tpu.vector_store %arg15[%swap3A_357], %add3A_356 {strides = array<i32>} : memref<280xi32, #tpu.memory_space<vmem>>, vector<16xi32>,
    %get3A_359 = arith.constant 24 : index
    %get3A_360 = tpu.vector_load %arg11[%get3A_359] {strides = array<i32>} : memref<40xi32, #tpu.memory_space<vmem>>, vector<16xi32>,
    %shift_left3A_361 = arith.constant 3 : i32
    %shift_left3A_362 = vector.broadcast %shift_left3A_361 : i32 to vector<16xi32>
    %shift_left3A_363 = arith.shli %get3A_360, %shift_left3A_362 : vector<16xi32>
    %add3A_364 = arith.constant 1 : i32
    %add3A_365 = vector.broadcast %add3A_364 : i32 to vector<16xi32>
    %add3A_366 = arith.addi %shift_left3A_363, %add3A_365 : vector<16xi32>
    %swap3A_367 = arith.constant 64 : index
    %swap3A_368 = tpu.vector_load %arg15[%swap3A_367] {strides = array<i32>} : memref<280xi32, #tpu.memory_space<vmem>>, vector<16xi32>,
    tpu.vector_store %arg15[%swap3A_367], %add3A_366 {strides = array<i32>} : memref<280xi32, #tpu.memory_space<vmem>>, vector<16xi32>,
    %get3A_369 = arith.constant 0 : index
    %get3A_370 = tpu.vector_load %arg11[%get3A_369] {strides = array<i32>} : memref<40xi32, #tpu.memory_space<vmem>>, vector<16xi32>,
    %shift_left3A_371 = arith.constant 3 : i32
    %shift_left3A_372 = vector.broadcast %shift_left3A_371 : i32 to vector<16xi32>
    %shift_left3A_373 = arith.shli %get3A_370, %shift_left3A_372 : vector<16xi32>
    %add3A_374 = arith.constant 2 : i32
    %add3A_375 = vector.broadcast %add3A_374 : i32 to vector<16xi32>
    %add3A_376 = arith.addi %shift_left3A_373, %add3A_375 : vector<16xi32>
    %swap3A_377 = arith.constant 80 : index
    %swap3A_378 = tpu.vector_load %arg15[%swap3A_377] {strides = array<i32>} : memref<280xi32, #tpu.memory_space<vmem>>, vector<16xi32>,
    tpu.vector_store %arg15[%swap3A_377], %add3A_376 {strides = array<i32>} : memref<280xi32, #tpu.memory_space<vmem>>, vector<16xi32>,
    %get3A_379 = arith.constant 16 : index
    %get3A_380 = tpu.vector_load %arg11[%get3A_379] {strides = array<i32>} : memref<40xi32, #tpu.memory_space<vmem>>, vector<16xi32>,
    %shift_left3A_381 = arith.constant 3 : i32
    %shift_left3A_382 = vector.broadcast %shift_left3A_381 : i32 to vector<16xi32>
    %shift_left3A_383 = arith.shli %get3A_380, %shift_left3A_382 : vector<16xi32>
    %add3A_384 = arith.constant 2 : i32
    %add3A_385 = vector.broadcast %add3A_384 : i32 to vector<16xi32>
    %add3A_386 = arith.addi %shift_left3A_383, %add3A_385 : vector<16xi32>
    %swap3A_387 = arith.constant 96 : index
    %swap3A_388 = tpu.vector_load %arg15[%swap3A_387] {strides = array<i32>} : memref<280xi32, #tpu.memory_space<vmem>>, vector<16xi32>,
    tpu.vector_store %arg15[%swap3A_387], %add3A_386 {strides = array<i32>} : memref<280xi32, #tpu.memory_space<vmem>>, vector<16xi32>,
    %get3A_389 = arith.constant 24 : index
    %get3A_390 = tpu.vector_load %arg11[%get3A_389] {strides = array<i32>} : memref<40xi32, #tpu.memory_space<vmem>>, vector<16xi32>,
    %shift_left3A_391 = arith.constant 3 : i32
    %shift_left3A_392 = vector.broadcast %shift_left3A_391 : i32 to vector<16xi32>
    %shift_left3A_393 = arith.shli %get3A_390, %shift_left3A_392 : vector<16xi32>
    %add3A_394 = arith.constant 2 : i32
    %add3A_395 = vector.broadcast %add3A_394 : i32 to vector<16xi32>
    %add3A_396 = arith.addi %shift_left3A_393, %add3A_395 : vector<16xi32>
    %swap3A_397 = arith.constant 104 : index
    %swap3A_398 = tpu.vector_load %arg15[%swap3A_397] {strides = array<i32>} : memref<280xi32, #tpu.memory_space<vmem>>, vector<16xi32>,
    tpu.vector_store %arg15[%swap3A_397], %add3A_396 {strides = array<i32>} : memref<280xi32, #tpu.memory_space<vmem>>, vector<16xi32>,
    %get3A_399 = arith.constant 0 : index
    %get3A_400 = tpu.vector_load %arg11[%get3A_399] {strides = array<i32>} : memref<40xi32, #tpu.memory_space<vmem>>, vector<16xi32>,
    %shift_left3A_401 = arith.constant 3 : i32
    %shift_left3A_402 = vector.broadcast %shift_left3A_401 : i32 to vector<16xi32>
    %shift_left3A_403 = arith.shli %get3A_400, %shift_left3A_402 : vector<16xi32>
    %add3A_404 = arith.constant 3 : i32
    %add3A_405 = vector.broadcast %add3A_404 : i32 to vector<16xi32>
    %add3A_406 = arith.addi %shift_left3A_403, %add3A_405 : vector<16xi32>
    %swap3A_407 = arith.constant 120 : index
    %swap3A_408 = tpu.vector_load %arg15[%swap3A_407] {strides = array<i32>} : memref<280xi32, #tpu.memory_space<vmem>>, vector<16xi32>,
    tpu.vector_store %arg15[%swap3A_407], %add3A_406 {strides = array<i32>} : memref<280xi32, #tpu.memory_space<vmem>>, vector<16xi32>,
    %get3A_409 = arith.constant 16 : index
    %get3A_410 = tpu.vector_load %arg11[%get3A_409] {strides = array<i32>} : memref<40xi32, #tpu.memory_space<vmem>>, vector<16xi32>,
    %shift_left3A_411 = arith.constant 3 : i32
    %shift_left3A_412 = vector.broadcast %shift_left3A_411 : i32 to vector<16xi32>
    %shift_left3A_413 = arith.shli %get3A_410, %shift_left3A_412 : vector<16xi32>
    %add3A_414 = arith.constant 3 : i32
    %add3A_415 = vector.broadcast %add3A_414 : i32 to vector<16xi32>
    %add3A_416 = arith.addi %shift_left3A_413, %add3A_415 : vector<16xi32>
    %swap3A_417 = arith.constant 136 : index
    %swap3A_418 = tpu.vector_load %arg15[%swap3A_417] {strides = array<i32>} : memref<280xi32, #tpu.memory_space<vmem>>, vector<16xi32>,
    tpu.vector_store %arg15[%swap3A_417], %add3A_416 {strides = array<i32>} : memref<280xi32, #tpu.memory_space<vmem>>, vector<16xi32>,
    %get3A_419 = arith.constant 24 : index
    %get3A_420 = tpu.vector_load %arg11[%get3A_419] {strides = array<i32>} : memref<40xi32, #tpu.memory_space<vmem>>, vector<16xi32>,
    %shift_left3A_421 = arith.constant 3 : i32
    %shift_left3A_422 = vector.broadcast %shift_left3A_421 : i32 to vector<16xi32>
    %shift_left3A_423 = arith.shli %get3A_420, %shift_left3A_422 : vector<16xi32>
    %add3A_424 = arith.constant 3 : i32
    %add3A_425 = vector.broadcast %add3A_424 : i32 to vector<16xi32>
    %add3A_426 = arith.addi %shift_left3A_423, %add3A_425 : vector<16xi32>
    %swap3A_427 = arith.constant 144 : index
    %swap3A_428 = tpu.vector_load %arg15[%swap3A_427] {strides = array<i32>} : memref<280xi32, #tpu.memory_space<vmem>>, vector<16xi32>,
    tpu.vector_store %arg15[%swap3A_427], %add3A_426 {strides = array<i32>} : memref<280xi32, #tpu.memory_space<vmem>>, vector<16xi32>,
    %get3A_429 = arith.constant 0 : index
    %get3A_430 = tpu.vector_load %arg11[%get3A_429] {strides = array<i32>} : memref<40xi32, #tpu.memory_space<vmem>>, vector<16xi32>,
    %shift_left3A_431 = arith.constant 3 : i32
    %shift_left3A_432 = vector.broadcast %shift_left3A_431 : i32 to vector<16xi32>
    %shift_left3A_433 = arith.shli %get3A_430, %shift_left3A_432 : vector<16xi32>
    %add3A_434 = arith.constant 4 : i32
    %add3A_435 = vector.broadcast %add3A_434 : i32 to vector<16xi32>
    %add3A_436 = arith.addi %shift_left3A_433, %add3A_435 : vector<16xi32>
    %swap3A_437 = arith.constant 160 : index
    %swap3A_438 = tpu.vector_load %arg15[%swap3A_437] {strides = array<i32>} : memref<280xi32, #tpu.memory_space<vmem>>, vector<16xi32>,
    tpu.vector_store %arg15[%swap3A_437], %add3A_436 {strides = array<i32>} : memref<280xi32, #tpu.memory_space<vmem>>, vector<16xi32>,
    %get3A_439 = arith.constant 16 : index
    %get3A_440 = tpu.vector_load %arg11[%get3A_439] {strides = array<i32>} : memref<40xi32, #tpu.memory_space<vmem>>, vector<16xi32>,
    %shift_left3A_441 = arith.constant 3 : i32
    %shift_left3A_442 = vector.broadcast %shift_left3A_441 : i32 to vector<16xi32>
    %shift_left3A_443 = arith.shli %get3A_440, %shift_left3A_442 : vector<16xi32>
    %add3A_444 = arith.constant 4 : i32
    %add3A_445 = vector.broadcast %add3A_444 : i32 to vector<16xi32>
    %add3A_446 = arith.addi %shift_left3A_443, %add3A_445 : vector<16xi32>
    %swap3A_447 = arith.constant 176 : index
    %swap3A_448 = tpu.vector_load %arg15[%swap3A_447] {strides = array<i32>} : memref<280xi32, #tpu.memory_space<vmem>>, vector<16xi32>,
    tpu.vector_store %arg15[%swap3A_447], %add3A_446 {strides = array<i32>} : memref<280xi32, #tpu.memory_space<vmem>>, vector<16xi32>,
    %get3A_449 = arith.constant 24 : index
    %get3A_450 = tpu.vector_load %arg11[%get3A_449] {strides = array<i32>} : memref<40xi32, #tpu.memory_space<vmem>>, vector<16xi32>,
    %shift_left3A_451 = arith.constant 3 : i32
    %shift_left3A_452 = vector.broadcast %shift_left3A_451 : i32 to vector<16xi32>
    %shift_left3A_453 = arith.shli %get3A_450, %shift_left3A_452 : vector<16xi32>
    %add3A_454 = arith.constant 4 : i32
    %add3A_455 = vector.broadcast %add3A_454 : i32 to vector<16xi32>
    %add3A_456 = arith.addi %shift_left3A_453, %add3A_455 : vector<16xi32>
    %swap3A_457 = arith.constant 184 : index
    %swap3A_458 = tpu.vector_load %arg15[%swap3A_457] {strides = array<i32>} : memref<280xi32, #tpu.memory_space<vmem>>, vector<16xi32>,
    tpu.vector_store %arg15[%swap3A_457], %add3A_456 {strides = array<i32>} : memref<280xi32, #tpu.memory_space<vmem>>, vector<16xi32>,
    %get3A_459 = arith.constant 0 : index
    %get3A_460 = tpu.vector_load %arg11[%get3A_459] {strides = array<i32>} : memref<40xi32, #tpu.memory_space<vmem>>, vector<16xi32>,
    %shift_left3A_461 = arith.constant 3 : i32
    %shift_left3A_462 = vector.broadcast %shift_left3A_461 : i32 to vector<16xi32>
    %shift_left3A_463 = arith.shli %get3A_460, %shift_left3A_462 : vector<16xi32>
    %add3A_464 = arith.constant 5 : i32
    %add3A_465 = vector.broadcast %add3A_464 : i32 to vector<16xi32>
    %add3A_466 = arith.addi %shift_left3A_463, %add3A_465 : vector<16xi32>
    %swap3A_467 = arith.constant 200 : index
    %swap3A_468 = tpu.vector_load %arg15[%swap3A_467] {strides = array<i32>} : memref<280xi32, #tpu.memory_space<vmem>>, vector<16xi32>,
    tpu.vector_store %arg15[%swap3A_467], %add3A_466 {strides = array<i32>} : memref<280xi32, #tpu.memory_space<vmem>>, vector<16xi32>,
    %get3A_469 = arith.constant 16 : index
    %get3A_470 = tpu.vector_load %arg11[%get3A_469] {strides = array<i32>} : memref<40xi32, #tpu.memory_space<vmem>>, vector<16xi32>,
    %shift_left3A_471 = arith.constant 3 : i32
    %shift_left3A_472 = vector.broadcast %shift_left3A_471 : i32 to vector<16xi32>
    %shift_left3A_473 = arith.shli %get3A_470, %shift_left3A_472 : vector<16xi32>
    %add3A_474 = arith.constant 5 : i32
    %add3A_475 = vector.broadcast %add3A_474 : i32 to vector<16xi32>
    %add3A_476 = arith.addi %shift_left3A_473, %add3A_475 : vector<16xi32>
    %swap3A_477 = arith.constant 216 : index
    %swap3A_478 = tpu.vector_load %arg15[%swap3A_477] {strides = array<i32>} : memref<280xi32, #tpu.memory_space<vmem>>, vector<16xi32>,
    tpu.vector_store %arg15[%swap3A_477], %add3A_476 {strides = array<i32>} : memref<280xi32, #tpu.memory_space<vmem>>, vector<16xi32>,
    %get3A_479 = arith.constant 24 : index
    %get3A_480 = tpu.vector_load %arg11[%get3A_479] {strides = array<i32>} : memref<40xi32, #tpu.memory_space<vmem>>, vector<16xi32>,
    %shift_left3A_481 = arith.constant 3 : i32
    %shift_left3A_482 = vector.broadcast %shift_left3A_481 : i32 to vector<16xi32>
    %shift_left3A_483 = arith.shli %get3A_480, %shift_left3A_482 : vector<16xi32>
    %add3A_484 = arith.constant 5 : i32
    %add3A_485 = vector.broadcast %add3A_484 : i32 to vector<16xi32>
    %add3A_486 = arith.addi %shift_left3A_483, %add3A_485 : vector<16xi32>
    %swap3A_487 = arith.constant 224 : index
    %swap3A_488 = tpu.vector_load %arg15[%swap3A_487] {strides = array<i32>} : memref<280xi32, #tpu.memory_space<vmem>>, vector<16xi32>,
    tpu.vector_store %arg15[%swap3A_487], %add3A_486 {strides = array<i32>} : memref<280xi32, #tpu.memory_space<vmem>>, vector<16xi32>,
    %get3A_489 = arith.constant 0 : index
    %get3A_490 = tpu.vector_load %arg11[%get3A_489] {strides = array<i32>} : memref<40xi32, #tpu.memory_space<vmem>>, vector<16xi32>,
    %shift_left3A_491 = arith.constant 3 : i32
    %shift_left3A_492 = vector.broadcast %shift_left3A_491 : i32 to vector<16xi32>
    %shift_left3A_493 = arith.shli %get3A_490, %shift_left3A_492 : vector<16xi32>
    %add3A_494 = arith.constant 6 : i32
    %add3A_495 = vector.broadcast %add3A_494 : i32 to vector<16xi32>
    %add3A_496 = arith.addi %shift_left3A_493, %add3A_495 : vector<16xi32>
    %swap3A_497 = arith.constant 240 : index
    %swap3A_498 = tpu.vector_load %arg15[%swap3A_497] {strides = array<i32>} : memref<280xi32, #tpu.memory_space<vmem>>, vector<16xi32>,
    tpu.vector_store %arg15[%swap3A_497], %add3A_496 {strides = array<i32>} : memref<280xi32, #tpu.memory_space<vmem>>, vector<16xi32>,
    %get3A_499 = arith.constant 16 : index
    %get3A_500 = tpu.vector_load %arg11[%get3A_499] {strides = array<i32>} : memref<40xi32, #tpu.memory_space<vmem>>, vector<16xi32>,
    %shift_left3A_501 = arith.constant 3 : i32
    %shift_left3A_502 = vector.broadcast %shift_left3A_501 : i32 to vector<16xi32>
    %shift_left3A_503 = arith.shli %get3A_500, %shift_left3A_502 : vector<16xi32>
    %add3A_504 = arith.constant 6 : i32
    %add3A_505 = vector.broadcast %add3A_504 : i32 to vector<16xi32>
    %add3A_506 = arith.addi %shift_left3A_503, %add3A_505 : vector<16xi32>
    %swap3A_507 = arith.constant 256 : index
    %swap3A_508 = tpu.vector_load %arg15[%swap3A_507] {strides = array<i32>} : memref<280xi32, #tpu.memory_space<vmem>>, vector<16xi32>,
    tpu.vector_store %arg15[%swap3A_507], %add3A_506 {strides = array<i32>} : memref<280xi32, #tpu.memory_space<vmem>>, vector<16xi32>,
    %get3A_509 = arith.constant 24 : index
    %get3A_510 = tpu.vector_load %arg11[%get3A_509] {strides = array<i32>} : memref<40xi32, #tpu.memory_space<vmem>>, vector<16xi32>,
    %shift_left3A_511 = arith.constant 3 : i32
    %shift_left3A_512 = vector.broadcast %shift_left3A_511 : i32 to vector<16xi32>
    %shift_left3A_513 = arith.shli %get3A_510, %shift_left3A_512 : vector<16xi32>
    %add3A_514 = arith.constant 6 : i32
    %add3A_515 = vector.broadcast %add3A_514 : i32 to vector<16xi32>
    %add3A_516 = arith.addi %shift_left3A_513, %add3A_515 : vector<16xi32>
    %swap3A_517 = arith.constant 264 : index
    %swap3A_518 = tpu.vector_load %arg15[%swap3A_517] {strides = array<i32>} : memref<280xi32, #tpu.memory_space<vmem>>, vector<16xi32>,
    tpu.vector_store %arg15[%swap3A_517], %add3A_516 {strides = array<i32>} : memref<280xi32, #tpu.memory_space<vmem>>, vector<16xi32>,
    %get3A_519 = arith.constant 0 : index
    %get3A_520 = tpu.vector_load %arg11[%get3A_519] {strides = array<i32>} : memref<40xi32, #tpu.memory_space<vmem>>, vector<16xi32>,
    %mul3A_521 = arith.constant 1000 : i32
    %mul3A_522 = vector.broadcast %mul3A_521 : i32 to vector<16xi32>
    %mul3A_523 = arith.muli %get3A_520, %mul3A_522 : vector<16xi32>
    %get3A_524 = arith.constant 0 : index
    %get3A_525 = tpu.vector_load %arg13[%get3A_524] {strides = array<i32>} : memref<40xi32, #tpu.memory_space<vmem>>, vector<16xi32>,
    %add3A_526 = arith.addi %mul3A_523, %get3A_525 : vector<16xi32>
    %swap3A_527 = arith.constant 0 : index
    %swap3A_528 = tpu.vector_load %arg17[%swap3A_527] {strides = array<i32>} : memref<40xi32, #tpu.memory_space<vmem>>, vector<16xi32>,
    tpu.vector_store %arg17[%swap3A_527], %add3A_526 {strides = array<i32>} : memref<40xi32, #tpu.memory_space<vmem>>, vector<16xi32>,
    %get3A_529 = arith.constant 16 : index
    %get3A_530 = tpu.vector_load %arg11[%get3A_529] {strides = array<i32>} : memref<40xi32, #tpu.memory_space<vmem>>, vector<16xi32>,
    %mul3A_531 = arith.constant 1000 : i32
    %mul3A_532 = vector.broadcast %mul3A_531 : i32 to vector<16xi32>
    %mul3A_533 = arith.muli %get3A_530, %mul3A_532 : vector<16xi32>
    %get3A_534 = arith.constant 16 : index
    %get3A_535 = tpu.vector_load %arg13[%get3A_534] {strides = array<i32>} : memref<40xi32, #tpu.memory_space<vmem>>, vector<16xi32>,
    %add3A_536 = arith.addi %mul3A_533, %get3A_535 : vector<16xi32>
    %swap3A_537 = arith.constant 16 : index
    %swap3A_538 = tpu.vector_load %arg17[%swap3A_537] {strides = array<i32>} : memref<40xi32, #tpu.memory_space<vmem>>, vector<16xi32>,
    tpu.vector_store %arg17[%swap3A_537], %add3A_536 {strides = array<i32>} : memref<40xi32, #tpu.memory_space<vmem>>, vector<16xi32>,
    %get3A_539 = arith.constant 24 : index
    %get3A_540 = tpu.vector_load %arg11[%get3A_539] {strides = array<i32>} : memref<40xi32, #tpu.memory_space<vmem>>, vector<16xi32>,
    %mul3A_541 = arith.constant 1000 : i32
    %mul3A_542 = vector.broadcast %mul3A_541 : i32 to vector<16xi32>
    %mul3A_543 = arith.muli %get3A_540, %mul3A_542 : vector<16xi32>
    %get3A_544 = arith.constant 24 : index
    %get3A_545 = tpu.vector_load %arg13[%get3A_544] {strides = array<i32>} : memref<40xi32, #tpu.memory_space<vmem>>, vector<16xi32>,
    %add3A_546 = arith.addi %mul3A_543, %get3A_545 : vector<16xi32>
    %swap3A_547 = arith.constant 24 : index
    %swap3A_548 = tpu.vector_load %arg17[%swap3A_547] {strides = array<i32>} : memref<40xi32, #tpu.memory_space<vmem>>, vector<16xi32>,
    tpu.vector_store %arg17[%swap3A_547], %add3A_546 {strides = array<i32>} : memref<40xi32, #tpu.memory_space<vmem>>, vector<16xi32>,
    %dma_start3A_549 = arith.constant 0 : i32
    %dma_start3A_550 = arith.constant 0 : i32
    %dma_start3A_551 = tpu.memref_slice %arg19[%dma_start3A_549, %dma_start3A_550] : memref<40x1000xf32, #tpu.memory_space<vmem>> -> memref<40x128xf32, #tpu.memory_space<vmem>>
    %dma_start3A_552 = arith.constant 0 : i32
    %dma_start3A_553 = tpu.memref_slice %arg15[%dma_start3A_552] : memref<280xi32, #tpu.memory_space<vmem>> -> memref<40xi32, #tpu.memory_space<vmem>>
    %dma_start3A_554 = arith.constant 0 : i32
    %dma_start3A_555 = arith.constant 0 : i32
    %dma_start3A_556 = tpu.memref_slice %arg4[%dma_start3A_554, %dma_start3A_555] : memref<8000x128xf32, #tpu.memory_space<hbm>> -> memref<8000x128xf32, #tpu.memory_space<hbm>>
    tpu.enqueue_indirect_dma source(%dma_start3A_556 : memref<8000x128xf32, #tpu.memory_space<hbm>>) target(%dma_start3A_551 : memref<40x128xf32, #tpu.memory_space<vmem>>) offsets(%dma_start3A_553 : memref<40xi32, #tpu.memory_space<vmem>>) semaphore(%arg28 : memref<!tpu.dma_semaphore, #tpu.memory_space<semaphore_mem>>)
    %dma_start3A_557 = arith.constant 0 : i32
    %dma_start3A_558 = arith.constant 128 : i32
    %dma_start3A_559 = tpu.memref_slice %arg19[%dma_start3A_557, %dma_start3A_558] : memref<40x1000xf32, #tpu.memory_space<vmem>> -> memref<40x128xf32, #tpu.memory_space<vmem>>
    %dma_start3A_560 = arith.constant 40 : i32
    %dma_start3A_561 = tpu.memref_slice %arg15[%dma_start3A_560] : memref<280xi32, #tpu.memory_space<vmem>> -> memref<40xi32, #tpu.memory_space<vmem>>
    %dma_start3A_562 = arith.constant 0 : i32
    %dma_start3A_563 = arith.constant 0 : i32
    %dma_start3A_564 = tpu.memref_slice %arg4[%dma_start3A_562, %dma_start3A_563] : memref<8000x128xf32, #tpu.memory_space<hbm>> -> memref<8000x128xf32, #tpu.memory_space<hbm>>
    tpu.enqueue_indirect_dma source(%dma_start3A_564 : memref<8000x128xf32, #tpu.memory_space<hbm>>) target(%dma_start3A_559 : memref<40x128xf32, #tpu.memory_space<vmem>>) offsets(%dma_start3A_561 : memref<40xi32, #tpu.memory_space<vmem>>) semaphore(%arg28 : memref<!tpu.dma_semaphore, #tpu.memory_space<semaphore_mem>>)
    %dma_start3A_565 = arith.constant 0 : i32
    %dma_start3A_566 = arith.constant 256 : i32
    %dma_start3A_567 = tpu.memref_slice %arg19[%dma_start3A_565, %dma_start3A_566] : memref<40x1000xf32, #tpu.memory_space<vmem>> -> memref<40x128xf32, #tpu.memory_space<vmem>>
    %dma_start3A_568 = arith.constant 80 : i32
    %dma_start3A_569 = tpu.memref_slice %arg15[%dma_start3A_568] : memref<280xi32, #tpu.memory_space<vmem>> -> memref<40xi32, #tpu.memory_space<vmem>>
    %dma_start3A_570 = arith.constant 0 : i32
    %dma_start3A_571 = arith.constant 0 : i32
    %dma_start3A_572 = tpu.memref_slice %arg4[%dma_start3A_570, %dma_start3A_571] : memref<8000x128xf32, #tpu.memory_space<hbm>> -> memref<8000x128xf32, #tpu.memory_space<hbm>>
    tpu.enqueue_indirect_dma source(%dma_start3A_572 : memref<8000x128xf32, #tpu.memory_space<hbm>>) target(%dma_start3A_567 : memref<40x128xf32, #tpu.memory_space<vmem>>) offsets(%dma_start3A_569 : memref<40xi32, #tpu.memory_space<vmem>>) semaphore(%arg28 : memref<!tpu.dma_semaphore, #tpu.memory_space<semaphore_mem>>)
    %dma_start3A_573 = arith.constant 0 : i32
    %dma_start3A_574 = arith.constant 384 : i32
    %dma_start3A_575 = tpu.memref_slice %arg19[%dma_start3A_573, %dma_start3A_574] : memref<40x1000xf32, #tpu.memory_space<vmem>> -> memref<40x128xf32, #tpu.memory_space<vmem>>
    %dma_start3A_576 = arith.constant 120 : i32
    %dma_start3A_577 = tpu.memref_slice %arg15[%dma_start3A_576] : memref<280xi32, #tpu.memory_space<vmem>> -> memref<40xi32, #tpu.memory_space<vmem>>
    %dma_start3A_578 = arith.constant 0 : i32
    %dma_start3A_579 = arith.constant 0 : i32
    %dma_start3A_580 = tpu.memref_slice %arg4[%dma_start3A_578, %dma_start3A_579] : memref<8000x128xf32, #tpu.memory_space<hbm>> -> memref<8000x128xf32, #tpu.memory_space<hbm>>
    tpu.enqueue_indirect_dma source(%dma_start3A_580 : memref<8000x128xf32, #tpu.memory_space<hbm>>) target(%dma_start3A_575 : memref<40x128xf32, #tpu.memory_space<vmem>>) offsets(%dma_start3A_577 : memref<40xi32, #tpu.memory_space<vmem>>) semaphore(%arg28 : memref<!tpu.dma_semaphore, #tpu.memory_space<semaphore_mem>>)
    %dma_start3A_581 = arith.constant 0 : i32
    %dma_start3A_582 = arith.constant 512 : i32
    %dma_start3A_583 = tpu.memref_slice %arg19[%dma_start3A_581, %dma_start3A_582] : memref<40x1000xf32, #tpu.memory_space<vmem>> -> memref<40x128xf32, #tpu.memory_space<vmem>>
    %dma_start3A_584 = arith.constant 160 : i32
    %dma_start3A_585 = tpu.memref_slice %arg15[%dma_start3A_584] : memref<280xi32, #tpu.memory_space<vmem>> -> memref<40xi32, #tpu.memory_space<vmem>>
    %dma_start3A_586 = arith.constant 0 : i32
    %dma_start3A_587 = arith.constant 0 : i32
    %dma_start3A_588 = tpu.memref_slice %arg4[%dma_start3A_586, %dma_start3A_587] : memref<8000x128xf32, #tpu.memory_space<hbm>> -> memref<8000x128xf32, #tpu.memory_space<hbm>>
    tpu.enqueue_indirect_dma source(%dma_start3A_588 : memref<8000x128xf32, #tpu.memory_space<hbm>>) target(%dma_start3A_583 : memref<40x128xf32, #tpu.memory_space<vmem>>) offsets(%dma_start3A_585 : memref<40xi32, #tpu.memory_space<vmem>>) semaphore(%arg28 : memref<!tpu.dma_semaphore, #tpu.memory_space<semaphore_mem>>)
    %dma_start3A_589 = arith.constant 0 : i32
    %dma_start3A_590 = arith.constant 640 : i32
    %dma_start3A_591 = tpu.memref_slice %arg19[%dma_start3A_589, %dma_start3A_590] : memref<40x1000xf32, #tpu.memory_space<vmem>> -> memref<40x128xf32, #tpu.memory_space<vmem>>
    %dma_start3A_592 = arith.constant 200 : i32
    %dma_start3A_593 = tpu.memref_slice %arg15[%dma_start3A_592] : memref<280xi32, #tpu.memory_space<vmem>> -> memref<40xi32, #tpu.memory_space<vmem>>
    %dma_start3A_594 = arith.constant 0 : i32
    %dma_start3A_595 = arith.constant 0 : i32
    %dma_start3A_596 = tpu.memref_slice %arg4[%dma_start3A_594, %dma_start3A_595] : memref<8000x128xf32, #tpu.memory_space<hbm>> -> memref<8000x128xf32, #tpu.memory_space<hbm>>
    tpu.enqueue_indirect_dma source(%dma_start3A_596 : memref<8000x128xf32, #tpu.memory_space<hbm>>) target(%dma_start3A_591 : memref<40x128xf32, #tpu.memory_space<vmem>>) offsets(%dma_start3A_593 : memref<40xi32, #tpu.memory_space<vmem>>) semaphore(%arg28 : memref<!tpu.dma_semaphore, #tpu.memory_space<semaphore_mem>>)
    %dma_start3A_597 = arith.constant 0 : i32
    %dma_start3A_598 = arith.constant 768 : i32
    %dma_start3A_599 = tpu.memref_slice %arg19[%dma_start3A_597, %dma_start3A_598] : memref<40x1000xf32, #tpu.memory_space<vmem>> -> memref<40x128xf32, #tpu.memory_space<vmem>>
    %dma_start3A_600 = arith.constant 240 : i32
    %dma_start3A_601 = tpu.memref_slice %arg15[%dma_start3A_600] : memref<280xi32, #tpu.memory_space<vmem>> -> memref<40xi32, #tpu.memory_space<vmem>>
    %dma_start3A_602 = arith.constant 0 : i32
    %dma_start3A_603 = arith.constant 0 : i32
    %dma_start3A_604 = tpu.memref_slice %arg4[%dma_start3A_602, %dma_start3A_603] : memref<8000x128xf32, #tpu.memory_space<hbm>> -> memref<8000x128xf32, #tpu.memory_space<hbm>>
    tpu.enqueue_indirect_dma source(%dma_start3A_604 : memref<8000x128xf32, #tpu.memory_space<hbm>>) target(%dma_start3A_599 : memref<40x128xf32, #tpu.memory_space<vmem>>) offsets(%dma_start3A_601 : memref<40xi32, #tpu.memory_space<vmem>>) semaphore(%arg28 : memref<!tpu.dma_semaphore, #tpu.memory_space<semaphore_mem>>)
    %dma_start3A_605 = arith.constant 0 : i32
    %dma_start3A_606 = arith.constant 0 : i32
    %dma_start3A_607 = tpu.memref_slice %arg5[%dma_start3A_605, %dma_start3A_606] : memref<1000x128xf32, #tpu.memory_space<hbm>> -> memref<1000x128xf32, #tpu.memory_space<hbm>>
    tpu.enqueue_indirect_dma source(%dma_start3A_607 : memref<1000x128xf32, #tpu.memory_space<hbm>>) target(%arg21 : memref<40x128xf32, #tpu.memory_space<vmem>>) offsets(%arg11 : memref<40xi32, #tpu.memory_space<vmem>>) semaphore(%arg28 : memref<!tpu.dma_semaphore, #tpu.memory_space<semaphore_mem>>)
    %dma_start3A_608 = arith.constant 0 : i32
    %dma_start3A_609 = tpu.memref_slice %arg7[%dma_start3A_608] : memref<1000xf32, #tpu.memory_space<hbm>> -> memref<1000xf32, #tpu.memory_space<hbm>>
    tpu.enqueue_indirect_dma source(%dma_start3A_609 : memref<1000xf32, #tpu.memory_space<hbm>>) target(%arg23 : memref<40xf32, #tpu.memory_space<vmem>>) offsets(%arg11 : memref<40xi32, #tpu.memory_space<vmem>>) semaphore(%arg28 : memref<!tpu.dma_semaphore, #tpu.memory_space<semaphore_mem>>)
    %dma_start3A_610 = arith.constant 0 : i32
    %dma_start3A_611 = tpu.memref_slice %arg6[%dma_start3A_610] : memref<1000008xf32, #tpu.memory_space<hbm>> -> memref<1000008xf32, #tpu.memory_space<hbm>>
    tpu.enqueue_indirect_dma source(%dma_start3A_611 : memref<1000008xf32, #tpu.memory_space<hbm>>) target(%arg25 : memref<40xf32, #tpu.memory_space<vmem>>) offsets(%arg17 : memref<40xi32, #tpu.memory_space<vmem>>) semaphore(%arg28 : memref<!tpu.dma_semaphore, #tpu.memory_space<semaphore_mem>>)
    %scan3A = arith.constant 0 : i32
    %scan3A_612 = arith.constant 0 : i32
    %scan3A_613 = arith.constant 79 : i32
    %scan3A_614 = arith.addi %scan3A_612, %scan3A_613 : i32
    %scan3A_615 = arith.constant 1 : i32
    scf.for %scan3A_845 = %scan3A_612 to %scan3A_614 step %scan3A_615  : i32 {
      %mul3A_846 = arith.constant 2 : i32
      %mul3A_847 = arith.muli %mul3A_846, %scan3A_845 : i32
      %add3A_848 = arith.constant 0 : i32
      %add3A_849 = arith.addi %mul3A_847, %add3A_848 : i32
      %mul3A_850 = arith.constant 40 : i32
      %mul3A_851 = arith.muli %add3A_849, %mul3A_850 : i32
      %add3A_852 = arith.addi %mul3A_2, %mul3A_851 : i32
      %add3A_853 = arith.constant 80 : i32
      %add3A_854 = arith.addi %add3A_852, %add3A_853 : i32
      %dma_wait3A_855 = arith.constant 0 : i32
      %dma_wait3A_856 = arith.constant 0 : i32
      %dma_wait3A_857 = tpu.memref_slice %arg18[%dma_wait3A_855, %dma_wait3A_856] : memref<40x1000xf32, #tpu.memory_space<vmem>> -> memref<40x128xf32, #tpu.memory_space<vmem>>
      %dma_wait3A_858 = arith.constant 0 : i32
      %dma_wait3A_859 = tpu.memref_slice %arg14[%dma_wait3A_858] : memref<280xi32, #tpu.memory_space<vmem>> -> memref<40xi32, #tpu.memory_space<vmem>>
      %dma_wait3A_860 = arith.constant 0 : i32
      %dma_wait3A_861 = arith.constant 0 : i32
      %dma_wait3A_862 = tpu.memref_slice %arg4[%dma_wait3A_860, %dma_wait3A_861] : memref<8000x128xf32, #tpu.memory_space<hbm>> -> memref<8000x128xf32, #tpu.memory_space<hbm>>
      tpu.wait_indirect_dma semaphore(%arg27 : memref<!tpu.dma_semaphore, #tpu.memory_space<semaphore_mem>>) src(%dma_wait3A_862 : memref<8000x128xf32, #tpu.memory_space<hbm>>) dst(%dma_wait3A_857 : memref<40x128xf32, #tpu.memory_space<vmem>>)
      %dma_wait3A_863 = arith.constant 0 : i32
      %dma_wait3A_864 = arith.constant 128 : i32
      %dma_wait3A_865 = tpu.memref_slice %arg18[%dma_wait3A_863, %dma_wait3A_864] : memref<40x1000xf32, #tpu.memory_space<vmem>> -> memref<40x128xf32, #tpu.memory_space<vmem>>
      %dma_wait3A_866 = arith.constant 40 : i32
      %dma_wait3A_867 = tpu.memref_slice %arg14[%dma_wait3A_866] : memref<280xi32, #tpu.memory_space<vmem>> -> memref<40xi32, #tpu.memory_space<vmem>>
      %dma_wait3A_868 = arith.constant 0 : i32
      %dma_wait3A_869 = arith.constant 0 : i32
      %dma_wait3A_870 = tpu.memref_slice %arg4[%dma_wait3A_868, %dma_wait3A_869] : memref<8000x128xf32, #tpu.memory_space<hbm>> -> memref<8000x128xf32, #tpu.memory_space<hbm>>
      tpu.wait_indirect_dma semaphore(%arg27 : memref<!tpu.dma_semaphore, #tpu.memory_space<semaphore_mem>>) src(%dma_wait3A_870 : memref<8000x128xf32, #tpu.memory_space<hbm>>) dst(%dma_wait3A_865 : memref<40x128xf32, #tpu.memory_space<vmem>>)
      %dma_wait3A_871 = arith.constant 0 : i32
      %dma_wait3A_872 = arith.constant 256 : i32
      %dma_wait3A_873 = tpu.memref_slice %arg18[%dma_wait3A_871, %dma_wait3A_872] : memref<40x1000xf32, #tpu.memory_space<vmem>> -> memref<40x128xf32, #tpu.memory_space<vmem>>
      %dma_wait3A_874 = arith.constant 80 : i32
      %dma_wait3A_875 = tpu.memref_slice %arg14[%dma_wait3A_874] : memref<280xi32, #tpu.memory_space<vmem>> -> memref<40xi32, #tpu.memory_space<vmem>>
      %dma_wait3A_876 = arith.constant 0 : i32
      %dma_wait3A_877 = arith.constant 0 : i32
      %dma_wait3A_878 = tpu.memref_slice %arg4[%dma_wait3A_876, %dma_wait3A_877] : memref<8000x128xf32, #tpu.memory_space<hbm>> -> memref<8000x128xf32, #tpu.memory_space<hbm>>
      tpu.wait_indirect_dma semaphore(%arg27 : memref<!tpu.dma_semaphore, #tpu.memory_space<semaphore_mem>>) src(%dma_wait3A_878 : memref<8000x128xf32, #tpu.memory_space<hbm>>) dst(%dma_wait3A_873 : memref<40x128xf32, #tpu.memory_space<vmem>>)
      %dma_wait3A_879 = arith.constant 0 : i32
      %dma_wait3A_880 = arith.constant 384 : i32
      %dma_wait3A_881 = tpu.memref_slice %arg18[%dma_wait3A_879, %dma_wait3A_880] : memref<40x1000xf32, #tpu.memory_space<vmem>> -> memref<40x128xf32, #tpu.memory_space<vmem>>
      %dma_wait3A_882 = arith.constant 120 : i32
      %dma_wait3A_883 = tpu.memref_slice %arg14[%dma_wait3A_882] : memref<280xi32, #tpu.memory_space<vmem>> -> memref<40xi32, #tpu.memory_space<vmem>>
      %dma_wait3A_884 = arith.constant 0 : i32
      %dma_wait3A_885 = arith.constant 0 : i32
      %dma_wait3A_886 = tpu.memref_slice %arg4[%dma_wait3A_884, %dma_wait3A_885] : memref<8000x128xf32, #tpu.memory_space<hbm>> -> memref<8000x128xf32, #tpu.memory_space<hbm>>
      tpu.wait_indirect_dma semaphore(%arg27 : memref<!tpu.dma_semaphore, #tpu.memory_space<semaphore_mem>>) src(%dma_wait3A_886 : memref<8000x128xf32, #tpu.memory_space<hbm>>) dst(%dma_wait3A_881 : memref<40x128xf32, #tpu.memory_space<vmem>>)
      %dma_wait3A_887 = arith.constant 0 : i32
      %dma_wait3A_888 = arith.constant 512 : i32
      %dma_wait3A_889 = tpu.memref_slice %arg18[%dma_wait3A_887, %dma_wait3A_888] : memref<40x1000xf32, #tpu.memory_space<vmem>> -> memref<40x128xf32, #tpu.memory_space<vmem>>
      %dma_wait3A_890 = arith.constant 160 : i32
      %dma_wait3A_891 = tpu.memref_slice %arg14[%dma_wait3A_890] : memref<280xi32, #tpu.memory_space<vmem>> -> memref<40xi32, #tpu.memory_space<vmem>>
      %dma_wait3A_892 = arith.constant 0 : i32
      %dma_wait3A_893 = arith.constant 0 : i32
      %dma_wait3A_894 = tpu.memref_slice %arg4[%dma_wait3A_892, %dma_wait3A_893] : memref<8000x128xf32, #tpu.memory_space<hbm>> -> memref<8000x128xf32, #tpu.memory_space<hbm>>
      tpu.wait_indirect_dma semaphore(%arg27 : memref<!tpu.dma_semaphore, #tpu.memory_space<semaphore_mem>>) src(%dma_wait3A_894 : memref<8000x128xf32, #tpu.memory_space<hbm>>) dst(%dma_wait3A_889 : memref<40x128xf32, #tpu.memory_space<vmem>>)
      %dma_wait3A_895 = arith.constant 0 : i32
      %dma_wait3A_896 = arith.constant 640 : i32
      %dma_wait3A_897 = tpu.memref_slice %arg18[%dma_wait3A_895, %dma_wait3A_896] : memref<40x1000xf32, #tpu.memory_space<vmem>> -> memref<40x128xf32, #tpu.memory_space<vmem>>
      %dma_wait3A_898 = arith.constant 200 : i32
      %dma_wait3A_899 = tpu.memref_slice %arg14[%dma_wait3A_898] : memref<280xi32, #tpu.memory_space<vmem>> -> memref<40xi32, #tpu.memory_space<vmem>>
      %dma_wait3A_900 = arith.constant 0 : i32
      %dma_wait3A_901 = arith.constant 0 : i32
      %dma_wait3A_902 = tpu.memref_slice %arg4[%dma_wait3A_900, %dma_wait3A_901] : memref<8000x128xf32, #tpu.memory_space<hbm>> -> memref<8000x128xf32, #tpu.memory_space<hbm>>
      tpu.wait_indirect_dma semaphore(%arg27 : memref<!tpu.dma_semaphore, #tpu.memory_space<semaphore_mem>>) src(%dma_wait3A_902 : memref<8000x128xf32, #tpu.memory_space<hbm>>) dst(%dma_wait3A_897 : memref<40x128xf32, #tpu.memory_space<vmem>>)
      %dma_wait3A_903 = arith.constant 0 : i32
      %dma_wait3A_904 = arith.constant 768 : i32
      %dma_wait3A_905 = tpu.memref_slice %arg18[%dma_wait3A_903, %dma_wait3A_904] : memref<40x1000xf32, #tpu.memory_space<vmem>> -> memref<40x128xf32, #tpu.memory_space<vmem>>
      %dma_wait3A_906 = arith.constant 240 : i32
      %dma_wait3A_907 = tpu.memref_slice %arg14[%dma_wait3A_906] : memref<280xi32, #tpu.memory_space<vmem>> -> memref<40xi32, #tpu.memory_space<vmem>>
      %dma_wait3A_908 = arith.constant 0 : i32
      %dma_wait3A_909 = arith.constant 0 : i32
      %dma_wait3A_910 = tpu.memref_slice %arg4[%dma_wait3A_908, %dma_wait3A_909] : memref<8000x128xf32, #tpu.memory_space<hbm>> -> memref<8000x128xf32, #tpu.memory_space<hbm>>
      tpu.wait_indirect_dma semaphore(%arg27 : memref<!tpu.dma_semaphore, #tpu.memory_space<semaphore_mem>>) src(%dma_wait3A_910 : memref<8000x128xf32, #tpu.memory_space<hbm>>) dst(%dma_wait3A_905 : memref<40x128xf32, #tpu.memory_space<vmem>>)
      %dma_wait3A_911 = arith.constant 0 : i32
      %dma_wait3A_912 = arith.constant 0 : i32
      %dma_wait3A_913 = tpu.memref_slice %arg5[%dma_wait3A_911, %dma_wait3A_912] : memref<1000x128xf32, #tpu.memory_space<hbm>> -> memref<1000x128xf32, #tpu.memory_space<hbm>>
      tpu.wait_indirect_dma semaphore(%arg27 : memref<!tpu.dma_semaphore, #tpu.memory_space<semaphore_mem>>) src(%dma_wait3A_913 : memref<1000x128xf32, #tpu.memory_space<hbm>>) dst(%arg20 : memref<40x128xf32, #tpu.memory_space<vmem>>)
      %dma_wait3A_914 = arith.constant 0 : i32
      %dma_wait3A_915 = tpu.memref_slice %arg7[%dma_wait3A_914] : memref<1000xf32, #tpu.memory_space<hbm>> -> memref<1000xf32, #tpu.memory_space<hbm>>
      tpu.wait_indirect_dma semaphore(%arg27 : memref<!tpu.dma_semaphore, #tpu.memory_space<semaphore_mem>>) src(%dma_wait3A_915 : memref<1000xf32, #tpu.memory_space<hbm>>) dst(%arg22 : memref<40xf32, #tpu.memory_space<vmem>>)
      %dma_wait3A_916 = arith.constant 0 : i32
      %dma_wait3A_917 = tpu.memref_slice %arg6[%dma_wait3A_916] : memref<1000008xf32, #tpu.memory_space<hbm>> -> memref<1000008xf32, #tpu.memory_space<hbm>>
      tpu.wait_indirect_dma semaphore(%arg27 : memref<!tpu.dma_semaphore, #tpu.memory_space<semaphore_mem>>) src(%dma_wait3A_917 : memref<1000008xf32, #tpu.memory_space<hbm>>) dst(%arg24 : memref<40xf32, #tpu.memory_space<vmem>>)
      %scan3A_918 = arith.constant 0 : i32
      %scan3A_919 = arith.constant 0 : i32
      %scan3A_920 = arith.constant 40 : i32
      %scan3A_921 = arith.addi %scan3A_919, %scan3A_920 : i32
      %scan3A_922 = arith.constant 1 : i32
      scf.for %scan3A_1714 = %scan3A_919 to %scan3A_921 step %scan3A_922  : i32 {
        %get3A_1715 = arith.index_cast %scan3A_1714 : i32 to index
        %get3A_1716 = arith.constant 0 : index
        %get3A_1717 = tpu.vector_load %arg20[%get3A_1715, %get3A_1716] {strides = array<i32>} : memref<40x128xf32, #tpu.memory_space<vmem>>, vector<16xf32>,
        %swap3A_1718 = arith.index_cast %scan3A_1714 : i32 to index
        %swap3A_1719 = arith.constant 896 : index
        %swap3A_1720 = tpu.vector_load %arg18[%swap3A_1718, %swap3A_1719] {strides = array<i32>} : memref<40x1000xf32, #tpu.memory_space<vmem>>, vector<16xf32>,
        tpu.vector_store %arg18[%swap3A_1718, %swap3A_1719], %get3A_1717 {strides = array<i32>} : memref<40x1000xf32, #tpu.memory_space<vmem>>, vector<16xf32>,
        %get3A_1721 = arith.index_cast %scan3A_1714 : i32 to index
        %get3A_1722 = arith.constant 16 : index
        %get3A_1723 = tpu.vector_load %arg20[%get3A_1721, %get3A_1722] {strides = array<i32>} : memref<40x128xf32, #tpu.memory_space<vmem>>, vector<16xf32>,
        %swap3A_1724 = arith.index_cast %scan3A_1714 : i32 to index
        %swap3A_1725 = arith.constant 912 : index
        %swap3A_1726 = tpu.vector_load %arg18[%swap3A_1724, %swap3A_1725] {strides = array<i32>} : memref<40x1000xf32, #tpu.memory_space<vmem>>, vector<16xf32>,
        tpu.vector_store %arg18[%swap3A_1724, %swap3A_1725], %get3A_1723 {strides = array<i32>} : memref<40x1000xf32, #tpu.memory_space<vmem>>, vector<16xf32>,
        %get3A_1727 = arith.index_cast %scan3A_1714 : i32 to index
        %get3A_1728 = arith.constant 32 : index
        %get3A_1729 = tpu.vector_load %arg20[%get3A_1727, %get3A_1728] {strides = array<i32>} : memref<40x128xf32, #tpu.memory_space<vmem>>, vector<16xf32>,
        %swap3A_1730 = arith.index_cast %scan3A_1714 : i32 to index
        %swap3A_1731 = arith.constant 928 : index
        %swap3A_1732 = tpu.vector_load %arg18[%swap3A_1730, %swap3A_1731] {strides = array<i32>} : memref<40x1000xf32, #tpu.memory_space<vmem>>, vector<16xf32>,
        tpu.vector_store %arg18[%swap3A_1730, %swap3A_1731], %get3A_1729 {strides = array<i32>} : memref<40x1000xf32, #tpu.memory_space<vmem>>, vector<16xf32>,
        %get3A_1733 = arith.index_cast %scan3A_1714 : i32 to index
        %get3A_1734 = arith.constant 48 : index
        %get3A_1735 = tpu.vector_load %arg20[%get3A_1733, %get3A_1734] {strides = array<i32>} : memref<40x128xf32, #tpu.memory_space<vmem>>, vector<16xf32>,
        %swap3A_1736 = arith.index_cast %scan3A_1714 : i32 to index
        %swap3A_1737 = arith.constant 944 : index
        %swap3A_1738 = tpu.vector_load %arg18[%swap3A_1736, %swap3A_1737] {strides = array<i32>} : memref<40x1000xf32, #tpu.memory_space<vmem>>, vector<16xf32>,
        tpu.vector_store %arg18[%swap3A_1736, %swap3A_1737], %get3A_1735 {strides = array<i32>} : memref<40x1000xf32, #tpu.memory_space<vmem>>, vector<16xf32>,
        %get3A_1739 = arith.index_cast %scan3A_1714 : i32 to index
        %get3A_1740 = arith.constant 64 : index
        %get3A_1741 = tpu.vector_load %arg20[%get3A_1739, %get3A_1740] {strides = array<i32>} : memref<40x128xf32, #tpu.memory_space<vmem>>, vector<16xf32>,
        %swap3A_1742 = arith.index_cast %scan3A_1714 : i32 to index
        %swap3A_1743 = arith.constant 960 : index
        %swap3A_1744 = tpu.vector_load %arg18[%swap3A_1742, %swap3A_1743] {strides = array<i32>} : memref<40x1000xf32, #tpu.memory_space<vmem>>, vector<16xf32>,
        tpu.vector_store %arg18[%swap3A_1742, %swap3A_1743], %get3A_1741 {strides = array<i32>} : memref<40x1000xf32, #tpu.memory_space<vmem>>, vector<16xf32>,
        %get3A_1745 = arith.index_cast %scan3A_1714 : i32 to index
        %get3A_1746 = arith.constant 72 : index
        %get3A_1747 = tpu.vector_load %arg20[%get3A_1745, %get3A_1746] {strides = array<i32>} : memref<40x128xf32, #tpu.memory_space<vmem>>, vector<16xf32>,
        %swap3A_1748 = arith.index_cast %scan3A_1714 : i32 to index
        %swap3A_1749 = arith.constant 968 : index
        %swap3A_1750 = tpu.vector_load %arg18[%swap3A_1748, %swap3A_1749] {strides = array<i32>} : memref<40x1000xf32, #tpu.memory_space<vmem>>, vector<16xf32>,
        tpu.vector_store %arg18[%swap3A_1748, %swap3A_1749], %get3A_1747 {strides = array<i32>} : memref<40x1000xf32, #tpu.memory_space<vmem>>, vector<16xf32>,
        %get3A_1751 = arith.index_cast %scan3A_1714 : i32 to index
        %get3A_1752 = arith.constant 88 : index
        %get3A_1753 = tpu.vector_load %arg20[%get3A_1751, %get3A_1752] {strides = array<i32>} : memref<40x128xf32, #tpu.memory_space<vmem>>, vector<16xf32>,
        %swap3A_1754 = arith.index_cast %scan3A_1714 : i32 to index
        %swap3A_1755 = arith.constant 984 : index
        %swap3A_1756 = tpu.vector_load %arg18[%swap3A_1754, %swap3A_1755] {strides = array<i32>} : memref<40x1000xf32, #tpu.memory_space<vmem>>, vector<16xf32>,
        tpu.vector_store %arg18[%swap3A_1754, %swap3A_1755], %get3A_1753 {strides = array<i32>} : memref<40x1000xf32, #tpu.memory_space<vmem>>, vector<16xf32>,
      }
      %scan3A_923 = arith.constant 40 : i32
      %dma_start3A_924 = arith.constant 0 : i32
      %dma_start3A_925 = tpu.memref_slice %arg8[%add3A_852, %dma_start3A_924] : memref<204800x1000xf32, #tpu.memory_space<hbm>> -> memref<40x1000xf32, #tpu.memory_space<hbm>>
      %dma_start3A_926 = arith.constant 0 : i32
      %dma_start3A_927 = tpu.memref_slice %arg8[%add3A_852, %dma_start3A_926] : memref<204800x1000xf32, #tpu.memory_space<hbm>> -> memref<40x1000xf32, #tpu.memory_space<hbm>>
      tpu.enqueue_dma source(%arg18 : memref<40x1000xf32, #tpu.memory_space<vmem>>) target(%dma_start3A_927 : memref<40x1000xf32, #tpu.memory_space<hbm>>) target_semaphore(%arg29 : memref<!tpu.dma_semaphore, #tpu.memory_space<semaphore_mem>>)
      %iota3A_928 = tpu.iota {dimensions = array<i32: 0>} : vector<16xi32>
      %get3A_929 = arith.constant 0 : index
      %get3A_930 = tpu.vector_load %arg22[%get3A_929] {strides = array<i32>} : memref<40xf32, #tpu.memory_space<vmem>>, vector<16xf32>,
      %get3A_931 = arith.constant 0 : index
      %get3A_932 = tpu.vector_load %arg24[%get3A_931] {strides = array<i32>} : memref<40xf32, #tpu.memory_space<vmem>>, vector<16xf32>,
      %sub3A_933 = arith.subf %get3A_930, %get3A_932 : vector<16xf32>
      %get3A_934 = arith.constant 0 : index
      %get3A_935 = tpu.vector_load %arg26[%get3A_934] {strides = array<i32>} : memref<16xf32, #tpu.memory_space<vmem>>, vector<16xf32>,
      %add3A_936 = arith.addf %get3A_935, %sub3A_933 : vector<16xf32>
      %swap3A_937 = arith.constant 0 : index
      %swap3A_938 = tpu.vector_load %arg26[%swap3A_937] {strides = array<i32>} : memref<16xf32, #tpu.memory_space<vmem>>, vector<16xf32>,
      tpu.vector_store %arg26[%swap3A_937], %add3A_936 {strides = array<i32>} : memref<16xf32, #tpu.memory_space<vmem>>, vector<16xf32>,
      %get3A_939 = arith.constant 16 : index
      %get3A_940 = tpu.vector_load %arg22[%get3A_939] {strides = array<i32>} : memref<40xf32, #tpu.memory_space<vmem>>, vector<16xf32>,
      %get3A_941 = arith.constant 16 : index
      %get3A_942 = tpu.vector_load %arg24[%get3A_941] {strides = array<i32>} : memref<40xf32, #tpu.memory_space<vmem>>, vector<16xf32>,
      %sub3A_943 = arith.subf %get3A_940, %get3A_942 : vector<16xf32>
      %get3A_944 = arith.constant 0 : index
      %get3A_945 = tpu.vector_load %arg26[%get3A_944] {strides = array<i32>} : memref<16xf32, #tpu.memory_space<vmem>>, vector<16xf32>,
      %add3A_946 = arith.addf %get3A_945, %sub3A_943 : vector<16xf32>
      %swap3A_947 = arith.constant 0 : index
      %swap3A_948 = tpu.vector_load %arg26[%swap3A_947] {strides = array<i32>} : memref<16xf32, #tpu.memory_space<vmem>>, vector<16xf32>,
      tpu.vector_store %arg26[%swap3A_947], %add3A_946 {strides = array<i32>} : memref<16xf32, #tpu.memory_space<vmem>>, vector<16xf32>,
      %get3A_949 = arith.constant 24 : index
      %get3A_950 = tpu.vector_load %arg22[%get3A_949] {strides = array<i32>} : memref<40xf32, #tpu.memory_space<vmem>>, vector<16xf32>,
      %get3A_951 = arith.constant 24 : index
      %get3A_952 = tpu.vector_load %arg24[%get3A_951] {strides = array<i32>} : memref<40xf32, #tpu.memory_space<vmem>>, vector<16xf32>,
      %sub3A_953 = arith.subf %get3A_950, %get3A_952 : vector<16xf32>
      %ge3A_954 = arith.constant 8 : i32
      %ge3A_955 = vector.broadcast %ge3A_954 : i32 to vector<16xi32>
      %ge3A_956 = arith.cmpi sge, %iota3A_928, %ge3A_955 : vector<16xi32>
      %jit3A_957 = arith.constant 0.000000e+00 : f32
      %broadcast_in_dim3A_958 = vector.broadcast %jit3A_957 : f32 to vector<16xf32>
      %select_n3A_959 = arith.select %ge3A_956, %sub3A_953, %broadcast_in_dim3A_958 : vector<16xi1>, vector<16xf32>
      %get3A_960 = arith.constant 0 : index
      %get3A_961 = tpu.vector_load %arg26[%get3A_960] {strides = array<i32>} : memref<16xf32, #tpu.memory_space<vmem>>, vector<16xf32>,
      %add3A_962 = arith.addf %get3A_961, %select_n3A_959 : vector<16xf32>
      %swap3A_963 = arith.constant 0 : index
      %swap3A_964 = tpu.vector_load %arg26[%swap3A_963] {strides = array<i32>} : memref<16xf32, #tpu.memory_space<vmem>>, vector<16xf32>,
      tpu.vector_store %arg26[%swap3A_963], %add3A_962 {strides = array<i32>} : memref<16xf32, #tpu.memory_space<vmem>>, vector<16xf32>,
      %dma_start3A_965 = tpu.memref_slice %arg2[%add3A_854] : memref<204800xi32, #tpu.memory_space<hbm>> -> memref<40xi32, #tpu.memory_space<hbm>>
      %dma_start3A_966 = tpu.memref_slice %arg2[%add3A_854] : memref<204800xi32, #tpu.memory_space<hbm>> -> memref<40xi32, #tpu.memory_space<hbm>>
      tpu.enqueue_dma source(%dma_start3A_966 : memref<40xi32, #tpu.memory_space<hbm>>) target(%arg10 : memref<40xi32, #tpu.memory_space<vmem>>) target_semaphore(%arg31 : memref<!tpu.dma_semaphore, #tpu.memory_space<semaphore_mem>>)
      %dma_start3A_967 = tpu.memref_slice %arg3[%add3A_854] : memref<204800xi32, #tpu.memory_space<hbm>> -> memref<40xi32, #tpu.memory_space<hbm>>
      %dma_start3A_968 = tpu.memref_slice %arg3[%add3A_854] : memref<204800xi32, #tpu.memory_space<hbm>> -> memref<40xi32, #tpu.memory_space<hbm>>
      tpu.enqueue_dma source(%dma_start3A_968 : memref<40xi32, #tpu.memory_space<hbm>>) target(%arg12 : memref<40xi32, #tpu.memory_space<vmem>>) target_semaphore(%arg31 : memref<!tpu.dma_semaphore, #tpu.memory_space<semaphore_mem>>)
      %dma_wait3A_969 = tpu.memref_slice %arg2[%add3A_854] : memref<204800xi32, #tpu.memory_space<hbm>> -> memref<40xi32, #tpu.memory_space<hbm>>
      %dma_wait3A_970 = tpu.memref_slice %arg2[%add3A_854] : memref<204800xi32, #tpu.memory_space<hbm>> -> memref<40xi32, #tpu.memory_space<hbm>>
      tpu.wait_dma2 semaphore(%arg31 : memref<!tpu.dma_semaphore, #tpu.memory_space<semaphore_mem>>) src(%dma_wait3A_970 : memref<40xi32, #tpu.memory_space<hbm>>) dst(%arg10 : memref<40xi32, #tpu.memory_space<vmem>>)
      %dma_wait3A_971 = tpu.memref_slice %arg3[%add3A_854] : memref<204800xi32, #tpu.memory_space<hbm>> -> memref<40xi32, #tpu.memory_space<hbm>>
      %dma_wait3A_972 = tpu.memref_slice %arg3[%add3A_854] : memref<204800xi32, #tpu.memory_space<hbm>> -> memref<40xi32, #tpu.memory_space<hbm>>
      tpu.wait_dma2 semaphore(%arg31 : memref<!tpu.dma_semaphore, #tpu.memory_space<semaphore_mem>>) src(%dma_wait3A_972 : memref<40xi32, #tpu.memory_space<hbm>>) dst(%arg12 : memref<40xi32, #tpu.memory_space<vmem>>)
      %get3A_973 = arith.constant 0 : index
      %get3A_974 = tpu.vector_load %arg10[%get3A_973] {strides = array<i32>} : memref<40xi32, #tpu.memory_space<vmem>>, vector<16xi32>,
      %shift_left3A_975 = arith.constant 3 : i32
      %shift_left3A_976 = vector.broadcast %shift_left3A_975 : i32 to vector<16xi32>
      %shift_left3A_977 = arith.shli %get3A_974, %shift_left3A_976 : vector<16xi32>
      %add3A_978 = arith.constant 0 : i32
      %add3A_979 = vector.broadcast %add3A_978 : i32 to vector<16xi32>
      %add3A_980 = arith.addi %shift_left3A_977, %add3A_979 : vector<16xi32>
      %swap3A_981 = arith.constant 0 : index
      %swap3A_982 = tpu.vector_load %arg14[%swap3A_981] {strides = array<i32>} : memref<280xi32, #tpu.memory_space<vmem>>, vector<16xi32>,
      tpu.vector_store %arg14[%swap3A_981], %add3A_980 {strides = array<i32>} : memref<280xi32, #tpu.memory_space<vmem>>, vector<16xi32>,
      %get3A_983 = arith.constant 16 : index
      %get3A_984 = tpu.vector_load %arg10[%get3A_983] {strides = array<i32>} : memref<40xi32, #tpu.memory_space<vmem>>, vector<16xi32>,
      %shift_left3A_985 = arith.constant 3 : i32
      %shift_left3A_986 = vector.broadcast %shift_left3A_985 : i32 to vector<16xi32>
      %shift_left3A_987 = arith.shli %get3A_984, %shift_left3A_986 : vector<16xi32>
      %add3A_988 = arith.constant 0 : i32
      %add3A_989 = vector.broadcast %add3A_988 : i32 to vector<16xi32>
      %add3A_990 = arith.addi %shift_left3A_987, %add3A_989 : vector<16xi32>
      %swap3A_991 = arith.constant 16 : index
      %swap3A_992 = tpu.vector_load %arg14[%swap3A_991] {strides = array<i32>} : memref<280xi32, #tpu.memory_space<vmem>>, vector<16xi32>,
      tpu.vector_store %arg14[%swap3A_991], %add3A_990 {strides = array<i32>} : memref<280xi32, #tpu.memory_space<vmem>>, vector<16xi32>,
      %get3A_993 = arith.constant 24 : index
      %get3A_994 = tpu.vector_load %arg10[%get3A_993] {strides = array<i32>} : memref<40xi32, #tpu.memory_space<vmem>>, vector<16xi32>,
      %shift_left3A_995 = arith.constant 3 : i32
      %shift_left3A_996 = vector.broadcast %shift_left3A_995 : i32 to vector<16xi32>
      %shift_left3A_997 = arith.shli %get3A_994, %shift_left3A_996 : vector<16xi32>
      %add3A_998 = arith.constant 0 : i32
      %add3A_999 = vector.broadcast %add3A_998 : i32 to vector<16xi32>
      %add3A_1000 = arith.addi %shift_left3A_997, %add3A_999 : vector<16xi32>
      %swap3A_1001 = arith.constant 24 : index
      %swap3A_1002 = tpu.vector_load %arg14[%swap3A_1001] {strides = array<i32>} : memref<280xi32, #tpu.memory_space<vmem>>, vector<16xi32>,
      tpu.vector_store %arg14[%swap3A_1001], %add3A_1000 {strides = array<i32>} : memref<280xi32, #tpu.memory_space<vmem>>, vector<16xi32>,
      %get3A_1003 = arith.constant 0 : index
      %get3A_1004 = tpu.vector_load %arg10[%get3A_1003] {strides = array<i32>} : memref<40xi32, #tpu.memory_space<vmem>>, vector<16xi32>,
      %shift_left3A_1005 = arith.constant 3 : i32
      %shift_left3A_1006 = vector.broadcast %shift_left3A_1005 : i32 to vector<16xi32>
      %shift_left3A_1007 = arith.shli %get3A_1004, %shift_left3A_1006 : vector<16xi32>
      %add3A_1008 = arith.constant 1 : i32
      %add3A_1009 = vector.broadcast %add3A_1008 : i32 to vector<16xi32>
      %add3A_1010 = arith.addi %shift_left3A_1007, %add3A_1009 : vector<16xi32>
      %swap3A_1011 = arith.constant 40 : index
      %swap3A_1012 = tpu.vector_load %arg14[%swap3A_1011] {strides = array<i32>} : memref<280xi32, #tpu.memory_space<vmem>>, vector<16xi32>,
      tpu.vector_store %arg14[%swap3A_1011], %add3A_1010 {strides = array<i32>} : memref<280xi32, #tpu.memory_space<vmem>>, vector<16xi32>,
      %get3A_1013 = arith.constant 16 : index
      %get3A_1014 = tpu.vector_load %arg10[%get3A_1013] {strides = array<i32>} : memref<40xi32, #tpu.memory_space<vmem>>, vector<16xi32>,
      %shift_left3A_1015 = arith.constant 3 : i32
      %shift_left3A_1016 = vector.broadcast %shift_left3A_1015 : i32 to vector<16xi32>
      %shift_left3A_1017 = arith.shli %get3A_1014, %shift_left3A_1016 : vector<16xi32>
      %add3A_1018 = arith.constant 1 : i32
      %add3A_1019 = vector.broadcast %add3A_1018 : i32 to vector<16xi32>
      %add3A_1020 = arith.addi %shift_left3A_1017, %add3A_1019 : vector<16xi32>
      %swap3A_1021 = arith.constant 56 : index
      %swap3A_1022 = tpu.vector_load %arg14[%swap3A_1021] {strides = array<i32>} : memref<280xi32, #tpu.memory_space<vmem>>, vector<16xi32>,
      tpu.vector_store %arg14[%swap3A_1021], %add3A_1020 {strides = array<i32>} : memref<280xi32, #tpu.memory_space<vmem>>, vector<16xi32>,
      %get3A_1023 = arith.constant 24 : index
      %get3A_1024 = tpu.vector_load %arg10[%get3A_1023] {strides = array<i32>} : memref<40xi32, #tpu.memory_space<vmem>>, vector<16xi32>,
      %shift_left3A_1025 = arith.constant 3 : i32
      %shift_left3A_1026 = vector.broadcast %shift_left3A_1025 : i32 to vector<16xi32>
      %shift_left3A_1027 = arith.shli %get3A_1024, %shift_left3A_1026 : vector<16xi32>
      %add3A_1028 = arith.constant 1 : i32
      %add3A_1029 = vector.broadcast %add3A_1028 : i32 to vector<16xi32>
      %add3A_1030 = arith.addi %shift_left3A_1027, %add3A_1029 : vector<16xi32>
      %swap3A_1031 = arith.constant 64 : index
      %swap3A_1032 = tpu.vector_load %arg14[%swap3A_1031] {strides = array<i32>} : memref<280xi32, #tpu.memory_space<vmem>>, vector<16xi32>,
      tpu.vector_store %arg14[%swap3A_1031], %add3A_1030 {strides = array<i32>} : memref<280xi32, #tpu.memory_space<vmem>>, vector<16xi32>,
      %get3A_1033 = arith.constant 0 : index
      %get3A_1034 = tpu.vector_load %arg10[%get3A_1033] {strides = array<i32>} : memref<40xi32, #tpu.memory_space<vmem>>, vector<16xi32>,
      %shift_left3A_1035 = arith.constant 3 : i32
      %shift_left3A_1036 = vector.broadcast %shift_left3A_1035 : i32 to vector<16xi32>
      %shift_left3A_1037 = arith.shli %get3A_1034, %shift_left3A_1036 : vector<16xi32>
      %add3A_1038 = arith.constant 2 : i32
      %add3A_1039 = vector.broadcast %add3A_1038 : i32 to vector<16xi32>
      %add3A_1040 = arith.addi %shift_left3A_1037, %add3A_1039 : vector<16xi32>
      %swap3A_1041 = arith.constant 80 : index
      %swap3A_1042 = tpu.vector_load %arg14[%swap3A_1041] {strides = array<i32>} : memref<280xi32, #tpu.memory_space<vmem>>, vector<16xi32>,
      tpu.vector_store %arg14[%swap3A_1041], %add3A_1040 {strides = array<i32>} : memref<280xi32, #tpu.memory_space<vmem>>, vector<16xi32>,
      %get3A_1043 = arith.constant 16 : index
      %get3A_1044 = tpu.vector_load %arg10[%get3A_1043] {strides = array<i32>} : memref<40xi32, #tpu.memory_space<vmem>>, vector<16xi32>,
      %shift_left3A_1045 = arith.constant 3 : i32
      %shift_left3A_1046 = vector.broadcast %shift_left3A_1045 : i32 to vector<16xi32>
      %shift_left3A_1047 = arith.shli %get3A_1044, %shift_left3A_1046 : vector<16xi32>
      %add3A_1048 = arith.constant 2 : i32
      %add3A_1049 = vector.broadcast %add3A_1048 : i32 to vector<16xi32>
      %add3A_1050 = arith.addi %shift_left3A_1047, %add3A_1049 : vector<16xi32>
      %swap3A_1051 = arith.constant 96 : index
      %swap3A_1052 = tpu.vector_load %arg14[%swap3A_1051] {strides = array<i32>} : memref<280xi32, #tpu.memory_space<vmem>>, vector<16xi32>,
      tpu.vector_store %arg14[%swap3A_1051], %add3A_1050 {strides = array<i32>} : memref<280xi32, #tpu.memory_space<vmem>>, vector<16xi32>,
      %get3A_1053 = arith.constant 24 : index
      %get3A_1054 = tpu.vector_load %arg10[%get3A_1053] {strides = array<i32>} : memref<40xi32, #tpu.memory_space<vmem>>, vector<16xi32>,
      %shift_left3A_1055 = arith.constant 3 : i32
      %shift_left3A_1056 = vector.broadcast %shift_left3A_1055 : i32 to vector<16xi32>
      %shift_left3A_1057 = arith.shli %get3A_1054, %shift_left3A_1056 : vector<16xi32>
      %add3A_1058 = arith.constant 2 : i32
      %add3A_1059 = vector.broadcast %add3A_1058 : i32 to vector<16xi32>
      %add3A_1060 = arith.addi %shift_left3A_1057, %add3A_1059 : vector<16xi32>
      %swap3A_1061 = arith.constant 104 : index
      %swap3A_1062 = tpu.vector_load %arg14[%swap3A_1061] {strides = array<i32>} : memref<280xi32, #tpu.memory_space<vmem>>, vector<16xi32>,
      tpu.vector_store %arg14[%swap3A_1061], %add3A_1060 {strides = array<i32>} : memref<280xi32, #tpu.memory_space<vmem>>, vector<16xi32>,
      %get3A_1063 = arith.constant 0 : index
      %get3A_1064 = tpu.vector_load %arg10[%get3A_1063] {strides = array<i32>} : memref<40xi32, #tpu.memory_space<vmem>>, vector<16xi32>,
      %shift_left3A_1065 = arith.constant 3 : i32
      %shift_left3A_1066 = vector.broadcast %shift_left3A_1065 : i32 to vector<16xi32>
      %shift_left3A_1067 = arith.shli %get3A_1064, %shift_left3A_1066 : vector<16xi32>
      %add3A_1068 = arith.constant 3 : i32
      %add3A_1069 = vector.broadcast %add3A_1068 : i32 to vector<16xi32>
      %add3A_1070 = arith.addi %shift_left3A_1067, %add3A_1069 : vector<16xi32>
      %swap3A_1071 = arith.constant 120 : index
      %swap3A_1072 = tpu.vector_load %arg14[%swap3A_1071] {strides = array<i32>} : memref<280xi32, #tpu.memory_space<vmem>>, vector<16xi32>,
      tpu.vector_store %arg14[%swap3A_1071], %add3A_1070 {strides = array<i32>} : memref<280xi32, #tpu.memory_space<vmem>>, vector<16xi32>,
      %get3A_1073 = arith.constant 16 : index
      %get3A_1074 = tpu.vector_load %arg10[%get3A_1073] {strides = array<i32>} : memref<40xi32, #tpu.memory_space<vmem>>, vector<16xi32>,
      %shift_left3A_1075 = arith.constant 3 : i32
      %shift_left3A_1076 = vector.broadcast %shift_left3A_1075 : i32 to vector<16xi32>
      %shift_left3A_1077 = arith.shli %get3A_1074, %shift_left3A_1076 : vector<16xi32>
      %add3A_1078 = arith.constant 3 : i32
      %add3A_1079 = vector.broadcast %add3A_1078 : i32 to vector<16xi32>
      %add3A_1080 = arith.addi %shift_left3A_1077, %add3A_1079 : vector<16xi32>
      %swap3A_1081 = arith.constant 136 : index
      %swap3A_1082 = tpu.vector_load %arg14[%swap3A_1081] {strides = array<i32>} : memref<280xi32, #tpu.memory_space<vmem>>, vector<16xi32>,
      tpu.vector_store %arg14[%swap3A_1081], %add3A_1080 {strides = array<i32>} : memref<280xi32, #tpu.memory_space<vmem>>, vector<16xi32>,
      %get3A_1083 = arith.constant 24 : index
      %get3A_1084 = tpu.vector_load %arg10[%get3A_1083] {strides = array<i32>} : memref<40xi32, #tpu.memory_space<vmem>>, vector<16xi32>,
      %shift_left3A_1085 = arith.constant 3 : i32
      %shift_left3A_1086 = vector.broadcast %shift_left3A_1085 : i32 to vector<16xi32>
      %shift_left3A_1087 = arith.shli %get3A_1084, %shift_left3A_1086 : vector<16xi32>
      %add3A_1088 = arith.constant 3 : i32
      %add3A_1089 = vector.broadcast %add3A_1088 : i32 to vector<16xi32>
      %add3A_1090 = arith.addi %shift_left3A_1087, %add3A_1089 : vector<16xi32>
      %swap3A_1091 = arith.constant 144 : index
      %swap3A_1092 = tpu.vector_load %arg14[%swap3A_1091] {strides = array<i32>} : memref<280xi32, #tpu.memory_space<vmem>>, vector<16xi32>,
      tpu.vector_store %arg14[%swap3A_1091], %add3A_1090 {strides = array<i32>} : memref<280xi32, #tpu.memory_space<vmem>>, vector<16xi32>,
      %get3A_1093 = arith.constant 0 : index
      %get3A_1094 = tpu.vector_load %arg10[%get3A_1093] {strides = array<i32>} : memref<40xi32, #tpu.memory_space<vmem>>, vector<16xi32>,
      %shift_left3A_1095 = arith.constant 3 : i32
      %shift_left3A_1096 = vector.broadcast %shift_left3A_1095 : i32 to vector<16xi32>
      %shift_left3A_1097 = arith.shli %get3A_1094, %shift_left3A_1096 : vector<16xi32>
      %add3A_1098 = arith.constant 4 : i32
      %add3A_1099 = vector.broadcast %add3A_1098 : i32 to vector<16xi32>
      %add3A_1100 = arith.addi %shift_left3A_1097, %add3A_1099 : vector<16xi32>
      %swap3A_1101 = arith.constant 160 : index
      %swap3A_1102 = tpu.vector_load %arg14[%swap3A_1101] {strides = array<i32>} : memref<280xi32, #tpu.memory_space<vmem>>, vector<16xi32>,
      tpu.vector_store %arg14[%swap3A_1101], %add3A_1100 {strides = array<i32>} : memref<280xi32, #tpu.memory_space<vmem>>, vector<16xi32>,
      %get3A_1103 = arith.constant 16 : index
      %get3A_1104 = tpu.vector_load %arg10[%get3A_1103] {strides = array<i32>} : memref<40xi32, #tpu.memory_space<vmem>>, vector<16xi32>,
      %shift_left3A_1105 = arith.constant 3 : i32
      %shift_left3A_1106 = vector.broadcast %shift_left3A_1105 : i32 to vector<16xi32>
      %shift_left3A_1107 = arith.shli %get3A_1104, %shift_left3A_1106 : vector<16xi32>
      %add3A_1108 = arith.constant 4 : i32
      %add3A_1109 = vector.broadcast %add3A_1108 : i32 to vector<16xi32>
      %add3A_1110 = arith.addi %shift_left3A_1107, %add3A_1109 : vector<16xi32>
      %swap3A_1111 = arith.constant 176 : index
      %swap3A_1112 = tpu.vector_load %arg14[%swap3A_1111] {strides = array<i32>} : memref<280xi32, #tpu.memory_space<vmem>>, vector<16xi32>,
      tpu.vector_store %arg14[%swap3A_1111], %add3A_1110 {strides = array<i32>} : memref<280xi32, #tpu.memory_space<vmem>>, vector<16xi32>,
      %get3A_1113 = arith.constant 24 : index
      %get3A_1114 = tpu.vector_load %arg10[%get3A_1113] {strides = array<i32>} : memref<40xi32, #tpu.memory_space<vmem>>, vector<16xi32>,
      %shift_left3A_1115 = arith.constant 3 : i32
      %shift_left3A_1116 = vector.broadcast %shift_left3A_1115 : i32 to vector<16xi32>
      %shift_left3A_1117 = arith.shli %get3A_1114, %shift_left3A_1116 : vector<16xi32>
      %add3A_1118 = arith.constant 4 : i32
      %add3A_1119 = vector.broadcast %add3A_1118 : i32 to vector<16xi32>
      %add3A_1120 = arith.addi %shift_left3A_1117, %add3A_1119 : vector<16xi32>
      %swap3A_1121 = arith.constant 184 : index
      %swap3A_1122 = tpu.vector_load %arg14[%swap3A_1121] {strides = array<i32>} : memref<280xi32, #tpu.memory_space<vmem>>, vector<16xi32>,
      tpu.vector_store %arg14[%swap3A_1121], %add3A_1120 {strides = array<i32>} : memref<280xi32, #tpu.memory_space<vmem>>, vector<16xi32>,
      %get3A_1123 = arith.constant 0 : index
      %get3A_1124 = tpu.vector_load %arg10[%get3A_1123] {strides = array<i32>} : memref<40xi32, #tpu.memory_space<vmem>>, vector<16xi32>,
      %shift_left3A_1125 = arith.constant 3 : i32
      %shift_left3A_1126 = vector.broadcast %shift_left3A_1125 : i32 to vector<16xi32>
      %shift_left3A_1127 = arith.shli %get3A_1124, %shift_left3A_1126 : vector<16xi32>
      %add3A_1128 = arith.constant 5 : i32
      %add3A_1129 = vector.broadcast %add3A_1128 : i32 to vector<16xi32>
      %add3A_1130 = arith.addi %shift_left3A_1127, %add3A_1129 : vector<16xi32>
      %swap3A_1131 = arith.constant 200 : index
      %swap3A_1132 = tpu.vector_load %arg14[%swap3A_1131] {strides = array<i32>} : memref<280xi32, #tpu.memory_space<vmem>>, vector<16xi32>,
      tpu.vector_store %arg14[%swap3A_1131], %add3A_1130 {strides = array<i32>} : memref<280xi32, #tpu.memory_space<vmem>>, vector<16xi32>,
      %get3A_1133 = arith.constant 16 : index
      %get3A_1134 = tpu.vector_load %arg10[%get3A_1133] {strides = array<i32>} : memref<40xi32, #tpu.memory_space<vmem>>, vector<16xi32>,
      %shift_left3A_1135 = arith.constant 3 : i32
      %shift_left3A_1136 = vector.broadcast %shift_left3A_1135 : i32 to vector<16xi32>
      %shift_left3A_1137 = arith.shli %get3A_1134, %shift_left3A_1136 : vector<16xi32>
      %add3A_1138 = arith.constant 5 : i32
      %add3A_1139 = vector.broadcast %add3A_1138 : i32 to vector<16xi32>
      %add3A_1140 = arith.addi %shift_left3A_1137, %add3A_1139 : vector<16xi32>
      %swap3A_1141 = arith.constant 216 : index
      %swap3A_1142 = tpu.vector_load %arg14[%swap3A_1141] {strides = array<i32>} : memref<280xi32, #tpu.memory_space<vmem>>, vector<16xi32>,
      tpu.vector_store %arg14[%swap3A_1141], %add3A_1140 {strides = array<i32>} : memref<280xi32, #tpu.memory_space<vmem>>, vector<16xi32>,
      %get3A_1143 = arith.constant 24 : index
      %get3A_1144 = tpu.vector_load %arg10[%get3A_1143] {strides = array<i32>} : memref<40xi32, #tpu.memory_space<vmem>>, vector<16xi32>,
      %shift_left3A_1145 = arith.constant 3 : i32
      %shift_left3A_1146 = vector.broadcast %shift_left3A_1145 : i32 to vector<16xi32>
      %shift_left3A_1147 = arith.shli %get3A_1144, %shift_left3A_1146 : vector<16xi32>
      %add3A_1148 = arith.constant 5 : i32
      %add3A_1149 = vector.broadcast %add3A_1148 : i32 to vector<16xi32>
      %add3A_1150 = arith.addi %shift_left3A_1147, %add3A_1149 : vector<16xi32>
      %swap3A_1151 = arith.constant 224 : index
      %swap3A_1152 = tpu.vector_load %arg14[%swap3A_1151] {strides = array<i32>} : memref<280xi32, #tpu.memory_space<vmem>>, vector<16xi32>,
      tpu.vector_store %arg14[%swap3A_1151], %add3A_1150 {strides = array<i32>} : memref<280xi32, #tpu.memory_space<vmem>>, vector<16xi32>,
      %get3A_1153 = arith.constant 0 : index
      %get3A_1154 = tpu.vector_load %arg10[%get3A_1153] {strides = array<i32>} : memref<40xi32, #tpu.memory_space<vmem>>, vector<16xi32>,
      %shift_left3A_1155 = arith.constant 3 : i32
      %shift_left3A_1156 = vector.broadcast %shift_left3A_1155 : i32 to vector<16xi32>
      %shift_left3A_1157 = arith.shli %get3A_1154, %shift_left3A_1156 : vector<16xi32>
      %add3A_1158 = arith.constant 6 : i32
      %add3A_1159 = vector.broadcast %add3A_1158 : i32 to vector<16xi32>
      %add3A_1160 = arith.addi %shift_left3A_1157, %add3A_1159 : vector<16xi32>
      %swap3A_1161 = arith.constant 240 : index
      %swap3A_1162 = tpu.vector_load %arg14[%swap3A_1161] {strides = array<i32>} : memref<280xi32, #tpu.memory_space<vmem>>, vector<16xi32>,
      tpu.vector_store %arg14[%swap3A_1161], %add3A_1160 {strides = array<i32>} : memref<280xi32, #tpu.memory_space<vmem>>, vector<16xi32>,
      %get3A_1163 = arith.constant 16 : index
      %get3A_1164 = tpu.vector_load %arg10[%get3A_1163] {strides = array<i32>} : memref<40xi32, #tpu.memory_space<vmem>>, vector<16xi32>,
      %shift_left3A_1165 = arith.constant 3 : i32
      %shift_left3A_1166 = vector.broadcast %shift_left3A_1165 : i32 to vector<16xi32>
      %shift_left3A_1167 = arith.shli %get3A_1164, %shift_left3A_1166 : vector<16xi32>
      %add3A_1168 = arith.constant 6 : i32
      %add3A_1169 = vector.broadcast %add3A_1168 : i32 to vector<16xi32>
      %add3A_1170 = arith.addi %shift_left3A_1167, %add3A_1169 : vector<16xi32>
      %swap3A_1171 = arith.constant 256 : index
      %swap3A_1172 = tpu.vector_load %arg14[%swap3A_1171] {strides = array<i32>} : memref<280xi32, #tpu.memory_space<vmem>>, vector<16xi32>,
      tpu.vector_store %arg14[%swap3A_1171], %add3A_1170 {strides = array<i32>} : memref<280xi32, #tpu.memory_space<vmem>>, vector<16xi32>,
      %get3A_1173 = arith.constant 24 : index
      %get3A_1174 = tpu.vector_load %arg10[%get3A_1173] {strides = array<i32>} : memref<40xi32, #tpu.memory_space<vmem>>, vector<16xi32>,
      %shift_left3A_1175 = arith.constant 3 : i32
      %shift_left3A_1176 = vector.broadcast %shift_left3A_1175 : i32 to vector<16xi32>
      %shift_left3A_1177 = arith.shli %get3A_1174, %shift_left3A_1176 : vector<16xi32>
      %add3A_1178 = arith.constant 6 : i32
      %add3A_1179 = vector.broadcast %add3A_1178 : i32 to vector<16xi32>
      %add3A_1180 = arith.addi %shift_left3A_1177, %add3A_1179 : vector<16xi32>
      %swap3A_1181 = arith.constant 264 : index
      %swap3A_1182 = tpu.vector_load %arg14[%swap3A_1181] {strides = array<i32>} : memref<280xi32, #tpu.memory_space<vmem>>, vector<16xi32>,
      tpu.vector_store %arg14[%swap3A_1181], %add3A_1180 {strides = array<i32>} : memref<280xi32, #tpu.memory_space<vmem>>, vector<16xi32>,
      %get3A_1183 = arith.constant 0 : index
      %get3A_1184 = tpu.vector_load %arg10[%get3A_1183] {strides = array<i32>} : memref<40xi32, #tpu.memory_space<vmem>>, vector<16xi32>,
      %mul3A_1185 = arith.constant 1000 : i32
      %mul3A_1186 = vector.broadcast %mul3A_1185 : i32 to vector<16xi32>
      %mul3A_1187 = arith.muli %get3A_1184, %mul3A_1186 : vector<16xi32>
      %get3A_1188 = arith.constant 0 : index
      %get3A_1189 = tpu.vector_load %arg12[%get3A_1188] {strides = array<i32>} : memref<40xi32, #tpu.memory_space<vmem>>, vector<16xi32>,
      %add3A_1190 = arith.addi %mul3A_1187, %get3A_1189 : vector<16xi32>
      %swap3A_1191 = arith.constant 0 : index
      %swap3A_1192 = tpu.vector_load %arg16[%swap3A_1191] {strides = array<i32>} : memref<40xi32, #tpu.memory_space<vmem>>, vector<16xi32>,
      tpu.vector_store %arg16[%swap3A_1191], %add3A_1190 {strides = array<i32>} : memref<40xi32, #tpu.memory_space<vmem>>, vector<16xi32>,
      %get3A_1193 = arith.constant 16 : index
      %get3A_1194 = tpu.vector_load %arg10[%get3A_1193] {strides = array<i32>} : memref<40xi32, #tpu.memory_space<vmem>>, vector<16xi32>,
      %mul3A_1195 = arith.constant 1000 : i32
      %mul3A_1196 = vector.broadcast %mul3A_1195 : i32 to vector<16xi32>
      %mul3A_1197 = arith.muli %get3A_1194, %mul3A_1196 : vector<16xi32>
      %get3A_1198 = arith.constant 16 : index
      %get3A_1199 = tpu.vector_load %arg12[%get3A_1198] {strides = array<i32>} : memref<40xi32, #tpu.memory_space<vmem>>, vector<16xi32>,
      %add3A_1200 = arith.addi %mul3A_1197, %get3A_1199 : vector<16xi32>
      %swap3A_1201 = arith.constant 16 : index
      %swap3A_1202 = tpu.vector_load %arg16[%swap3A_1201] {strides = array<i32>} : memref<40xi32, #tpu.memory_space<vmem>>, vector<16xi32>,
      tpu.vector_store %arg16[%swap3A_1201], %add3A_1200 {strides = array<i32>} : memref<40xi32, #tpu.memory_space<vmem>>, vector<16xi32>,
      %get3A_1203 = arith.constant 24 : index
      %get3A_1204 = tpu.vector_load %arg10[%get3A_1203] {strides = array<i32>} : memref<40xi32, #tpu.memory_space<vmem>>, vector<16xi32>,
      %mul3A_1205 = arith.constant 1000 : i32
      %mul3A_1206 = vector.broadcast %mul3A_1205 : i32 to vector<16xi32>
      %mul3A_1207 = arith.muli %get3A_1204, %mul3A_1206 : vector<16xi32>
      %get3A_1208 = arith.constant 24 : index
      %get3A_1209 = tpu.vector_load %arg12[%get3A_1208] {strides = array<i32>} : memref<40xi32, #tpu.memory_space<vmem>>, vector<16xi32>,
      %add3A_1210 = arith.addi %mul3A_1207, %get3A_1209 : vector<16xi32>
      %swap3A_1211 = arith.constant 24 : index
      %swap3A_1212 = tpu.vector_load %arg16[%swap3A_1211] {strides = array<i32>} : memref<40xi32, #tpu.memory_space<vmem>>, vector<16xi32>,
      tpu.vector_store %arg16[%swap3A_1211], %add3A_1210 {strides = array<i32>} : memref<40xi32, #tpu.memory_space<vmem>>, vector<16xi32>,
      %dma_wait3A_1213 = arith.constant 0 : i32
      %dma_wait3A_1214 = tpu.memref_slice %arg8[%add3A_852, %dma_wait3A_1213] : memref<204800x1000xf32, #tpu.memory_space<hbm>> -> memref<40x1000xf32, #tpu.memory_space<hbm>>
      %dma_wait3A_1215 = arith.constant 0 : i32
      %dma_wait3A_1216 = tpu.memref_slice %arg8[%add3A_852, %dma_wait3A_1215] : memref<204800x1000xf32, #tpu.memory_space<hbm>> -> memref<40x1000xf32, #tpu.memory_space<hbm>>
      tpu.wait_dma2 semaphore(%arg29 : memref<!tpu.dma_semaphore, #tpu.memory_space<semaphore_mem>>) src(%arg18 : memref<40x1000xf32, #tpu.memory_space<vmem>>) dst(%dma_wait3A_1216 : memref<40x1000xf32, #tpu.memory_space<hbm>>)
      %dma_start3A_1217 = arith.constant 0 : i32
      %dma_start3A_1218 = arith.constant 0 : i32
      %dma_start3A_1219 = tpu.memref_slice %arg18[%dma_start3A_1217, %dma_start3A_1218] : memref<40x1000xf32, #tpu.memory_space<vmem>> -> memref<40x128xf32, #tpu.memory_space<vmem>>
      %dma_start3A_1220 = arith.constant 0 : i32
      %dma_start3A_1221 = tpu.memref_slice %arg14[%dma_start3A_1220] : memref<280xi32, #tpu.memory_space<vmem>> -> memref<40xi32, #tpu.memory_space<vmem>>
      %dma_start3A_1222 = arith.constant 0 : i32
      %dma_start3A_1223 = arith.constant 0 : i32
      %dma_start3A_1224 = tpu.memref_slice %arg4[%dma_start3A_1222, %dma_start3A_1223] : memref<8000x128xf32, #tpu.memory_space<hbm>> -> memref<8000x128xf32, #tpu.memory_space<hbm>>
      tpu.enqueue_indirect_dma source(%dma_start3A_1224 : memref<8000x128xf32, #tpu.memory_space<hbm>>) target(%dma_start3A_1219 : memref<40x128xf32, #tpu.memory_space<vmem>>) offsets(%dma_start3A_1221 : memref<40xi32, #tpu.memory_space<vmem>>) semaphore(%arg27 : memref<!tpu.dma_semaphore, #tpu.memory_space<semaphore_mem>>)
      %dma_start3A_1225 = arith.constant 0 : i32
      %dma_start3A_1226 = arith.constant 128 : i32
      %dma_start3A_1227 = tpu.memref_slice %arg18[%dma_start3A_1225, %dma_start3A_1226] : memref<40x1000xf32, #tpu.memory_space<vmem>> -> memref<40x128xf32, #tpu.memory_space<vmem>>
      %dma_start3A_1228 = arith.constant 40 : i32
      %dma_start3A_1229 = tpu.memref_slice %arg14[%dma_start3A_1228] : memref<280xi32, #tpu.memory_space<vmem>> -> memref<40xi32, #tpu.memory_space<vmem>>
      %dma_start3A_1230 = arith.constant 0 : i32
      %dma_start3A_1231 = arith.constant 0 : i32
      %dma_start3A_1232 = tpu.memref_slice %arg4[%dma_start3A_1230, %dma_start3A_1231] : memref<8000x128xf32, #tpu.memory_space<hbm>> -> memref<8000x128xf32, #tpu.memory_space<hbm>>
      tpu.enqueue_indirect_dma source(%dma_start3A_1232 : memref<8000x128xf32, #tpu.memory_space<hbm>>) target(%dma_start3A_1227 : memref<40x128xf32, #tpu.memory_space<vmem>>) offsets(%dma_start3A_1229 : memref<40xi32, #tpu.memory_space<vmem>>) semaphore(%arg27 : memref<!tpu.dma_semaphore, #tpu.memory_space<semaphore_mem>>)
      %dma_start3A_1233 = arith.constant 0 : i32
      %dma_start3A_1234 = arith.constant 256 : i32
      %dma_start3A_1235 = tpu.memref_slice %arg18[%dma_start3A_1233, %dma_start3A_1234] : memref<40x1000xf32, #tpu.memory_space<vmem>> -> memref<40x128xf32, #tpu.memory_space<vmem>>
      %dma_start3A_1236 = arith.constant 80 : i32
      %dma_start3A_1237 = tpu.memref_slice %arg14[%dma_start3A_1236] : memref<280xi32, #tpu.memory_space<vmem>> -> memref<40xi32, #tpu.memory_space<vmem>>
      %dma_start3A_1238 = arith.constant 0 : i32
      %dma_start3A_1239 = arith.constant 0 : i32
      %dma_start3A_1240 = tpu.memref_slice %arg4[%dma_start3A_1238, %dma_start3A_1239] : memref<8000x128xf32, #tpu.memory_space<hbm>> -> memref<8000x128xf32, #tpu.memory_space<hbm>>
      tpu.enqueue_indirect_dma source(%dma_start3A_1240 : memref<8000x128xf32, #tpu.memory_space<hbm>>) target(%dma_start3A_1235 : memref<40x128xf32, #tpu.memory_space<vmem>>) offsets(%dma_start3A_1237 : memref<40xi32, #tpu.memory_space<vmem>>) semaphore(%arg27 : memref<!tpu.dma_semaphore, #tpu.memory_space<semaphore_mem>>)
      %dma_start3A_1241 = arith.constant 0 : i32
      %dma_start3A_1242 = arith.constant 384 : i32
      %dma_start3A_1243 = tpu.memref_slice %arg18[%dma_start3A_1241, %dma_start3A_1242] : memref<40x1000xf32, #tpu.memory_space<vmem>> -> memref<40x128xf32, #tpu.memory_space<vmem>>
      %dma_start3A_1244 = arith.constant 120 : i32
      %dma_start3A_1245 = tpu.memref_slice %arg14[%dma_start3A_1244] : memref<280xi32, #tpu.memory_space<vmem>> -> memref<40xi32, #tpu.memory_space<vmem>>
      %dma_start3A_1246 = arith.constant 0 : i32
      %dma_start3A_1247 = arith.constant 0 : i32
      %dma_start3A_1248 = tpu.memref_slice %arg4[%dma_start3A_1246, %dma_start3A_1247] : memref<8000x128xf32, #tpu.memory_space<hbm>> -> memref<8000x128xf32, #tpu.memory_space<hbm>>
      tpu.enqueue_indirect_dma source(%dma_start3A_1248 : memref<8000x128xf32, #tpu.memory_space<hbm>>) target(%dma_start3A_1243 : memref<40x128xf32, #tpu.memory_space<vmem>>) offsets(%dma_start3A_1245 : memref<40xi32, #tpu.memory_space<vmem>>) semaphore(%arg27 : memref<!tpu.dma_semaphore, #tpu.memory_space<semaphore_mem>>)
      %dma_start3A_1249 = arith.constant 0 : i32
      %dma_start3A_1250 = arith.constant 512 : i32
      %dma_start3A_1251 = tpu.memref_slice %arg18[%dma_start3A_1249, %dma_start3A_1250] : memref<40x1000xf32, #tpu.memory_space<vmem>> -> memref<40x128xf32, #tpu.memory_space<vmem>>
      %dma_start3A_1252 = arith.constant 160 : i32
      %dma_start3A_1253 = tpu.memref_slice %arg14[%dma_start3A_1252] : memref<280xi32, #tpu.memory_space<vmem>> -> memref<40xi32, #tpu.memory_space<vmem>>
      %dma_start3A_1254 = arith.constant 0 : i32
      %dma_start3A_1255 = arith.constant 0 : i32
      %dma_start3A_1256 = tpu.memref_slice %arg4[%dma_start3A_1254, %dma_start3A_1255] : memref<8000x128xf32, #tpu.memory_space<hbm>> -> memref<8000x128xf32, #tpu.memory_space<hbm>>
      tpu.enqueue_indirect_dma source(%dma_start3A_1256 : memref<8000x128xf32, #tpu.memory_space<hbm>>) target(%dma_start3A_1251 : memref<40x128xf32, #tpu.memory_space<vmem>>) offsets(%dma_start3A_1253 : memref<40xi32, #tpu.memory_space<vmem>>) semaphore(%arg27 : memref<!tpu.dma_semaphore, #tpu.memory_space<semaphore_mem>>)
      %dma_start3A_1257 = arith.constant 0 : i32
      %dma_start3A_1258 = arith.constant 640 : i32
      %dma_start3A_1259 = tpu.memref_slice %arg18[%dma_start3A_1257, %dma_start3A_1258] : memref<40x1000xf32, #tpu.memory_space<vmem>> -> memref<40x128xf32, #tpu.memory_space<vmem>>
      %dma_start3A_1260 = arith.constant 200 : i32
      %dma_start3A_1261 = tpu.memref_slice %arg14[%dma_start3A_1260] : memref<280xi32, #tpu.memory_space<vmem>> -> memref<40xi32, #tpu.memory_space<vmem>>
      %dma_start3A_1262 = arith.constant 0 : i32
      %dma_start3A_1263 = arith.constant 0 : i32
      %dma_start3A_1264 = tpu.memref_slice %arg4[%dma_start3A_1262, %dma_start3A_1263] : memref<8000x128xf32, #tpu.memory_space<hbm>> -> memref<8000x128xf32, #tpu.memory_space<hbm>>
      tpu.enqueue_indirect_dma source(%dma_start3A_1264 : memref<8000x128xf32, #tpu.memory_space<hbm>>) target(%dma_start3A_1259 : memref<40x128xf32, #tpu.memory_space<vmem>>) offsets(%dma_start3A_1261 : memref<40xi32, #tpu.memory_space<vmem>>) semaphore(%arg27 : memref<!tpu.dma_semaphore, #tpu.memory_space<semaphore_mem>>)
      %dma_start3A_1265 = arith.constant 0 : i32
      %dma_start3A_1266 = arith.constant 768 : i32
      %dma_start3A_1267 = tpu.memref_slice %arg18[%dma_start3A_1265, %dma_start3A_1266] : memref<40x1000xf32, #tpu.memory_space<vmem>> -> memref<40x128xf32, #tpu.memory_space<vmem>>
      %dma_start3A_1268 = arith.constant 240 : i32
      %dma_start3A_1269 = tpu.memref_slice %arg14[%dma_start3A_1268] : memref<280xi32, #tpu.memory_space<vmem>> -> memref<40xi32, #tpu.memory_space<vmem>>
      %dma_start3A_1270 = arith.constant 0 : i32
      %dma_start3A_1271 = arith.constant 0 : i32
      %dma_start3A_1272 = tpu.memref_slice %arg4[%dma_start3A_1270, %dma_start3A_1271] : memref<8000x128xf32, #tpu.memory_space<hbm>> -> memref<8000x128xf32, #tpu.memory_space<hbm>>
      tpu.enqueue_indirect_dma source(%dma_start3A_1272 : memref<8000x128xf32, #tpu.memory_space<hbm>>) target(%dma_start3A_1267 : memref<40x128xf32, #tpu.memory_space<vmem>>) offsets(%dma_start3A_1269 : memref<40xi32, #tpu.memory_space<vmem>>) semaphore(%arg27 : memref<!tpu.dma_semaphore, #tpu.memory_space<semaphore_mem>>)
      %dma_start3A_1273 = arith.constant 0 : i32
      %dma_start3A_1274 = arith.constant 0 : i32
      %dma_start3A_1275 = tpu.memref_slice %arg5[%dma_start3A_1273, %dma_start3A_1274] : memref<1000x128xf32, #tpu.memory_space<hbm>> -> memref<1000x128xf32, #tpu.memory_space<hbm>>
      tpu.enqueue_indirect_dma source(%dma_start3A_1275 : memref<1000x128xf32, #tpu.memory_space<hbm>>) target(%arg20 : memref<40x128xf32, #tpu.memory_space<vmem>>) offsets(%arg10 : memref<40xi32, #tpu.memory_space<vmem>>) semaphore(%arg27 : memref<!tpu.dma_semaphore, #tpu.memory_space<semaphore_mem>>)
      %dma_start3A_1276 = arith.constant 0 : i32
      %dma_start3A_1277 = tpu.memref_slice %arg7[%dma_start3A_1276] : memref<1000xf32, #tpu.memory_space<hbm>> -> memref<1000xf32, #tpu.memory_space<hbm>>
      tpu.enqueue_indirect_dma source(%dma_start3A_1277 : memref<1000xf32, #tpu.memory_space<hbm>>) target(%arg22 : memref<40xf32, #tpu.memory_space<vmem>>) offsets(%arg10 : memref<40xi32, #tpu.memory_space<vmem>>) semaphore(%arg27 : memref<!tpu.dma_semaphore, #tpu.memory_space<semaphore_mem>>)
      %dma_start3A_1278 = arith.constant 0 : i32
      %dma_start3A_1279 = tpu.memref_slice %arg6[%dma_start3A_1278] : memref<1000008xf32, #tpu.memory_space<hbm>> -> memref<1000008xf32, #tpu.memory_space<hbm>>
      tpu.enqueue_indirect_dma source(%dma_start3A_1279 : memref<1000008xf32, #tpu.memory_space<hbm>>) target(%arg24 : memref<40xf32, #tpu.memory_space<vmem>>) offsets(%arg16 : memref<40xi32, #tpu.memory_space<vmem>>) semaphore(%arg27 : memref<!tpu.dma_semaphore, #tpu.memory_space<semaphore_mem>>)
      %mul3A_1280 = arith.constant 2 : i32
      %mul3A_1281 = arith.muli %mul3A_1280, %scan3A_845 : i32
      %add3A_1282 = arith.constant 1 : i32
      %add3A_1283 = arith.addi %mul3A_1281, %add3A_1282 : i32
      %mul3A_1284 = arith.constant 40 : i32
      %mul3A_1285 = arith.muli %add3A_1283, %mul3A_1284 : i32
      %add3A_1286 = arith.addi %mul3A_2, %mul3A_1285 : i32
      %add3A_1287 = arith.constant 80 : i32
      %add3A_1288 = arith.addi %add3A_1286, %add3A_1287 : i32
      %dma_wait3A_1289 = arith.constant 0 : i32
      %dma_wait3A_1290 = arith.constant 0 : i32
      %dma_wait3A_1291 = tpu.memref_slice %arg19[%dma_wait3A_1289, %dma_wait3A_1290] : memref<40x1000xf32, #tpu.memory_space<vmem>> -> memref<40x128xf32, #tpu.memory_space<vmem>>
      %dma_wait3A_1292 = arith.constant 0 : i32
      %dma_wait3A_1293 = tpu.memref_slice %arg15[%dma_wait3A_1292] : memref<280xi32, #tpu.memory_space<vmem>> -> memref<40xi32, #tpu.memory_space<vmem>>
      %dma_wait3A_1294 = arith.constant 0 : i32
      %dma_wait3A_1295 = arith.constant 0 : i32
      %dma_wait3A_1296 = tpu.memref_slice %arg4[%dma_wait3A_1294, %dma_wait3A_1295] : memref<8000x128xf32, #tpu.memory_space<hbm>> -> memref<8000x128xf32, #tpu.memory_space<hbm>>
      tpu.wait_indirect_dma semaphore(%arg28 : memref<!tpu.dma_semaphore, #tpu.memory_space<semaphore_mem>>) src(%dma_wait3A_1296 : memref<8000x128xf32, #tpu.memory_space<hbm>>) dst(%dma_wait3A_1291 : memref<40x128xf32, #tpu.memory_space<vmem>>)
      %dma_wait3A_1297 = arith.constant 0 : i32
      %dma_wait3A_1298 = arith.constant 128 : i32
      %dma_wait3A_1299 = tpu.memref_slice %arg19[%dma_wait3A_1297, %dma_wait3A_1298] : memref<40x1000xf32, #tpu.memory_space<vmem>> -> memref<40x128xf32, #tpu.memory_space<vmem>>
      %dma_wait3A_1300 = arith.constant 40 : i32
      %dma_wait3A_1301 = tpu.memref_slice %arg15[%dma_wait3A_1300] : memref<280xi32, #tpu.memory_space<vmem>> -> memref<40xi32, #tpu.memory_space<vmem>>
      %dma_wait3A_1302 = arith.constant 0 : i32
      %dma_wait3A_1303 = arith.constant 0 : i32
      %dma_wait3A_1304 = tpu.memref_slice %arg4[%dma_wait3A_1302, %dma_wait3A_1303] : memref<8000x128xf32, #tpu.memory_space<hbm>> -> memref<8000x128xf32, #tpu.memory_space<hbm>>
      tpu.wait_indirect_dma semaphore(%arg28 : memref<!tpu.dma_semaphore, #tpu.memory_space<semaphore_mem>>) src(%dma_wait3A_1304 : memref<8000x128xf32, #tpu.memory_space<hbm>>) dst(%dma_wait3A_1299 : memref<40x128xf32, #tpu.memory_space<vmem>>)
      %dma_wait3A_1305 = arith.constant 0 : i32
      %dma_wait3A_1306 = arith.constant 256 : i32
      %dma_wait3A_1307 = tpu.memref_slice %arg19[%dma_wait3A_1305, %dma_wait3A_1306] : memref<40x1000xf32, #tpu.memory_space<vmem>> -> memref<40x128xf32, #tpu.memory_space<vmem>>
      %dma_wait3A_1308 = arith.constant 80 : i32
      %dma_wait3A_1309 = tpu.memref_slice %arg15[%dma_wait3A_1308] : memref<280xi32, #tpu.memory_space<vmem>> -> memref<40xi32, #tpu.memory_space<vmem>>
      %dma_wait3A_1310 = arith.constant 0 : i32
      %dma_wait3A_1311 = arith.constant 0 : i32
      %dma_wait3A_1312 = tpu.memref_slice %arg4[%dma_wait3A_1310, %dma_wait3A_1311] : memref<8000x128xf32, #tpu.memory_space<hbm>> -> memref<8000x128xf32, #tpu.memory_space<hbm>>
      tpu.wait_indirect_dma semaphore(%arg28 : memref<!tpu.dma_semaphore, #tpu.memory_space<semaphore_mem>>) src(%dma_wait3A_1312 : memref<8000x128xf32, #tpu.memory_space<hbm>>) dst(%dma_wait3A_1307 : memref<40x128xf32, #tpu.memory_space<vmem>>)
      %dma_wait3A_1313 = arith.constant 0 : i32
      %dma_wait3A_1314 = arith.constant 384 : i32
      %dma_wait3A_1315 = tpu.memref_slice %arg19[%dma_wait3A_1313, %dma_wait3A_1314] : memref<40x1000xf32, #tpu.memory_space<vmem>> -> memref<40x128xf32, #tpu.memory_space<vmem>>
      %dma_wait3A_1316 = arith.constant 120 : i32
      %dma_wait3A_1317 = tpu.memref_slice %arg15[%dma_wait3A_1316] : memref<280xi32, #tpu.memory_space<vmem>> -> memref<40xi32, #tpu.memory_space<vmem>>
      %dma_wait3A_1318 = arith.constant 0 : i32
      %dma_wait3A_1319 = arith.constant 0 : i32
      %dma_wait3A_1320 = tpu.memref_slice %arg4[%dma_wait3A_1318, %dma_wait3A_1319] : memref<8000x128xf32, #tpu.memory_space<hbm>> -> memref<8000x128xf32, #tpu.memory_space<hbm>>
      tpu.wait_indirect_dma semaphore(%arg28 : memref<!tpu.dma_semaphore, #tpu.memory_space<semaphore_mem>>) src(%dma_wait3A_1320 : memref<8000x128xf32, #tpu.memory_space<hbm>>) dst(%dma_wait3A_1315 : memref<40x128xf32, #tpu.memory_space<vmem>>)
      %dma_wait3A_1321 = arith.constant 0 : i32
      %dma_wait3A_1322 = arith.constant 512 : i32
      %dma_wait3A_1323 = tpu.memref_slice %arg19[%dma_wait3A_1321, %dma_wait3A_1322] : memref<40x1000xf32, #tpu.memory_space<vmem>> -> memref<40x128xf32, #tpu.memory_space<vmem>>
      %dma_wait3A_1324 = arith.constant 160 : i32
      %dma_wait3A_1325 = tpu.memref_slice %arg15[%dma_wait3A_1324] : memref<280xi32, #tpu.memory_space<vmem>> -> memref<40xi32, #tpu.memory_space<vmem>>
      %dma_wait3A_1326 = arith.constant 0 : i32
      %dma_wait3A_1327 = arith.constant 0 : i32
      %dma_wait3A_1328 = tpu.memref_slice %arg4[%dma_wait3A_1326, %dma_wait3A_1327] : memref<8000x128xf32, #tpu.memory_space<hbm>> -> memref<8000x128xf32, #tpu.memory_space<hbm>>
      tpu.wait_indirect_dma semaphore(%arg28 : memref<!tpu.dma_semaphore, #tpu.memory_space<semaphore_mem>>) src(%dma_wait3A_1328 : memref<8000x128xf32, #tpu.memory_space<hbm>>) dst(%dma_wait3A_1323 : memref<40x128xf32, #tpu.memory_space<vmem>>)
      %dma_wait3A_1329 = arith.constant 0 : i32
      %dma_wait3A_1330 = arith.constant 640 : i32
      %dma_wait3A_1331 = tpu.memref_slice %arg19[%dma_wait3A_1329, %dma_wait3A_1330] : memref<40x1000xf32, #tpu.memory_space<vmem>> -> memref<40x128xf32, #tpu.memory_space<vmem>>
      %dma_wait3A_1332 = arith.constant 200 : i32
      %dma_wait3A_1333 = tpu.memref_slice %arg15[%dma_wait3A_1332] : memref<280xi32, #tpu.memory_space<vmem>> -> memref<40xi32, #tpu.memory_space<vmem>>
      %dma_wait3A_1334 = arith.constant 0 : i32
      %dma_wait3A_1335 = arith.constant 0 : i32
      %dma_wait3A_1336 = tpu.memref_slice %arg4[%dma_wait3A_1334, %dma_wait3A_1335] : memref<8000x128xf32, #tpu.memory_space<hbm>> -> memref<8000x128xf32, #tpu.memory_space<hbm>>
      tpu.wait_indirect_dma semaphore(%arg28 : memref<!tpu.dma_semaphore, #tpu.memory_space<semaphore_mem>>) src(%dma_wait3A_1336 : memref<8000x128xf32, #tpu.memory_space<hbm>>) dst(%dma_wait3A_1331 : memref<40x128xf32, #tpu.memory_space<vmem>>)
      %dma_wait3A_1337 = arith.constant 0 : i32
      %dma_wait3A_1338 = arith.constant 768 : i32
      %dma_wait3A_1339 = tpu.memref_slice %arg19[%dma_wait3A_1337, %dma_wait3A_1338] : memref<40x1000xf32, #tpu.memory_space<vmem>> -> memref<40x128xf32, #tpu.memory_space<vmem>>
      %dma_wait3A_1340 = arith.constant 240 : i32
      %dma_wait3A_1341 = tpu.memref_slice %arg15[%dma_wait3A_1340] : memref<280xi32, #tpu.memory_space<vmem>> -> memref<40xi32, #tpu.memory_space<vmem>>
      %dma_wait3A_1342 = arith.constant 0 : i32
      %dma_wait3A_1343 = arith.constant 0 : i32
      %dma_wait3A_1344 = tpu.memref_slice %arg4[%dma_wait3A_1342, %dma_wait3A_1343] : memref<8000x128xf32, #tpu.memory_space<hbm>> -> memref<8000x128xf32, #tpu.memory_space<hbm>>
      tpu.wait_indirect_dma semaphore(%arg28 : memref<!tpu.dma_semaphore, #tpu.memory_space<semaphore_mem>>) src(%dma_wait3A_1344 : memref<8000x128xf32, #tpu.memory_space<hbm>>) dst(%dma_wait3A_1339 : memref<40x128xf32, #tpu.memory_space<vmem>>)
      %dma_wait3A_1345 = arith.constant 0 : i32
      %dma_wait3A_1346 = arith.constant 0 : i32
      %dma_wait3A_1347 = tpu.memref_slice %arg5[%dma_wait3A_1345, %dma_wait3A_1346] : memref<1000x128xf32, #tpu.memory_space<hbm>> -> memref<1000x128xf32, #tpu.memory_space<hbm>>
      tpu.wait_indirect_dma semaphore(%arg28 : memref<!tpu.dma_semaphore, #tpu.memory_space<semaphore_mem>>) src(%dma_wait3A_1347 : memref<1000x128xf32, #tpu.memory_space<hbm>>) dst(%arg21 : memref<40x128xf32, #tpu.memory_space<vmem>>)
      %dma_wait3A_1348 = arith.constant 0 : i32
      %dma_wait3A_1349 = tpu.memref_slice %arg7[%dma_wait3A_1348] : memref<1000xf32, #tpu.memory_space<hbm>> -> memref<1000xf32, #tpu.memory_space<hbm>>
      tpu.wait_indirect_dma semaphore(%arg28 : memref<!tpu.dma_semaphore, #tpu.memory_space<semaphore_mem>>) src(%dma_wait3A_1349 : memref<1000xf32, #tpu.memory_space<hbm>>) dst(%arg23 : memref<40xf32, #tpu.memory_space<vmem>>)
      %dma_wait3A_1350 = arith.constant 0 : i32
      %dma_wait3A_1351 = tpu.memref_slice %arg6[%dma_wait3A_1350] : memref<1000008xf32, #tpu.memory_space<hbm>> -> memref<1000008xf32, #tpu.memory_space<hbm>>
      tpu.wait_indirect_dma semaphore(%arg28 : memref<!tpu.dma_semaphore, #tpu.memory_space<semaphore_mem>>) src(%dma_wait3A_1351 : memref<1000008xf32, #tpu.memory_space<hbm>>) dst(%arg25 : memref<40xf32, #tpu.memory_space<vmem>>)
      %scan3A_1352 = arith.constant 0 : i32
      %scan3A_1353 = arith.constant 0 : i32
      %scan3A_1354 = arith.constant 40 : i32
      %scan3A_1355 = arith.addi %scan3A_1353, %scan3A_1354 : i32
      %scan3A_1356 = arith.constant 1 : i32
      scf.for %scan3A_1714 = %scan3A_1353 to %scan3A_1355 step %scan3A_1356  : i32 {
        %get3A_1715 = arith.index_cast %scan3A_1714 : i32 to index
        %get3A_1716 = arith.constant 0 : index
        %get3A_1717 = tpu.vector_load %arg21[%get3A_1715, %get3A_1716] {strides = array<i32>} : memref<40x128xf32, #tpu.memory_space<vmem>>, vector<16xf32>,
        %swap3A_1718 = arith.index_cast %scan3A_1714 : i32 to index
        %swap3A_1719 = arith.constant 896 : index
        %swap3A_1720 = tpu.vector_load %arg19[%swap3A_1718, %swap3A_1719] {strides = array<i32>} : memref<40x1000xf32, #tpu.memory_space<vmem>>, vector<16xf32>,
        tpu.vector_store %arg19[%swap3A_1718, %swap3A_1719], %get3A_1717 {strides = array<i32>} : memref<40x1000xf32, #tpu.memory_space<vmem>>, vector<16xf32>,
        %get3A_1721 = arith.index_cast %scan3A_1714 : i32 to index
        %get3A_1722 = arith.constant 16 : index
        %get3A_1723 = tpu.vector_load %arg21[%get3A_1721, %get3A_1722] {strides = array<i32>} : memref<40x128xf32, #tpu.memory_space<vmem>>, vector<16xf32>,
        %swap3A_1724 = arith.index_cast %scan3A_1714 : i32 to index
        %swap3A_1725 = arith.constant 912 : index
        %swap3A_1726 = tpu.vector_load %arg19[%swap3A_1724, %swap3A_1725] {strides = array<i32>} : memref<40x1000xf32, #tpu.memory_space<vmem>>, vector<16xf32>,
        tpu.vector_store %arg19[%swap3A_1724, %swap3A_1725], %get3A_1723 {strides = array<i32>} : memref<40x1000xf32, #tpu.memory_space<vmem>>, vector<16xf32>,
        %get3A_1727 = arith.index_cast %scan3A_1714 : i32 to index
        %get3A_1728 = arith.constant 32 : index
        %get3A_1729 = tpu.vector_load %arg21[%get3A_1727, %get3A_1728] {strides = array<i32>} : memref<40x128xf32, #tpu.memory_space<vmem>>, vector<16xf32>,
        %swap3A_1730 = arith.index_cast %scan3A_1714 : i32 to index
        %swap3A_1731 = arith.constant 928 : index
        %swap3A_1732 = tpu.vector_load %arg19[%swap3A_1730, %swap3A_1731] {strides = array<i32>} : memref<40x1000xf32, #tpu.memory_space<vmem>>, vector<16xf32>,
        tpu.vector_store %arg19[%swap3A_1730, %swap3A_1731], %get3A_1729 {strides = array<i32>} : memref<40x1000xf32, #tpu.memory_space<vmem>>, vector<16xf32>,
        %get3A_1733 = arith.index_cast %scan3A_1714 : i32 to index
        %get3A_1734 = arith.constant 48 : index
        %get3A_1735 = tpu.vector_load %arg21[%get3A_1733, %get3A_1734] {strides = array<i32>} : memref<40x128xf32, #tpu.memory_space<vmem>>, vector<16xf32>,
        %swap3A_1736 = arith.index_cast %scan3A_1714 : i32 to index
        %swap3A_1737 = arith.constant 944 : index
        %swap3A_1738 = tpu.vector_load %arg19[%swap3A_1736, %swap3A_1737] {strides = array<i32>} : memref<40x1000xf32, #tpu.memory_space<vmem>>, vector<16xf32>,
        tpu.vector_store %arg19[%swap3A_1736, %swap3A_1737], %get3A_1735 {strides = array<i32>} : memref<40x1000xf32, #tpu.memory_space<vmem>>, vector<16xf32>,
        %get3A_1739 = arith.index_cast %scan3A_1714 : i32 to index
        %get3A_1740 = arith.constant 64 : index
        %get3A_1741 = tpu.vector_load %arg21[%get3A_1739, %get3A_1740] {strides = array<i32>} : memref<40x128xf32, #tpu.memory_space<vmem>>, vector<16xf32>,
        %swap3A_1742 = arith.index_cast %scan3A_1714 : i32 to index
        %swap3A_1743 = arith.constant 960 : index
        %swap3A_1744 = tpu.vector_load %arg19[%swap3A_1742, %swap3A_1743] {strides = array<i32>} : memref<40x1000xf32, #tpu.memory_space<vmem>>, vector<16xf32>,
        tpu.vector_store %arg19[%swap3A_1742, %swap3A_1743], %get3A_1741 {strides = array<i32>} : memref<40x1000xf32, #tpu.memory_space<vmem>>, vector<16xf32>,
        %get3A_1745 = arith.index_cast %scan3A_1714 : i32 to index
        %get3A_1746 = arith.constant 72 : index
        %get3A_1747 = tpu.vector_load %arg21[%get3A_1745, %get3A_1746] {strides = array<i32>} : memref<40x128xf32, #tpu.memory_space<vmem>>, vector<16xf32>,
        %swap3A_1748 = arith.index_cast %scan3A_1714 : i32 to index
        %swap3A_1749 = arith.constant 968 : index
        %swap3A_1750 = tpu.vector_load %arg19[%swap3A_1748, %swap3A_1749] {strides = array<i32>} : memref<40x1000xf32, #tpu.memory_space<vmem>>, vector<16xf32>,
        tpu.vector_store %arg19[%swap3A_1748, %swap3A_1749], %get3A_1747 {strides = array<i32>} : memref<40x1000xf32, #tpu.memory_space<vmem>>, vector<16xf32>,
        %get3A_1751 = arith.index_cast %scan3A_1714 : i32 to index
        %get3A_1752 = arith.constant 88 : index
        %get3A_1753 = tpu.vector_load %arg21[%get3A_1751, %get3A_1752] {strides = array<i32>} : memref<40x128xf32, #tpu.memory_space<vmem>>, vector<16xf32>,
        %swap3A_1754 = arith.index_cast %scan3A_1714 : i32 to index
        %swap3A_1755 = arith.constant 984 : index
        %swap3A_1756 = tpu.vector_load %arg19[%swap3A_1754, %swap3A_1755] {strides = array<i32>} : memref<40x1000xf32, #tpu.memory_space<vmem>>, vector<16xf32>,
        tpu.vector_store %arg19[%swap3A_1754, %swap3A_1755], %get3A_1753 {strides = array<i32>} : memref<40x1000xf32, #tpu.memory_space<vmem>>, vector<16xf32>,
      }
      %scan3A_1357 = arith.constant 40 : i32
      %dma_start3A_1358 = arith.constant 0 : i32
      %dma_start3A_1359 = tpu.memref_slice %arg8[%add3A_1286, %dma_start3A_1358] : memref<204800x1000xf32, #tpu.memory_space<hbm>> -> memref<40x1000xf32, #tpu.memory_space<hbm>>
      %dma_start3A_1360 = arith.constant 0 : i32
      %dma_start3A_1361 = tpu.memref_slice %arg8[%add3A_1286, %dma_start3A_1360] : memref<204800x1000xf32, #tpu.memory_space<hbm>> -> memref<40x1000xf32, #tpu.memory_space<hbm>>
      tpu.enqueue_dma source(%arg19 : memref<40x1000xf32, #tpu.memory_space<vmem>>) target(%dma_start3A_1361 : memref<40x1000xf32, #tpu.memory_space<hbm>>) target_semaphore(%arg30 : memref<!tpu.dma_semaphore, #tpu.memory_space<semaphore_mem>>)
      %iota3A_1362 = tpu.iota {dimensions = array<i32: 0>} : vector<16xi32>
      %get3A_1363 = arith.constant 0 : index
      %get3A_1364 = tpu.vector_load %arg23[%get3A_1363] {strides = array<i32>} : memref<40xf32, #tpu.memory_space<vmem>>, vector<16xf32>,
      %get3A_1365 = arith.constant 0 : index
      %get3A_1366 = tpu.vector_load %arg25[%get3A_1365] {strides = array<i32>} : memref<40xf32, #tpu.memory_space<vmem>>, vector<16xf32>,
      %sub3A_1367 = arith.subf %get3A_1364, %get3A_1366 : vector<16xf32>
      %get3A_1368 = arith.constant 0 : index
      %get3A_1369 = tpu.vector_load %arg26[%get3A_1368] {strides = array<i32>} : memref<16xf32, #tpu.memory_space<vmem>>, vector<16xf32>,
      %add3A_1370 = arith.addf %get3A_1369, %sub3A_1367 : vector<16xf32>
      %swap3A_1371 = arith.constant 0 : index
      %swap3A_1372 = tpu.vector_load %arg26[%swap3A_1371] {strides = array<i32>} : memref<16xf32, #tpu.memory_space<vmem>>, vector<16xf32>,
      tpu.vector_store %arg26[%swap3A_1371], %add3A_1370 {strides = array<i32>} : memref<16xf32, #tpu.memory_space<vmem>>, vector<16xf32>,
      %get3A_1373 = arith.constant 16 : index
      %get3A_1374 = tpu.vector_load %arg23[%get3A_1373] {strides = array<i32>} : memref<40xf32, #tpu.memory_space<vmem>>, vector<16xf32>,
      %get3A_1375 = arith.constant 16 : index
      %get3A_1376 = tpu.vector_load %arg25[%get3A_1375] {strides = array<i32>} : memref<40xf32, #tpu.memory_space<vmem>>, vector<16xf32>,
      %sub3A_1377 = arith.subf %get3A_1374, %get3A_1376 : vector<16xf32>
      %get3A_1378 = arith.constant 0 : index
      %get3A_1379 = tpu.vector_load %arg26[%get3A_1378] {strides = array<i32>} : memref<16xf32, #tpu.memory_space<vmem>>, vector<16xf32>,
      %add3A_1380 = arith.addf %get3A_1379, %sub3A_1377 : vector<16xf32>
      %swap3A_1381 = arith.constant 0 : index
      %swap3A_1382 = tpu.vector_load %arg26[%swap3A_1381] {strides = array<i32>} : memref<16xf32, #tpu.memory_space<vmem>>, vector<16xf32>,
      tpu.vector_store %arg26[%swap3A_1381], %add3A_1380 {strides = array<i32>} : memref<16xf32, #tpu.memory_space<vmem>>, vector<16xf32>,
      %get3A_1383 = arith.constant 24 : index
      %get3A_1384 = tpu.vector_load %arg23[%get3A_1383] {strides = array<i32>} : memref<40xf32, #tpu.memory_space<vmem>>, vector<16xf32>,
      %get3A_1385 = arith.constant 24 : index
      %get3A_1386 = tpu.vector_load %arg25[%get3A_1385] {strides = array<i32>} : memref<40xf32, #tpu.memory_space<vmem>>, vector<16xf32>,
      %sub3A_1387 = arith.subf %get3A_1384, %get3A_1386 : vector<16xf32>
      %ge3A_1388 = arith.constant 8 : i32
      %ge3A_1389 = vector.broadcast %ge3A_1388 : i32 to vector<16xi32>
      %ge3A_1390 = arith.cmpi sge, %iota3A_1362, %ge3A_1389 : vector<16xi32>
      %jit3A_1391 = arith.constant 0.000000e+00 : f32
      %broadcast_in_dim3A_1392 = vector.broadcast %jit3A_1391 : f32 to vector<16xf32>
      %select_n3A_1393 = arith.select %ge3A_1390, %sub3A_1387, %broadcast_in_dim3A_1392 : vector<16xi1>, vector<16xf32>
      %get3A_1394 = arith.constant 0 : index
      %get3A_1395 = tpu.vector_load %arg26[%get3A_1394] {strides = array<i32>} : memref<16xf32, #tpu.memory_space<vmem>>, vector<16xf32>,
      %add3A_1396 = arith.addf %get3A_1395, %select_n3A_1393 : vector<16xf32>
      %swap3A_1397 = arith.constant 0 : index
      %swap3A_1398 = tpu.vector_load %arg26[%swap3A_1397] {strides = array<i32>} : memref<16xf32, #tpu.memory_space<vmem>>, vector<16xf32>,
      tpu.vector_store %arg26[%swap3A_1397], %add3A_1396 {strides = array<i32>} : memref<16xf32, #tpu.memory_space<vmem>>, vector<16xf32>,
      %dma_start3A_1399 = tpu.memref_slice %arg2[%add3A_1288] : memref<204800xi32, #tpu.memory_space<hbm>> -> memref<40xi32, #tpu.memory_space<hbm>>
      %dma_start3A_1400 = tpu.memref_slice %arg2[%add3A_1288] : memref<204800xi32, #tpu.memory_space<hbm>> -> memref<40xi32, #tpu.memory_space<hbm>>
      tpu.enqueue_dma source(%dma_start3A_1400 : memref<40xi32, #tpu.memory_space<hbm>>) target(%arg11 : memref<40xi32, #tpu.memory_space<vmem>>) target_semaphore(%arg32 : memref<!tpu.dma_semaphore, #tpu.memory_space<semaphore_mem>>)
      %dma_start3A_1401 = tpu.memref_slice %arg3[%add3A_1288] : memref<204800xi32, #tpu.memory_space<hbm>> -> memref<40xi32, #tpu.memory_space<hbm>>
      %dma_start3A_1402 = tpu.memref_slice %arg3[%add3A_1288] : memref<204800xi32, #tpu.memory_space<hbm>> -> memref<40xi32, #tpu.memory_space<hbm>>
      tpu.enqueue_dma source(%dma_start3A_1402 : memref<40xi32, #tpu.memory_space<hbm>>) target(%arg13 : memref<40xi32, #tpu.memory_space<vmem>>) target_semaphore(%arg32 : memref<!tpu.dma_semaphore, #tpu.memory_space<semaphore_mem>>)
      %dma_wait3A_1403 = tpu.memref_slice %arg2[%add3A_1288] : memref<204800xi32, #tpu.memory_space<hbm>> -> memref<40xi32, #tpu.memory_space<hbm>>
      %dma_wait3A_1404 = tpu.memref_slice %arg2[%add3A_1288] : memref<204800xi32, #tpu.memory_space<hbm>> -> memref<40xi32, #tpu.memory_space<hbm>>
      tpu.wait_dma2 semaphore(%arg32 : memref<!tpu.dma_semaphore, #tpu.memory_space<semaphore_mem>>) src(%dma_wait3A_1404 : memref<40xi32, #tpu.memory_space<hbm>>) dst(%arg11 : memref<40xi32, #tpu.memory_space<vmem>>)
      %dma_wait3A_1405 = tpu.memref_slice %arg3[%add3A_1288] : memref<204800xi32, #tpu.memory_space<hbm>> -> memref<40xi32, #tpu.memory_space<hbm>>
      %dma_wait3A_1406 = tpu.memref_slice %arg3[%add3A_1288] : memref<204800xi32, #tpu.memory_space<hbm>> -> memref<40xi32, #tpu.memory_space<hbm>>
      tpu.wait_dma2 semaphore(%arg32 : memref<!tpu.dma_semaphore, #tpu.memory_space<semaphore_mem>>) src(%dma_wait3A_1406 : memref<40xi32, #tpu.memory_space<hbm>>) dst(%arg13 : memref<40xi32, #tpu.memory_space<vmem>>)
      %get3A_1407 = arith.constant 0 : index
      %get3A_1408 = tpu.vector_load %arg11[%get3A_1407] {strides = array<i32>} : memref<40xi32, #tpu.memory_space<vmem>>, vector<16xi32>,
      %shift_left3A_1409 = arith.constant 3 : i32
      %shift_left3A_1410 = vector.broadcast %shift_left3A_1409 : i32 to vector<16xi32>
      %shift_left3A_1411 = arith.shli %get3A_1408, %shift_left3A_1410 : vector<16xi32>
      %add3A_1412 = arith.constant 0 : i32
      %add3A_1413 = vector.broadcast %add3A_1412 : i32 to vector<16xi32>
      %add3A_1414 = arith.addi %shift_left3A_1411, %add3A_1413 : vector<16xi32>
      %swap3A_1415 = arith.constant 0 : index
      %swap3A_1416 = tpu.vector_load %arg15[%swap3A_1415] {strides = array<i32>} : memref<280xi32, #tpu.memory_space<vmem>>, vector<16xi32>,
      tpu.vector_store %arg15[%swap3A_1415], %add3A_1414 {strides = array<i32>} : memref<280xi32, #tpu.memory_space<vmem>>, vector<16xi32>,
      %get3A_1417 = arith.constant 16 : index
      %get3A_1418 = tpu.vector_load %arg11[%get3A_1417] {strides = array<i32>} : memref<40xi32, #tpu.memory_space<vmem>>, vector<16xi32>,
      %shift_left3A_1419 = arith.constant 3 : i32
      %shift_left3A_1420 = vector.broadcast %shift_left3A_1419 : i32 to vector<16xi32>
      %shift_left3A_1421 = arith.shli %get3A_1418, %shift_left3A_1420 : vector<16xi32>
      %add3A_1422 = arith.constant 0 : i32
      %add3A_1423 = vector.broadcast %add3A_1422 : i32 to vector<16xi32>
      %add3A_1424 = arith.addi %shift_left3A_1421, %add3A_1423 : vector<16xi32>
      %swap3A_1425 = arith.constant 16 : index
      %swap3A_1426 = tpu.vector_load %arg15[%swap3A_1425] {strides = array<i32>} : memref<280xi32, #tpu.memory_space<vmem>>, vector<16xi32>,
      tpu.vector_store %arg15[%swap3A_1425], %add3A_1424 {strides = array<i32>} : memref<280xi32, #tpu.memory_space<vmem>>, vector<16xi32>,
      %get3A_1427 = arith.constant 24 : index
      %get3A_1428 = tpu.vector_load %arg11[%get3A_1427] {strides = array<i32>} : memref<40xi32, #tpu.memory_space<vmem>>, vector<16xi32>,
      %shift_left3A_1429 = arith.constant 3 : i32
      %shift_left3A_1430 = vector.broadcast %shift_left3A_1429 : i32 to vector<16xi32>
      %shift_left3A_1431 = arith.shli %get3A_1428, %shift_left3A_1430 : vector<16xi32>
      %add3A_1432 = arith.constant 0 : i32
      %add3A_1433 = vector.broadcast %add3A_1432 : i32 to vector<16xi32>
      %add3A_1434 = arith.addi %shift_left3A_1431, %add3A_1433 : vector<16xi32>
      %swap3A_1435 = arith.constant 24 : index
      %swap3A_1436 = tpu.vector_load %arg15[%swap3A_1435] {strides = array<i32>} : memref<280xi32, #tpu.memory_space<vmem>>, vector<16xi32>,
      tpu.vector_store %arg15[%swap3A_1435], %add3A_1434 {strides = array<i32>} : memref<280xi32, #tpu.memory_space<vmem>>, vector<16xi32>,
      %get3A_1437 = arith.constant 0 : index
      %get3A_1438 = tpu.vector_load %arg11[%get3A_1437] {strides = array<i32>} : memref<40xi32, #tpu.memory_space<vmem>>, vector<16xi32>,
      %shift_left3A_1439 = arith.constant 3 : i32
      %shift_left3A_1440 = vector.broadcast %shift_left3A_1439 : i32 to vector<16xi32>
      %shift_left3A_1441 = arith.shli %get3A_1438, %shift_left3A_1440 : vector<16xi32>
      %add3A_1442 = arith.constant 1 : i32
      %add3A_1443 = vector.broadcast %add3A_1442 : i32 to vector<16xi32>
      %add3A_1444 = arith.addi %shift_left3A_1441, %add3A_1443 : vector<16xi32>
      %swap3A_1445 = arith.constant 40 : index
      %swap3A_1446 = tpu.vector_load %arg15[%swap3A_1445] {strides = array<i32>} : memref<280xi32, #tpu.memory_space<vmem>>, vector<16xi32>,
      tpu.vector_store %arg15[%swap3A_1445], %add3A_1444 {strides = array<i32>} : memref<280xi32, #tpu.memory_space<vmem>>, vector<16xi32>,
      %get3A_1447 = arith.constant 16 : index
      %get3A_1448 = tpu.vector_load %arg11[%get3A_1447] {strides = array<i32>} : memref<40xi32, #tpu.memory_space<vmem>>, vector<16xi32>,
      %shift_left3A_1449 = arith.constant 3 : i32
      %shift_left3A_1450 = vector.broadcast %shift_left3A_1449 : i32 to vector<16xi32>
      %shift_left3A_1451 = arith.shli %get3A_1448, %shift_left3A_1450 : vector<16xi32>
      %add3A_1452 = arith.constant 1 : i32
      %add3A_1453 = vector.broadcast %add3A_1452 : i32 to vector<16xi32>
      %add3A_1454 = arith.addi %shift_left3A_1451, %add3A_1453 : vector<16xi32>
      %swap3A_1455 = arith.constant 56 : index
      %swap3A_1456 = tpu.vector_load %arg15[%swap3A_1455] {strides = array<i32>} : memref<280xi32, #tpu.memory_space<vmem>>, vector<16xi32>,
      tpu.vector_store %arg15[%swap3A_1455], %add3A_1454 {strides = array<i32>} : memref<280xi32, #tpu.memory_space<vmem>>, vector<16xi32>,
      %get3A_1457 = arith.constant 24 : index
      %get3A_1458 = tpu.vector_load %arg11[%get3A_1457] {strides = array<i32>} : memref<40xi32, #tpu.memory_space<vmem>>, vector<16xi32>,
      %shift_left3A_1459 = arith.constant 3 : i32
      %shift_left3A_1460 = vector.broadcast %shift_left3A_1459 : i32 to vector<16xi32>
      %shift_left3A_1461 = arith.shli %get3A_1458, %shift_left3A_1460 : vector<16xi32>
      %add3A_1462 = arith.constant 1 : i32
      %add3A_1463 = vector.broadcast %add3A_1462 : i32 to vector<16xi32>
      %add3A_1464 = arith.addi %shift_left3A_1461, %add3A_1463 : vector<16xi32>
      %swap3A_1465 = arith.constant 64 : index
      %swap3A_1466 = tpu.vector_load %arg15[%swap3A_1465] {strides = array<i32>} : memref<280xi32, #tpu.memory_space<vmem>>, vector<16xi32>,
      tpu.vector_store %arg15[%swap3A_1465], %add3A_1464 {strides = array<i32>} : memref<280xi32, #tpu.memory_space<vmem>>, vector<16xi32>,
      %get3A_1467 = arith.constant 0 : index
      %get3A_1468 = tpu.vector_load %arg11[%get3A_1467] {strides = array<i32>} : memref<40xi32, #tpu.memory_space<vmem>>, vector<16xi32>,
      %shift_left3A_1469 = arith.constant 3 : i32
      %shift_left3A_1470 = vector.broadcast %shift_left3A_1469 : i32 to vector<16xi32>
      %shift_left3A_1471 = arith.shli %get3A_1468, %shift_left3A_1470 : vector<16xi32>
      %add3A_1472 = arith.constant 2 : i32
      %add3A_1473 = vector.broadcast %add3A_1472 : i32 to vector<16xi32>
      %add3A_1474 = arith.addi %shift_left3A_1471, %add3A_1473 : vector<16xi32>
      %swap3A_1475 = arith.constant 80 : index
      %swap3A_1476 = tpu.vector_load %arg15[%swap3A_1475] {strides = array<i32>} : memref<280xi32, #tpu.memory_space<vmem>>, vector<16xi32>,
      tpu.vector_store %arg15[%swap3A_1475], %add3A_1474 {strides = array<i32>} : memref<280xi32, #tpu.memory_space<vmem>>, vector<16xi32>,
      %get3A_1477 = arith.constant 16 : index
      %get3A_1478 = tpu.vector_load %arg11[%get3A_1477] {strides = array<i32>} : memref<40xi32, #tpu.memory_space<vmem>>, vector<16xi32>,
      %shift_left3A_1479 = arith.constant 3 : i32
      %shift_left3A_1480 = vector.broadcast %shift_left3A_1479 : i32 to vector<16xi32>
      %shift_left3A_1481 = arith.shli %get3A_1478, %shift_left3A_1480 : vector<16xi32>
      %add3A_1482 = arith.constant 2 : i32
      %add3A_1483 = vector.broadcast %add3A_1482 : i32 to vector<16xi32>
      %add3A_1484 = arith.addi %shift_left3A_1481, %add3A_1483 : vector<16xi32>
      %swap3A_1485 = arith.constant 96 : index
      %swap3A_1486 = tpu.vector_load %arg15[%swap3A_1485] {strides = array<i32>} : memref<280xi32, #tpu.memory_space<vmem>>, vector<16xi32>,
      tpu.vector_store %arg15[%swap3A_1485], %add3A_1484 {strides = array<i32>} : memref<280xi32, #tpu.memory_space<vmem>>, vector<16xi32>,
      %get3A_1487 = arith.constant 24 : index
      %get3A_1488 = tpu.vector_load %arg11[%get3A_1487] {strides = array<i32>} : memref<40xi32, #tpu.memory_space<vmem>>, vector<16xi32>,
      %shift_left3A_1489 = arith.constant 3 : i32
      %shift_left3A_1490 = vector.broadcast %shift_left3A_1489 : i32 to vector<16xi32>
      %shift_left3A_1491 = arith.shli %get3A_1488, %shift_left3A_1490 : vector<16xi32>
      %add3A_1492 = arith.constant 2 : i32
      %add3A_1493 = vector.broadcast %add3A_1492 : i32 to vector<16xi32>
      %add3A_1494 = arith.addi %shift_left3A_1491, %add3A_1493 : vector<16xi32>
      %swap3A_1495 = arith.constant 104 : index
      %swap3A_1496 = tpu.vector_load %arg15[%swap3A_1495] {strides = array<i32>} : memref<280xi32, #tpu.memory_space<vmem>>, vector<16xi32>,
      tpu.vector_store %arg15[%swap3A_1495], %add3A_1494 {strides = array<i32>} : memref<280xi32, #tpu.memory_space<vmem>>, vector<16xi32>,
      %get3A_1497 = arith.constant 0 : index
      %get3A_1498 = tpu.vector_load %arg11[%get3A_1497] {strides = array<i32>} : memref<40xi32, #tpu.memory_space<vmem>>, vector<16xi32>,
      %shift_left3A_1499 = arith.constant 3 : i32
      %shift_left3A_1500 = vector.broadcast %shift_left3A_1499 : i32 to vector<16xi32>
      %shift_left3A_1501 = arith.shli %get3A_1498, %shift_left3A_1500 : vector<16xi32>
      %add3A_1502 = arith.constant 3 : i32
      %add3A_1503 = vector.broadcast %add3A_1502 : i32 to vector<16xi32>
      %add3A_1504 = arith.addi %shift_left3A_1501, %add3A_1503 : vector<16xi32>
      %swap3A_1505 = arith.constant 120 : index
      %swap3A_1506 = tpu.vector_load %arg15[%swap3A_1505] {strides = array<i32>} : memref<280xi32, #tpu.memory_space<vmem>>, vector<16xi32>,
      tpu.vector_store %arg15[%swap3A_1505], %add3A_1504 {strides = array<i32>} : memref<280xi32, #tpu.memory_space<vmem>>, vector<16xi32>,
      %get3A_1507 = arith.constant 16 : index
      %get3A_1508 = tpu.vector_load %arg11[%get3A_1507] {strides = array<i32>} : memref<40xi32, #tpu.memory_space<vmem>>, vector<16xi32>,
      %shift_left3A_1509 = arith.constant 3 : i32
      %shift_left3A_1510 = vector.broadcast %shift_left3A_1509 : i32 to vector<16xi32>
      %shift_left3A_1511 = arith.shli %get3A_1508, %shift_left3A_1510 : vector<16xi32>
      %add3A_1512 = arith.constant 3 : i32
      %add3A_1513 = vector.broadcast %add3A_1512 : i32 to vector<16xi32>
      %add3A_1514 = arith.addi %shift_left3A_1511, %add3A_1513 : vector<16xi32>
      %swap3A_1515 = arith.constant 136 : index
      %swap3A_1516 = tpu.vector_load %arg15[%swap3A_1515] {strides = array<i32>} : memref<280xi32, #tpu.memory_space<vmem>>, vector<16xi32>,
      tpu.vector_store %arg15[%swap3A_1515], %add3A_1514 {strides = array<i32>} : memref<280xi32, #tpu.memory_space<vmem>>, vector<16xi32>,
      %get3A_1517 = arith.constant 24 : index
      %get3A_1518 = tpu.vector_load %arg11[%get3A_1517] {strides = array<i32>} : memref<40xi32, #tpu.memory_space<vmem>>, vector<16xi32>,
      %shift_left3A_1519 = arith.constant 3 : i32
      %shift_left3A_1520 = vector.broadcast %shift_left3A_1519 : i32 to vector<16xi32>
      %shift_left3A_1521 = arith.shli %get3A_1518, %shift_left3A_1520 : vector<16xi32>
      %add3A_1522 = arith.constant 3 : i32
      %add3A_1523 = vector.broadcast %add3A_1522 : i32 to vector<16xi32>
      %add3A_1524 = arith.addi %shift_left3A_1521, %add3A_1523 : vector<16xi32>
      %swap3A_1525 = arith.constant 144 : index
      %swap3A_1526 = tpu.vector_load %arg15[%swap3A_1525] {strides = array<i32>} : memref<280xi32, #tpu.memory_space<vmem>>, vector<16xi32>,
      tpu.vector_store %arg15[%swap3A_1525], %add3A_1524 {strides = array<i32>} : memref<280xi32, #tpu.memory_space<vmem>>, vector<16xi32>,
      %get3A_1527 = arith.constant 0 : index
      %get3A_1528 = tpu.vector_load %arg11[%get3A_1527] {strides = array<i32>} : memref<40xi32, #tpu.memory_space<vmem>>, vector<16xi32>,
      %shift_left3A_1529 = arith.constant 3 : i32
      %shift_left3A_1530 = vector.broadcast %shift_left3A_1529 : i32 to vector<16xi32>
      %shift_left3A_1531 = arith.shli %get3A_1528, %shift_left3A_1530 : vector<16xi32>
      %add3A_1532 = arith.constant 4 : i32
      %add3A_1533 = vector.broadcast %add3A_1532 : i32 to vector<16xi32>
      %add3A_1534 = arith.addi %shift_left3A_1531, %add3A_1533 : vector<16xi32>
      %swap3A_1535 = arith.constant 160 : index
      %swap3A_1536 = tpu.vector_load %arg15[%swap3A_1535] {strides = array<i32>} : memref<280xi32, #tpu.memory_space<vmem>>, vector<16xi32>,
      tpu.vector_store %arg15[%swap3A_1535], %add3A_1534 {strides = array<i32>} : memref<280xi32, #tpu.memory_space<vmem>>, vector<16xi32>,
      %get3A_1537 = arith.constant 16 : index
      %get3A_1538 = tpu.vector_load %arg11[%get3A_1537] {strides = array<i32>} : memref<40xi32, #tpu.memory_space<vmem>>, vector<16xi32>,
      %shift_left3A_1539 = arith.constant 3 : i32
      %shift_left3A_1540 = vector.broadcast %shift_left3A_1539 : i32 to vector<16xi32>
      %shift_left3A_1541 = arith.shli %get3A_1538, %shift_left3A_1540 : vector<16xi32>
      %add3A_1542 = arith.constant 4 : i32
      %add3A_1543 = vector.broadcast %add3A_1542 : i32 to vector<16xi32>
      %add3A_1544 = arith.addi %shift_left3A_1541, %add3A_1543 : vector<16xi32>
      %swap3A_1545 = arith.constant 176 : index
      %swap3A_1546 = tpu.vector_load %arg15[%swap3A_1545] {strides = array<i32>} : memref<280xi32, #tpu.memory_space<vmem>>, vector<16xi32>,
      tpu.vector_store %arg15[%swap3A_1545], %add3A_1544 {strides = array<i32>} : memref<280xi32, #tpu.memory_space<vmem>>, vector<16xi32>,
      %get3A_1547 = arith.constant 24 : index
      %get3A_1548 = tpu.vector_load %arg11[%get3A_1547] {strides = array<i32>} : memref<40xi32, #tpu.memory_space<vmem>>, vector<16xi32>,
      %shift_left3A_1549 = arith.constant 3 : i32
      %shift_left3A_1550 = vector.broadcast %shift_left3A_1549 : i32 to vector<16xi32>
      %shift_left3A_1551 = arith.shli %get3A_1548, %shift_left3A_1550 : vector<16xi32>
      %add3A_1552 = arith.constant 4 : i32
      %add3A_1553 = vector.broadcast %add3A_1552 : i32 to vector<16xi32>
      %add3A_1554 = arith.addi %shift_left3A_1551, %add3A_1553 : vector<16xi32>
      %swap3A_1555 = arith.constant 184 : index
      %swap3A_1556 = tpu.vector_load %arg15[%swap3A_1555] {strides = array<i32>} : memref<280xi32, #tpu.memory_space<vmem>>, vector<16xi32>,
      tpu.vector_store %arg15[%swap3A_1555], %add3A_1554 {strides = array<i32>} : memref<280xi32, #tpu.memory_space<vmem>>, vector<16xi32>,
      %get3A_1557 = arith.constant 0 : index
      %get3A_1558 = tpu.vector_load %arg11[%get3A_1557] {strides = array<i32>} : memref<40xi32, #tpu.memory_space<vmem>>, vector<16xi32>,
      %shift_left3A_1559 = arith.constant 3 : i32
      %shift_left3A_1560 = vector.broadcast %shift_left3A_1559 : i32 to vector<16xi32>
      %shift_left3A_1561 = arith.shli %get3A_1558, %shift_left3A_1560 : vector<16xi32>
      %add3A_1562 = arith.constant 5 : i32
      %add3A_1563 = vector.broadcast %add3A_1562 : i32 to vector<16xi32>
      %add3A_1564 = arith.addi %shift_left3A_1561, %add3A_1563 : vector<16xi32>
      %swap3A_1565 = arith.constant 200 : index
      %swap3A_1566 = tpu.vector_load %arg15[%swap3A_1565] {strides = array<i32>} : memref<280xi32, #tpu.memory_space<vmem>>, vector<16xi32>,
      tpu.vector_store %arg15[%swap3A_1565], %add3A_1564 {strides = array<i32>} : memref<280xi32, #tpu.memory_space<vmem>>, vector<16xi32>,
      %get3A_1567 = arith.constant 16 : index
      %get3A_1568 = tpu.vector_load %arg11[%get3A_1567] {strides = array<i32>} : memref<40xi32, #tpu.memory_space<vmem>>, vector<16xi32>,
      %shift_left3A_1569 = arith.constant 3 : i32
      %shift_left3A_1570 = vector.broadcast %shift_left3A_1569 : i32 to vector<16xi32>
      %shift_left3A_1571 = arith.shli %get3A_1568, %shift_left3A_1570 : vector<16xi32>
      %add3A_1572 = arith.constant 5 : i32
      %add3A_1573 = vector.broadcast %add3A_1572 : i32 to vector<16xi32>
      %add3A_1574 = arith.addi %shift_left3A_1571, %add3A_1573 : vector<16xi32>
      %swap3A_1575 = arith.constant 216 : index
      %swap3A_1576 = tpu.vector_load %arg15[%swap3A_1575] {strides = array<i32>} : memref<280xi32, #tpu.memory_space<vmem>>, vector<16xi32>,
      tpu.vector_store %arg15[%swap3A_1575], %add3A_1574 {strides = array<i32>} : memref<280xi32, #tpu.memory_space<vmem>>, vector<16xi32>,
      %get3A_1577 = arith.constant 24 : index
      %get3A_1578 = tpu.vector_load %arg11[%get3A_1577] {strides = array<i32>} : memref<40xi32, #tpu.memory_space<vmem>>, vector<16xi32>,
      %shift_left3A_1579 = arith.constant 3 : i32
      %shift_left3A_1580 = vector.broadcast %shift_left3A_1579 : i32 to vector<16xi32>
      %shift_left3A_1581 = arith.shli %get3A_1578, %shift_left3A_1580 : vector<16xi32>
      %add3A_1582 = arith.constant 5 : i32
      %add3A_1583 = vector.broadcast %add3A_1582 : i32 to vector<16xi32>
      %add3A_1584 = arith.addi %shift_left3A_1581, %add3A_1583 : vector<16xi32>
      %swap3A_1585 = arith.constant 224 : index
      %swap3A_1586 = tpu.vector_load %arg15[%swap3A_1585] {strides = array<i32>} : memref<280xi32, #tpu.memory_space<vmem>>, vector<16xi32>,
      tpu.vector_store %arg15[%swap3A_1585], %add3A_1584 {strides = array<i32>} : memref<280xi32, #tpu.memory_space<vmem>>, vector<16xi32>,
      %get3A_1587 = arith.constant 0 : index
      %get3A_1588 = tpu.vector_load %arg11[%get3A_1587] {strides = array<i32>} : memref<40xi32, #tpu.memory_space<vmem>>, vector<16xi32>,
      %shift_left3A_1589 = arith.constant 3 : i32
      %shift_left3A_1590 = vector.broadcast %shift_left3A_1589 : i32 to vector<16xi32>
      %shift_left3A_1591 = arith.shli %get3A_1588, %shift_left3A_1590 : vector<16xi32>
      %add3A_1592 = arith.constant 6 : i32
      %add3A_1593 = vector.broadcast %add3A_1592 : i32 to vector<16xi32>
      %add3A_1594 = arith.addi %shift_left3A_1591, %add3A_1593 : vector<16xi32>
      %swap3A_1595 = arith.constant 240 : index
      %swap3A_1596 = tpu.vector_load %arg15[%swap3A_1595] {strides = array<i32>} : memref<280xi32, #tpu.memory_space<vmem>>, vector<16xi32>,
      tpu.vector_store %arg15[%swap3A_1595], %add3A_1594 {strides = array<i32>} : memref<280xi32, #tpu.memory_space<vmem>>, vector<16xi32>,
      %get3A_1597 = arith.constant 16 : index
      %get3A_1598 = tpu.vector_load %arg11[%get3A_1597] {strides = array<i32>} : memref<40xi32, #tpu.memory_space<vmem>>, vector<16xi32>,
      %shift_left3A_1599 = arith.constant 3 : i32
      %shift_left3A_1600 = vector.broadcast %shift_left3A_1599 : i32 to vector<16xi32>
      %shift_left3A_1601 = arith.shli %get3A_1598, %shift_left3A_1600 : vector<16xi32>
      %add3A_1602 = arith.constant 6 : i32
      %add3A_1603 = vector.broadcast %add3A_1602 : i32 to vector<16xi32>
      %add3A_1604 = arith.addi %shift_left3A_1601, %add3A_1603 : vector<16xi32>
      %swap3A_1605 = arith.constant 256 : index
      %swap3A_1606 = tpu.vector_load %arg15[%swap3A_1605] {strides = array<i32>} : memref<280xi32, #tpu.memory_space<vmem>>, vector<16xi32>,
      tpu.vector_store %arg15[%swap3A_1605], %add3A_1604 {strides = array<i32>} : memref<280xi32, #tpu.memory_space<vmem>>, vector<16xi32>,
      %get3A_1607 = arith.constant 24 : index
      %get3A_1608 = tpu.vector_load %arg11[%get3A_1607] {strides = array<i32>} : memref<40xi32, #tpu.memory_space<vmem>>, vector<16xi32>,
      %shift_left3A_1609 = arith.constant 3 : i32
      %shift_left3A_1610 = vector.broadcast %shift_left3A_1609 : i32 to vector<16xi32>
      %shift_left3A_1611 = arith.shli %get3A_1608, %shift_left3A_1610 : vector<16xi32>
      %add3A_1612 = arith.constant 6 : i32
      %add3A_1613 = vector.broadcast %add3A_1612 : i32 to vector<16xi32>
      %add3A_1614 = arith.addi %shift_left3A_1611, %add3A_1613 : vector<16xi32>
      %swap3A_1615 = arith.constant 264 : index
      %swap3A_1616 = tpu.vector_load %arg15[%swap3A_1615] {strides = array<i32>} : memref<280xi32, #tpu.memory_space<vmem>>, vector<16xi32>,
      tpu.vector_store %arg15[%swap3A_1615], %add3A_1614 {strides = array<i32>} : memref<280xi32, #tpu.memory_space<vmem>>, vector<16xi32>,
      %get3A_1617 = arith.constant 0 : index
      %get3A_1618 = tpu.vector_load %arg11[%get3A_1617] {strides = array<i32>} : memref<40xi32, #tpu.memory_space<vmem>>, vector<16xi32>,
      %mul3A_1619 = arith.constant 1000 : i32
      %mul3A_1620 = vector.broadcast %mul3A_1619 : i32 to vector<16xi32>
      %mul3A_1621 = arith.muli %get3A_1618, %mul3A_1620 : vector<16xi32>
      %get3A_1622 = arith.constant 0 : index
      %get3A_1623 = tpu.vector_load %arg13[%get3A_1622] {strides = array<i32>} : memref<40xi32, #tpu.memory_space<vmem>>, vector<16xi32>,
      %add3A_1624 = arith.addi %mul3A_1621, %get3A_1623 : vector<16xi32>
      %swap3A_1625 = arith.constant 0 : index
      %swap3A_1626 = tpu.vector_load %arg17[%swap3A_1625] {strides = array<i32>} : memref<40xi32, #tpu.memory_space<vmem>>, vector<16xi32>,
      tpu.vector_store %arg17[%swap3A_1625], %add3A_1624 {strides = array<i32>} : memref<40xi32, #tpu.memory_space<vmem>>, vector<16xi32>,
      %get3A_1627 = arith.constant 16 : index
      %get3A_1628 = tpu.vector_load %arg11[%get3A_1627] {strides = array<i32>} : memref<40xi32, #tpu.memory_space<vmem>>, vector<16xi32>,
      %mul3A_1629 = arith.constant 1000 : i32
      %mul3A_1630 = vector.broadcast %mul3A_1629 : i32 to vector<16xi32>
      %mul3A_1631 = arith.muli %get3A_1628, %mul3A_1630 : vector<16xi32>
      %get3A_1632 = arith.constant 16 : index
      %get3A_1633 = tpu.vector_load %arg13[%get3A_1632] {strides = array<i32>} : memref<40xi32, #tpu.memory_space<vmem>>, vector<16xi32>,
      %add3A_1634 = arith.addi %mul3A_1631, %get3A_1633 : vector<16xi32>
      %swap3A_1635 = arith.constant 16 : index
      %swap3A_1636 = tpu.vector_load %arg17[%swap3A_1635] {strides = array<i32>} : memref<40xi32, #tpu.memory_space<vmem>>, vector<16xi32>,
      tpu.vector_store %arg17[%swap3A_1635], %add3A_1634 {strides = array<i32>} : memref<40xi32, #tpu.memory_space<vmem>>, vector<16xi32>,
      %get3A_1637 = arith.constant 24 : index
      %get3A_1638 = tpu.vector_load %arg11[%get3A_1637] {strides = array<i32>} : memref<40xi32, #tpu.memory_space<vmem>>, vector<16xi32>,
      %mul3A_1639 = arith.constant 1000 : i32
      %mul3A_1640 = vector.broadcast %mul3A_1639 : i32 to vector<16xi32>
      %mul3A_1641 = arith.muli %get3A_1638, %mul3A_1640 : vector<16xi32>
      %get3A_1642 = arith.constant 24 : index
      %get3A_1643 = tpu.vector_load %arg13[%get3A_1642] {strides = array<i32>} : memref<40xi32, #tpu.memory_space<vmem>>, vector<16xi32>,
      %add3A_1644 = arith.addi %mul3A_1641, %get3A_1643 : vector<16xi32>
      %swap3A_1645 = arith.constant 24 : index
      %swap3A_1646 = tpu.vector_load %arg17[%swap3A_1645] {strides = array<i32>} : memref<40xi32, #tpu.memory_space<vmem>>, vector<16xi32>,
      tpu.vector_store %arg17[%swap3A_1645], %add3A_1644 {strides = array<i32>} : memref<40xi32, #tpu.memory_space<vmem>>, vector<16xi32>,
      %dma_wait3A_1647 = arith.constant 0 : i32
      %dma_wait3A_1648 = tpu.memref_slice %arg8[%add3A_1286, %dma_wait3A_1647] : memref<204800x1000xf32, #tpu.memory_space<hbm>> -> memref<40x1000xf32, #tpu.memory_space<hbm>>
      %dma_wait3A_1649 = arith.constant 0 : i32
      %dma_wait3A_1650 = tpu.memref_slice %arg8[%add3A_1286, %dma_wait3A_1649] : memref<204800x1000xf32, #tpu.memory_space<hbm>> -> memref<40x1000xf32, #tpu.memory_space<hbm>>
      tpu.wait_dma2 semaphore(%arg30 : memref<!tpu.dma_semaphore, #tpu.memory_space<semaphore_mem>>) src(%arg19 : memref<40x1000xf32, #tpu.memory_space<vmem>>) dst(%dma_wait3A_1650 : memref<40x1000xf32, #tpu.memory_space<hbm>>)
      %dma_start3A_1651 = arith.constant 0 : i32
      %dma_start3A_1652 = arith.constant 0 : i32
      %dma_start3A_1653 = tpu.memref_slice %arg19[%dma_start3A_1651, %dma_start3A_1652] : memref<40x1000xf32, #tpu.memory_space<vmem>> -> memref<40x128xf32, #tpu.memory_space<vmem>>
      %dma_start3A_1654 = arith.constant 0 : i32
      %dma_start3A_1655 = tpu.memref_slice %arg15[%dma_start3A_1654] : memref<280xi32, #tpu.memory_space<vmem>> -> memref<40xi32, #tpu.memory_space<vmem>>
      %dma_start3A_1656 = arith.constant 0 : i32
      %dma_start3A_1657 = arith.constant 0 : i32
      %dma_start3A_1658 = tpu.memref_slice %arg4[%dma_start3A_1656, %dma_start3A_1657] : memref<8000x128xf32, #tpu.memory_space<hbm>> -> memref<8000x128xf32, #tpu.memory_space<hbm>>
      tpu.enqueue_indirect_dma source(%dma_start3A_1658 : memref<8000x128xf32, #tpu.memory_space<hbm>>) target(%dma_start3A_1653 : memref<40x128xf32, #tpu.memory_space<vmem>>) offsets(%dma_start3A_1655 : memref<40xi32, #tpu.memory_space<vmem>>) semaphore(%arg28 : memref<!tpu.dma_semaphore, #tpu.memory_space<semaphore_mem>>)
      %dma_start3A_1659 = arith.constant 0 : i32
      %dma_start3A_1660 = arith.constant 128 : i32
      %dma_start3A_1661 = tpu.memref_slice %arg19[%dma_start3A_1659, %dma_start3A_1660] : memref<40x1000xf32, #tpu.memory_space<vmem>> -> memref<40x128xf32, #tpu.memory_space<vmem>>
      %dma_start3A_1662 = arith.constant 40 : i32
      %dma_start3A_1663 = tpu.memref_slice %arg15[%dma_start3A_1662] : memref<280xi32, #tpu.memory_space<vmem>> -> memref<40xi32, #tpu.memory_space<vmem>>
      %dma_start3A_1664 = arith.constant 0 : i32
      %dma_start3A_1665 = arith.constant 0 : i32
      %dma_start3A_1666 = tpu.memref_slice %arg4[%dma_start3A_1664, %dma_start3A_1665] : memref<8000x128xf32, #tpu.memory_space<hbm>> -> memref<8000x128xf32, #tpu.memory_space<hbm>>
      tpu.enqueue_indirect_dma source(%dma_start3A_1666 : memref<8000x128xf32, #tpu.memory_space<hbm>>) target(%dma_start3A_1661 : memref<40x128xf32, #tpu.memory_space<vmem>>) offsets(%dma_start3A_1663 : memref<40xi32, #tpu.memory_space<vmem>>) semaphore(%arg28 : memref<!tpu.dma_semaphore, #tpu.memory_space<semaphore_mem>>)
      %dma_start3A_1667 = arith.constant 0 : i32
      %dma_start3A_1668 = arith.constant 256 : i32
      %dma_start3A_1669 = tpu.memref_slice %arg19[%dma_start3A_1667, %dma_start3A_1668] : memref<40x1000xf32, #tpu.memory_space<vmem>> -> memref<40x128xf32, #tpu.memory_space<vmem>>
      %dma_start3A_1670 = arith.constant 80 : i32
      %dma_start3A_1671 = tpu.memref_slice %arg15[%dma_start3A_1670] : memref<280xi32, #tpu.memory_space<vmem>> -> memref<40xi32, #tpu.memory_space<vmem>>
      %dma_start3A_1672 = arith.constant 0 : i32
      %dma_start3A_1673 = arith.constant 0 : i32
      %dma_start3A_1674 = tpu.memref_slice %arg4[%dma_start3A_1672, %dma_start3A_1673] : memref<8000x128xf32, #tpu.memory_space<hbm>> -> memref<8000x128xf32, #tpu.memory_space<hbm>>
      tpu.enqueue_indirect_dma source(%dma_start3A_1674 : memref<8000x128xf32, #tpu.memory_space<hbm>>) target(%dma_start3A_1669 : memref<40x128xf32, #tpu.memory_space<vmem>>) offsets(%dma_start3A_1671 : memref<40xi32, #tpu.memory_space<vmem>>) semaphore(%arg28 : memref<!tpu.dma_semaphore, #tpu.memory_space<semaphore_mem>>)
      %dma_start3A_1675 = arith.constant 0 : i32
      %dma_start3A_1676 = arith.constant 384 : i32
      %dma_start3A_1677 = tpu.memref_slice %arg19[%dma_start3A_1675, %dma_start3A_1676] : memref<40x1000xf32, #tpu.memory_space<vmem>> -> memref<40x128xf32, #tpu.memory_space<vmem>>
      %dma_start3A_1678 = arith.constant 120 : i32
      %dma_start3A_1679 = tpu.memref_slice %arg15[%dma_start3A_1678] : memref<280xi32, #tpu.memory_space<vmem>> -> memref<40xi32, #tpu.memory_space<vmem>>
      %dma_start3A_1680 = arith.constant 0 : i32
      %dma_start3A_1681 = arith.constant 0 : i32
      %dma_start3A_1682 = tpu.memref_slice %arg4[%dma_start3A_1680, %dma_start3A_1681] : memref<8000x128xf32, #tpu.memory_space<hbm>> -> memref<8000x128xf32, #tpu.memory_space<hbm>>
      tpu.enqueue_indirect_dma source(%dma_start3A_1682 : memref<8000x128xf32, #tpu.memory_space<hbm>>) target(%dma_start3A_1677 : memref<40x128xf32, #tpu.memory_space<vmem>>) offsets(%dma_start3A_1679 : memref<40xi32, #tpu.memory_space<vmem>>) semaphore(%arg28 : memref<!tpu.dma_semaphore, #tpu.memory_space<semaphore_mem>>)
      %dma_start3A_1683 = arith.constant 0 : i32
      %dma_start3A_1684 = arith.constant 512 : i32
      %dma_start3A_1685 = tpu.memref_slice %arg19[%dma_start3A_1683, %dma_start3A_1684] : memref<40x1000xf32, #tpu.memory_space<vmem>> -> memref<40x128xf32, #tpu.memory_space<vmem>>
      %dma_start3A_1686 = arith.constant 160 : i32
      %dma_start3A_1687 = tpu.memref_slice %arg15[%dma_start3A_1686] : memref<280xi32, #tpu.memory_space<vmem>> -> memref<40xi32, #tpu.memory_space<vmem>>
      %dma_start3A_1688 = arith.constant 0 : i32
      %dma_start3A_1689 = arith.constant 0 : i32
      %dma_start3A_1690 = tpu.memref_slice %arg4[%dma_start3A_1688, %dma_start3A_1689] : memref<8000x128xf32, #tpu.memory_space<hbm>> -> memref<8000x128xf32, #tpu.memory_space<hbm>>
      tpu.enqueue_indirect_dma source(%dma_start3A_1690 : memref<8000x128xf32, #tpu.memory_space<hbm>>) target(%dma_start3A_1685 : memref<40x128xf32, #tpu.memory_space<vmem>>) offsets(%dma_start3A_1687 : memref<40xi32, #tpu.memory_space<vmem>>) semaphore(%arg28 : memref<!tpu.dma_semaphore, #tpu.memory_space<semaphore_mem>>)
      %dma_start3A_1691 = arith.constant 0 : i32
      %dma_start3A_1692 = arith.constant 640 : i32
      %dma_start3A_1693 = tpu.memref_slice %arg19[%dma_start3A_1691, %dma_start3A_1692] : memref<40x1000xf32, #tpu.memory_space<vmem>> -> memref<40x128xf32, #tpu.memory_space<vmem>>
      %dma_start3A_1694 = arith.constant 200 : i32
      %dma_start3A_1695 = tpu.memref_slice %arg15[%dma_start3A_1694] : memref<280xi32, #tpu.memory_space<vmem>> -> memref<40xi32, #tpu.memory_space<vmem>>
      %dma_start3A_1696 = arith.constant 0 : i32
      %dma_start3A_1697 = arith.constant 0 : i32
      %dma_start3A_1698 = tpu.memref_slice %arg4[%dma_start3A_1696, %dma_start3A_1697] : memref<8000x128xf32, #tpu.memory_space<hbm>> -> memref<8000x128xf32, #tpu.memory_space<hbm>>
      tpu.enqueue_indirect_dma source(%dma_start3A_1698 : memref<8000x128xf32, #tpu.memory_space<hbm>>) target(%dma_start3A_1693 : memref<40x128xf32, #tpu.memory_space<vmem>>) offsets(%dma_start3A_1695 : memref<40xi32, #tpu.memory_space<vmem>>) semaphore(%arg28 : memref<!tpu.dma_semaphore, #tpu.memory_space<semaphore_mem>>)
      %dma_start3A_1699 = arith.constant 0 : i32
      %dma_start3A_1700 = arith.constant 768 : i32
      %dma_start3A_1701 = tpu.memref_slice %arg19[%dma_start3A_1699, %dma_start3A_1700] : memref<40x1000xf32, #tpu.memory_space<vmem>> -> memref<40x128xf32, #tpu.memory_space<vmem>>
      %dma_start3A_1702 = arith.constant 240 : i32
      %dma_start3A_1703 = tpu.memref_slice %arg15[%dma_start3A_1702] : memref<280xi32, #tpu.memory_space<vmem>> -> memref<40xi32, #tpu.memory_space<vmem>>
      %dma_start3A_1704 = arith.constant 0 : i32
      %dma_start3A_1705 = arith.constant 0 : i32
      %dma_start3A_1706 = tpu.memref_slice %arg4[%dma_start3A_1704, %dma_start3A_1705] : memref<8000x128xf32, #tpu.memory_space<hbm>> -> memref<8000x128xf32, #tpu.memory_space<hbm>>
      tpu.enqueue_indirect_dma source(%dma_start3A_1706 : memref<8000x128xf32, #tpu.memory_space<hbm>>) target(%dma_start3A_1701 : memref<40x128xf32, #tpu.memory_space<vmem>>) offsets(%dma_start3A_1703 : memref<40xi32, #tpu.memory_space<vmem>>) semaphore(%arg28 : memref<!tpu.dma_semaphore, #tpu.memory_space<semaphore_mem>>)
      %dma_start3A_1707 = arith.constant 0 : i32
      %dma_start3A_1708 = arith.constant 0 : i32
      %dma_start3A_1709 = tpu.memref_slice %arg5[%dma_start3A_1707, %dma_start3A_1708] : memref<1000x128xf32, #tpu.memory_space<hbm>> -> memref<1000x128xf32, #tpu.memory_space<hbm>>
      tpu.enqueue_indirect_dma source(%dma_start3A_1709 : memref<1000x128xf32, #tpu.memory_space<hbm>>) target(%arg21 : memref<40x128xf32, #tpu.memory_space<vmem>>) offsets(%arg11 : memref<40xi32, #tpu.memory_space<vmem>>) semaphore(%arg28 : memref<!tpu.dma_semaphore, #tpu.memory_space<semaphore_mem>>)
      %dma_start3A_1710 = arith.constant 0 : i32
      %dma_start3A_1711 = tpu.memref_slice %arg7[%dma_start3A_1710] : memref<1000xf32, #tpu.memory_space<hbm>> -> memref<1000xf32, #tpu.memory_space<hbm>>
      tpu.enqueue_indirect_dma source(%dma_start3A_1711 : memref<1000xf32, #tpu.memory_space<hbm>>) target(%arg23 : memref<40xf32, #tpu.memory_space<vmem>>) offsets(%arg11 : memref<40xi32, #tpu.memory_space<vmem>>) semaphore(%arg28 : memref<!tpu.dma_semaphore, #tpu.memory_space<semaphore_mem>>)
      %dma_start3A_1712 = arith.constant 0 : i32
      %dma_start3A_1713 = tpu.memref_slice %arg6[%dma_start3A_1712] : memref<1000008xf32, #tpu.memory_space<hbm>> -> memref<1000008xf32, #tpu.memory_space<hbm>>
      tpu.enqueue_indirect_dma source(%dma_start3A_1713 : memref<1000008xf32, #tpu.memory_space<hbm>>) target(%arg25 : memref<40xf32, #tpu.memory_space<vmem>>) offsets(%arg17 : memref<40xi32, #tpu.memory_space<vmem>>) semaphore(%arg28 : memref<!tpu.dma_semaphore, #tpu.memory_space<semaphore_mem>>)
    }
    %scan3A_616 = arith.constant 79 : i32
    %add3A_617 = arith.constant 6320 : i32
    %add3A_618 = arith.addi %mul3A_2, %add3A_617 : i32
    %dma_wait3A = arith.constant 0 : i32
    %dma_wait3A_619 = arith.constant 0 : i32
    %dma_wait3A_620 = tpu.memref_slice %arg18[%dma_wait3A, %dma_wait3A_619] : memref<40x1000xf32, #tpu.memory_space<vmem>> -> memref<40x128xf32, #tpu.memory_space<vmem>>
    %dma_wait3A_621 = arith.constant 0 : i32
    %dma_wait3A_622 = tpu.memref_slice %arg14[%dma_wait3A_621] : memref<280xi32, #tpu.memory_space<vmem>> -> memref<40xi32, #tpu.memory_space<vmem>>
    %dma_wait3A_623 = arith.constant 0 : i32
    %dma_wait3A_624 = arith.constant 0 : i32
    %dma_wait3A_625 = tpu.memref_slice %arg4[%dma_wait3A_623, %dma_wait3A_624] : memref<8000x128xf32, #tpu.memory_space<hbm>> -> memref<8000x128xf32, #tpu.memory_space<hbm>>
    tpu.wait_indirect_dma semaphore(%arg27 : memref<!tpu.dma_semaphore, #tpu.memory_space<semaphore_mem>>) src(%dma_wait3A_625 : memref<8000x128xf32, #tpu.memory_space<hbm>>) dst(%dma_wait3A_620 : memref<40x128xf32, #tpu.memory_space<vmem>>)
    %dma_wait3A_626 = arith.constant 0 : i32
    %dma_wait3A_627 = arith.constant 128 : i32
    %dma_wait3A_628 = tpu.memref_slice %arg18[%dma_wait3A_626, %dma_wait3A_627] : memref<40x1000xf32, #tpu.memory_space<vmem>> -> memref<40x128xf32, #tpu.memory_space<vmem>>
    %dma_wait3A_629 = arith.constant 40 : i32
    %dma_wait3A_630 = tpu.memref_slice %arg14[%dma_wait3A_629] : memref<280xi32, #tpu.memory_space<vmem>> -> memref<40xi32, #tpu.memory_space<vmem>>
    %dma_wait3A_631 = arith.constant 0 : i32
    %dma_wait3A_632 = arith.constant 0 : i32
    %dma_wait3A_633 = tpu.memref_slice %arg4[%dma_wait3A_631, %dma_wait3A_632] : memref<8000x128xf32, #tpu.memory_space<hbm>> -> memref<8000x128xf32, #tpu.memory_space<hbm>>
    tpu.wait_indirect_dma semaphore(%arg27 : memref<!tpu.dma_semaphore, #tpu.memory_space<semaphore_mem>>) src(%dma_wait3A_633 : memref<8000x128xf32, #tpu.memory_space<hbm>>) dst(%dma_wait3A_628 : memref<40x128xf32, #tpu.memory_space<vmem>>)
    %dma_wait3A_634 = arith.constant 0 : i32
    %dma_wait3A_635 = arith.constant 256 : i32
    %dma_wait3A_636 = tpu.memref_slice %arg18[%dma_wait3A_634, %dma_wait3A_635] : memref<40x1000xf32, #tpu.memory_space<vmem>> -> memref<40x128xf32, #tpu.memory_space<vmem>>
    %dma_wait3A_637 = arith.constant 80 : i32
    %dma_wait3A_638 = tpu.memref_slice %arg14[%dma_wait3A_637] : memref<280xi32, #tpu.memory_space<vmem>> -> memref<40xi32, #tpu.memory_space<vmem>>
    %dma_wait3A_639 = arith.constant 0 : i32
    %dma_wait3A_640 = arith.constant 0 : i32
    %dma_wait3A_641 = tpu.memref_slice %arg4[%dma_wait3A_639, %dma_wait3A_640] : memref<8000x128xf32, #tpu.memory_space<hbm>> -> memref<8000x128xf32, #tpu.memory_space<hbm>>
    tpu.wait_indirect_dma semaphore(%arg27 : memref<!tpu.dma_semaphore, #tpu.memory_space<semaphore_mem>>) src(%dma_wait3A_641 : memref<8000x128xf32, #tpu.memory_space<hbm>>) dst(%dma_wait3A_636 : memref<40x128xf32, #tpu.memory_space<vmem>>)
    %dma_wait3A_642 = arith.constant 0 : i32
    %dma_wait3A_643 = arith.constant 384 : i32
    %dma_wait3A_644 = tpu.memref_slice %arg18[%dma_wait3A_642, %dma_wait3A_643] : memref<40x1000xf32, #tpu.memory_space<vmem>> -> memref<40x128xf32, #tpu.memory_space<vmem>>
    %dma_wait3A_645 = arith.constant 120 : i32
    %dma_wait3A_646 = tpu.memref_slice %arg14[%dma_wait3A_645] : memref<280xi32, #tpu.memory_space<vmem>> -> memref<40xi32, #tpu.memory_space<vmem>>
    %dma_wait3A_647 = arith.constant 0 : i32
    %dma_wait3A_648 = arith.constant 0 : i32
    %dma_wait3A_649 = tpu.memref_slice %arg4[%dma_wait3A_647, %dma_wait3A_648] : memref<8000x128xf32, #tpu.memory_space<hbm>> -> memref<8000x128xf32, #tpu.memory_space<hbm>>
    tpu.wait_indirect_dma semaphore(%arg27 : memref<!tpu.dma_semaphore, #tpu.memory_space<semaphore_mem>>) src(%dma_wait3A_649 : memref<8000x128xf32, #tpu.memory_space<hbm>>) dst(%dma_wait3A_644 : memref<40x128xf32, #tpu.memory_space<vmem>>)
    %dma_wait3A_650 = arith.constant 0 : i32
    %dma_wait3A_651 = arith.constant 512 : i32
    %dma_wait3A_652 = tpu.memref_slice %arg18[%dma_wait3A_650, %dma_wait3A_651] : memref<40x1000xf32, #tpu.memory_space<vmem>> -> memref<40x128xf32, #tpu.memory_space<vmem>>
    %dma_wait3A_653 = arith.constant 160 : i32
    %dma_wait3A_654 = tpu.memref_slice %arg14[%dma_wait3A_653] : memref<280xi32, #tpu.memory_space<vmem>> -> memref<40xi32, #tpu.memory_space<vmem>>
    %dma_wait3A_655 = arith.constant 0 : i32
    %dma_wait3A_656 = arith.constant 0 : i32
    %dma_wait3A_657 = tpu.memref_slice %arg4[%dma_wait3A_655, %dma_wait3A_656] : memref<8000x128xf32, #tpu.memory_space<hbm>> -> memref<8000x128xf32, #tpu.memory_space<hbm>>
    tpu.wait_indirect_dma semaphore(%arg27 : memref<!tpu.dma_semaphore, #tpu.memory_space<semaphore_mem>>) src(%dma_wait3A_657 : memref<8000x128xf32, #tpu.memory_space<hbm>>) dst(%dma_wait3A_652 : memref<40x128xf32, #tpu.memory_space<vmem>>)
    %dma_wait3A_658 = arith.constant 0 : i32
    %dma_wait3A_659 = arith.constant 640 : i32
    %dma_wait3A_660 = tpu.memref_slice %arg18[%dma_wait3A_658, %dma_wait3A_659] : memref<40x1000xf32, #tpu.memory_space<vmem>> -> memref<40x128xf32, #tpu.memory_space<vmem>>
    %dma_wait3A_661 = arith.constant 200 : i32
    %dma_wait3A_662 = tpu.memref_slice %arg14[%dma_wait3A_661] : memref<280xi32, #tpu.memory_space<vmem>> -> memref<40xi32, #tpu.memory_space<vmem>>
    %dma_wait3A_663 = arith.constant 0 : i32
    %dma_wait3A_664 = arith.constant 0 : i32
    %dma_wait3A_665 = tpu.memref_slice %arg4[%dma_wait3A_663, %dma_wait3A_664] : memref<8000x128xf32, #tpu.memory_space<hbm>> -> memref<8000x128xf32, #tpu.memory_space<hbm>>
    tpu.wait_indirect_dma semaphore(%arg27 : memref<!tpu.dma_semaphore, #tpu.memory_space<semaphore_mem>>) src(%dma_wait3A_665 : memref<8000x128xf32, #tpu.memory_space<hbm>>) dst(%dma_wait3A_660 : memref<40x128xf32, #tpu.memory_space<vmem>>)
    %dma_wait3A_666 = arith.constant 0 : i32
    %dma_wait3A_667 = arith.constant 768 : i32
    %dma_wait3A_668 = tpu.memref_slice %arg18[%dma_wait3A_666, %dma_wait3A_667] : memref<40x1000xf32, #tpu.memory_space<vmem>> -> memref<40x128xf32, #tpu.memory_space<vmem>>
    %dma_wait3A_669 = arith.constant 240 : i32
    %dma_wait3A_670 = tpu.memref_slice %arg14[%dma_wait3A_669] : memref<280xi32, #tpu.memory_space<vmem>> -> memref<40xi32, #tpu.memory_space<vmem>>
    %dma_wait3A_671 = arith.constant 0 : i32
    %dma_wait3A_672 = arith.constant 0 : i32
    %dma_wait3A_673 = tpu.memref_slice %arg4[%dma_wait3A_671, %dma_wait3A_672] : memref<8000x128xf32, #tpu.memory_space<hbm>> -> memref<8000x128xf32, #tpu.memory_space<hbm>>
    tpu.wait_indirect_dma semaphore(%arg27 : memref<!tpu.dma_semaphore, #tpu.memory_space<semaphore_mem>>) src(%dma_wait3A_673 : memref<8000x128xf32, #tpu.memory_space<hbm>>) dst(%dma_wait3A_668 : memref<40x128xf32, #tpu.memory_space<vmem>>)
    %dma_wait3A_674 = arith.constant 0 : i32
    %dma_wait3A_675 = arith.constant 0 : i32
    %dma_wait3A_676 = tpu.memref_slice %arg5[%dma_wait3A_674, %dma_wait3A_675] : memref<1000x128xf32, #tpu.memory_space<hbm>> -> memref<1000x128xf32, #tpu.memory_space<hbm>>
    tpu.wait_indirect_dma semaphore(%arg27 : memref<!tpu.dma_semaphore, #tpu.memory_space<semaphore_mem>>) src(%dma_wait3A_676 : memref<1000x128xf32, #tpu.memory_space<hbm>>) dst(%arg20 : memref<40x128xf32, #tpu.memory_space<vmem>>)
    %dma_wait3A_677 = arith.constant 0 : i32
    %dma_wait3A_678 = tpu.memref_slice %arg7[%dma_wait3A_677] : memref<1000xf32, #tpu.memory_space<hbm>> -> memref<1000xf32, #tpu.memory_space<hbm>>
    tpu.wait_indirect_dma semaphore(%arg27 : memref<!tpu.dma_semaphore, #tpu.memory_space<semaphore_mem>>) src(%dma_wait3A_678 : memref<1000xf32, #tpu.memory_space<hbm>>) dst(%arg22 : memref<40xf32, #tpu.memory_space<vmem>>)
    %dma_wait3A_679 = arith.constant 0 : i32
    %dma_wait3A_680 = tpu.memref_slice %arg6[%dma_wait3A_679] : memref<1000008xf32, #tpu.memory_space<hbm>> -> memref<1000008xf32, #tpu.memory_space<hbm>>
    tpu.wait_indirect_dma semaphore(%arg27 : memref<!tpu.dma_semaphore, #tpu.memory_space<semaphore_mem>>) src(%dma_wait3A_680 : memref<1000008xf32, #tpu.memory_space<hbm>>) dst(%arg24 : memref<40xf32, #tpu.memory_space<vmem>>)
    %scan3A_681 = arith.constant 0 : i32
    %scan3A_682 = arith.constant 0 : i32
    %scan3A_683 = arith.constant 40 : i32
    %scan3A_684 = arith.addi %scan3A_682, %scan3A_683 : i32
    %scan3A_685 = arith.constant 1 : i32
    scf.for %scan3A_845 = %scan3A_682 to %scan3A_684 step %scan3A_685  : i32 {
      %get3A_846 = arith.index_cast %scan3A_845 : i32 to index
      %get3A_847 = arith.constant 0 : index
      %get3A_848 = tpu.vector_load %arg20[%get3A_846, %get3A_847] {strides = array<i32>} : memref<40x128xf32, #tpu.memory_space<vmem>>, vector<16xf32>,
      %swap3A_849 = arith.index_cast %scan3A_845 : i32 to index
      %swap3A_850 = arith.constant 896 : index
      %swap3A_851 = tpu.vector_load %arg18[%swap3A_849, %swap3A_850] {strides = array<i32>} : memref<40x1000xf32, #tpu.memory_space<vmem>>, vector<16xf32>,
      tpu.vector_store %arg18[%swap3A_849, %swap3A_850], %get3A_848 {strides = array<i32>} : memref<40x1000xf32, #tpu.memory_space<vmem>>, vector<16xf32>,
      %get3A_852 = arith.index_cast %scan3A_845 : i32 to index
      %get3A_853 = arith.constant 16 : index
      %get3A_854 = tpu.vector_load %arg20[%get3A_852, %get3A_853] {strides = array<i32>} : memref<40x128xf32, #tpu.memory_space<vmem>>, vector<16xf32>,
      %swap3A_855 = arith.index_cast %scan3A_845 : i32 to index
      %swap3A_856 = arith.constant 912 : index
      %swap3A_857 = tpu.vector_load %arg18[%swap3A_855, %swap3A_856] {strides = array<i32>} : memref<40x1000xf32, #tpu.memory_space<vmem>>, vector<16xf32>,
      tpu.vector_store %arg18[%swap3A_855, %swap3A_856], %get3A_854 {strides = array<i32>} : memref<40x1000xf32, #tpu.memory_space<vmem>>, vector<16xf32>,
      %get3A_858 = arith.index_cast %scan3A_845 : i32 to index
      %get3A_859 = arith.constant 32 : index
      %get3A_860 = tpu.vector_load %arg20[%get3A_858, %get3A_859] {strides = array<i32>} : memref<40x128xf32, #tpu.memory_space<vmem>>, vector<16xf32>,
      %swap3A_861 = arith.index_cast %scan3A_845 : i32 to index
      %swap3A_862 = arith.constant 928 : index
      %swap3A_863 = tpu.vector_load %arg18[%swap3A_861, %swap3A_862] {strides = array<i32>} : memref<40x1000xf32, #tpu.memory_space<vmem>>, vector<16xf32>,
      tpu.vector_store %arg18[%swap3A_861, %swap3A_862], %get3A_860 {strides = array<i32>} : memref<40x1000xf32, #tpu.memory_space<vmem>>, vector<16xf32>,
      %get3A_864 = arith.index_cast %scan3A_845 : i32 to index
      %get3A_865 = arith.constant 48 : index
      %get3A_866 = tpu.vector_load %arg20[%get3A_864, %get3A_865] {strides = array<i32>} : memref<40x128xf32, #tpu.memory_space<vmem>>, vector<16xf32>,
      %swap3A_867 = arith.index_cast %scan3A_845 : i32 to index
      %swap3A_868 = arith.constant 944 : index
      %swap3A_869 = tpu.vector_load %arg18[%swap3A_867, %swap3A_868] {strides = array<i32>} : memref<40x1000xf32, #tpu.memory_space<vmem>>, vector<16xf32>,
      tpu.vector_store %arg18[%swap3A_867, %swap3A_868], %get3A_866 {strides = array<i32>} : memref<40x1000xf32, #tpu.memory_space<vmem>>, vector<16xf32>,
      %get3A_870 = arith.index_cast %scan3A_845 : i32 to index
      %get3A_871 = arith.constant 64 : index
      %get3A_872 = tpu.vector_load %arg20[%get3A_870, %get3A_871] {strides = array<i32>} : memref<40x128xf32, #tpu.memory_space<vmem>>, vector<16xf32>,
      %swap3A_873 = arith.index_cast %scan3A_845 : i32 to index
      %swap3A_874 = arith.constant 960 : index
      %swap3A_875 = tpu.vector_load %arg18[%swap3A_873, %swap3A_874] {strides = array<i32>} : memref<40x1000xf32, #tpu.memory_space<vmem>>, vector<16xf32>,
      tpu.vector_store %arg18[%swap3A_873, %swap3A_874], %get3A_872 {strides = array<i32>} : memref<40x1000xf32, #tpu.memory_space<vmem>>, vector<16xf32>,
      %get3A_876 = arith.index_cast %scan3A_845 : i32 to index
      %get3A_877 = arith.constant 72 : index
      %get3A_878 = tpu.vector_load %arg20[%get3A_876, %get3A_877] {strides = array<i32>} : memref<40x128xf32, #tpu.memory_space<vmem>>, vector<16xf32>,
      %swap3A_879 = arith.index_cast %scan3A_845 : i32 to index
      %swap3A_880 = arith.constant 968 : index
      %swap3A_881 = tpu.vector_load %arg18[%swap3A_879, %swap3A_880] {strides = array<i32>} : memref<40x1000xf32, #tpu.memory_space<vmem>>, vector<16xf32>,
      tpu.vector_store %arg18[%swap3A_879, %swap3A_880], %get3A_878 {strides = array<i32>} : memref<40x1000xf32, #tpu.memory_space<vmem>>, vector<16xf32>,
      %get3A_882 = arith.index_cast %scan3A_845 : i32 to index
      %get3A_883 = arith.constant 88 : index
      %get3A_884 = tpu.vector_load %arg20[%get3A_882, %get3A_883] {strides = array<i32>} : memref<40x128xf32, #tpu.memory_space<vmem>>, vector<16xf32>,
      %swap3A_885 = arith.index_cast %scan3A_845 : i32 to index
      %swap3A_886 = arith.constant 984 : index
      %swap3A_887 = tpu.vector_load %arg18[%swap3A_885, %swap3A_886] {strides = array<i32>} : memref<40x1000xf32, #tpu.memory_space<vmem>>, vector<16xf32>,
      tpu.vector_store %arg18[%swap3A_885, %swap3A_886], %get3A_884 {strides = array<i32>} : memref<40x1000xf32, #tpu.memory_space<vmem>>, vector<16xf32>,
    }
    %scan3A_686 = arith.constant 40 : i32
    %dma_start3A_687 = arith.constant 0 : i32
    %dma_start3A_688 = tpu.memref_slice %arg8[%add3A_618, %dma_start3A_687] : memref<204800x1000xf32, #tpu.memory_space<hbm>> -> memref<40x1000xf32, #tpu.memory_space<hbm>>
    %dma_start3A_689 = arith.constant 0 : i32
    %dma_start3A_690 = tpu.memref_slice %arg8[%add3A_618, %dma_start3A_689] : memref<204800x1000xf32, #tpu.memory_space<hbm>> -> memref<40x1000xf32, #tpu.memory_space<hbm>>
    tpu.enqueue_dma source(%arg18 : memref<40x1000xf32, #tpu.memory_space<vmem>>) target(%dma_start3A_690 : memref<40x1000xf32, #tpu.memory_space<hbm>>) target_semaphore(%arg29 : memref<!tpu.dma_semaphore, #tpu.memory_space<semaphore_mem>>)
    %iota3A = tpu.iota {dimensions = array<i32: 0>} : vector<16xi32>
    %get3A_691 = arith.constant 0 : index
    %get3A_692 = tpu.vector_load %arg22[%get3A_691] {strides = array<i32>} : memref<40xf32, #tpu.memory_space<vmem>>, vector<16xf32>,
    %get3A_693 = arith.constant 0 : index
    %get3A_694 = tpu.vector_load %arg24[%get3A_693] {strides = array<i32>} : memref<40xf32, #tpu.memory_space<vmem>>, vector<16xf32>,
    %sub3A = arith.subf %get3A_692, %get3A_694 : vector<16xf32>
    %get3A_695 = arith.constant 0 : index
    %get3A_696 = tpu.vector_load %arg26[%get3A_695] {strides = array<i32>} : memref<16xf32, #tpu.memory_space<vmem>>, vector<16xf32>,
    %add3A_697 = arith.addf %get3A_696, %sub3A : vector<16xf32>
    %swap3A_698 = arith.constant 0 : index
    %swap3A_699 = tpu.vector_load %arg26[%swap3A_698] {strides = array<i32>} : memref<16xf32, #tpu.memory_space<vmem>>, vector<16xf32>,
    tpu.vector_store %arg26[%swap3A_698], %add3A_697 {strides = array<i32>} : memref<16xf32, #tpu.memory_space<vmem>>, vector<16xf32>,
    %get3A_700 = arith.constant 16 : index
    %get3A_701 = tpu.vector_load %arg22[%get3A_700] {strides = array<i32>} : memref<40xf32, #tpu.memory_space<vmem>>, vector<16xf32>,
    %get3A_702 = arith.constant 16 : index
    %get3A_703 = tpu.vector_load %arg24[%get3A_702] {strides = array<i32>} : memref<40xf32, #tpu.memory_space<vmem>>, vector<16xf32>,
    %sub3A_704 = arith.subf %get3A_701, %get3A_703 : vector<16xf32>
    %get3A_705 = arith.constant 0 : index
    %get3A_706 = tpu.vector_load %arg26[%get3A_705] {strides = array<i32>} : memref<16xf32, #tpu.memory_space<vmem>>, vector<16xf32>,
    %add3A_707 = arith.addf %get3A_706, %sub3A_704 : vector<16xf32>
    %swap3A_708 = arith.constant 0 : index
    %swap3A_709 = tpu.vector_load %arg26[%swap3A_708] {strides = array<i32>} : memref<16xf32, #tpu.memory_space<vmem>>, vector<16xf32>,
    tpu.vector_store %arg26[%swap3A_708], %add3A_707 {strides = array<i32>} : memref<16xf32, #tpu.memory_space<vmem>>, vector<16xf32>,
    %get3A_710 = arith.constant 24 : index
    %get3A_711 = tpu.vector_load %arg22[%get3A_710] {strides = array<i32>} : memref<40xf32, #tpu.memory_space<vmem>>, vector<16xf32>,
    %get3A_712 = arith.constant 24 : index
    %get3A_713 = tpu.vector_load %arg24[%get3A_712] {strides = array<i32>} : memref<40xf32, #tpu.memory_space<vmem>>, vector<16xf32>,
    %sub3A_714 = arith.subf %get3A_711, %get3A_713 : vector<16xf32>
    %ge3A = arith.constant 8 : i32
    %ge3A_715 = vector.broadcast %ge3A : i32 to vector<16xi32>
    %ge3A_716 = arith.cmpi sge, %iota3A, %ge3A_715 : vector<16xi32>
    %jit3A = arith.constant 0.000000e+00 : f32
    %broadcast_in_dim3A_717 = vector.broadcast %jit3A : f32 to vector<16xf32>
    %select_n3A = arith.select %ge3A_716, %sub3A_714, %broadcast_in_dim3A_717 : vector<16xi1>, vector<16xf32>
    %get3A_718 = arith.constant 0 : index
    %get3A_719 = tpu.vector_load %arg26[%get3A_718] {strides = array<i32>} : memref<16xf32, #tpu.memory_space<vmem>>, vector<16xf32>,
    %add3A_720 = arith.addf %get3A_719, %select_n3A : vector<16xf32>
    %swap3A_721 = arith.constant 0 : index
    %swap3A_722 = tpu.vector_load %arg26[%swap3A_721] {strides = array<i32>} : memref<16xf32, #tpu.memory_space<vmem>>, vector<16xf32>,
    tpu.vector_store %arg26[%swap3A_721], %add3A_720 {strides = array<i32>} : memref<16xf32, #tpu.memory_space<vmem>>, vector<16xf32>,
    %dma_wait3A_723 = arith.constant 0 : i32
    %dma_wait3A_724 = tpu.memref_slice %arg8[%add3A_618, %dma_wait3A_723] : memref<204800x1000xf32, #tpu.memory_space<hbm>> -> memref<40x1000xf32, #tpu.memory_space<hbm>>
    %dma_wait3A_725 = arith.constant 0 : i32
    %dma_wait3A_726 = tpu.memref_slice %arg8[%add3A_618, %dma_wait3A_725] : memref<204800x1000xf32, #tpu.memory_space<hbm>> -> memref<40x1000xf32, #tpu.memory_space<hbm>>
    tpu.wait_dma2 semaphore(%arg29 : memref<!tpu.dma_semaphore, #tpu.memory_space<semaphore_mem>>) src(%arg18 : memref<40x1000xf32, #tpu.memory_space<vmem>>) dst(%dma_wait3A_726 : memref<40x1000xf32, #tpu.memory_space<hbm>>)
    %add3A_727 = arith.constant 6360 : i32
    %add3A_728 = arith.addi %mul3A_2, %add3A_727 : i32
    %dma_wait3A_729 = arith.constant 0 : i32
    %dma_wait3A_730 = arith.constant 0 : i32
    %dma_wait3A_731 = tpu.memref_slice %arg19[%dma_wait3A_729, %dma_wait3A_730] : memref<40x1000xf32, #tpu.memory_space<vmem>> -> memref<40x128xf32, #tpu.memory_space<vmem>>
    %dma_wait3A_732 = arith.constant 0 : i32
    %dma_wait3A_733 = tpu.memref_slice %arg15[%dma_wait3A_732] : memref<280xi32, #tpu.memory_space<vmem>> -> memref<40xi32, #tpu.memory_space<vmem>>
    %dma_wait3A_734 = arith.constant 0 : i32
    %dma_wait3A_735 = arith.constant 0 : i32
    %dma_wait3A_736 = tpu.memref_slice %arg4[%dma_wait3A_734, %dma_wait3A_735] : memref<8000x128xf32, #tpu.memory_space<hbm>> -> memref<8000x128xf32, #tpu.memory_space<hbm>>
    tpu.wait_indirect_dma semaphore(%arg28 : memref<!tpu.dma_semaphore, #tpu.memory_space<semaphore_mem>>) src(%dma_wait3A_736 : memref<8000x128xf32, #tpu.memory_space<hbm>>) dst(%dma_wait3A_731 : memref<40x128xf32, #tpu.memory_space<vmem>>)
    %dma_wait3A_737 = arith.constant 0 : i32
    %dma_wait3A_738 = arith.constant 128 : i32
    %dma_wait3A_739 = tpu.memref_slice %arg19[%dma_wait3A_737, %dma_wait3A_738] : memref<40x1000xf32, #tpu.memory_space<vmem>> -> memref<40x128xf32, #tpu.memory_space<vmem>>
    %dma_wait3A_740 = arith.constant 40 : i32
    %dma_wait3A_741 = tpu.memref_slice %arg15[%dma_wait3A_740] : memref<280xi32, #tpu.memory_space<vmem>> -> memref<40xi32, #tpu.memory_space<vmem>>
    %dma_wait3A_742 = arith.constant 0 : i32
    %dma_wait3A_743 = arith.constant 0 : i32
    %dma_wait3A_744 = tpu.memref_slice %arg4[%dma_wait3A_742, %dma_wait3A_743] : memref<8000x128xf32, #tpu.memory_space<hbm>> -> memref<8000x128xf32, #tpu.memory_space<hbm>>
    tpu.wait_indirect_dma semaphore(%arg28 : memref<!tpu.dma_semaphore, #tpu.memory_space<semaphore_mem>>) src(%dma_wait3A_744 : memref<8000x128xf32, #tpu.memory_space<hbm>>) dst(%dma_wait3A_739 : memref<40x128xf32, #tpu.memory_space<vmem>>)
    %dma_wait3A_745 = arith.constant 0 : i32
    %dma_wait3A_746 = arith.constant 256 : i32
    %dma_wait3A_747 = tpu.memref_slice %arg19[%dma_wait3A_745, %dma_wait3A_746] : memref<40x1000xf32, #tpu.memory_space<vmem>> -> memref<40x128xf32, #tpu.memory_space<vmem>>
    %dma_wait3A_748 = arith.constant 80 : i32
    %dma_wait3A_749 = tpu.memref_slice %arg15[%dma_wait3A_748] : memref<280xi32, #tpu.memory_space<vmem>> -> memref<40xi32, #tpu.memory_space<vmem>>
    %dma_wait3A_750 = arith.constant 0 : i32
    %dma_wait3A_751 = arith.constant 0 : i32
    %dma_wait3A_752 = tpu.memref_slice %arg4[%dma_wait3A_750, %dma_wait3A_751] : memref<8000x128xf32, #tpu.memory_space<hbm>> -> memref<8000x128xf32, #tpu.memory_space<hbm>>
    tpu.wait_indirect_dma semaphore(%arg28 : memref<!tpu.dma_semaphore, #tpu.memory_space<semaphore_mem>>) src(%dma_wait3A_752 : memref<8000x128xf32, #tpu.memory_space<hbm>>) dst(%dma_wait3A_747 : memref<40x128xf32, #tpu.memory_space<vmem>>)
    %dma_wait3A_753 = arith.constant 0 : i32
    %dma_wait3A_754 = arith.constant 384 : i32
    %dma_wait3A_755 = tpu.memref_slice %arg19[%dma_wait3A_753, %dma_wait3A_754] : memref<40x1000xf32, #tpu.memory_space<vmem>> -> memref<40x128xf32, #tpu.memory_space<vmem>>
    %dma_wait3A_756 = arith.constant 120 : i32
    %dma_wait3A_757 = tpu.memref_slice %arg15[%dma_wait3A_756] : memref<280xi32, #tpu.memory_space<vmem>> -> memref<40xi32, #tpu.memory_space<vmem>>
    %dma_wait3A_758 = arith.constant 0 : i32
    %dma_wait3A_759 = arith.constant 0 : i32
    %dma_wait3A_760 = tpu.memref_slice %arg4[%dma_wait3A_758, %dma_wait3A_759] : memref<8000x128xf32, #tpu.memory_space<hbm>> -> memref<8000x128xf32, #tpu.memory_space<hbm>>
    tpu.wait_indirect_dma semaphore(%arg28 : memref<!tpu.dma_semaphore, #tpu.memory_space<semaphore_mem>>) src(%dma_wait3A_760 : memref<8000x128xf32, #tpu.memory_space<hbm>>) dst(%dma_wait3A_755 : memref<40x128xf32, #tpu.memory_space<vmem>>)
    %dma_wait3A_761 = arith.constant 0 : i32
    %dma_wait3A_762 = arith.constant 512 : i32
    %dma_wait3A_763 = tpu.memref_slice %arg19[%dma_wait3A_761, %dma_wait3A_762] : memref<40x1000xf32, #tpu.memory_space<vmem>> -> memref<40x128xf32, #tpu.memory_space<vmem>>
    %dma_wait3A_764 = arith.constant 160 : i32
    %dma_wait3A_765 = tpu.memref_slice %arg15[%dma_wait3A_764] : memref<280xi32, #tpu.memory_space<vmem>> -> memref<40xi32, #tpu.memory_space<vmem>>
    %dma_wait3A_766 = arith.constant 0 : i32
    %dma_wait3A_767 = arith.constant 0 : i32
    %dma_wait3A_768 = tpu.memref_slice %arg4[%dma_wait3A_766, %dma_wait3A_767] : memref<8000x128xf32, #tpu.memory_space<hbm>> -> memref<8000x128xf32, #tpu.memory_space<hbm>>
    tpu.wait_indirect_dma semaphore(%arg28 : memref<!tpu.dma_semaphore, #tpu.memory_space<semaphore_mem>>) src(%dma_wait3A_768 : memref<8000x128xf32, #tpu.memory_space<hbm>>) dst(%dma_wait3A_763 : memref<40x128xf32, #tpu.memory_space<vmem>>)
    %dma_wait3A_769 = arith.constant 0 : i32
    %dma_wait3A_770 = arith.constant 640 : i32
    %dma_wait3A_771 = tpu.memref_slice %arg19[%dma_wait3A_769, %dma_wait3A_770] : memref<40x1000xf32, #tpu.memory_space<vmem>> -> memref<40x128xf32, #tpu.memory_space<vmem>>
    %dma_wait3A_772 = arith.constant 200 : i32
    %dma_wait3A_773 = tpu.memref_slice %arg15[%dma_wait3A_772] : memref<280xi32, #tpu.memory_space<vmem>> -> memref<40xi32, #tpu.memory_space<vmem>>
    %dma_wait3A_774 = arith.constant 0 : i32
    %dma_wait3A_775 = arith.constant 0 : i32
    %dma_wait3A_776 = tpu.memref_slice %arg4[%dma_wait3A_774, %dma_wait3A_775] : memref<8000x128xf32, #tpu.memory_space<hbm>> -> memref<8000x128xf32, #tpu.memory_space<hbm>>
    tpu.wait_indirect_dma semaphore(%arg28 : memref<!tpu.dma_semaphore, #tpu.memory_space<semaphore_mem>>) src(%dma_wait3A_776 : memref<8000x128xf32, #tpu.memory_space<hbm>>) dst(%dma_wait3A_771 : memref<40x128xf32, #tpu.memory_space<vmem>>)
    %dma_wait3A_777 = arith.constant 0 : i32
    %dma_wait3A_778 = arith.constant 768 : i32
    %dma_wait3A_779 = tpu.memref_slice %arg19[%dma_wait3A_777, %dma_wait3A_778] : memref<40x1000xf32, #tpu.memory_space<vmem>> -> memref<40x128xf32, #tpu.memory_space<vmem>>
    %dma_wait3A_780 = arith.constant 240 : i32
    %dma_wait3A_781 = tpu.memref_slice %arg15[%dma_wait3A_780] : memref<280xi32, #tpu.memory_space<vmem>> -> memref<40xi32, #tpu.memory_space<vmem>>
    %dma_wait3A_782 = arith.constant 0 : i32
    %dma_wait3A_783 = arith.constant 0 : i32
    %dma_wait3A_784 = tpu.memref_slice %arg4[%dma_wait3A_782, %dma_wait3A_783] : memref<8000x128xf32, #tpu.memory_space<hbm>> -> memref<8000x128xf32, #tpu.memory_space<hbm>>
    tpu.wait_indirect_dma semaphore(%arg28 : memref<!tpu.dma_semaphore, #tpu.memory_space<semaphore_mem>>) src(%dma_wait3A_784 : memref<8000x128xf32, #tpu.memory_space<hbm>>) dst(%dma_wait3A_779 : memref<40x128xf32, #tpu.memory_space<vmem>>)
    %dma_wait3A_785 = arith.constant 0 : i32
    %dma_wait3A_786 = arith.constant 0 : i32
    %dma_wait3A_787 = tpu.memref_slice %arg5[%dma_wait3A_785, %dma_wait3A_786] : memref<1000x128xf32, #tpu.memory_space<hbm>> -> memref<1000x128xf32, #tpu.memory_space<hbm>>
    tpu.wait_indirect_dma semaphore(%arg28 : memref<!tpu.dma_semaphore, #tpu.memory_space<semaphore_mem>>) src(%dma_wait3A_787 : memref<1000x128xf32, #tpu.memory_space<hbm>>) dst(%arg21 : memref<40x128xf32, #tpu.memory_space<vmem>>)
    %dma_wait3A_788 = arith.constant 0 : i32
    %dma_wait3A_789 = tpu.memref_slice %arg7[%dma_wait3A_788] : memref<1000xf32, #tpu.memory_space<hbm>> -> memref<1000xf32, #tpu.memory_space<hbm>>
    tpu.wait_indirect_dma semaphore(%arg28 : memref<!tpu.dma_semaphore, #tpu.memory_space<semaphore_mem>>) src(%dma_wait3A_789 : memref<1000xf32, #tpu.memory_space<hbm>>) dst(%arg23 : memref<40xf32, #tpu.memory_space<vmem>>)
    %dma_wait3A_790 = arith.constant 0 : i32
    %dma_wait3A_791 = tpu.memref_slice %arg6[%dma_wait3A_790] : memref<1000008xf32, #tpu.memory_space<hbm>> -> memref<1000008xf32, #tpu.memory_space<hbm>>
    tpu.wait_indirect_dma semaphore(%arg28 : memref<!tpu.dma_semaphore, #tpu.memory_space<semaphore_mem>>) src(%dma_wait3A_791 : memref<1000008xf32, #tpu.memory_space<hbm>>) dst(%arg25 : memref<40xf32, #tpu.memory_space<vmem>>)
    %scan3A_792 = arith.constant 0 : i32
    %scan3A_793 = arith.constant 0 : i32
    %scan3A_794 = arith.constant 40 : i32
    %scan3A_795 = arith.addi %scan3A_793, %scan3A_794 : i32
    %scan3A_796 = arith.constant 1 : i32
    scf.for %scan3A_845 = %scan3A_793 to %scan3A_795 step %scan3A_796  : i32 {
      %get3A_846 = arith.index_cast %scan3A_845 : i32 to index
      %get3A_847 = arith.constant 0 : index
      %get3A_848 = tpu.vector_load %arg21[%get3A_846, %get3A_847] {strides = array<i32>} : memref<40x128xf32, #tpu.memory_space<vmem>>, vector<16xf32>,
      %swap3A_849 = arith.index_cast %scan3A_845 : i32 to index
      %swap3A_850 = arith.constant 896 : index
      %swap3A_851 = tpu.vector_load %arg19[%swap3A_849, %swap3A_850] {strides = array<i32>} : memref<40x1000xf32, #tpu.memory_space<vmem>>, vector<16xf32>,
      tpu.vector_store %arg19[%swap3A_849, %swap3A_850], %get3A_848 {strides = array<i32>} : memref<40x1000xf32, #tpu.memory_space<vmem>>, vector<16xf32>,
      %get3A_852 = arith.index_cast %scan3A_845 : i32 to index
      %get3A_853 = arith.constant 16 : index
      %get3A_854 = tpu.vector_load %arg21[%get3A_852, %get3A_853] {strides = array<i32>} : memref<40x128xf32, #tpu.memory_space<vmem>>, vector<16xf32>,
      %swap3A_855 = arith.index_cast %scan3A_845 : i32 to index
      %swap3A_856 = arith.constant 912 : index
      %swap3A_857 = tpu.vector_load %arg19[%swap3A_855, %swap3A_856] {strides = array<i32>} : memref<40x1000xf32, #tpu.memory_space<vmem>>, vector<16xf32>,
      tpu.vector_store %arg19[%swap3A_855, %swap3A_856], %get3A_854 {strides = array<i32>} : memref<40x1000xf32, #tpu.memory_space<vmem>>, vector<16xf32>,
      %get3A_858 = arith.index_cast %scan3A_845 : i32 to index
      %get3A_859 = arith.constant 32 : index
      %get3A_860 = tpu.vector_load %arg21[%get3A_858, %get3A_859] {strides = array<i32>} : memref<40x128xf32, #tpu.memory_space<vmem>>, vector<16xf32>,
      %swap3A_861 = arith.index_cast %scan3A_845 : i32 to index
      %swap3A_862 = arith.constant 928 : index
      %swap3A_863 = tpu.vector_load %arg19[%swap3A_861, %swap3A_862] {strides = array<i32>} : memref<40x1000xf32, #tpu.memory_space<vmem>>, vector<16xf32>,
      tpu.vector_store %arg19[%swap3A_861, %swap3A_862], %get3A_860 {strides = array<i32>} : memref<40x1000xf32, #tpu.memory_space<vmem>>, vector<16xf32>,
      %get3A_864 = arith.index_cast %scan3A_845 : i32 to index
      %get3A_865 = arith.constant 48 : index
      %get3A_866 = tpu.vector_load %arg21[%get3A_864, %get3A_865] {strides = array<i32>} : memref<40x128xf32, #tpu.memory_space<vmem>>, vector<16xf32>,
      %swap3A_867 = arith.index_cast %scan3A_845 : i32 to index
      %swap3A_868 = arith.constant 944 : index
      %swap3A_869 = tpu.vector_load %arg19[%swap3A_867, %swap3A_868] {strides = array<i32>} : memref<40x1000xf32, #tpu.memory_space<vmem>>, vector<16xf32>,
      tpu.vector_store %arg19[%swap3A_867, %swap3A_868], %get3A_866 {strides = array<i32>} : memref<40x1000xf32, #tpu.memory_space<vmem>>, vector<16xf32>,
      %get3A_870 = arith.index_cast %scan3A_845 : i32 to index
      %get3A_871 = arith.constant 64 : index
      %get3A_872 = tpu.vector_load %arg21[%get3A_870, %get3A_871] {strides = array<i32>} : memref<40x128xf32, #tpu.memory_space<vmem>>, vector<16xf32>,
      %swap3A_873 = arith.index_cast %scan3A_845 : i32 to index
      %swap3A_874 = arith.constant 960 : index
      %swap3A_875 = tpu.vector_load %arg19[%swap3A_873, %swap3A_874] {strides = array<i32>} : memref<40x1000xf32, #tpu.memory_space<vmem>>, vector<16xf32>,
      tpu.vector_store %arg19[%swap3A_873, %swap3A_874], %get3A_872 {strides = array<i32>} : memref<40x1000xf32, #tpu.memory_space<vmem>>, vector<16xf32>,
      %get3A_876 = arith.index_cast %scan3A_845 : i32 to index
      %get3A_877 = arith.constant 72 : index
      %get3A_878 = tpu.vector_load %arg21[%get3A_876, %get3A_877] {strides = array<i32>} : memref<40x128xf32, #tpu.memory_space<vmem>>, vector<16xf32>,
      %swap3A_879 = arith.index_cast %scan3A_845 : i32 to index
      %swap3A_880 = arith.constant 968 : index
      %swap3A_881 = tpu.vector_load %arg19[%swap3A_879, %swap3A_880] {strides = array<i32>} : memref<40x1000xf32, #tpu.memory_space<vmem>>, vector<16xf32>,
      tpu.vector_store %arg19[%swap3A_879, %swap3A_880], %get3A_878 {strides = array<i32>} : memref<40x1000xf32, #tpu.memory_space<vmem>>, vector<16xf32>,
      %get3A_882 = arith.index_cast %scan3A_845 : i32 to index
      %get3A_883 = arith.constant 88 : index
      %get3A_884 = tpu.vector_load %arg21[%get3A_882, %get3A_883] {strides = array<i32>} : memref<40x128xf32, #tpu.memory_space<vmem>>, vector<16xf32>,
      %swap3A_885 = arith.index_cast %scan3A_845 : i32 to index
      %swap3A_886 = arith.constant 984 : index
      %swap3A_887 = tpu.vector_load %arg19[%swap3A_885, %swap3A_886] {strides = array<i32>} : memref<40x1000xf32, #tpu.memory_space<vmem>>, vector<16xf32>,
      tpu.vector_store %arg19[%swap3A_885, %swap3A_886], %get3A_884 {strides = array<i32>} : memref<40x1000xf32, #tpu.memory_space<vmem>>, vector<16xf32>,
    }
    %scan3A_797 = arith.constant 40 : i32
    %dma_start3A_798 = arith.constant 0 : i32
    %dma_start3A_799 = tpu.memref_slice %arg8[%add3A_728, %dma_start3A_798] : memref<204800x1000xf32, #tpu.memory_space<hbm>> -> memref<40x1000xf32, #tpu.memory_space<hbm>>
    %dma_start3A_800 = arith.constant 0 : i32
    %dma_start3A_801 = tpu.memref_slice %arg8[%add3A_728, %dma_start3A_800] : memref<204800x1000xf32, #tpu.memory_space<hbm>> -> memref<40x1000xf32, #tpu.memory_space<hbm>>
    tpu.enqueue_dma source(%arg19 : memref<40x1000xf32, #tpu.memory_space<vmem>>) target(%dma_start3A_801 : memref<40x1000xf32, #tpu.memory_space<hbm>>) target_semaphore(%arg30 : memref<!tpu.dma_semaphore, #tpu.memory_space<semaphore_mem>>)
    %iota3A_802 = tpu.iota {dimensions = array<i32: 0>} : vector<16xi32>
    %get3A_803 = arith.constant 0 : index
    %get3A_804 = tpu.vector_load %arg23[%get3A_803] {strides = array<i32>} : memref<40xf32, #tpu.memory_space<vmem>>, vector<16xf32>,
    %get3A_805 = arith.constant 0 : index
    %get3A_806 = tpu.vector_load %arg25[%get3A_805] {strides = array<i32>} : memref<40xf32, #tpu.memory_space<vmem>>, vector<16xf32>,
    %sub3A_807 = arith.subf %get3A_804, %get3A_806 : vector<16xf32>
    %get3A_808 = arith.constant 0 : index
    %get3A_809 = tpu.vector_load %arg26[%get3A_808] {strides = array<i32>} : memref<16xf32, #tpu.memory_space<vmem>>, vector<16xf32>,
    %add3A_810 = arith.addf %get3A_809, %sub3A_807 : vector<16xf32>
    %swap3A_811 = arith.constant 0 : index
    %swap3A_812 = tpu.vector_load %arg26[%swap3A_811] {strides = array<i32>} : memref<16xf32, #tpu.memory_space<vmem>>, vector<16xf32>,
    tpu.vector_store %arg26[%swap3A_811], %add3A_810 {strides = array<i32>} : memref<16xf32, #tpu.memory_space<vmem>>, vector<16xf32>,
    %get3A_813 = arith.constant 16 : index
    %get3A_814 = tpu.vector_load %arg23[%get3A_813] {strides = array<i32>} : memref<40xf32, #tpu.memory_space<vmem>>, vector<16xf32>,
    %get3A_815 = arith.constant 16 : index
    %get3A_816 = tpu.vector_load %arg25[%get3A_815] {strides = array<i32>} : memref<40xf32, #tpu.memory_space<vmem>>, vector<16xf32>,
    %sub3A_817 = arith.subf %get3A_814, %get3A_816 : vector<16xf32>
    %get3A_818 = arith.constant 0 : index
    %get3A_819 = tpu.vector_load %arg26[%get3A_818] {strides = array<i32>} : memref<16xf32, #tpu.memory_space<vmem>>, vector<16xf32>,
    %add3A_820 = arith.addf %get3A_819, %sub3A_817 : vector<16xf32>
    %swap3A_821 = arith.constant 0 : index
    %swap3A_822 = tpu.vector_load %arg26[%swap3A_821] {strides = array<i32>} : memref<16xf32, #tpu.memory_space<vmem>>, vector<16xf32>,
    tpu.vector_store %arg26[%swap3A_821], %add3A_820 {strides = array<i32>} : memref<16xf32, #tpu.memory_space<vmem>>, vector<16xf32>,
    %get3A_823 = arith.constant 24 : index
    %get3A_824 = tpu.vector_load %arg23[%get3A_823] {strides = array<i32>} : memref<40xf32, #tpu.memory_space<vmem>>, vector<16xf32>,
    %get3A_825 = arith.constant 24 : index
    %get3A_826 = tpu.vector_load %arg25[%get3A_825] {strides = array<i32>} : memref<40xf32, #tpu.memory_space<vmem>>, vector<16xf32>,
    %sub3A_827 = arith.subf %get3A_824, %get3A_826 : vector<16xf32>
    %ge3A_828 = arith.constant 8 : i32
    %ge3A_829 = vector.broadcast %ge3A_828 : i32 to vector<16xi32>
    %ge3A_830 = arith.cmpi sge, %iota3A_802, %ge3A_829 : vector<16xi32>
    %jit3A_831 = arith.constant 0.000000e+00 : f32
    %broadcast_in_dim3A_832 = vector.broadcast %jit3A_831 : f32 to vector<16xf32>
    %select_n3A_833 = arith.select %ge3A_830, %sub3A_827, %broadcast_in_dim3A_832 : vector<16xi1>, vector<16xf32>
    %get3A_834 = arith.constant 0 : index
    %get3A_835 = tpu.vector_load %arg26[%get3A_834] {strides = array<i32>} : memref<16xf32, #tpu.memory_space<vmem>>, vector<16xf32>,
    %add3A_836 = arith.addf %get3A_835, %select_n3A_833 : vector<16xf32>
    %swap3A_837 = arith.constant 0 : index
    %swap3A_838 = tpu.vector_load %arg26[%swap3A_837] {strides = array<i32>} : memref<16xf32, #tpu.memory_space<vmem>>, vector<16xf32>,
    tpu.vector_store %arg26[%swap3A_837], %add3A_836 {strides = array<i32>} : memref<16xf32, #tpu.memory_space<vmem>>, vector<16xf32>,
    %dma_wait3A_839 = arith.constant 0 : i32
    %dma_wait3A_840 = tpu.memref_slice %arg8[%add3A_728, %dma_wait3A_839] : memref<204800x1000xf32, #tpu.memory_space<hbm>> -> memref<40x1000xf32, #tpu.memory_space<hbm>>
    %dma_wait3A_841 = arith.constant 0 : i32
    %dma_wait3A_842 = tpu.memref_slice %arg8[%add3A_728, %dma_wait3A_841] : memref<204800x1000xf32, #tpu.memory_space<hbm>> -> memref<40x1000xf32, #tpu.memory_space<hbm>>
    tpu.wait_dma2 semaphore(%arg30 : memref<!tpu.dma_semaphore, #tpu.memory_space<semaphore_mem>>) src(%arg19 : memref<40x1000xf32, #tpu.memory_space<vmem>>) dst(%dma_wait3A_842 : memref<40x1000xf32, #tpu.memory_space<hbm>>)
    %mul3A_843 = arith.constant 16 : i32
    %mul3A_844 = arith.muli %add3A, %mul3A_843 : i32
    "tpu.region"() ({
      %run_scoped3A = tpu.sem_alloc : memref<!tpu.dma_semaphore, #tpu.memory_space<semaphore_mem>>
      %dma_start3A_845 = tpu.memref_slice %arg9[%mul3A_844] : memref<512xf32, #tpu.memory_space<hbm>> -> memref<16xf32, #tpu.memory_space<hbm>>
      %dma_start3A_846 = tpu.memref_slice %arg9[%mul3A_844] : memref<512xf32, #tpu.memory_space<hbm>> -> memref<16xf32, #tpu.memory_space<hbm>>
      tpu.enqueue_dma source(%arg26 : memref<16xf32, #tpu.memory_space<vmem>>) target(%dma_start3A_846 : memref<16xf32, #tpu.memory_space<hbm>>) target_semaphore(%run_scoped3A : memref<!tpu.dma_semaphore, #tpu.memory_space<semaphore_mem>>)
      %dma_wait3A_847 = tpu.memref_slice %arg9[%mul3A_844] : memref<512xf32, #tpu.memory_space<hbm>> -> memref<16xf32, #tpu.memory_space<hbm>>
      %dma_wait3A_848 = tpu.memref_slice %arg9[%mul3A_844] : memref<512xf32, #tpu.memory_space<hbm>> -> memref<16xf32, #tpu.memory_space<hbm>>
      tpu.wait_dma2 semaphore(%run_scoped3A : memref<!tpu.dma_semaphore, #tpu.memory_space<semaphore_mem>>) src(%arg26 : memref<16xf32, #tpu.memory_space<vmem>>) dst(%dma_wait3A_848 : memref<16xf32, #tpu.memory_space<hbm>>)
      tpu.yield
    }) : () -> ()
    return
  }
}

module attributes {stable_mosaic.version = 14 : i64} {
  func.func @_lse_body(%arg0: memref<1000x1024xf32, #tpu.memory_space<vmem>>, %arg1: memref<1000xf32, #tpu.memory_space<vmem>>) attributes {dimension_semantics = [], scalar_prefetch = 0 : i64, scratch_operands = 0 : i64, tpu.core_type = #tpu.core_type<tc>} {
    %get3A = arith.constant 0 : index
    %get3A_0 = arith.constant 0 : index
    %get3A_1 = vector.load %arg0[%get3A, %get3A_0] : memref<1000x1024xf32, #tpu.memory_space<vmem>>, vector<1000x1024xf32>
    %reduce_max3A = arith.constant dense<0xFF800000> : vector<1000xf32>
    %reduce_max3A_2 = vector.multi_reduction <maximumf>, %get3A_1, %reduce_max3A [1] : vector<1000x1024xf32> to vector<1000xf32>
    %broadcast_in_dim3A = vector.shape_cast %reduce_max3A_2 : vector<1000xf32> to vector<1000x1xf32>
    %sub3A = vector.broadcast %broadcast_in_dim3A : vector<1000x1xf32> to vector<1000x1024xf32>
    %sub3A_3 = arith.subf %get3A_1, %sub3A : vector<1000x1024xf32>
    %exp3A = math.exp %sub3A_3 : vector<1000x1024xf32>
    %reduce_sum3A = arith.constant dense<0.000000e+00> : vector<1000xf32>
    %reduce_sum3A_4 = vector.multi_reduction <add>, %exp3A, %reduce_sum3A [1] : vector<1000x1024xf32> to vector<1000xf32>
    %log3A = math.log %reduce_sum3A_4 : vector<1000xf32>
    %add3A = arith.addf %reduce_max3A_2, %log3A : vector<1000xf32>
    %swap3A = arith.constant 0 : index
    %swap3A_5 = vector.load %arg1[%swap3A] : memref<1000xf32, #tpu.memory_space<vmem>>, vector<1000xf32>
    tpu.vector_store %arg1[%swap3A], %add3A {strides = array<i32>} : memref<1000xf32, #tpu.memory_space<vmem>>, vector<1000xf32>,
    return
  }
}

module attributes {stable_mosaic.version = 14 : i64} {
  func.func @_loss_body(%arg0: memref<512xf32, #tpu.memory_space<vmem>>, %arg1: memref<1x1xf32, #tpu.memory_space<vmem>>) attributes {dimension_semantics = [], scalar_prefetch = 0 : i64, scratch_operands = 0 : i64, tpu.core_type = #tpu.core_type<tc>} {
    %get3A = arith.constant 0 : index
    %get3A_0 = vector.load %arg0[%get3A] : memref<512xf32, #tpu.memory_space<vmem>>, vector<512xf32>
    %reduce_sum3A = vector.shape_cast %get3A_0 : vector<512xf32> to vector<1x512xf32>
    %reduce_sum3A_1 = arith.constant dense<0.000000e+00> : vector<1xf32>
    %reduce_sum3A_2 = vector.multi_reduction <add>, %reduce_sum3A, %reduce_sum3A_1 [1] : vector<1x512xf32> to vector<1xf32>
    %reduce_sum3A_3 = vector.shape_cast %reduce_sum3A_2 : vector<1xf32> to vector<1x1xf32>
    %reduce_sum3A_4 = vector.extract %reduce_sum3A_3[0, 0] : f32 from vector<1x1xf32>
    %mul3A = arith.constant 4.88281239E-6 : f32
    %mul3A_5 = arith.mulf %reduce_sum3A_4, %mul3A : f32
    %reshape3A = vector.broadcast %mul3A_5 : f32 to vector<1x1xf32>
    %swap3A = arith.constant 0 : index
    %swap3A_6 = arith.constant 0 : index
    %swap3A_7 = vector.load %arg1[%swap3A, %swap3A_6] : memref<1x1xf32, #tpu.memory_space<vmem>>, vector<1x1xf32>
    tpu.vector_store %arg1[%swap3A, %swap3A_6], %reshape3A {strides = array<i32>} : memref<1x1xf32, #tpu.memory_space<vmem>>, vector<1x1xf32>,
    return
  }
}

</mosaic_0001>

<sc_bundles>
// kernel: kernel.5.cloned.1.call-start
scs
__scs_entry_jumppad:
0x0: {  	(pc) =	sbr.rel $0x88, $3  }
0x1: {  	(tag) =	ssettag $0x0;
	lr =	simm.s32 $0x1  }
0x2: {  	[smem:$0x3F9E] =	sst lr;
	_ =	strace $0xD0000000  }
0x3: {  	_ = 	snop  }
0x4: {  	_ = 	snop  }
0x5: {  	_ = 	snop  }
0x6: {  	_ = 	snop  }
0x7: {  	_ = 	snop  }
__scs_overlays_trampoline_lowered:
0x8: {  	[smem:$0x3FAD] =	sst s0  }
0x9: {  	[smem:$0x3FAE] =	sst s1  }
0xa: {  	[smem:$0x3FAF] =	sst s2  }
0xb: {  	[smem:$0x3FB0] =	sst s3  }
0xc: {  	[smem:$0x3FB1] =	sst s4  }
0xd: {  	[smem:$0x3FB2] =	sst s5  }
0xe: {  	[smem:$0x3FB3] =	sst s6  }
0xf: {  	[smem:$0x3FB4] =	sst s7  }
0x10: {  	[smem:$0x3FB5] =	sst s8  }
0x11: {  	[smem:$0x3FB6] =	sst s9;
	s0 =	simm.s32 @!p0 $0x0  }
0x12: {  	s1 =	sld [smem:$0x3F9C];
	s0 =	simm.s32 @p0 $0x1  }
0x13: {  	[smem:$0x3FB7] =	sst s0;
	s0 =	simm.s32 @!p1 $0x0  }
0x14: {  	s2 =	sld [smem:$0x3F9B];
	s0 =	simm.s32 @p1 $0x1  }
0x15: {  	[smem:$0x3FB8] =	sst s0;
	s0 =	simm.s32 @!p2 $0x0  }
0x16: {  	s3 =	sld [smem:$0x3FDB];
	s0 =	simm.s32 @p2 $0x1  }
0x17: {  	s4 =	simm.s32 $0x1BF5;
	[smem:$0x3FBA] =	sst s0  }
0x18: {  	s0 =	sld [smem:$0x3F9D];
	_ =	swait.ge [sflag:s4], $0x0  }
0x19: {  	s7 =	sld [smem:$0x3F9E]  }
0x1a: {  	s8 =	sadd.s32 $0xFFFFE003, lr  }
0x1b: {  	s9 =	sadd.s32 $0xFFFFFEF7, lr;
	s5 =	simm.s32 $0xFFFFFFFF;
	p2 =	slt.u32 s8, $0xFFFFF086  }
0x1c: {  	p1 =	slt.u32 s9, $0xF7A;
	s5 =	simm.s32 @!p2 $0x0  }
0x1d: {  	s5 =	simm.s32 @p1 $0x1;
	p0 =	seq.s32 s7, s2  }
0x1e: {  	s7 =	smul.u32 @!p0 $0xF7A, s2;
	p2 =	seq.s32 @!p0 s5, $0x0  }
0x1f: {  	s9 =	smul.u32 $0xF7A, s1;
	s8 =	simm.s32 @!p0 $0x1BF5;
	p2 =	por !p2, p0  }
0x20: {  	[sflag:s8] =	ssyncset.s32 @!p0 $0xFFFFF086;
	s6 =	sadd.s32 @!p0 s3, s7;
	s7 =	simm.s32 @!p0 $0x108  }
0x21: {  	s3 =	sadd.s32 s3, s9;
	s6 =	sadd.s32 @!p0 $0x88, s6;
	s7 =	simm.s32 @p2 $0x1082  }
0x22: {  	[simem:s7], [sflag:s8] =	dma.local @!p0 [hbm:s6], $0xF7A  }
0x23: {  	s9 =	sor.u32 $0xD0000000, s2;
	s6 =	simm.s32 $0x108;
	_ =	swait.ge @!p0 [sflag:s8], $0x0  }
0x24: {  	s3 =	sadd.s32 $0x88, s3;
	s6 =	simm.s32 @!p1 $0x1082;
	[sflag:s4] =	ssyncset.s32 $0xFFFFF086  }
0x25: {  	[simem:s6], [sflag:s4] =	dma.local [hbm:s3], $0xF7A  }
0x26: {  	[smem:$0x3F9E] =	sst s1;
	(tag) =	ssettag s2;
	_ =	strace s9  }
0x27: {  	s1 =	sld [smem:$0x3FAE]  }
0x28: {  	s2 =	sld [smem:$0x3FAF]  }
0x29: {  	s4 =	sld [smem:$0x3FB1]  }
0x2a: {  	p0 =	seq.s32 s5, $0x0;
	s5 =	sld [smem:$0x3FB2]  }
0x2b: {  	s6 =	sld [smem:$0x3FB3]  }
0x2c: {  	s7 =	sld [smem:$0x3FB4]  }
0x2d: {  	s3 =	simm.s32 $0x108;
	s8 =	sld [smem:$0x3FB5]  }
0x2e: {  	s3 =	simm.s32 @!p0 $0x1082;
	s9 =	sld [smem:$0x3FB6]  }
0x2f: {  	lr =	sadd.s32 s0, s3;
	s0 =	sld [smem:$0x3FAD]  }
0x30: {  	s3 =	sld [smem:$0x3FB0]  }
0x31: {  	[smem:$0x3FB9] =	sst s10  }
0x32: {  	s10 =	sld [smem:$0x3FB7];
	_ =	sdelay $0x3  }
0x33: {  	p0 =	seq.s32 s10, $0x1;
	s10 =	sld [smem:$0x3FB9];
	_ =	sdelay $0x3  }
0x34: {  	[smem:$0x3FB9] =	sst s10  }
0x35: {  	s10 =	sld [smem:$0x3FB8];
	_ =	sdelay $0x3  }
0x36: {  	p1 =	seq.s32 s10, $0x1;
	s10 =	sld [smem:$0x3FB9];
	_ =	sdelay $0x3  }
0x37: {  	[smem:$0x3FB9] =	sst s10  }
0x38: {  	s10 =	sld [smem:$0x3FBA]  }
0x39: {  	_ = 	snop;
	(pc) =	sbr.ind lr, $3  }
0x3a: {  	_ = 	snop  }
0x3b: {  	_ = 	snop  }
0x3c: {  	p2 =	seq.s32 s10, $0x1;
	s10 =	sld [smem:$0x3FB9]  }
0x3d: {  	_ =	shalt  }
0x3e: {  	_ =	shalt  }
0x3f: {  	_ =	shalt  }
0x40: {  	_ =	shalt  }
0x41: {  	_ =	shalt  }
0x42: {  	_ =	shalt  }
0x43: {  	_ =	shalt  }
0x44: {  	_ =	shalt  }
0x45: {  	_ =	shalt  }
0x46: {  	_ =	shalt  }
0x47: {  	_ =	shalt  }
0x48: {  	_ =	shalt  }
0x49: {  	_ =	shalt  }
0x4a: {  	_ =	shalt  }
0x4b: {  	_ =	shalt  }
0x4c: {  	_ =	shalt  }
0x4d: {  	_ =	shalt  }
0x4e: {  	_ =	shalt  }
0x4f: {  	_ =	shalt  }
0x50: {  	_ =	shalt  }
0x51: {  	_ =	shalt  }
0x52: {  	_ =	shalt  }
0x53: {  	_ =	shalt  }
0x54: {  	_ =	shalt  }
0x55: {  	_ =	shalt  }
0x56: {  	_ =	shalt  }
0x57: {  	_ =	shalt  }
0x58: {  	_ =	shalt  }
0x59: {  	_ =	shalt  }
0x5a: {  	_ =	shalt  }
0x5b: {  	_ =	shalt  }
0x5c: {  	_ =	shalt  }
0x5d: {  	_ =	shalt  }
0x5e: {  	_ =	shalt  }
0x5f: {  	_ =	shalt  }
0x60: {  	_ =	shalt  }
0x61: {  	_ =	shalt  }
0x62: {  	_ =	shalt  }
0x63: {  	_ =	shalt  }
0x64: {  	_ =	shalt  }
0x65: {  	_ =	shalt  }
0x66: {  	_ =	shalt  }
0x67: {  	_ =	shalt  }
0x68: {  	_ =	shalt  }
0x69: {  	_ =	shalt  }
0x6a: {  	_ =	shalt  }
0x6b: {  	_ =	shalt  }
0x6c: {  	_ =	shalt  }
0x6d: {  	_ =	shalt  }
0x6e: {  	_ =	shalt  }
0x6f: {  	_ =	shalt  }
0x70: {  	_ =	shalt  }
0x71: {  	_ =	shalt  }
0x72: {  	_ =	shalt  }
0x73: {  	_ =	shalt  }
0x74: {  	_ =	shalt  }
0x75: {  	_ =	shalt  }
0x76: {  	_ =	shalt  }
0x77: {  	_ =	shalt  }
0x78: {  	_ =	shalt  }
0x79: {  	_ =	shalt  }
0x7a: {  	_ =	shalt  }
0x7b: {  	_ =	shalt  }
0x7c: {  	_ =	shalt  }
0x7d: {  	_ =	shalt  }
0x7e: {  	_ =	shalt  }
0x7f: {  	_ =	shalt  }
0x80: {  	_ =	shalt  }
0x81: {  	_ =	shalt  }
0x82: {  	_ =	shalt  }
0x83: {  	_ =	shalt  }
0x84: {  	_ =	shalt  }
0x85: {  	_ =	shalt  }
0x86: {  	_ =	shalt  }
0x87: {  	_ =	shalt  }
.Lfunc_end0:
.L_simem_size_0:
called_computation_lowered:
.L_overlay_start_0:
0x88: {  	s2 =	sld [smem:$0x3FD9]  }
0x89: {  	s3 =	sld [smem:$0x3FFE];
	_ =	sdelay $0x1  }
0x8a: {  	s1 =	srdreg.scid  }
0x8b: {  	s0 =	sand.u32 $0x1, s1  }
0x8c: {  	s14 =	sshll.u32 s0, $0xA;
	s2 =	sadd.s32 s3, s2  }
0x8d: {  	s2 =	sadd.s32 s2, s14  }
0x8e: {  	[smem:$0x3FC5] =	sst s2  }
0x8f: {  	_ = 	snop  }
0x90: {  	s2 =	sld [smem:$0x3FD0];
	_ =	sdelay $0x2  }
0x91: {  	s15 =	simm.s32 $0xA;
	s4 =	simm.s32 $0x10  }
0x92: {  	[smem:s4], [sflag:s15] =	dma.local [hbm:s2], $0x1  }
0x93: {  	_ =	swait.eq [sflag:s15], $0x1  }
0x94: {  	[sflag:s15] =	ssyncset.done $0x0  }
0x95: {  	[sflag:s15] =	ssyncadd.s32 $0xFFFFFFFF  }
0x96: {  	s16 =	sld [smem:$0x10];
	(tm) =	ssettm $0x1  }
0x97: {  	s17 =	sld [smem:$0x3FFB];
	_ =	sdelay $0x3  }
0x98: {  	_ =	strace s17  }
0x99: {  	s3 =	sld [smem:$0x3FFC];
	_ =	sdelay $0x3  }
0x9a: {  	_ =	strace s3  }
0x9b: {  	s3 =	sld [smem:$0x3FFD];
	_ =	sdelay $0x3  }
0x9c: {  	_ =	strace s3  }
0x9d: {  	_ =	strace $0x8FFFFFFF  }
0x9e: {  	s18 =	sld [smem:$0x3FDB];
	_ =	sdelay $0x1  }
0x9f: {  	s19 =	simm.s32 $_scs_section_size  }
0xa0: {  	s5 =	simm.s32 $_size__tile_overlayer_lowered;
	s6 =	simm.s32 $_tile_overlayer_lowered  }
0xa1: {  	s22 =	simm.s32 $0x1BFF;
	s21 =	sshll.u32 s6, $0x1;
	s3 =	sadd.s32 s19, s18  }
0xa2: {  	s7 =	simm.s32 $0x0;
	s20 =	sshll.u32 s5, $0x1;
	s5 =	sadd.s32 s21, s3  }
0xa3: {  	[timem:s7], [sflag:s22] =	dma.local [hbm:s5], s20  }
0xa4: {  	_ =	swait.ge [sflag:s22], s20  }
0xa5: {  	s4 =	ssub.s32 $0x0, s20;
	[sflag:s22] =	ssyncset.done $0x0  }
0xa6: {  	[sflag:s22] =	ssyncadd.s32 s4;
	_ =	sdelay $0x1  }
0xa7: {  	s23 =	simm.s32 $0x1B8B  }
0xa8: {  	_ =	swait.ge [sflag:s23], $0x1  }
0xa9: {  	[sflag:s23] =	ssyncset.done $0x0  }
0xaa: {  	s25 =	simm.s32 $0x1B8E;
	s24 =	sld [smem:$0x3FFE];
	[sflag:s23] =	ssyncadd.s32 $0xFFFFFFFF  }
0xab: {  	s26 =	simm.s32 $execute0_lowered;
	[smem:$0x3FD2] =	sst s25  }
0xac: {  	s5 =	sshll.u32 s26, $0x1;
	_ =	strace $0x80000046;
	[dreg:$0x1] =	wrdreg $0xFFFFFFFF  }
0xad: {  	s28 =	simm.s32 $_size_execute0_lowered;
	s3 =	sadd.s32 s3, s5;
	[dreg:$0x0] =	wrdreg $0x0  }
0xae: {  	s5 =	sshll.u32 s28, $0x1;
	[dreg:$0x2] =	wrdreg s3  }
0xaf: {  	[dreg:$0x3] =	wrdreg s5  }
0xb0: {  	[dreg:$0x4] =	wrdreg $0xC0  }
0xb1: {  	_ =	task [dreg:s7], $0x5FFFF  }
0xb2: {  	[dreg:$0x1] =	wrdreg $0xFFFFFFFF  }
0xb3: {  	[dreg:$0x0] =	wrdreg $0x60  }
0xb4: {  	[dreg:$0x2] =	wrdreg s24  }
0xb5: {  	[dreg:$0x3] =	wrdreg s16  }
0xb6: {  	[dreg:$0x4] =	wrdreg $0x9  }
0xb7: {  	_ =	task.clear_ibuf [dreg:s7], $0x5FFFF;
	_ =	strace $0x90000046  }
0xb8: {  	s29 =	simm.s32 $0x9;
	_ =	strace $0x80000048  }
0xb9: {  	_ =	swait.ge [sflag:s29], $0x1  }
0xba: {  	[sflag:s29] =	ssyncadd.s32 $0xFFFFFFFF  }
0xbb: {  	_ =	strace $0x90000048  }
0xbc: {  	_ =	sfence  }
0xbd: {  	s30 =	sld [smem:$0x0];
	_ =	sdelay $0x2  }
0xbe: {  	s31 =	sshll.u32 s1, $0xD;
	s1 =	sshrl.u32 s1, $0x2  }
0xbf: {  	s3 =	sand.u32 $0x4000, s31;
	s1 =	sadd.s32 s1, s30  }
0xc0: {  	s0 =	sor.u32 s3, s0;
	s1 =	sshll.u32 s1, $0x11  }
0xc1: {  	s0 =	sor.u32 s1, s0  }
0xc2: {  	s0 =	sadd.s32 $0x8F2B, s0  }
0xc3: {  	[sflag:s0] =	ssyncadd.remote.s32 $0x1  }
0xc4: {  	_ =	sfence.sel $0xFFFF  }
0xc5: {  	[dreg:$0x0] =	wrdreg $0xFFFFFFFF;
	(pc) =	sbr.abs _section_cstart, $3  }
0xc6: {  	[dreg:$0x1] =	wrdreg $0xFFFFFFFF  }
0xc7: {  	_ =	task.clear_ibuf [dreg:s7], $0x2FFFF;
	_ =	strace $0x9FFFFFFF  }
0xc8: {  	(tm) =	ssettm $0x7FFFFFFF  }
0xc9: {  	_ =	shalt  }
tec
execute0_lowered:
.L_overlay_start_1:
0x0: {  	(tag) =	ssettag $0x1  }
0x1: {  	s0 =	rddreg [dreg:$0x0]  }
0x2: {  	s1 =	rddreg [dreg:$0x1]  }
0x3: {  	s3 =	simm.s32 $0x0;
	s2 =	srdreg.scid;
	s5 =	stileid.u32  }
0x4: {  	s16 =	simm.s32 $0x28;
	s28 =	simm.s32 $0x580;
	s29 =	simm.s32 $0x16F80  }
0x5: {  	s30 =	simm.s32 $0x1;
	s31 =	simm.s32 $0x5;
	s17 =	simm.s32 $0x0  }
0x6: {  	[smem:$0x7FF] =	sst s3;
	s4 =	sadd.s32 $0x1800, s0;
	s2 =	sand.u32 $0x1, s2  }
0x7: {  	s7 =	sshll.u32 s5, $0x1;
	s5 =	sadd.s32 $0x7C00, s0;
	s6 =	sadd.s32 $0xE000, s0  }
0x8: {  	s8 =	sadd.s32 $0x1600, s0;
	s10 =	sadd.s32 $0x30C00, s0;
	s11 =	sor.u32 s2, s7  }
0x9: {  	_ =	strace $0x80000047;
	s2 =	ssub.s32 $0x2, s2;
	s9 =	smul.u32 $0x1900, s11  }
0xa: {  	s12 =	sshll.u32 s11, $0x1;
	s13 =	sshrl.u32 s2, $0x1;
	s11 =	smul.u32 $0x640000, s11  }
0xb: {  	s7 =	sadd.s32 $0x12000, s0;
	s0 =	sadd.s32 s12, s0;
	s2 =	ssub.s32 s2, s13  }
0xc: {  	s14 =	sshrl.u32 s9, $0x3;
	s11 =	sshrl.u32 s11, $0x3;
	s0 =	sadd.s32 $0x30A00, s0  }
0xd: {  	s15 =	sor.u32 $0x28, s9;
	s26 =	smax.u32 s2, $0x1;
	[dreg:$0x9] =	wrdreg s0  }
0xe: {  	s2 =	simm.s32 $0x2;
	s21 =	sadd.s32 s4, s14;
	[dreg:$0xa] =	wrdreg s26  }
0xf: {  	s22 =	sadd.s32 s5, s14;
	s23 =	sor.u32 $0x5, s14;
	[dreg:$0x3] =	wrdreg s21  }
0x10: {  	s11 =	sadd.s32 s10, s11;
	[dreg:$0x4] =	wrdreg s22;
	s24 =	sadd.s32 s4, s23  }
0x11: {  	s14 =	simm.s32 $0x7;
	s12 =	sadd.s32 s5, s23;
	[dreg:$0x5] =	wrdreg s24  }
0x12: {  	s26 =	simm.s32 $0x16E80;
	s25 =	sadd.s32 $0xC5800, s11;
	[dreg:$0x6] =	wrdreg s12  }
0x13: {  	v3 =	vlaneseq.u32;
	s0 =	simm.s32 $0x3;
	s11 =	sadd.s32 $0xC6C00, s11;
	[dreg:$0x7] =	wrdreg s25  }
0x14: {  	v0 =	vimm.f32 $0.0e+00;
	vm0 =	vmmov $0xff;
	v2 =	vshrl.u32 v3, $0x3;
	s22 =	simm.s32 $0x600;
	s21 =	simm.s32 $0x80;
	[dreg:$0x8] =	wrdreg s11  }
0x15: {  	v1 =	vand.u32 $0x7, v3;
	v3 =	vor.u32 $0x8, v3;
	v2 =	vmul.u32 $0x8, v2;
	s24 =	simm.s32 $0xA600;
	s11 =	simm.s32 $0x6;
	s12 =	simm.s32 $0x4  }
.LBB2_1:
0x16: {  	[dreg:$0xb] =	wrdreg s17  }
0x17: {  	[tilespmem:$0x17000] =	vst v0;
	s13 =	rddreg [dreg:$0x3]  }
0x18: {  	[tilespmem:s3], [sflag:$0x7] =	stream.linear.gather [hbm4b:s13+s3], $0x28, $0x38;
	[tilespmem:$0x17080] =	vst v63  }
0x19: {  	_ =	swait.ge [sflag:s14], $0x28  }
0x1a: {  	[sflag:s14] =	ssyncset.done $0x0  }
0x1b: {  	s25 =	simm.s32 $0x100;
	s23 =	rddreg [dreg:$0x4];
	[sflag:s14] =	ssyncadd.s32 $0xFFFFFFD8  }
0x1c: {  	[tilespmem:s25], [sflag:$0x7] =	stream.linear.gather [hbm4b:s23+s3], $0x28, $0x38;
	[tilespmem:$0x17080] =	vst v63  }
0x1d: {  	_ =	swait.ge [sflag:s14], $0x28  }
0x1e: {  	[sflag:s14] =	ssyncset.done $0x0  }
0x1f: {  	[sflag:s14] =	ssyncadd.s32 $0xFFFFFFD8  }
0x20: {  	v4 =	vld [tilespmem:$0x0]  }
0x21: {  	v5 =	vld [tilespmem:$0x10]  }
0x22: {  	v6 =	vld [tilespmem:$0x18]  }
0x23: {  	v7 =	vld [tilespmem:$0x0]  }
0x24: {  	v8 =	vld [tilespmem:$0x10]  }
0x25: {  	v9 =	vld [tilespmem:$0x18]  }
0x26: {  	v10 =	vld [tilespmem:$0x0]  }
0x27: {  	v11 =	vld [tilespmem:$0x10]  }
0x28: {  	v12 =	vld [tilespmem:$0x18]  }
0x29: {  	v13 =	vld [tilespmem:$0x0];
	v4 =	vshll.u32 v4, $0x3  }
0x2a: {  	v48 =	vld [tilespmem:$0x18];
	[tilespmem:$0x200] =	vst v4;
	v4 =	vshll.u32 v5, $0x3  }
0x2b: {  	v50 =	vld [tilespmem:$0x0];
	v47 =	vshll.u32 v7, $0x3;
	[tilespmem:$0x210] =	vst v4;
	v4 =	vshll.u32 v6, $0x3  }
0x2c: {  	v52 =	vld [tilespmem:$0x10];
	v49 =	vshll.u32 v8, $0x3;
	[tilespmem:$0x218] =	vst v4;
	v4 =	vor.u32 $0x1, v47  }
0x2d: {  	v51 =	vshll.u32 v9, $0x3;
	v5 =	vld [tilespmem:$0x10];
	[tilespmem:$0x228] =	vst v4;
	v4 =	vor.u32 $0x1, v49  }
0x2e: {  	v54 =	vld [tilespmem:$0x18];
	v53 =	vshll.u32 v10, $0x3;
	[tilespmem:$0x238] =	vst v4;
	v4 =	vor.u32 $0x1, v51  }
0x2f: {  	v56 =	vld [tilespmem:$0x0];
	v55 =	vshll.u32 v11, $0x3;
	[tilespmem:$0x240] =	vst v4;
	v4 =	vor.u32 $0x2, v53  }
0x30: {  	v58 =	vld [tilespmem:$0x10];
	v57 =	vshll.u32 v12, $0x3;
	[tilespmem:$0x250] =	vst v4;
	v4 =	vor.u32 $0x2, v55  }
0x31: {  	v60 =	vld [tilespmem:$0x18];
	v59 =	vshll.u32 v13, $0x3;
	[tilespmem:$0x260] =	vst v4;
	v4 =	vor.u32 $0x2, v57  }
0x32: {  	v61 =	vld [tilespmem:$0x0];
	v5 =	vshll.u32 v5, $0x3;
	[tilespmem:$0x268] =	vst v4;
	v4 =	vor.u32 $0x3, v59  }
0x33: {  	v62 =	vld [tilespmem:$0x10];
	[tilespmem:$0x278] =	vst v4;
	v4 =	vor.u32 $0x3, v5;
	v5 =	vshll.u32 v48, $0x3  }
0x34: {  	v63 =	vld [tilespmem:$0x18];
	[tilespmem:$0x288] =	vst v4;
	v4 =	vor.u32 $0x3, v5;
	v5 =	vshll.u32 v50, $0x3  }
0x35: {  	v16 =	vld [tilespmem:$0x0];
	[tilespmem:$0x290] =	vst v4;
	v4 =	vor.u32 $0x4, v5;
	v5 =	vshll.u32 v52, $0x3  }
0x36: {  	v17 =	vld [tilespmem:$0x200];
	[tilespmem:$0x2A0] =	vst v4;
	v4 =	vor.u32 $0x4, v5;
	v5 =	vshll.u32 v54, $0x3  }
0x37: {  	v18 =	vld [tilespmem:$0x100];
	[tilespmem:$0x2B0] =	vst v4;
	v4 =	vor.u32 $0x4, v5;
	v5 =	vshll.u32 v56, $0x3  }
0x38: {  	v19 =	vld [tilespmem:$0x10];
	[tilespmem:$0x2B8] =	vst v4;
	v4 =	vor.u32 $0x5, v5;
	v5 =	vshll.u32 v58, $0x3  }
0x39: {  	v20 =	vld [tilespmem:$0x18];
	[tilespmem:$0x2C8] =	vst v4;
	v4 =	vor.u32 $0x5, v5;
	v5 =	vshll.u32 v60, $0x3  }
0x3a: {  	v21 =	vld [tilespmem:$0x110];
	v22 =	vshll.u32 v63, $0x3;
	v6 =	vshll.u32 v61, $0x3;
	[tilespmem:$0x2D8] =	vst v4;
	v4 =	vor.u32 $0x5, v5  }
0x3b: {  	v23 =	vld [tilespmem:$0x118];
	v14 =	vperm.xlane v17, v1;
	v5 =	vor.u32 $0x6, v6;
	[tilespmem:$0x2E0] =	vst v4;
	v4 =	vshll.u32 v62, $0x3  }
0x3c: {  	v24 =	vmul.u32 $0x3E8, v16;
	v10 =	vperm.xlane v17, v3;
	[tilespmem:$0x2F0] =	vst v5;
	v4 =	vor.u32 $0x6, v4  }
0x3d: {  	v25 =	vadd.s32 v2, v14;
	v5 =	vor.u32 $0x6, v22;
	[tilespmem:$0x300] =	vst v4;
	v4 =	vmul.u32 $0x3E8, v19  }
0x3e: {  	v26 =	vmul.u32 $0x3E8, v20;
	[tilespmem:$0x308] =	vst v5;
	v5 =	vadd.s32 v18, v24  }
0x3f: {  	[tilespmem:$0x500] =	vst v5;
	v4 =	vadd.s32 v21, v4;
	v5 =	vadd.s32 v2, v10  }
0x40: {  	[tilespmem:$0x510] =	vst v4;
	v4 =	vadd.s32 v23, v26  }
0x41: {  	[tilespmem:$0x518] =	vst v4  }
0x42: {  	[tilespmem:s22], [sflag:$0x1] =	stream.indirect_vreg.gather [hbm4b:s1+s3], $0x80, v25, vm0, $0xb8;
	[tilespmem:$0x17080] =	vst v63  }
0x43: {  	s18 =	simm.s32 $0x2600  }
0x44: {  	[tilespmem:s18], [sflag:$0x1] =	stream.indirect_vreg.gather [hbm4b:s1+s3], $0x80, v5, vm0, $0xb8;
	[tilespmem:$0x17080] =	vst v63  }
0x45: {  	v4 =	vld [tilespmem:$0x210];
	_ =	sdelay $0x4  }
0x46: {  	v5 =	vperm.xlane v4, v1;
	_ =	sdelay $0x1  }
0x47: {  	v4 =	vperm.xlane v4, v3;
	v5 =	vadd.s32 v2, v5;
	_ =	sdelay $0x1  }
0x48: {  	v4 =	vadd.s32 v2, v4;
	_ =	sdelay $0x1  }
0x49: {  	s19 =	simm.s32 $0x4600  }
0x4a: {  	[tilespmem:s19], [sflag:$0x1] =	stream.indirect_vreg.gather [hbm4b:s1+s3], $0x80, v5, vm0, $0xb8;
	[tilespmem:$0x17080] =	vst v63  }
0x4b: {  	s20 =	simm.s32 $0x6600  }
0x4c: {  	[tilespmem:s20], [sflag:$0x1] =	stream.indirect_vreg.gather [hbm4b:s1+s3], $0x80, v4, vm0, $0xb8;
	[tilespmem:$0x17080] =	vst v63  }
0x4d: {  	v4 =	vld.msk [tilespmem:$0x220], $0xff;
	_ =	sdelay $0x4  }
0x4e: {  	v4 =	vperm.xlane v4, v1;
	_ =	sdelay $0x1  }
0x4f: {  	v4 =	vadd.s32 v2, v4;
	_ =	sdelay $0x3  }
0x50: {  	s23 =	simm.s32 $0x8600  }
0x51: {  	[tilespmem:s23], [sflag:$0x1] =	stream.indirect_vreg.gather [hbm4b:s1+s3], $0x80, v4, vm0, $0xb8;
	[tilespmem:$0x17080] =	vst v63  }
0x52: {  	v4 =	vld [tilespmem:$0x228];
	_ =	sdelay $0x4  }
0x53: {  	v5 =	vperm.xlane v4, v1;
	_ =	sdelay $0x1  }
0x54: {  	v4 =	vperm.xlane v4, v3;
	v5 =	vadd.s32 v2, v5;
	_ =	sdelay $0x1  }
0x55: {  	v4 =	vadd.s32 v2, v4;
	_ =	sdelay $0x1  }
0x56: {  	s25 =	simm.s32 $0xA00  }
0x57: {  	[tilespmem:s25], [sflag:$0x1] =	stream.indirect_vreg.gather [hbm4b:s1+s3], $0x80, v5, vm0, $0xb8;
	[tilespmem:$0x17080] =	vst v63  }
0x58: {  	s17 =	simm.s32 $0x2A00  }
0x59: {  	[tilespmem:s17], [sflag:$0x1] =	stream.indirect_vreg.gather [hbm4b:s1+s3], $0x80, v4, vm0, $0xb8;
	[tilespmem:$0x17080] =	vst v63  }
0x5a: {  	v4 =	vld [tilespmem:$0x238];
	_ =	sdelay $0x4  }
0x5b: {  	v5 =	vperm.xlane v4, v1;
	_ =	sdelay $0x1  }
0x5c: {  	v4 =	vperm.xlane v4, v3;
	v5 =	vadd.s32 v2, v5;
	_ =	sdelay $0x1  }
0x5d: {  	v4 =	vadd.s32 v2, v4;
	_ =	sdelay $0x1  }
0x5e: {  	s18 =	simm.s32 $0x4A00  }
0x5f: {  	[tilespmem:s18], [sflag:$0x1] =	stream.indirect_vreg.gather [hbm4b:s1+s3], $0x80, v5, vm0, $0xb8;
	[tilespmem:$0x17080] =	vst v63  }
0x60: {  	s19 =	simm.s32 $0x6A00  }
0x61: {  	[tilespmem:s19], [sflag:$0x1] =	stream.indirect_vreg.gather [hbm4b:s1+s3], $0x80, v4, vm0, $0xb8;
	[tilespmem:$0x17080] =	vst v63  }
0x62: {  	v4 =	vld.msk [tilespmem:$0x248], $0xff;
	_ =	sdelay $0x4  }
0x63: {  	v4 =	vperm.xlane v4, v1;
	_ =	sdelay $0x1  }
0x64: {  	v4 =	vadd.s32 v2, v4;
	_ =	sdelay $0x3  }
0x65: {  	s20 =	simm.s32 $0x8A00  }
0x66: {  	[tilespmem:s20], [sflag:$0x1] =	stream.indirect_vreg.gather [hbm4b:s1+s3], $0x80, v4, vm0, $0xb8;
	[tilespmem:$0x17080] =	vst v63  }
0x67: {  	v4 =	vld [tilespmem:$0x250];
	_ =	sdelay $0x4  }
0x68: {  	v5 =	vperm.xlane v4, v1;
	_ =	sdelay $0x1  }
0x69: {  	v4 =	vperm.xlane v4, v3;
	v5 =	vadd.s32 v2, v5;
	_ =	sdelay $0x1  }
0x6a: {  	v4 =	vadd.s32 v2, v4;
	_ =	sdelay $0x1  }
0x6b: {  	s23 =	simm.s32 $0xE00  }
0x6c: {  	[tilespmem:s23], [sflag:$0x1] =	stream.indirect_vreg.gather [hbm4b:s1+s3], $0x80, v5, vm0, $0xb8;
	[tilespmem:$0x17080] =	vst v63  }
0x6d: {  	s25 =	simm.s32 $0x2E00  }
0x6e: {  	[tilespmem:s25], [sflag:$0x1] =	stream.indirect_vreg.gather [hbm4b:s1+s3], $0x80, v4, vm0, $0xb8;
	[tilespmem:$0x17080] =	vst v63  }
0x6f: {  	v4 =	vld [tilespmem:$0x260];
	_ =	sdelay $0x4  }
0x70: {  	v5 =	vperm.xlane v4, v1;
	_ =	sdelay $0x1  }
0x71: {  	v4 =	vperm.xlane v4, v3;
	v5 =	vadd.s32 v2, v5;
	_ =	sdelay $0x1  }
0x72: {  	v4 =	vadd.s32 v2, v4;
	_ =	sdelay $0x1  }
0x73: {  	s17 =	simm.s32 $0x4E00  }
0x74: {  	[tilespmem:s17], [sflag:$0x1] =	stream.indirect_vreg.gather [hbm4b:s1+s3], $0x80, v5, vm0, $0xb8;
	[tilespmem:$0x17080] =	vst v63  }
0x75: {  	s18 =	simm.s32 $0x6E00  }
0x76: {  	[tilespmem:s18], [sflag:$0x1] =	stream.indirect_vreg.gather [hbm4b:s1+s3], $0x80, v4, vm0, $0xb8;
	[tilespmem:$0x17080] =	vst v63  }
0x77: {  	v4 =	vld.msk [tilespmem:$0x270], $0xff;
	_ =	sdelay $0x4  }
0x78: {  	v4 =	vperm.xlane v4, v1;
	_ =	sdelay $0x1  }
0x79: {  	v4 =	vadd.s32 v2, v4;
	_ =	sdelay $0x3  }
0x7a: {  	s19 =	simm.s32 $0x8E00  }
0x7b: {  	[tilespmem:s19], [sflag:$0x1] =	stream.indirect_vreg.gather [hbm4b:s1+s3], $0x80, v4, vm0, $0xb8;
	[tilespmem:$0x17080] =	vst v63  }
0x7c: {  	v4 =	vld [tilespmem:$0x278];
	_ =	sdelay $0x4  }
0x7d: {  	v5 =	vperm.xlane v4, v1;
	_ =	sdelay $0x1  }
0x7e: {  	v4 =	vperm.xlane v4, v3;
	v5 =	vadd.s32 v2, v5;
	_ =	sdelay $0x1  }
0x7f: {  	v4 =	vadd.s32 v2, v4;
	_ =	sdelay $0x1  }
0x80: {  	s20 =	simm.s32 $0x1200  }
0x81: {  	[tilespmem:s20], [sflag:$0x1] =	stream.indirect_vreg.gather [hbm4b:s1+s3], $0x80, v5, vm0, $0xb8;
	[tilespmem:$0x17080] =	vst v63  }
0x82: {  	s23 =	simm.s32 $0x3200  }
0x83: {  	[tilespmem:s23], [sflag:$0x1] =	stream.indirect_vreg.gather [hbm4b:s1+s3], $0x80, v4, vm0, $0xb8;
	[tilespmem:$0x17080] =	vst v63  }
0x84: {  	v4 =	vld [tilespmem:$0x288];
	_ =	sdelay $0x4  }
0x85: {  	v5 =	vperm.xlane v4, v1;
	_ =	sdelay $0x1  }
0x86: {  	v4 =	vperm.xlane v4, v3;
	v5 =	vadd.s32 v2, v5;
	_ =	sdelay $0x1  }
0x87: {  	v4 =	vadd.s32 v2, v4;
	_ =	sdelay $0x1  }
0x88: {  	s25 =	simm.s32 $0x5200  }
0x89: {  	[tilespmem:s25], [sflag:$0x1] =	stream.indirect_vreg.gather [hbm4b:s1+s3], $0x80, v5, vm0, $0xb8;
	[tilespmem:$0x17080] =	vst v63  }
0x8a: {  	s17 =	simm.s32 $0x7200  }
0x8b: {  	[tilespmem:s17], [sflag:$0x1] =	stream.indirect_vreg.gather [hbm4b:s1+s3], $0x80, v4, vm0, $0xb8;
	[tilespmem:$0x17080] =	vst v63  }
0x8c: {  	v4 =	vld.msk [tilespmem:$0x298], $0xff;
	_ =	sdelay $0x4  }
0x8d: {  	v4 =	vperm.xlane v4, v1;
	_ =	sdelay $0x1  }
0x8e: {  	v4 =	vadd.s32 v2, v4;
	_ =	sdelay $0x3  }
0x8f: {  	s18 =	simm.s32 $0x9200  }
0x90: {  	[tilespmem:s18], [sflag:$0x1] =	stream.indirect_vreg.gather [hbm4b:s1+s3], $0x80, v4, vm0, $0xb8;
	[tilespmem:$0x17080] =	vst v63  }
0x91: {  	v4 =	vld [tilespmem:$0x2A0];
	_ =	sdelay $0x4  }
0x92: {  	v5 =	vperm.xlane v4, v1;
	_ =	sdelay $0x1  }
0x93: {  	v4 =	vperm.xlane v4, v3;
	v5 =	vadd.s32 v2, v5;
	_ =	sdelay $0x1  }
0x94: {  	v4 =	vadd.s32 v2, v4;
	_ =	sdelay $0x1  }
0x95: {  	s19 =	simm.s32 $0x1600  }
0x96: {  	[tilespmem:s19], [sflag:$0x1] =	stream.indirect_vreg.gather [hbm4b:s1+s3], $0x80, v5, vm0, $0xb8;
	[tilespmem:$0x17080] =	vst v63  }
0x97: {  	s20 =	simm.s32 $0x3600  }
0x98: {  	[tilespmem:s20], [sflag:$0x1] =	stream.indirect_vreg.gather [hbm4b:s1+s3], $0x80, v4, vm0, $0xb8;
	[tilespmem:$0x17080] =	vst v63  }
0x99: {  	v4 =	vld [tilespmem:$0x2B0];
	_ =	sdelay $0x4  }
0x9a: {  	v5 =	vperm.xlane v4, v1;
	_ =	sdelay $0x1  }
0x9b: {  	v4 =	vperm.xlane v4, v3;
	v5 =	vadd.s32 v2, v5;
	_ =	sdelay $0x1  }
0x9c: {  	v4 =	vadd.s32 v2, v4;
	_ =	sdelay $0x1  }
0x9d: {  	s23 =	simm.s32 $0x5600  }
0x9e: {  	[tilespmem:s23], [sflag:$0x1] =	stream.indirect_vreg.gather [hbm4b:s1+s3], $0x80, v5, vm0, $0xb8;
	[tilespmem:$0x17080] =	vst v63  }
0x9f: {  	s25 =	simm.s32 $0x7600  }
0xa0: {  	[tilespmem:s25], [sflag:$0x1] =	stream.indirect_vreg.gather [hbm4b:s1+s3], $0x80, v4, vm0, $0xb8;
	[tilespmem:$0x17080] =	vst v63  }
0xa1: {  	v4 =	vld.msk [tilespmem:$0x2C0], $0xff;
	_ =	sdelay $0x4  }
0xa2: {  	v4 =	vperm.xlane v4, v1;
	_ =	sdelay $0x1  }
0xa3: {  	v4 =	vadd.s32 v2, v4;
	_ =	sdelay $0x3  }
0xa4: {  	s17 =	simm.s32 $0x9600  }
0xa5: {  	[tilespmem:s17], [sflag:$0x1] =	stream.indirect_vreg.gather [hbm4b:s1+s3], $0x80, v4, vm0, $0xb8;
	[tilespmem:$0x17080] =	vst v63  }
0xa6: {  	v4 =	vld [tilespmem:$0x2C8];
	_ =	sdelay $0x4  }
0xa7: {  	v5 =	vperm.xlane v4, v1;
	_ =	sdelay $0x1  }
0xa8: {  	v4 =	vperm.xlane v4, v3;
	v5 =	vadd.s32 v2, v5;
	_ =	sdelay $0x1  }
0xa9: {  	v4 =	vadd.s32 v2, v4;
	_ =	sdelay $0x1  }
0xaa: {  	s18 =	simm.s32 $0x1A00  }
0xab: {  	[tilespmem:s18], [sflag:$0x1] =	stream.indirect_vreg.gather [hbm4b:s1+s3], $0x80, v5, vm0, $0xb8;
	[tilespmem:$0x17080] =	vst v63  }
0xac: {  	s19 =	simm.s32 $0x3A00  }
0xad: {  	[tilespmem:s19], [sflag:$0x1] =	stream.indirect_vreg.gather [hbm4b:s1+s3], $0x80, v4, vm0, $0xb8;
	[tilespmem:$0x17080] =	vst v63  }
0xae: {  	v4 =	vld [tilespmem:$0x2D8];
	_ =	sdelay $0x4  }
0xaf: {  	v5 =	vperm.xlane v4, v1;
	_ =	sdelay $0x1  }
0xb0: {  	v4 =	vperm.xlane v4, v3;
	v5 =	vadd.s32 v2, v5;
	_ =	sdelay $0x1  }
0xb1: {  	v4 =	vadd.s32 v2, v4;
	_ =	sdelay $0x1  }
0xb2: {  	s20 =	simm.s32 $0x5A00  }
0xb3: {  	[tilespmem:s20], [sflag:$0x1] =	stream.indirect_vreg.gather [hbm4b:s1+s3], $0x80, v5, vm0, $0xb8;
	[tilespmem:$0x17080] =	vst v63  }
0xb4: {  	s23 =	simm.s32 $0x7A00  }
0xb5: {  	[tilespmem:s23], [sflag:$0x1] =	stream.indirect_vreg.gather [hbm4b:s1+s3], $0x80, v4, vm0, $0xb8;
	[tilespmem:$0x17080] =	vst v63  }
0xb6: {  	v4 =	vld.msk [tilespmem:$0x2E8], $0xff;
	_ =	sdelay $0x4  }
0xb7: {  	v4 =	vperm.xlane v4, v1;
	_ =	sdelay $0x1  }
0xb8: {  	v4 =	vadd.s32 v2, v4;
	_ =	sdelay $0x3  }
0xb9: {  	s25 =	simm.s32 $0x9A00  }
0xba: {  	[tilespmem:s25], [sflag:$0x1] =	stream.indirect_vreg.gather [hbm4b:s1+s3], $0x80, v4, vm0, $0xb8;
	[tilespmem:$0x17080] =	vst v63  }
0xbb: {  	v4 =	vld [tilespmem:$0x2F0];
	_ =	sdelay $0x4  }
0xbc: {  	v5 =	vperm.xlane v4, v1;
	_ =	sdelay $0x1  }
0xbd: {  	v4 =	vperm.xlane v4, v3;
	v5 =	vadd.s32 v2, v5;
	_ =	sdelay $0x1  }
0xbe: {  	v4 =	vadd.s32 v2, v4;
	_ =	sdelay $0x1  }
0xbf: {  	s17 =	simm.s32 $0x1E00  }
0xc0: {  	[tilespmem:s17], [sflag:$0x1] =	stream.indirect_vreg.gather [hbm4b:s1+s3], $0x80, v5, vm0, $0xb8;
	[tilespmem:$0x17080] =	vst v63  }
0xc1: {  	s18 =	simm.s32 $0x3E00  }
0xc2: {  	[tilespmem:s18], [sflag:$0x1] =	stream.indirect_vreg.gather [hbm4b:s1+s3], $0x80, v4, vm0, $0xb8;
	[tilespmem:$0x17080] =	vst v63  }
0xc3: {  	v4 =	vld [tilespmem:$0x300];
	_ =	sdelay $0x4  }
0xc4: {  	v5 =	vperm.xlane v4, v1;
	_ =	sdelay $0x1  }
0xc5: {  	v4 =	vperm.xlane v4, v3;
	v5 =	vadd.s32 v2, v5;
	_ =	sdelay $0x1  }
0xc6: {  	v4 =	vadd.s32 v2, v4;
	_ =	sdelay $0x1  }
0xc7: {  	s19 =	simm.s32 $0x5E00  }
0xc8: {  	[tilespmem:s19], [sflag:$0x1] =	stream.indirect_vreg.gather [hbm4b:s1+s3], $0x80, v5, vm0, $0xb8;
	[tilespmem:$0x17080] =	vst v63  }
0xc9: {  	s20 =	simm.s32 $0x7E00  }
0xca: {  	[tilespmem:s20], [sflag:$0x1] =	stream.indirect_vreg.gather [hbm4b:s1+s3], $0x80, v4, vm0, $0xb8;
	[tilespmem:$0x17080] =	vst v63  }
0xcb: {  	v4 =	vld.msk [tilespmem:$0x310], $0xff;
	_ =	sdelay $0x4  }
0xcc: {  	v4 =	vperm.xlane v4, v1;
	_ =	sdelay $0x1  }
0xcd: {  	v4 =	vadd.s32 v2, v4;
	_ =	sdelay $0x3  }
0xce: {  	s23 =	simm.s32 $0x9E00  }
0xcf: {  	[tilespmem:s23], [sflag:$0x1] =	stream.indirect_vreg.gather [hbm4b:s1+s3], $0x80, v4, vm0, $0xb8;
	[tilespmem:$0x17080] =	vst v63  }
0xd0: {  	s25 =	simm.s32 $0x14600  }
0xd1: {  	[tilespmem:s25], [sflag:$0x1] =	stream.indirect.gather [hbm4b:s6+s16], $0x80, s3, s16, $0xb8;
	[tilespmem:$0x17080] =	vst v63  }
0xd2: {  	s17 =	simm.s32 $0x16E00  }
0xd3: {  	[tilespmem:s17], [sflag:$0x1] =	stream.indirect.gather [hbm4b:s8+s16], $0x1, s3, s16, $0xb8;
	[tilespmem:$0x17080] =	vst v63  }
0xd4: {  	s18 =	simm.s32 $0x500;
	s19 =	simm.s32 $0x16F00  }
0xd5: {  	[tilespmem:s19], [sflag:$0x1] =	stream.indirect.gather [hbm4b:s7+s16], $0x1, s18, s16, $0xb8;
	[tilespmem:$0x17080] =	vst v63  }
0xd6: {  	s20 =	rddreg [dreg:$0x5]  }
0xd7: {  	[tilespmem:s21], [sflag:$0x7] =	stream.linear.gather [hbm4b:s20+s3], $0x28, $0x38;
	[tilespmem:$0x17080] =	vst v63  }
0xd8: {  	_ =	swait.ge [sflag:s14], $0x28  }
0xd9: {  	[sflag:s14] =	ssyncset.done $0x0  }
0xda: {  	s25 =	simm.s32 $0x180;
	s23 =	rddreg [dreg:$0x6];
	[sflag:s14] =	ssyncadd.s32 $0xFFFFFFD8  }
0xdb: {  	[tilespmem:s25], [sflag:$0x7] =	stream.linear.gather [hbm4b:s23+s3], $0x28, $0x38;
	[tilespmem:$0x17080] =	vst v63  }
0xdc: {  	_ =	swait.ge [sflag:s14], $0x28  }
0xdd: {  	[sflag:s14] =	ssyncset.done $0x0  }
0xde: {  	[sflag:s14] =	ssyncadd.s32 $0xFFFFFFD8  }
0xdf: {  	v4 =	vld [tilespmem:$0x80]  }
0xe0: {  	v5 =	vld [tilespmem:$0x90]  }
0xe1: {  	v27 =	vld [tilespmem:$0x98]  }
0xe2: {  	v28 =	vld [tilespmem:$0x80]  }
0xe3: {  	v29 =	vld [tilespmem:$0x90]  }
0xe4: {  	v30 =	vld [tilespmem:$0x98]  }
0xe5: {  	v31 =	vld [tilespmem:$0x80]  }
0xe6: {  	v32 =	vld [tilespmem:$0x90]  }
0xe7: {  	v33 =	vld [tilespmem:$0x98]  }
0xe8: {  	v34 =	vld [tilespmem:$0x80];
	v4 =	vshll.u32 v4, $0x3  }
0xe9: {  	v36 =	vld [tilespmem:$0x98];
	[tilespmem:$0x380] =	vst v4;
	v4 =	vshll.u32 v5, $0x3  }
0xea: {  	v38 =	vld [tilespmem:$0x80];
	v35 =	vshll.u32 v28, $0x3;
	[tilespmem:$0x390] =	vst v4;
	v4 =	vshll.u32 v27, $0x3  }
0xeb: {  	v40 =	vld [tilespmem:$0x90];
	v37 =	vshll.u32 v29, $0x3;
	[tilespmem:$0x398] =	vst v4;
	v4 =	vor.u32 $0x1, v35  }
0xec: {  	v39 =	vshll.u32 v30, $0x3;
	v5 =	vld [tilespmem:$0x90];
	[tilespmem:$0x3A8] =	vst v4;
	v4 =	vor.u32 $0x1, v37  }
0xed: {  	v42 =	vld [tilespmem:$0x98];
	v41 =	vshll.u32 v31, $0x3;
	[tilespmem:$0x3B8] =	vst v4;
	v4 =	vor.u32 $0x1, v39  }
0xee: {  	v44 =	vld [tilespmem:$0x80];
	v43 =	vshll.u32 v32, $0x3;
	[tilespmem:$0x3C0] =	vst v4;
	v4 =	vor.u32 $0x2, v41  }
0xef: {  	v46 =	vld [tilespmem:$0x90];
	v45 =	vshll.u32 v33, $0x3;
	[tilespmem:$0x3D0] =	vst v4;
	v4 =	vor.u32 $0x2, v43  }
0xf0: {  	v48 =	vld [tilespmem:$0x98];
	v47 =	vshll.u32 v34, $0x3;
	[tilespmem:$0x3E0] =	vst v4;
	v4 =	vor.u32 $0x2, v45  }
0xf1: {  	v49 =	vld [tilespmem:$0x80];
	v5 =	vshll.u32 v5, $0x3;
	[tilespmem:$0x3E8] =	vst v4;
	v4 =	vor.u32 $0x3, v47  }
0xf2: {  	v50 =	vld [tilespmem:$0x90];
	[tilespmem:$0x3F8] =	vst v4;
	v4 =	vor.u32 $0x3, v5;
	v5 =	vshll.u32 v36, $0x3  }
0xf3: {  	v51 =	vld [tilespmem:$0x98];
	[tilespmem:$0x408] =	vst v4;
	v4 =	vor.u32 $0x3, v5;
	v5 =	vshll.u32 v38, $0x3  }
0xf4: {  	v52 =	vld [tilespmem:$0x80];
	[tilespmem:$0x410] =	vst v4;
	v4 =	vor.u32 $0x4, v5;
	v5 =	vshll.u32 v40, $0x3  }
0xf5: {  	v53 =	vld [tilespmem:$0x380];
	[tilespmem:$0x420] =	vst v4;
	v4 =	vor.u32 $0x4, v5;
	v5 =	vshll.u32 v42, $0x3  }
0xf6: {  	v54 =	vld [tilespmem:$0x180];
	[tilespmem:$0x430] =	vst v4;
	v4 =	vor.u32 $0x4, v5;
	v5 =	vshll.u32 v44, $0x3  }
0xf7: {  	v55 =	vld [tilespmem:$0x90];
	[tilespmem:$0x438] =	vst v4;
	v4 =	vor.u32 $0x5, v5;
	v5 =	vshll.u32 v46, $0x3  }
0xf8: {  	v56 =	vld [tilespmem:$0x98];
	[tilespmem:$0x448] =	vst v4;
	v4 =	vor.u32 $0x5, v5;
	v5 =	vshll.u32 v48, $0x3  }
0xf9: {  	v57 =	vld [tilespmem:$0x190];
	v6 =	vshll.u32 v49, $0x3;
	v58 =	vshll.u32 v51, $0x3;
	[tilespmem:$0x458] =	vst v4;
	v4 =	vor.u32 $0x5, v5  }
0xfa: {  	v59 =	vld [tilespmem:$0x198];
	v60 =	vperm.xlane v53, v1;
	v5 =	vor.u32 $0x6, v6;
	[tilespmem:$0x460] =	vst v4;
	v4 =	vshll.u32 v50, $0x3  }
0xfb: {  	v61 =	vmul.u32 $0x3E8, v52;
	v10 =	vperm.xlane v53, v3;
	[tilespmem:$0x470] =	vst v5;
	v4 =	vor.u32 $0x6, v4  }
0xfc: {  	v62 =	vadd.s32 v2, v60;
	v5 =	vor.u32 $0x6, v58;
	[tilespmem:$0x480] =	vst v4;
	v4 =	vmul.u32 $0x3E8, v55  }
0xfd: {  	v63 =	vmul.u32 $0x3E8, v56;
	[tilespmem:$0x488] =	vst v5;
	v5 =	vadd.s32 v54, v61  }
0xfe: {  	[tilespmem:$0x580] =	vst v5;
	v4 =	vadd.s32 v57, v4;
	v5 =	vadd.s32 v2, v10  }
0xff: {  	[tilespmem:$0x590] =	vst v4;
	v4 =	vadd.s32 v59, v63  }
0x100: {  	[tilespmem:$0x598] =	vst v4  }
0x101: {  	[tilespmem:s24], [sflag:$0x2] =	stream.indirect_vreg.gather [hbm4b:s1+s3], $0x80, v62, vm0, $0xb8;
	[tilespmem:$0x17080] =	vst v63  }
0x102: {  	s14 =	simm.s32 $0xC600  }
0x103: {  	[tilespmem:s14], [sflag:$0x2] =	stream.indirect_vreg.gather [hbm4b:s1+s3], $0x80, v5, vm0, $0xb8;
	[tilespmem:$0x17080] =	vst v63  }
0x104: {  	v4 =	vld [tilespmem:$0x390];
	_ =	sdelay $0x4  }
0x105: {  	v5 =	vperm.xlane v4, v1;
	_ =	sdelay $0x1  }
0x106: {  	v4 =	vperm.xlane v4, v3;
	v5 =	vadd.s32 v2, v5;
	_ =	sdelay $0x1  }
0x107: {  	v4 =	vadd.s32 v2, v4;
	_ =	sdelay $0x1  }
0x108: {  	s17 =	simm.s32 $0xE600  }
0x109: {  	[tilespmem:s17], [sflag:$0x2] =	stream.indirect_vreg.gather [hbm4b:s1+s3], $0x80, v5, vm0, $0xb8;
	[tilespmem:$0x17080] =	vst v63  }
0x10a: {  	s18 =	simm.s32 $0x10600  }
0x10b: {  	[tilespmem:s18], [sflag:$0x2] =	stream.indirect_vreg.gather [hbm4b:s1+s3], $0x80, v4, vm0, $0xb8;
	[tilespmem:$0x17080] =	vst v63  }
0x10c: {  	v4 =	vld.msk [tilespmem:$0x3A0], $0xff;
	_ =	sdelay $0x4  }
0x10d: {  	v4 =	vperm.xlane v4, v1;
	_ =	sdelay $0x1  }
0x10e: {  	v4 =	vadd.s32 v2, v4;
	_ =	sdelay $0x3  }
0x10f: {  	s19 =	simm.s32 $0x12600  }
0x110: {  	[tilespmem:s19], [sflag:$0x2] =	stream.indirect_vreg.gather [hbm4b:s1+s3], $0x80, v4, vm0, $0xb8;
	[tilespmem:$0x17080] =	vst v63  }
0x111: {  	v4 =	vld [tilespmem:$0x3A8];
	_ =	sdelay $0x4  }
0x112: {  	v5 =	vperm.xlane v4, v1;
	_ =	sdelay $0x1  }
0x113: {  	v4 =	vperm.xlane v4, v3;
	v5 =	vadd.s32 v2, v5;
	_ =	sdelay $0x1  }
0x114: {  	v4 =	vadd.s32 v2, v4;
	_ =	sdelay $0x1  }
0x115: {  	s20 =	simm.s32 $0xAA00  }
0x116: {  	[tilespmem:s20], [sflag:$0x2] =	stream.indirect_vreg.gather [hbm4b:s1+s3], $0x80, v5, vm0, $0xb8;
	[tilespmem:$0x17080] =	vst v63  }
0x117: {  	s23 =	simm.s32 $0xCA00  }
0x118: {  	[tilespmem:s23], [sflag:$0x2] =	stream.indirect_vreg.gather [hbm4b:s1+s3], $0x80, v4, vm0, $0xb8;
	[tilespmem:$0x17080] =	vst v63  }
0x119: {  	v4 =	vld [tilespmem:$0x3B8];
	_ =	sdelay $0x4  }
0x11a: {  	v5 =	vperm.xlane v4, v1;
	_ =	sdelay $0x1  }
0x11b: {  	v4 =	vperm.xlane v4, v3;
	v5 =	vadd.s32 v2, v5;
	_ =	sdelay $0x1  }
0x11c: {  	v4 =	vadd.s32 v2, v4;
	_ =	sdelay $0x1  }
0x11d: {  	s25 =	simm.s32 $0xEA00  }
0x11e: {  	[tilespmem:s25], [sflag:$0x2] =	stream.indirect_vreg.gather [hbm4b:s1+s3], $0x80, v5, vm0, $0xb8;
	[tilespmem:$0x17080] =	vst v63  }
0x11f: {  	s14 =	simm.s32 $0x10A00  }
0x120: {  	[tilespmem:s14], [sflag:$0x2] =	stream.indirect_vreg.gather [hbm4b:s1+s3], $0x80, v4, vm0, $0xb8;
	[tilespmem:$0x17080] =	vst v63  }
0x121: {  	v4 =	vld.msk [tilespmem:$0x3C8], $0xff;
	_ =	sdelay $0x4  }
0x122: {  	v4 =	vperm.xlane v4, v1;
	_ =	sdelay $0x1  }
0x123: {  	v4 =	vadd.s32 v2, v4;
	_ =	sdelay $0x3  }
0x124: {  	s17 =	simm.s32 $0x12A00  }
0x125: {  	[tilespmem:s17], [sflag:$0x2] =	stream.indirect_vreg.gather [hbm4b:s1+s3], $0x80, v4, vm0, $0xb8;
	[tilespmem:$0x17080] =	vst v63  }
0x126: {  	v4 =	vld [tilespmem:$0x3D0];
	_ =	sdelay $0x4  }
0x127: {  	v5 =	vperm.xlane v4, v1;
	_ =	sdelay $0x1  }
0x128: {  	v4 =	vperm.xlane v4, v3;
	v5 =	vadd.s32 v2, v5;
	_ =	sdelay $0x1  }
0x129: {  	v4 =	vadd.s32 v2, v4;
	_ =	sdelay $0x1  }
0x12a: {  	s18 =	simm.s32 $0xAE00  }
0x12b: {  	[tilespmem:s18], [sflag:$0x2] =	stream.indirect_vreg.gather [hbm4b:s1+s3], $0x80, v5, vm0, $0xb8;
	[tilespmem:$0x17080] =	vst v63  }
0x12c: {  	s19 =	simm.s32 $0xCE00  }
0x12d: {  	[tilespmem:s19], [sflag:$0x2] =	stream.indirect_vreg.gather [hbm4b:s1+s3], $0x80, v4, vm0, $0xb8;
	[tilespmem:$0x17080] =	vst v63  }
0x12e: {  	v4 =	vld [tilespmem:$0x3E0];
	_ =	sdelay $0x4  }
0x12f: {  	v5 =	vperm.xlane v4, v1;
	_ =	sdelay $0x1  }
0x130: {  	v4 =	vperm.xlane v4, v3;
	v5 =	vadd.s32 v2, v5;
	_ =	sdelay $0x1  }
0x131: {  	v4 =	vadd.s32 v2, v4;
	_ =	sdelay $0x1  }
0x132: {  	s20 =	simm.s32 $0xEE00  }
0x133: {  	[tilespmem:s20], [sflag:$0x2] =	stream.indirect_vreg.gather [hbm4b:s1+s3], $0x80, v5, vm0, $0xb8;
	[tilespmem:$0x17080] =	vst v63  }
0x134: {  	s23 =	simm.s32 $0x10E00  }
0x135: {  	[tilespmem:s23], [sflag:$0x2] =	stream.indirect_vreg.gather [hbm4b:s1+s3], $0x80, v4, vm0, $0xb8;
	[tilespmem:$0x17080] =	vst v63  }
0x136: {  	v4 =	vld.msk [tilespmem:$0x3F0], $0xff;
	_ =	sdelay $0x4  }
0x137: {  	v4 =	vperm.xlane v4, v1;
	_ =	sdelay $0x1  }
0x138: {  	v4 =	vadd.s32 v2, v4;
	_ =	sdelay $0x3  }
0x139: {  	s25 =	simm.s32 $0x12E00  }
0x13a: {  	[tilespmem:s25], [sflag:$0x2] =	stream.indirect_vreg.gather [hbm4b:s1+s3], $0x80, v4, vm0, $0xb8;
	[tilespmem:$0x17080] =	vst v63  }
0x13b: {  	v4 =	vld [tilespmem:$0x3F8];
	_ =	sdelay $0x4  }
0x13c: {  	v5 =	vperm.xlane v4, v1;
	_ =	sdelay $0x1  }
0x13d: {  	v4 =	vperm.xlane v4, v3;
	v5 =	vadd.s32 v2, v5;
	_ =	sdelay $0x1  }
0x13e: {  	v4 =	vadd.s32 v2, v4;
	_ =	sdelay $0x1  }
0x13f: {  	s14 =	simm.s32 $0xB200  }
0x140: {  	[tilespmem:s14], [sflag:$0x2] =	stream.indirect_vreg.gather [hbm4b:s1+s3], $0x80, v5, vm0, $0xb8;
	[tilespmem:$0x17080] =	vst v63  }
0x141: {  	s17 =	simm.s32 $0xD200  }
0x142: {  	[tilespmem:s17], [sflag:$0x2] =	stream.indirect_vreg.gather [hbm4b:s1+s3], $0x80, v4, vm0, $0xb8;
	[tilespmem:$0x17080] =	vst v63  }
0x143: {  	v4 =	vld [tilespmem:$0x408];
	_ =	sdelay $0x4  }
0x144: {  	v5 =	vperm.xlane v4, v1;
	_ =	sdelay $0x1  }
0x145: {  	v4 =	vperm.xlane v4, v3;
	v5 =	vadd.s32 v2, v5;
	_ =	sdelay $0x1  }
0x146: {  	v4 =	vadd.s32 v2, v4;
	_ =	sdelay $0x1  }
0x147: {  	s18 =	simm.s32 $0xF200  }
0x148: {  	[tilespmem:s18], [sflag:$0x2] =	stream.indirect_vreg.gather [hbm4b:s1+s3], $0x80, v5, vm0, $0xb8;
	[tilespmem:$0x17080] =	vst v63  }
0x149: {  	s19 =	simm.s32 $0x11200  }
0x14a: {  	[tilespmem:s19], [sflag:$0x2] =	stream.indirect_vreg.gather [hbm4b:s1+s3], $0x80, v4, vm0, $0xb8;
	[tilespmem:$0x17080] =	vst v63  }
0x14b: {  	v4 =	vld.msk [tilespmem:$0x418], $0xff;
	_ =	sdelay $0x4  }
0x14c: {  	v4 =	vperm.xlane v4, v1;
	_ =	sdelay $0x1  }
0x14d: {  	v4 =	vadd.s32 v2, v4;
	_ =	sdelay $0x3  }
0x14e: {  	s20 =	simm.s32 $0x13200  }
0x14f: {  	[tilespmem:s20], [sflag:$0x2] =	stream.indirect_vreg.gather [hbm4b:s1+s3], $0x80, v4, vm0, $0xb8;
	[tilespmem:$0x17080] =	vst v63  }
0x150: {  	v4 =	vld [tilespmem:$0x420];
	_ =	sdelay $0x4  }
0x151: {  	v5 =	vperm.xlane v4, v1;
	_ =	sdelay $0x1  }
0x152: {  	v4 =	vperm.xlane v4, v3;
	v5 =	vadd.s32 v2, v5;
	_ =	sdelay $0x1  }
0x153: {  	v4 =	vadd.s32 v2, v4;
	_ =	sdelay $0x1  }
0x154: {  	s23 =	simm.s32 $0xB600  }
0x155: {  	[tilespmem:s23], [sflag:$0x2] =	stream.indirect_vreg.gather [hbm4b:s1+s3], $0x80, v5, vm0, $0xb8;
	[tilespmem:$0x17080] =	vst v63  }
0x156: {  	s25 =	simm.s32 $0xD600  }
0x157: {  	[tilespmem:s25], [sflag:$0x2] =	stream.indirect_vreg.gather [hbm4b:s1+s3], $0x80, v4, vm0, $0xb8;
	[tilespmem:$0x17080] =	vst v63  }
0x158: {  	v4 =	vld [tilespmem:$0x430];
	_ =	sdelay $0x4  }
0x159: {  	v5 =	vperm.xlane v4, v1;
	_ =	sdelay $0x1  }
0x15a: {  	v4 =	vperm.xlane v4, v3;
	v5 =	vadd.s32 v2, v5;
	_ =	sdelay $0x1  }
0x15b: {  	v4 =	vadd.s32 v2, v4;
	_ =	sdelay $0x1  }
0x15c: {  	s14 =	simm.s32 $0xF600  }
0x15d: {  	[tilespmem:s14], [sflag:$0x2] =	stream.indirect_vreg.gather [hbm4b:s1+s3], $0x80, v5, vm0, $0xb8;
	[tilespmem:$0x17080] =	vst v63  }
0x15e: {  	s17 =	simm.s32 $0x11600  }
0x15f: {  	[tilespmem:s17], [sflag:$0x2] =	stream.indirect_vreg.gather [hbm4b:s1+s3], $0x80, v4, vm0, $0xb8;
	[tilespmem:$0x17080] =	vst v63  }
0x160: {  	v4 =	vld.msk [tilespmem:$0x440], $0xff;
	_ =	sdelay $0x4  }
0x161: {  	v4 =	vperm.xlane v4, v1;
	_ =	sdelay $0x1  }
0x162: {  	v4 =	vadd.s32 v2, v4;
	_ =	sdelay $0x3  }
0x163: {  	s18 =	simm.s32 $0x13600  }
0x164: {  	[tilespmem:s18], [sflag:$0x2] =	stream.indirect_vreg.gather [hbm4b:s1+s3], $0x80, v4, vm0, $0xb8;
	[tilespmem:$0x17080] =	vst v63  }
0x165: {  	v4 =	vld [tilespmem:$0x448];
	_ =	sdelay $0x4  }
0x166: {  	v5 =	vperm.xlane v4, v1;
	_ =	sdelay $0x1  }
0x167: {  	v4 =	vperm.xlane v4, v3;
	v5 =	vadd.s32 v2, v5;
	_ =	sdelay $0x1  }
0x168: {  	v4 =	vadd.s32 v2, v4;
	_ =	sdelay $0x1  }
0x169: {  	s19 =	simm.s32 $0xBA00  }
0x16a: {  	[tilespmem:s19], [sflag:$0x2] =	stream.indirect_vreg.gather [hbm4b:s1+s3], $0x80, v5, vm0, $0xb8;
	[tilespmem:$0x17080] =	vst v63  }
0x16b: {  	s20 =	simm.s32 $0xDA00  }
0x16c: {  	[tilespmem:s20], [sflag:$0x2] =	stream.indirect_vreg.gather [hbm4b:s1+s3], $0x80, v4, vm0, $0xb8;
	[tilespmem:$0x17080] =	vst v63  }
0x16d: {  	v4 =	vld [tilespmem:$0x458];
	_ =	sdelay $0x4  }
0x16e: {  	v5 =	vperm.xlane v4, v1;
	_ =	sdelay $0x1  }
0x16f: {  	v4 =	vperm.xlane v4, v3;
	v5 =	vadd.s32 v2, v5;
	_ =	sdelay $0x1  }
0x170: {  	v4 =	vadd.s32 v2, v4;
	_ =	sdelay $0x1  }
0x171: {  	s23 =	simm.s32 $0xFA00  }
0x172: {  	[tilespmem:s23], [sflag:$0x2] =	stream.indirect_vreg.gather [hbm4b:s1+s3], $0x80, v5, vm0, $0xb8;
	[tilespmem:$0x17080] =	vst v63  }
0x173: {  	s25 =	simm.s32 $0x11A00  }
0x174: {  	[tilespmem:s25], [sflag:$0x2] =	stream.indirect_vreg.gather [hbm4b:s1+s3], $0x80, v4, vm0, $0xb8;
	[tilespmem:$0x17080] =	vst v63  }
0x175: {  	v4 =	vld.msk [tilespmem:$0x468], $0xff;
	_ =	sdelay $0x4  }
0x176: {  	v4 =	vperm.xlane v4, v1;
	_ =	sdelay $0x1  }
0x177: {  	v4 =	vadd.s32 v2, v4;
	_ =	sdelay $0x3  }
0x178: {  	s14 =	simm.s32 $0x13A00  }
0x179: {  	[tilespmem:s14], [sflag:$0x2] =	stream.indirect_vreg.gather [hbm4b:s1+s3], $0x80, v4, vm0, $0xb8;
	[tilespmem:$0x17080] =	vst v63  }
0x17a: {  	v4 =	vld [tilespmem:$0x470];
	_ =	sdelay $0x4  }
0x17b: {  	v5 =	vperm.xlane v4, v1;
	_ =	sdelay $0x1  }
0x17c: {  	v4 =	vperm.xlane v4, v3;
	v5 =	vadd.s32 v2, v5;
	_ =	sdelay $0x1  }
0x17d: {  	v4 =	vadd.s32 v2, v4;
	_ =	sdelay $0x1  }
0x17e: {  	s17 =	simm.s32 $0xBE00  }
0x17f: {  	[tilespmem:s17], [sflag:$0x2] =	stream.indirect_vreg.gather [hbm4b:s1+s3], $0x80, v5, vm0, $0xb8;
	[tilespmem:$0x17080] =	vst v63  }
0x180: {  	s18 =	simm.s32 $0xDE00  }
0x181: {  	[tilespmem:s18], [sflag:$0x2] =	stream.indirect_vreg.gather [hbm4b:s1+s3], $0x80, v4, vm0, $0xb8;
	[tilespmem:$0x17080] =	vst v63  }
0x182: {  	v4 =	vld [tilespmem:$0x480];
	_ =	sdelay $0x4  }
0x183: {  	v5 =	vperm.xlane v4, v1;
	_ =	sdelay $0x1  }
0x184: {  	v4 =	vperm.xlane v4, v3;
	v5 =	vadd.s32 v2, v5;
	_ =	sdelay $0x1  }
0x185: {  	v4 =	vadd.s32 v2, v4;
	_ =	sdelay $0x1  }
0x186: {  	s19 =	simm.s32 $0xFE00  }
0x187: {  	[tilespmem:s19], [sflag:$0x2] =	stream.indirect_vreg.gather [hbm4b:s1+s3], $0x80, v5, vm0, $0xb8;
	[tilespmem:$0x17080] =	vst v63  }
0x188: {  	s20 =	simm.s32 $0x11E00  }
0x189: {  	[tilespmem:s20], [sflag:$0x2] =	stream.indirect_vreg.gather [hbm4b:s1+s3], $0x80, v4, vm0, $0xb8;
	[tilespmem:$0x17080] =	vst v63  }
0x18a: {  	v4 =	vld.msk [tilespmem:$0x490], $0xff;
	_ =	sdelay $0x4  }
0x18b: {  	v4 =	vperm.xlane v4, v1;
	_ =	sdelay $0x1  }
0x18c: {  	v4 =	vadd.s32 v2, v4;
	_ =	sdelay $0x3  }
0x18d: {  	s23 =	simm.s32 $0x13E00  }
0x18e: {  	[tilespmem:s23], [sflag:$0x2] =	stream.indirect_vreg.gather [hbm4b:s1+s3], $0x80, v4, vm0, $0xb8;
	[tilespmem:$0x17080] =	vst v63  }
0x18f: {  	s25 =	simm.s32 $0x15A00  }
0x190: {  	[tilespmem:s25], [sflag:$0x2] =	stream.indirect.gather [hbm4b:s6+s16], $0x80, s21, s16, $0xb8;
	[tilespmem:$0x17080] =	vst v63  }
0x191: {  	_ = 	snop  }
0x192: {  	[tilespmem:s26], [sflag:$0x2] =	stream.indirect.gather [hbm4b:s8+s16], $0x1, s21, s16, $0xb8;
	[tilespmem:$0x17080] =	vst v63  }
0x193: {  	s13 =	simm.s32 $0x0  }
0x194: {  	[tilespmem:s29], [sflag:$0x2] =	stream.indirect.gather [hbm4b:s7+s16], $0x1, s28, s16, $0xb8;
	[tilespmem:$0x17080] =	vst v63  }
.LBB2_2:
0x195: {  	_ =	swait.ge [sflag:s30], $0x1400  }
0x196: {  	[sflag:s30] =	ssyncset.done $0x0  }
0x197: {  	[sflag:s30] =	ssyncadd.s32 $0xFFFFEC00  }
0x198: {  	_ =	swait.ge [sflag:s30], $0x1400  }
0x199: {  	[sflag:s30] =	ssyncset.done $0x0  }
0x19a: {  	[sflag:s30] =	ssyncadd.s32 $0xFFFFEC00  }
0x19b: {  	_ =	swait.ge [sflag:s30], $0x1400  }
0x19c: {  	[sflag:s30] =	ssyncset.done $0x0  }
0x19d: {  	[sflag:s30] =	ssyncadd.s32 $0xFFFFEC00  }
0x19e: {  	_ =	swait.ge [sflag:s30], $0x1400  }
0x19f: {  	[sflag:s30] =	ssyncset.done $0x0  }
0x1a0: {  	[sflag:s30] =	ssyncadd.s32 $0xFFFFEC00  }
0x1a1: {  	_ =	swait.ge [sflag:s30], $0x1400  }
0x1a2: {  	[sflag:s30] =	ssyncset.done $0x0  }
0x1a3: {  	[sflag:s30] =	ssyncadd.s32 $0xFFFFEC00  }
0x1a4: {  	_ =	swait.ge [sflag:s30], $0x1400  }
0x1a5: {  	[sflag:s30] =	ssyncset.done $0x0  }
0x1a6: {  	[sflag:s30] =	ssyncadd.s32 $0xFFFFEC00  }
0x1a7: {  	_ =	swait.ge [sflag:s30], $0x1400  }
0x1a8: {  	[sflag:s30] =	ssyncset.done $0x0  }
0x1a9: {  	[sflag:s30] =	ssyncadd.s32 $0xFFFFEC00  }
0x1aa: {  	_ =	swait.ge [sflag:s30], $0x1400  }
0x1ab: {  	[sflag:s30] =	ssyncset.done $0x0  }
0x1ac: {  	[sflag:s30] =	ssyncadd.s32 $0xFFFFEC00  }
0x1ad: {  	_ =	swait.ge [sflag:s30], $0x28  }
0x1ae: {  	[sflag:s30] =	ssyncset.done $0x0  }
0x1af: {  	[sflag:s30] =	ssyncadd.s32 $0xFFFFFFD8  }
0x1b0: {  	_ =	swait.ge [sflag:s30], $0x28  }
0x1b1: {  	[sflag:s30] =	ssyncset.done $0x0  }
0x1b2: {  	s17 =	simm.s32 $0x14630;
	[sflag:s30] =	ssyncadd.s32 $0xFFFFFFD8  }
0x1b3: {  	s14 =	simm.s32 $0x0;
	v4 =	vld [tilespmem:s17+$0xFFFFFFD0]  }
0x1b4: {  	s18 =	sand.u32 $0x7, s14  }
0x1b5: {  	s18 =	sshll.u32 s18, $0x7  }
0x1b6: {  	s18 =	sadd.s32 $0x0, s18  }
0x1b7: {  	s19 =	sor.u32 $0x1C00, s18  }
0x1b8: {  	[tilespmem:s19+$0x600] =	vst v4  }
0x1b9: {  	v4 =	vld [tilespmem:s17+$0xFFFFFFE0];
	_ =	sdelay $0x3  }
0x1ba: {  	s20 =	sor.u32 $0x1C10, s18  }
0x1bb: {  	[tilespmem:s20+$0x600] =	vst v4  }
0x1bc: {  	v4 =	vld [tilespmem:s17+$0xFFFFFFF0];
	_ =	sdelay $0x3  }
0x1bd: {  	s23 =	sor.u32 $0x1C20, s18  }
0x1be: {  	[tilespmem:s23+$0x600] =	vst v4  }
0x1bf: {  	v4 =	vld [tilespmem:s17+$0x0];
	_ =	sdelay $0x3  }
0x1c0: {  	s25 =	sor.u32 $0x1C30, s18  }
0x1c1: {  	[tilespmem:s25+$0x600] =	vst v4  }
0x1c2: {  	v4 =	vld [tilespmem:s17+$0x10];
	_ =	sdelay $0x3  }
0x1c3: {  	s20 =	sor.u32 $0x1C40, s18  }
0x1c4: {  	[tilespmem:s20+$0x600] =	vst v4  }
0x1c5: {  	v4 =	vld [tilespmem:s17+$0x18];
	_ =	sdelay $0x3  }
0x1c6: {  	s23 =	sor.u32 $0x1C48, s18  }
0x1c7: {  	[tilespmem:s23+$0x600] =	vst v4  }
0x1c8: {  	v4 =	vld [tilespmem:s17+$0x28];
	_ =	sdelay $0x3  }
0x1c9: {  	s25 =	sor.u32 $0x1C58, s18  }
0x1ca: {  	s17 =	simm.s32 $0x146B0;
	[tilespmem:s25+$0x600] =	vst v4  }
0x1cb: {  	s19 =	simm.s32 $0x100;
	s18 =	simm.s32 $0x1;
	v4 =	vld [tilespmem:s17+$0xFFFFFFD0]  }
.LBB2_3:
0x1cc: {  	p0 =	sne.s32 s19, $0x1380;
	s20 =	sand.u32 $0x7, s18  }
0x1cd: {  	s14 =	sadd.s32 $0x400, s14;
	s20 =	sshll.u32 s20, $0x7  }
0x1ce: {  	s20 =	sadd.s32 s20, s14  }
0x1cf: {  	s23 =	sor.u32 $0x1C00, s20  }
0x1d0: {  	[tilespmem:s23+$0x600] =	vst v4  }
0x1d1: {  	v4 =	vld [tilespmem:s17+$0xFFFFFFE0];
	_ =	sdelay $0x3  }
0x1d2: {  	s23 =	sor.u32 $0x1C10, s20  }
0x1d3: {  	[tilespmem:s23+$0x600] =	vst v4  }
0x1d4: {  	v4 =	vld [tilespmem:s17+$0xFFFFFFF0];
	_ =	sdelay $0x3  }
0x1d5: {  	s23 =	sor.u32 $0x1C20, s20  }
0x1d6: {  	[tilespmem:s23+$0x600] =	vst v4  }
0x1d7: {  	v4 =	vld [tilespmem:s17+$0x0];
	_ =	sdelay $0x3  }
0x1d8: {  	s23 =	sor.u32 $0x1C30, s20  }
0x1d9: {  	[tilespmem:s23+$0x600] =	vst v4  }
0x1da: {  	v4 =	vld [tilespmem:s17+$0x10];
	_ =	sdelay $0x3  }
0x1db: {  	s23 =	sor.u32 $0x1C40, s20  }
0x1dc: {  	[tilespmem:s23+$0x600] =	vst v4  }
0x1dd: {  	v4 =	vld [tilespmem:s17+$0x18];
	_ =	sdelay $0x3  }
0x1de: {  	s23 =	sor.u32 $0x1C48, s20  }
0x1df: {  	[tilespmem:s23+$0x600] =	vst v4  }
0x1e0: {  	v4 =	vld [tilespmem:s17+$0x28];
	_ =	sdelay $0x1  }
.Ltmp0:
0x1e1: {  	(pc) =	sbr.rel @p0 .LBB2_3-.Ltmp0, $4  }
0x1e2: {  	_ = 	snop  }
0x1e3: {  	s20 =	sor.u32 $0x1C58, s20  }
0x1e4: {  	s17 =	sadd.s32 $0x80, s17;
	[tilespmem:s20+$0x600] =	vst v4  }
0x1e5: {  	s19 =	sadd.s32 $0x80, s19;
	s18 =	sadd.s32 $0x1, s18;
	v4 =	vld [tilespmem:s17+$0xFFFFFFD0]  }
0x1e6: {  	s18 =	sand.u32 $0x7, s18  }
0x1e7: {  	s14 =	sadd.s32 $0x400, s14;
	s18 =	sshll.u32 s18, $0x7  }
0x1e8: {  	s18 =	sadd.s32 s18, s14  }
0x1e9: {  	s14 =	sor.u32 $0x1C00, s18  }
0x1ea: {  	[tilespmem:s14+$0x600] =	vst v4  }
0x1eb: {  	v4 =	vld [tilespmem:s17+$0xFFFFFFE0];
	_ =	sdelay $0x3  }
0x1ec: {  	s25 =	sor.u32 $0x1C10, s18  }
0x1ed: {  	[tilespmem:s25+$0x600] =	vst v4  }
0x1ee: {  	v4 =	vld [tilespmem:s17+$0xFFFFFFF0];
	_ =	sdelay $0x3  }
0x1ef: {  	s19 =	sor.u32 $0x1C20, s18  }
0x1f0: {  	[tilespmem:s19+$0x600] =	vst v4  }
0x1f1: {  	v4 =	vld [tilespmem:s17+$0x0];
	_ =	sdelay $0x3  }
0x1f2: {  	s20 =	sor.u32 $0x1C30, s18  }
0x1f3: {  	[tilespmem:s20+$0x600] =	vst v4  }
0x1f4: {  	v4 =	vld [tilespmem:s17+$0x10];
	_ =	sdelay $0x3  }
0x1f5: {  	s23 =	sor.u32 $0x1C40, s18  }
0x1f6: {  	[tilespmem:s23+$0x600] =	vst v4  }
0x1f7: {  	v4 =	vld [tilespmem:s17+$0x18];
	_ =	sdelay $0x3  }
0x1f8: {  	s25 =	sor.u32 $0x1C48, s18  }
0x1f9: {  	[tilespmem:s25+$0x600] =	vst v4  }
0x1fa: {  	v4 =	vld [tilespmem:s17+$0x28]  }
0x1fb: {  	s14 =	smul.u32 $0x50, s13;
	_ =	sdelay $0x1  }
0x1fc: {  	s19 =	sadd.s32 s9, s14  }
0x1fd: {  	s18 =	sor.u32 $0x1C58, s18;
	s20 =	sshll.u32 s19, $0x7  }
0x1fe: {  	s17 =	simm.s32 $0x0;
	[tilespmem:s18+$0x600] =	vst v4;
	s18 =	sadd.s32 s10, s20  }
0x1ff: {  	[hbm4b:s18+s17] =	stream.linear.scatter [tilespmem:s22], [sflag:$0x3], $0xA000, $0x38;
	[tilespmem:$0x17080] =	vst v63  }
0x200: {  	v4 =	vld [tilespmem:$0x16E00]  }
0x201: {  	v5 =	vld [tilespmem:$0x16F00]  }
0x202: {  	v6 =	vld [tilespmem:$0x17000]  }
0x203: {  	v7 =	vld [tilespmem:$0x16E10]  }
0x204: {  	v8 =	vld [tilespmem:$0x16F10]  }
0x205: {  	v9 =	vld [tilespmem:$0x16E18]  }
0x206: {  	v10 =	vld [tilespmem:$0x16F18];
	_ =	sdelay $0x1  }
0x207: {  	v4 =	vsub.f32 v4, v5;
	_ =	sdelay $0x1  }
0x208: {  	v5 =	vsub.f32 v7, v8;
	v4 =	vadd.f32 v4, v6  }
0x209: {  	v6 =	vsub.f32 v9, v10  }
0x20a: {  	v5 =	vadd.f32 v5, v4  }
0x20b: {  	v6 =	vsel vm0, $0x0, v6  }
0x20c: {  	s23 =	sshrl.u32 s19, $0x3;
	[tilespmem:$0x17000] =	vst v4;
	v4 =	vadd.f32 v6, v5  }
0x20d: {  	s18 =	sadd.s32 $0xA, s23;
	[tilespmem:$0x17000] =	vst v5  }
0x20e: {  	s25 =	sadd.s32 s4, s18;
	[tilespmem:$0x17000] =	vst v4  }
0x20f: {  	[tilespmem:s17], [sflag:$0x5] =	stream.linear.gather [hbm4b:s25+s17], $0x28, $0x38;
	[tilespmem:$0x17080] =	vst v63  }
0x210: {  	s20 =	simm.s32 $0x100;
	s18 =	sadd.s32 s5, s18  }
0x211: {  	[tilespmem:s20], [sflag:$0x5] =	stream.linear.gather [hbm4b:s18+s17], $0x28, $0x38;
	[tilespmem:$0x17080] =	vst v63  }
0x212: {  	_ =	swait.ge [sflag:s31], $0x28  }
0x213: {  	[sflag:s31] =	ssyncset.done $0x0  }
0x214: {  	[sflag:s31] =	ssyncadd.s32 $0xFFFFFFD8  }
0x215: {  	_ =	swait.ge [sflag:s31], $0x28  }
0x216: {  	[sflag:s31] =	ssyncset.done $0x0  }
0x217: {  	[sflag:s31] =	ssyncadd.s32 $0xFFFFFFD8  }
0x218: {  	v4 =	vld [tilespmem:$0x0]  }
0x219: {  	v5 =	vld [tilespmem:$0x10]  }
0x21a: {  	v6 =	vld [tilespmem:$0x18]  }
0x21b: {  	v7 =	vld [tilespmem:$0x0]  }
0x21c: {  	v48 =	vld [tilespmem:$0x10]  }
0x21d: {  	v49 =	vld [tilespmem:$0x18]  }
0x21e: {  	v50 =	vld [tilespmem:$0x0]  }
0x21f: {  	v11 =	vld [tilespmem:$0x10]  }
0x220: {  	v12 =	vld [tilespmem:$0x18];
	v4 =	vshll.u32 v4, $0x3  }
0x221: {  	v51 =	vld [tilespmem:$0x18];
	[tilespmem:$0x200] =	vst v4;
	v4 =	vshll.u32 v5, $0x3  }
0x222: {  	v52 =	vld [tilespmem:$0x0];
	[tilespmem:$0x210] =	vst v4;
	v4 =	vshll.u32 v6, $0x3;
	v6 =	vshll.u32 v7, $0x3  }
0x223: {  	v5 =	vld [tilespmem:$0x0];
	[tilespmem:$0x218] =	vst v4;
	v4 =	vor.u32 $0x1, v6;
	v6 =	vshll.u32 v48, $0x3  }
0x224: {  	v7 =	vld [tilespmem:$0x10];
	[tilespmem:$0x228] =	vst v4;
	v4 =	vor.u32 $0x1, v6;
	v6 =	vshll.u32 v49, $0x3  }
0x225: {  	v53 =	vld [tilespmem:$0x10];
	[tilespmem:$0x238] =	vst v4;
	v4 =	vor.u32 $0x1, v6;
	v6 =	vshll.u32 v50, $0x3  }
0x226: {  	v54 =	vld [tilespmem:$0x18];
	[tilespmem:$0x240] =	vst v4;
	v4 =	vor.u32 $0x2, v6;
	v6 =	vshll.u32 v11, $0x3  }
0x227: {  	v55 =	vld [tilespmem:$0x0];
	[tilespmem:$0x250] =	vst v4;
	v4 =	vor.u32 $0x2, v6;
	v6 =	vshll.u32 v12, $0x3  }
0x228: {  	v56 =	vld [tilespmem:$0x0];
	v5 =	vshll.u32 v5, $0x3;
	[tilespmem:$0x260] =	vst v4;
	v4 =	vor.u32 $0x2, v6  }
0x229: {  	v57 =	vld [tilespmem:$0x10];
	[tilespmem:$0x268] =	vst v4;
	v4 =	vor.u32 $0x3, v5;
	v5 =	vshll.u32 v7, $0x3  }
0x22a: {  	v6 =	vld [tilespmem:$0x10];
	[tilespmem:$0x278] =	vst v4;
	v4 =	vor.u32 $0x3, v5;
	v5 =	vshll.u32 v51, $0x3  }
0x22b: {  	v7 =	vld [tilespmem:$0x18];
	[tilespmem:$0x288] =	vst v4;
	v4 =	vor.u32 $0x3, v5;
	v5 =	vshll.u32 v52, $0x3  }
0x22c: {  	v58 =	vld [tilespmem:$0x18];
	[tilespmem:$0x290] =	vst v4;
	v4 =	vor.u32 $0x4, v5;
	v5 =	vshll.u32 v53, $0x3  }
0x22d: {  	v59 =	vld [tilespmem:$0x0];
	[tilespmem:$0x2A0] =	vst v4;
	v4 =	vor.u32 $0x4, v5;
	v5 =	vshll.u32 v54, $0x3  }
0x22e: {  	v60 =	vld [tilespmem:$0x100];
	[tilespmem:$0x2B0] =	vst v4;
	v4 =	vor.u32 $0x4, v5;
	v5 =	vshll.u32 v55, $0x3  }
0x22f: {  	[tilespmem:$0x2B8] =	vst v4;
	v4 =	vor.u32 $0x5, v5;
	v5 =	vshll.u32 v6, $0x3;
	v6 =	vld [tilespmem:$0x10]  }
0x230: {  	[tilespmem:$0x2C8] =	vst v4;
	v4 =	vor.u32 $0x5, v5;
	v5 =	vshll.u32 v7, $0x3;
	v7 =	vld [tilespmem:$0x18]  }
0x231: {  	v61 =	vld [tilespmem:$0x110];
	[tilespmem:$0x2D8] =	vst v4;
	v4 =	vor.u32 $0x5, v5;
	v5 =	vshll.u32 v56, $0x3  }
0x232: {  	v62 =	vld [tilespmem:$0x118];
	[tilespmem:$0x2E0] =	vst v4;
	v4 =	vor.u32 $0x6, v5;
	v5 =	vshll.u32 v57, $0x3  }
0x233: {  	v63 =	vmul.u32 $0x3E8, v59;
	[tilespmem:$0x2F0] =	vst v4;
	v4 =	vor.u32 $0x6, v5;
	v5 =	vshll.u32 v58, $0x3  }
0x234: {  	[tilespmem:$0x300] =	vst v4;
	v4 =	vor.u32 $0x6, v5;
	v5 =	vmul.u32 $0x3E8, v6  }
0x235: {  	[tilespmem:$0x308] =	vst v4;
	v4 =	vadd.s32 v60, v63;
	v6 =	vmul.u32 $0x3E8, v7  }
0x236: {  	[tilespmem:$0x500] =	vst v4;
	v4 =	vadd.s32 v61, v5  }
0x237: {  	[tilespmem:$0x510] =	vst v4;
	v4 =	vadd.s32 v62, v6  }
0x238: {  	[tilespmem:$0x518] =	vst v4  }
0x239: {  	_ =	swait.ge [sflag:s0], $0xA000  }
0x23a: {  	[sflag:s0] =	ssyncset.done $0x0  }
0x23b: {  	[sflag:s0] =	ssyncadd.s32 $0xFFFF6000  }
0x23c: {  	v4 =	vld [tilespmem:$0x200];
	_ =	sdelay $0x4  }
0x23d: {  	v5 =	vperm.xlane v4, v1;
	_ =	sdelay $0x1  }
0x23e: {  	v4 =	vperm.xlane v4, v3;
	v5 =	vadd.s32 v2, v5;
	_ =	sdelay $0x1  }
0x23f: {  	v4 =	vadd.s32 v2, v4;
	_ =	sdelay $0x2  }
0x240: {  	[tilespmem:s22], [sflag:$0x1] =	stream.indirect_vreg.gather [hbm4b:s1+s17], $0x80, v5, vm0, $0xb8;
	[tilespmem:$0x17080] =	vst v63  }
0x241: {  	s23 =	simm.s32 $0x2600  }
0x242: {  	[tilespmem:s23], [sflag:$0x1] =	stream.indirect_vreg.gather [hbm4b:s1+s17], $0x80, v4, vm0, $0xb8;
	[tilespmem:$0x17080] =	vst v63  }
0x243: {  	v4 =	vld [tilespmem:$0x210];
	_ =	sdelay $0x4  }
0x244: {  	v5 =	vperm.xlane v4, v1;
	_ =	sdelay $0x1  }
0x245: {  	v4 =	vperm.xlane v4, v3;
	v5 =	vadd.s32 v2, v5;
	_ =	sdelay $0x1  }
0x246: {  	v4 =	vadd.s32 v2, v4;
	_ =	sdelay $0x1  }
0x247: {  	s25 =	simm.s32 $0x4600  }
0x248: {  	[tilespmem:s25], [sflag:$0x1] =	stream.indirect_vreg.gather [hbm4b:s1+s17], $0x80, v5, vm0, $0xb8;
	[tilespmem:$0x17080] =	vst v63  }
0x249: {  	s19 =	simm.s32 $0x6600  }
0x24a: {  	[tilespmem:s19], [sflag:$0x1] =	stream.indirect_vreg.gather [hbm4b:s1+s17], $0x80, v4, vm0, $0xb8;
	[tilespmem:$0x17080] =	vst v63  }
0x24b: {  	v4 =	vld.msk [tilespmem:$0x220], $0xff;
	_ =	sdelay $0x4  }
0x24c: {  	v4 =	vperm.xlane v4, v1;
	_ =	sdelay $0x1  }
0x24d: {  	v4 =	vadd.s32 v2, v4;
	_ =	sdelay $0x3  }
0x24e: {  	s20 =	simm.s32 $0x8600  }
0x24f: {  	[tilespmem:s20], [sflag:$0x1] =	stream.indirect_vreg.gather [hbm4b:s1+s17], $0x80, v4, vm0, $0xb8;
	[tilespmem:$0x17080] =	vst v63  }
0x250: {  	v4 =	vld [tilespmem:$0x228];
	_ =	sdelay $0x4  }
0x251: {  	v5 =	vperm.xlane v4, v1;
	_ =	sdelay $0x1  }
0x252: {  	v4 =	vperm.xlane v4, v3;
	v5 =	vadd.s32 v2, v5;
	_ =	sdelay $0x1  }
0x253: {  	v4 =	vadd.s32 v2, v4;
	_ =	sdelay $0x1  }
0x254: {  	s23 =	simm.s32 $0xA00  }
0x255: {  	[tilespmem:s23], [sflag:$0x1] =	stream.indirect_vreg.gather [hbm4b:s1+s17], $0x80, v5, vm0, $0xb8;
	[tilespmem:$0x17080] =	vst v63  }
0x256: {  	s25 =	simm.s32 $0x2A00  }
0x257: {  	[tilespmem:s25], [sflag:$0x1] =	stream.indirect_vreg.gather [hbm4b:s1+s17], $0x80, v4, vm0, $0xb8;
	[tilespmem:$0x17080] =	vst v63  }
0x258: {  	v4 =	vld [tilespmem:$0x238];
	_ =	sdelay $0x4  }
0x259: {  	v5 =	vperm.xlane v4, v1;
	_ =	sdelay $0x1  }
0x25a: {  	v4 =	vperm.xlane v4, v3;
	v5 =	vadd.s32 v2, v5;
	_ =	sdelay $0x1  }
0x25b: {  	v4 =	vadd.s32 v2, v4;
	_ =	sdelay $0x1  }
0x25c: {  	s19 =	simm.s32 $0x4A00  }
0x25d: {  	[tilespmem:s19], [sflag:$0x1] =	stream.indirect_vreg.gather [hbm4b:s1+s17], $0x80, v5, vm0, $0xb8;
	[tilespmem:$0x17080] =	vst v63  }
0x25e: {  	s20 =	simm.s32 $0x6A00  }
0x25f: {  	[tilespmem:s20], [sflag:$0x1] =	stream.indirect_vreg.gather [hbm4b:s1+s17], $0x80, v4, vm0, $0xb8;
	[tilespmem:$0x17080] =	vst v63  }
0x260: {  	v4 =	vld.msk [tilespmem:$0x248], $0xff;
	_ =	sdelay $0x4  }
0x261: {  	v4 =	vperm.xlane v4, v1;
	_ =	sdelay $0x1  }
0x262: {  	v4 =	vadd.s32 v2, v4;
	_ =	sdelay $0x3  }
0x263: {  	s23 =	simm.s32 $0x8A00  }
0x264: {  	[tilespmem:s23], [sflag:$0x1] =	stream.indirect_vreg.gather [hbm4b:s1+s17], $0x80, v4, vm0, $0xb8;
	[tilespmem:$0x17080] =	vst v63  }
0x265: {  	v4 =	vld [tilespmem:$0x250];
	_ =	sdelay $0x4  }
0x266: {  	v5 =	vperm.xlane v4, v1;
	_ =	sdelay $0x1  }
0x267: {  	v4 =	vperm.xlane v4, v3;
	v5 =	vadd.s32 v2, v5;
	_ =	sdelay $0x1  }
0x268: {  	v4 =	vadd.s32 v2, v4;
	_ =	sdelay $0x1  }
0x269: {  	s25 =	simm.s32 $0xE00  }
0x26a: {  	[tilespmem:s25], [sflag:$0x1] =	stream.indirect_vreg.gather [hbm4b:s1+s17], $0x80, v5, vm0, $0xb8;
	[tilespmem:$0x17080] =	vst v63  }
0x26b: {  	s19 =	simm.s32 $0x2E00  }
0x26c: {  	[tilespmem:s19], [sflag:$0x1] =	stream.indirect_vreg.gather [hbm4b:s1+s17], $0x80, v4, vm0, $0xb8;
	[tilespmem:$0x17080] =	vst v63  }
0x26d: {  	v4 =	vld [tilespmem:$0x260];
	_ =	sdelay $0x4  }
0x26e: {  	v5 =	vperm.xlane v4, v1;
	_ =	sdelay $0x1  }
0x26f: {  	v4 =	vperm.xlane v4, v3;
	v5 =	vadd.s32 v2, v5;
	_ =	sdelay $0x1  }
0x270: {  	v4 =	vadd.s32 v2, v4;
	_ =	sdelay $0x1  }
0x271: {  	s20 =	simm.s32 $0x4E00  }
0x272: {  	[tilespmem:s20], [sflag:$0x1] =	stream.indirect_vreg.gather [hbm4b:s1+s17], $0x80, v5, vm0, $0xb8;
	[tilespmem:$0x17080] =	vst v63  }
0x273: {  	s23 =	simm.s32 $0x6E00  }
0x274: {  	[tilespmem:s23], [sflag:$0x1] =	stream.indirect_vreg.gather [hbm4b:s1+s17], $0x80, v4, vm0, $0xb8;
	[tilespmem:$0x17080] =	vst v63  }
0x275: {  	v4 =	vld.msk [tilespmem:$0x270], $0xff;
	_ =	sdelay $0x4  }
0x276: {  	v4 =	vperm.xlane v4, v1;
	_ =	sdelay $0x1  }
0x277: {  	v4 =	vadd.s32 v2, v4;
	_ =	sdelay $0x3  }
0x278: {  	s25 =	simm.s32 $0x8E00  }
0x279: {  	[tilespmem:s25], [sflag:$0x1] =	stream.indirect_vreg.gather [hbm4b:s1+s17], $0x80, v4, vm0, $0xb8;
	[tilespmem:$0x17080] =	vst v63  }
0x27a: {  	v4 =	vld [tilespmem:$0x278];
	_ =	sdelay $0x4  }
0x27b: {  	v5 =	vperm.xlane v4, v1;
	_ =	sdelay $0x1  }
0x27c: {  	v4 =	vperm.xlane v4, v3;
	v5 =	vadd.s32 v2, v5;
	_ =	sdelay $0x1  }
0x27d: {  	v4 =	vadd.s32 v2, v4;
	_ =	sdelay $0x1  }
0x27e: {  	s19 =	simm.s32 $0x1200  }
0x27f: {  	[tilespmem:s19], [sflag:$0x1] =	stream.indirect_vreg.gather [hbm4b:s1+s17], $0x80, v5, vm0, $0xb8;
	[tilespmem:$0x17080] =	vst v63  }
0x280: {  	s20 =	simm.s32 $0x3200  }
0x281: {  	[tilespmem:s20], [sflag:$0x1] =	stream.indirect_vreg.gather [hbm4b:s1+s17], $0x80, v4, vm0, $0xb8;
	[tilespmem:$0x17080] =	vst v63  }
0x282: {  	v4 =	vld [tilespmem:$0x288];
	_ =	sdelay $0x4  }
0x283: {  	v5 =	vperm.xlane v4, v1;
	_ =	sdelay $0x1  }
0x284: {  	v4 =	vperm.xlane v4, v3;
	v5 =	vadd.s32 v2, v5;
	_ =	sdelay $0x1  }
0x285: {  	v4 =	vadd.s32 v2, v4;
	_ =	sdelay $0x1  }
0x286: {  	s23 =	simm.s32 $0x5200  }
0x287: {  	[tilespmem:s23], [sflag:$0x1] =	stream.indirect_vreg.gather [hbm4b:s1+s17], $0x80, v5, vm0, $0xb8;
	[tilespmem:$0x17080] =	vst v63  }
0x288: {  	s25 =	simm.s32 $0x7200  }
0x289: {  	[tilespmem:s25], [sflag:$0x1] =	stream.indirect_vreg.gather [hbm4b:s1+s17], $0x80, v4, vm0, $0xb8;
	[tilespmem:$0x17080] =	vst v63  }
0x28a: {  	v4 =	vld.msk [tilespmem:$0x298], $0xff;
	_ =	sdelay $0x4  }
0x28b: {  	v4 =	vperm.xlane v4, v1;
	_ =	sdelay $0x1  }
0x28c: {  	v4 =	vadd.s32 v2, v4;
	_ =	sdelay $0x3  }
0x28d: {  	s19 =	simm.s32 $0x9200  }
0x28e: {  	[tilespmem:s19], [sflag:$0x1] =	stream.indirect_vreg.gather [hbm4b:s1+s17], $0x80, v4, vm0, $0xb8;
	[tilespmem:$0x17080] =	vst v63  }
0x28f: {  	v4 =	vld [tilespmem:$0x2A0];
	_ =	sdelay $0x4  }
0x290: {  	v5 =	vperm.xlane v4, v1;
	_ =	sdelay $0x1  }
0x291: {  	v4 =	vperm.xlane v4, v3;
	v5 =	vadd.s32 v2, v5;
	_ =	sdelay $0x1  }
0x292: {  	v4 =	vadd.s32 v2, v4;
	_ =	sdelay $0x1  }
0x293: {  	s20 =	simm.s32 $0x1600  }
0x294: {  	[tilespmem:s20], [sflag:$0x1] =	stream.indirect_vreg.gather [hbm4b:s1+s17], $0x80, v5, vm0, $0xb8;
	[tilespmem:$0x17080] =	vst v63  }
0x295: {  	s23 =	simm.s32 $0x3600  }
0x296: {  	[tilespmem:s23], [sflag:$0x1] =	stream.indirect_vreg.gather [hbm4b:s1+s17], $0x80, v4, vm0, $0xb8;
	[tilespmem:$0x17080] =	vst v63  }
0x297: {  	v4 =	vld [tilespmem:$0x2B0];
	_ =	sdelay $0x4  }
0x298: {  	v5 =	vperm.xlane v4, v1;
	_ =	sdelay $0x1  }
0x299: {  	v4 =	vperm.xlane v4, v3;
	v5 =	vadd.s32 v2, v5;
	_ =	sdelay $0x1  }
0x29a: {  	v4 =	vadd.s32 v2, v4;
	_ =	sdelay $0x1  }
0x29b: {  	s25 =	simm.s32 $0x5600  }
0x29c: {  	[tilespmem:s25], [sflag:$0x1] =	stream.indirect_vreg.gather [hbm4b:s1+s17], $0x80, v5, vm0, $0xb8;
	[tilespmem:$0x17080] =	vst v63  }
0x29d: {  	s19 =	simm.s32 $0x7600  }
0x29e: {  	[tilespmem:s19], [sflag:$0x1] =	stream.indirect_vreg.gather [hbm4b:s1+s17], $0x80, v4, vm0, $0xb8;
	[tilespmem:$0x17080] =	vst v63  }
0x29f: {  	v4 =	vld.msk [tilespmem:$0x2C0], $0xff;
	_ =	sdelay $0x4  }
0x2a0: {  	v4 =	vperm.xlane v4, v1;
	_ =	sdelay $0x1  }
0x2a1: {  	v4 =	vadd.s32 v2, v4;
	_ =	sdelay $0x3  }
0x2a2: {  	s20 =	simm.s32 $0x9600  }
0x2a3: {  	[tilespmem:s20], [sflag:$0x1] =	stream.indirect_vreg.gather [hbm4b:s1+s17], $0x80, v4, vm0, $0xb8;
	[tilespmem:$0x17080] =	vst v63  }
0x2a4: {  	v4 =	vld [tilespmem:$0x2C8];
	_ =	sdelay $0x4  }
0x2a5: {  	v5 =	vperm.xlane v4, v1;
	_ =	sdelay $0x1  }
0x2a6: {  	v4 =	vperm.xlane v4, v3;
	v5 =	vadd.s32 v2, v5;
	_ =	sdelay $0x1  }
0x2a7: {  	v4 =	vadd.s32 v2, v4;
	_ =	sdelay $0x1  }
0x2a8: {  	s23 =	simm.s32 $0x1A00  }
0x2a9: {  	[tilespmem:s23], [sflag:$0x1] =	stream.indirect_vreg.gather [hbm4b:s1+s17], $0x80, v5, vm0, $0xb8;
	[tilespmem:$0x17080] =	vst v63  }
0x2aa: {  	s25 =	simm.s32 $0x3A00  }
0x2ab: {  	[tilespmem:s25], [sflag:$0x1] =	stream.indirect_vreg.gather [hbm4b:s1+s17], $0x80, v4, vm0, $0xb8;
	[tilespmem:$0x17080] =	vst v63  }
0x2ac: {  	v4 =	vld [tilespmem:$0x2D8];
	_ =	sdelay $0x4  }
0x2ad: {  	v5 =	vperm.xlane v4, v1;
	_ =	sdelay $0x1  }
0x2ae: {  	v4 =	vperm.xlane v4, v3;
	v5 =	vadd.s32 v2, v5;
	_ =	sdelay $0x1  }
0x2af: {  	v4 =	vadd.s32 v2, v4;
	_ =	sdelay $0x1  }
0x2b0: {  	s19 =	simm.s32 $0x5A00  }
0x2b1: {  	[tilespmem:s19], [sflag:$0x1] =	stream.indirect_vreg.gather [hbm4b:s1+s17], $0x80, v5, vm0, $0xb8;
	[tilespmem:$0x17080] =	vst v63  }
0x2b2: {  	s20 =	simm.s32 $0x7A00  }
0x2b3: {  	[tilespmem:s20], [sflag:$0x1] =	stream.indirect_vreg.gather [hbm4b:s1+s17], $0x80, v4, vm0, $0xb8;
	[tilespmem:$0x17080] =	vst v63  }
0x2b4: {  	v4 =	vld.msk [tilespmem:$0x2E8], $0xff;
	_ =	sdelay $0x4  }
0x2b5: {  	v4 =	vperm.xlane v4, v1;
	_ =	sdelay $0x1  }
0x2b6: {  	v4 =	vadd.s32 v2, v4;
	_ =	sdelay $0x3  }
0x2b7: {  	s23 =	simm.s32 $0x9A00  }
0x2b8: {  	[tilespmem:s23], [sflag:$0x1] =	stream.indirect_vreg.gather [hbm4b:s1+s17], $0x80, v4, vm0, $0xb8;
	[tilespmem:$0x17080] =	vst v63  }
0x2b9: {  	v4 =	vld [tilespmem:$0x2F0];
	_ =	sdelay $0x4  }
0x2ba: {  	v5 =	vperm.xlane v4, v1;
	_ =	sdelay $0x1  }
0x2bb: {  	v4 =	vperm.xlane v4, v3;
	v5 =	vadd.s32 v2, v5;
	_ =	sdelay $0x1  }
0x2bc: {  	v4 =	vadd.s32 v2, v4;
	_ =	sdelay $0x1  }
0x2bd: {  	s25 =	simm.s32 $0x1E00  }
0x2be: {  	[tilespmem:s25], [sflag:$0x1] =	stream.indirect_vreg.gather [hbm4b:s1+s17], $0x80, v5, vm0, $0xb8;
	[tilespmem:$0x17080] =	vst v63  }
0x2bf: {  	s19 =	simm.s32 $0x3E00  }
0x2c0: {  	[tilespmem:s19], [sflag:$0x1] =	stream.indirect_vreg.gather [hbm4b:s1+s17], $0x80, v4, vm0, $0xb8;
	[tilespmem:$0x17080] =	vst v63  }
0x2c1: {  	v4 =	vld [tilespmem:$0x300];
	_ =	sdelay $0x4  }
0x2c2: {  	v5 =	vperm.xlane v4, v1;
	_ =	sdelay $0x1  }
0x2c3: {  	v4 =	vperm.xlane v4, v3;
	v5 =	vadd.s32 v2, v5;
	_ =	sdelay $0x1  }
0x2c4: {  	v4 =	vadd.s32 v2, v4;
	_ =	sdelay $0x1  }
0x2c5: {  	s20 =	simm.s32 $0x5E00  }
0x2c6: {  	[tilespmem:s20], [sflag:$0x1] =	stream.indirect_vreg.gather [hbm4b:s1+s17], $0x80, v5, vm0, $0xb8;
	[tilespmem:$0x17080] =	vst v63  }
0x2c7: {  	s23 =	simm.s32 $0x7E00  }
0x2c8: {  	[tilespmem:s23], [sflag:$0x1] =	stream.indirect_vreg.gather [hbm4b:s1+s17], $0x80, v4, vm0, $0xb8;
	[tilespmem:$0x17080] =	vst v63  }
0x2c9: {  	v4 =	vld.msk [tilespmem:$0x310], $0xff;
	_ =	sdelay $0x4  }
0x2ca: {  	v4 =	vperm.xlane v4, v1;
	_ =	sdelay $0x1  }
0x2cb: {  	v4 =	vadd.s32 v2, v4;
	_ =	sdelay $0x3  }
0x2cc: {  	s25 =	simm.s32 $0x9E00  }
0x2cd: {  	[tilespmem:s25], [sflag:$0x1] =	stream.indirect_vreg.gather [hbm4b:s1+s17], $0x80, v4, vm0, $0xb8;
	[tilespmem:$0x17080] =	vst v63  }
0x2ce: {  	s19 =	simm.s32 $0x14600  }
0x2cf: {  	[tilespmem:s19], [sflag:$0x1] =	stream.indirect.gather [hbm4b:s6+s16], $0x80, s17, s16, $0xb8;
	[tilespmem:$0x17080] =	vst v63  }
0x2d0: {  	s20 =	simm.s32 $0x16E00  }
0x2d1: {  	[tilespmem:s20], [sflag:$0x1] =	stream.indirect.gather [hbm4b:s8+s16], $0x1, s17, s16, $0xb8;
	[tilespmem:$0x17080] =	vst v63  }
0x2d2: {  	s23 =	simm.s32 $0x500;
	s25 =	simm.s32 $0x16F00  }
0x2d3: {  	[tilespmem:s25], [sflag:$0x1] =	stream.indirect.gather [hbm4b:s7+s16], $0x1, s23, s16, $0xb8;
	[tilespmem:$0x17080] =	vst v63  }
0x2d4: {  	_ =	swait.ge [sflag:s2], $0x1400  }
0x2d5: {  	[sflag:s2] =	ssyncset.done $0x0  }
0x2d6: {  	[sflag:s2] =	ssyncadd.s32 $0xFFFFEC00  }
0x2d7: {  	_ =	swait.ge [sflag:s2], $0x1400  }
0x2d8: {  	[sflag:s2] =	ssyncset.done $0x0  }
0x2d9: {  	[sflag:s2] =	ssyncadd.s32 $0xFFFFEC00  }
0x2da: {  	_ =	swait.ge [sflag:s2], $0x1400  }
0x2db: {  	[sflag:s2] =	ssyncset.done $0x0  }
0x2dc: {  	[sflag:s2] =	ssyncadd.s32 $0xFFFFEC00  }
0x2dd: {  	_ =	swait.ge [sflag:s2], $0x1400  }
0x2de: {  	[sflag:s2] =	ssyncset.done $0x0  }
0x2df: {  	[sflag:s2] =	ssyncadd.s32 $0xFFFFEC00  }
0x2e0: {  	_ =	swait.ge [sflag:s2], $0x1400  }
0x2e1: {  	[sflag:s2] =	ssyncset.done $0x0  }
0x2e2: {  	[sflag:s2] =	ssyncadd.s32 $0xFFFFEC00  }
0x2e3: {  	_ =	swait.ge [sflag:s2], $0x1400  }
0x2e4: {  	[sflag:s2] =	ssyncset.done $0x0  }
0x2e5: {  	[sflag:s2] =	ssyncadd.s32 $0xFFFFEC00  }
0x2e6: {  	_ =	swait.ge [sflag:s2], $0x1400  }
0x2e7: {  	[sflag:s2] =	ssyncset.done $0x0  }
0x2e8: {  	[sflag:s2] =	ssyncadd.s32 $0xFFFFEC00  }
0x2e9: {  	_ =	swait.ge [sflag:s2], $0x1400  }
0x2ea: {  	[sflag:s2] =	ssyncset.done $0x0  }
0x2eb: {  	[sflag:s2] =	ssyncadd.s32 $0xFFFFEC00  }
0x2ec: {  	_ =	swait.ge [sflag:s2], $0x28  }
0x2ed: {  	[sflag:s2] =	ssyncset.done $0x0  }
0x2ee: {  	[sflag:s2] =	ssyncadd.s32 $0xFFFFFFD8  }
0x2ef: {  	_ =	swait.ge [sflag:s2], $0x28  }
0x2f0: {  	[sflag:s2] =	ssyncset.done $0x0  }
0x2f1: {  	s18 =	simm.s32 $0x15A30;
	[sflag:s2] =	ssyncadd.s32 $0xFFFFFFD8  }
0x2f2: {  	v4 =	vld [tilespmem:s18+$0xFFFFFFD0]  }
0x2f3: {  	s20 =	sand.u32 $0x7, s17  }
0x2f4: {  	s19 =	sshll.u32 s20, $0x7  }
0x2f5: {  	s19 =	sadd.s32 $0x0, s19  }
0x2f6: {  	s20 =	sor.u32 $0x1C00, s19  }
0x2f7: {  	[tilespmem:s20+$0xA600] =	vst v4  }
0x2f8: {  	v4 =	vld [tilespmem:s18+$0xFFFFFFE0];
	_ =	sdelay $0x3  }
0x2f9: {  	s23 =	sor.u32 $0x1C10, s19  }
0x2fa: {  	[tilespmem:s23+$0xA600] =	vst v4  }
0x2fb: {  	v4 =	vld [tilespmem:s18+$0xFFFFFFF0];
	_ =	sdelay $0x3  }
0x2fc: {  	s25 =	sor.u32 $0x1C20, s19  }
0x2fd: {  	[tilespmem:s25+$0xA600] =	vst v4  }
0x2fe: {  	v4 =	vld [tilespmem:s18+$0x0];
	_ =	sdelay $0x3  }
0x2ff: {  	s23 =	sor.u32 $0x1C30, s19  }
0x300: {  	[tilespmem:s23+$0xA600] =	vst v4  }
0x301: {  	v4 =	vld [tilespmem:s18+$0x10];
	_ =	sdelay $0x3  }
0x302: {  	s25 =	sor.u32 $0x1C40, s19  }
0x303: {  	[tilespmem:s25+$0xA600] =	vst v4  }
0x304: {  	v4 =	vld [tilespmem:s18+$0x18];
	_ =	sdelay $0x3  }
0x305: {  	s23 =	sor.u32 $0x1C48, s19  }
0x306: {  	[tilespmem:s23+$0xA600] =	vst v4  }
0x307: {  	v4 =	vld [tilespmem:s18+$0x28];
	_ =	sdelay $0x3  }
0x308: {  	s25 =	sor.u32 $0x1C58, s19  }
0x309: {  	s18 =	simm.s32 $0x15AB0;
	[tilespmem:s25+$0xA600] =	vst v4  }
0x30a: {  	s20 =	simm.s32 $0x100;
	s19 =	simm.s32 $0x1;
	v4 =	vld [tilespmem:s18+$0xFFFFFFD0]  }
.LBB2_5:
0x30b: {  	p0 =	sne.s32 s20, $0x1380;
	s23 =	sand.u32 $0x7, s19  }
0x30c: {  	s17 =	sadd.s32 $0x400, s17;
	s23 =	sshll.u32 s23, $0x7  }
0x30d: {  	s23 =	sadd.s32 s23, s17  }
0x30e: {  	s25 =	sor.u32 $0x1C00, s23  }
0x30f: {  	[tilespmem:s25+$0xA600] =	vst v4  }
0x310: {  	v4 =	vld [tilespmem:s18+$0xFFFFFFE0];
	_ =	sdelay $0x3  }
0x311: {  	s25 =	sor.u32 $0x1C10, s23  }
0x312: {  	[tilespmem:s25+$0xA600] =	vst v4  }
0x313: {  	v4 =	vld [tilespmem:s18+$0xFFFFFFF0];
	_ =	sdelay $0x3  }
0x314: {  	s25 =	sor.u32 $0x1C20, s23  }
0x315: {  	[tilespmem:s25+$0xA600] =	vst v4  }
0x316: {  	v4 =	vld [tilespmem:s18+$0x0];
	_ =	sdelay $0x3  }
0x317: {  	s25 =	sor.u32 $0x1C30, s23  }
0x318: {  	[tilespmem:s25+$0xA600] =	vst v4  }
0x319: {  	v4 =	vld [tilespmem:s18+$0x10];
	_ =	sdelay $0x3  }
0x31a: {  	s25 =	sor.u32 $0x1C40, s23  }
0x31b: {  	[tilespmem:s25+$0xA600] =	vst v4  }
0x31c: {  	v4 =	vld [tilespmem:s18+$0x18];
	_ =	sdelay $0x3  }
0x31d: {  	s25 =	sor.u32 $0x1C48, s23  }
0x31e: {  	[tilespmem:s25+$0xA600] =	vst v4  }
0x31f: {  	v4 =	vld [tilespmem:s18+$0x28];
	_ =	sdelay $0x1  }
.Ltmp1:
0x320: {  	(pc) =	sbr.rel @p0 .LBB2_5-.Ltmp1, $4  }
0x321: {  	_ = 	snop  }
0x322: {  	s23 =	sor.u32 $0x1C58, s23  }
0x323: {  	s18 =	sadd.s32 $0x80, s18;
	[tilespmem:s23+$0xA600] =	vst v4  }
0x324: {  	s20 =	sadd.s32 $0x80, s20;
	s19 =	sadd.s32 $0x1, s19;
	v4 =	vld [tilespmem:s18+$0xFFFFFFD0]  }
0x325: {  	s19 =	sand.u32 $0x7, s19  }
0x326: {  	s17 =	sadd.s32 $0x400, s17;
	s19 =	sshll.u32 s19, $0x7  }
0x327: {  	s17 =	sadd.s32 s19, s17  }
0x328: {  	s19 =	sor.u32 $0x1C00, s17  }
0x329: {  	[tilespmem:s19+$0xA600] =	vst v4  }
0x32a: {  	v4 =	vld [tilespmem:s18+$0xFFFFFFE0];
	_ =	sdelay $0x3  }
0x32b: {  	s23 =	sor.u32 $0x1C10, s17  }
0x32c: {  	[tilespmem:s23+$0xA600] =	vst v4  }
0x32d: {  	v4 =	vld [tilespmem:s18+$0xFFFFFFF0];
	_ =	sdelay $0x3  }
0x32e: {  	s25 =	sor.u32 $0x1C20, s17  }
0x32f: {  	[tilespmem:s25+$0xA600] =	vst v4  }
0x330: {  	v4 =	vld [tilespmem:s18+$0x0];
	_ =	sdelay $0x3  }
0x331: {  	s20 =	sor.u32 $0x1C30, s17  }
0x332: {  	[tilespmem:s20+$0xA600] =	vst v4  }
0x333: {  	v4 =	vld [tilespmem:s18+$0x10];
	_ =	sdelay $0x3  }
0x334: {  	s23 =	sor.u32 $0x1C40, s17  }
0x335: {  	[tilespmem:s23+$0xA600] =	vst v4  }
0x336: {  	v4 =	vld [tilespmem:s18+$0x18];
	_ =	sdelay $0x3  }
0x337: {  	s25 =	sor.u32 $0x1C48, s17  }
0x338: {  	[tilespmem:s25+$0xA600] =	vst v4  }
0x339: {  	v4 =	vld [tilespmem:s18+$0x28];
	_ =	sdelay $0x2  }
0x33a: {  	s14 =	sadd.s32 s14, s15  }
0x33b: {  	s19 =	sshll.u32 s14, $0x7;
	s17 =	sor.u32 $0x1C58, s17  }
0x33c: {  	s20 =	sadd.s32 s10, s19;
	[tilespmem:s17+$0xA600] =	vst v4  }
0x33d: {  	[hbm4b:s20+s3] =	stream.linear.scatter [tilespmem:s24], [sflag:$0x4], $0xA000, $0x38;
	[tilespmem:$0x17080] =	vst v63  }
0x33e: {  	v4 =	vld [tilespmem:$0x16E80]  }
0x33f: {  	v5 =	vld [tilespmem:$0x16F80]  }
0x340: {  	v6 =	vld [tilespmem:$0x17000]  }
0x341: {  	v7 =	vld [tilespmem:$0x16E90]  }
0x342: {  	v8 =	vld [tilespmem:$0x16F90]  }
0x343: {  	v9 =	vld [tilespmem:$0x16E98]  }
0x344: {  	v10 =	vld [tilespmem:$0x16F98];
	_ =	sdelay $0x1  }
0x345: {  	v4 =	vsub.f32 v4, v5;
	_ =	sdelay $0x1  }
0x346: {  	v5 =	vsub.f32 v7, v8;
	v4 =	vadd.f32 v4, v6  }
0x347: {  	v33 =	vsub.f32 v9, v10  }
0x348: {  	v5 =	vadd.f32 v5, v4  }
0x349: {  	v6 =	vsel vm0, $0x0, v33  }
0x34a: {  	s14 =	sshrl.u32 s14, $0x3;
	[tilespmem:$0x17000] =	vst v4;
	v4 =	vadd.f32 v6, v5  }
0x34b: {  	s14 =	sadd.s32 $0xA, s14;
	[tilespmem:$0x17000] =	vst v5  }
0x34c: {  	s23 =	sadd.s32 s4, s14;
	[tilespmem:$0x17000] =	vst v4  }
0x34d: {  	[tilespmem:s21], [sflag:$0x6] =	stream.linear.gather [hbm4b:s23+s3], $0x28, $0x38;
	[tilespmem:$0x17080] =	vst v63  }
0x34e: {  	s14 =	sadd.s32 s5, s14;
	s25 =	simm.s32 $0x180  }
0x34f: {  	[tilespmem:s25], [sflag:$0x6] =	stream.linear.gather [hbm4b:s14+s3], $0x28, $0x38;
	[tilespmem:$0x17080] =	vst v63  }
0x350: {  	_ =	swait.ge [sflag:s11], $0x28  }
0x351: {  	[sflag:s11] =	ssyncset.done $0x0  }
0x352: {  	[sflag:s11] =	ssyncadd.s32 $0xFFFFFFD8  }
0x353: {  	_ =	swait.ge [sflag:s11], $0x28  }
0x354: {  	[sflag:s11] =	ssyncset.done $0x0  }
0x355: {  	[sflag:s11] =	ssyncadd.s32 $0xFFFFFFD8  }
0x356: {  	v4 =	vld [tilespmem:$0x80]  }
0x357: {  	v5 =	vld [tilespmem:$0x90]  }
0x358: {  	v34 =	vld [tilespmem:$0x98]  }
0x359: {  	v35 =	vld [tilespmem:$0x80]  }
0x35a: {  	v36 =	vld [tilespmem:$0x90]  }
0x35b: {  	v37 =	vld [tilespmem:$0x98]  }
0x35c: {  	v38 =	vld [tilespmem:$0x80]  }
0x35d: {  	v11 =	vld [tilespmem:$0x90]  }
0x35e: {  	v12 =	vld [tilespmem:$0x98];
	v4 =	vshll.u32 v4, $0x3  }
0x35f: {  	v40 =	vld [tilespmem:$0x90];
	[tilespmem:$0x380] =	vst v4;
	v4 =	vshll.u32 v5, $0x3  }
0x360: {  	v42 =	vld [tilespmem:$0x98];
	v39 =	vshll.u32 v35, $0x3;
	[tilespmem:$0x390] =	vst v4;
	v4 =	vshll.u32 v34, $0x3  }
0x361: {  	v41 =	vshll.u32 v36, $0x3;
	v5 =	vld [tilespmem:$0x80];
	[tilespmem:$0x398] =	vst v4;
	v4 =	vor.u32 $0x1, v39  }
0x362: {  	v44 =	vld [tilespmem:$0x80];
	v43 =	vshll.u32 v37, $0x3;
	[tilespmem:$0x3A8] =	vst v4;
	v4 =	vor.u32 $0x1, v41  }
0x363: {  	v46 =	vld [tilespmem:$0x90];
	v45 =	vshll.u32 v38, $0x3;
	[tilespmem:$0x3B8] =	vst v4;
	v4 =	vor.u32 $0x1, v43  }
0x364: {  	v48 =	vld [tilespmem:$0x98];
	v47 =	vshll.u32 v11, $0x3;
	[tilespmem:$0x3C0] =	vst v4;
	v4 =	vor.u32 $0x2, v45  }
0x365: {  	v50 =	vld [tilespmem:$0x80];
	v49 =	vshll.u32 v12, $0x3;
	[tilespmem:$0x3D0] =	vst v4;
	v4 =	vor.u32 $0x2, v47  }
0x366: {  	v51 =	vld [tilespmem:$0x90];
	v5 =	vshll.u32 v5, $0x3;
	[tilespmem:$0x3E0] =	vst v4;
	v4 =	vor.u32 $0x2, v49  }
0x367: {  	v52 =	vld [tilespmem:$0x98];
	[tilespmem:$0x3E8] =	vst v4;
	v4 =	vor.u32 $0x3, v5;
	v5 =	vshll.u32 v40, $0x3  }
0x368: {  	v53 =	vld [tilespmem:$0x80];
	[tilespmem:$0x3F8] =	vst v4;
	v4 =	vor.u32 $0x3, v5;
	v5 =	vshll.u32 v42, $0x3  }
0x369: {  	v54 =	vld [tilespmem:$0x90];
	[tilespmem:$0x408] =	vst v4;
	v4 =	vor.u32 $0x3, v5;
	v5 =	vshll.u32 v44, $0x3  }
0x36a: {  	v55 =	vld [tilespmem:$0x98];
	[tilespmem:$0x410] =	vst v4;
	v4 =	vor.u32 $0x4, v5;
	v5 =	vshll.u32 v46, $0x3  }
0x36b: {  	v56 =	vld [tilespmem:$0x80];
	[tilespmem:$0x420] =	vst v4;
	v4 =	vor.u32 $0x4, v5;
	v5 =	vshll.u32 v48, $0x3  }
0x36c: {  	v57 =	vld [tilespmem:$0x180];
	[tilespmem:$0x430] =	vst v4;
	v4 =	vor.u32 $0x4, v5;
	v5 =	vshll.u32 v50, $0x3  }
0x36d: {  	v58 =	vld [tilespmem:$0x90];
	[tilespmem:$0x438] =	vst v4;
	v4 =	vor.u32 $0x5, v5;
	v5 =	vshll.u32 v51, $0x3  }
0x36e: {  	v59 =	vld [tilespmem:$0x98];
	[tilespmem:$0x448] =	vst v4;
	v4 =	vor.u32 $0x5, v5;
	v5 =	vshll.u32 v52, $0x3  }
0x36f: {  	v60 =	vld [tilespmem:$0x190];
	[tilespmem:$0x458] =	vst v4;
	v4 =	vor.u32 $0x5, v5;
	v5 =	vshll.u32 v53, $0x3  }
0x370: {  	v61 =	vld [tilespmem:$0x198];
	[tilespmem:$0x460] =	vst v4;
	v4 =	vor.u32 $0x6, v5;
	v5 =	vshll.u32 v54, $0x3  }
0x371: {  	v62 =	vmul.u32 $0x3E8, v56;
	[tilespmem:$0x470] =	vst v4;
	v4 =	vor.u32 $0x6, v5;
	v5 =	vshll.u32 v55, $0x3  }
0x372: {  	[tilespmem:$0x480] =	vst v4;
	v4 =	vor.u32 $0x6, v5;
	v5 =	vmul.u32 $0x3E8, v58  }
0x373: {  	v63 =	vmul.u32 $0x3E8, v59;
	[tilespmem:$0x488] =	vst v4;
	v4 =	vadd.s32 v57, v62  }
0x374: {  	[tilespmem:$0x580] =	vst v4;
	v4 =	vadd.s32 v60, v5  }
0x375: {  	[tilespmem:$0x590] =	vst v4;
	v4 =	vadd.s32 v61, v63  }
0x376: {  	[tilespmem:$0x598] =	vst v4  }
0x377: {  	_ =	swait.ge [sflag:s12], $0xA000  }
0x378: {  	[sflag:s12] =	ssyncset.done $0x0  }
0x379: {  	[sflag:s12] =	ssyncadd.s32 $0xFFFF6000  }
0x37a: {  	v4 =	vld [tilespmem:$0x380];
	_ =	sdelay $0x4  }
0x37b: {  	v5 =	vperm.xlane v4, v1;
	_ =	sdelay $0x1  }
0x37c: {  	v4 =	vperm.xlane v4, v3;
	v5 =	vadd.s32 v2, v5;
	_ =	sdelay $0x1  }
0x37d: {  	v4 =	vadd.s32 v2, v4;
	_ =	sdelay $0x2  }
0x37e: {  	[tilespmem:s24], [sflag:$0x2] =	stream.indirect_vreg.gather [hbm4b:s1+s3], $0x80, v5, vm0, $0xb8;
	[tilespmem:$0x17080] =	vst v63  }
0x37f: {  	s18 =	simm.s32 $0xC600  }
0x380: {  	[tilespmem:s18], [sflag:$0x2] =	stream.indirect_vreg.gather [hbm4b:s1+s3], $0x80, v4, vm0, $0xb8;
	[tilespmem:$0x17080] =	vst v63  }
0x381: {  	v4 =	vld [tilespmem:$0x390];
	_ =	sdelay $0x4  }
0x382: {  	v5 =	vperm.xlane v4, v1;
	_ =	sdelay $0x1  }
0x383: {  	v4 =	vperm.xlane v4, v3;
	v5 =	vadd.s32 v2, v5;
	_ =	sdelay $0x1  }
0x384: {  	v4 =	vadd.s32 v2, v4;
	_ =	sdelay $0x1  }
0x385: {  	s19 =	simm.s32 $0xE600  }
0x386: {  	[tilespmem:s19], [sflag:$0x2] =	stream.indirect_vreg.gather [hbm4b:s1+s3], $0x80, v5, vm0, $0xb8;
	[tilespmem:$0x17080] =	vst v63  }
0x387: {  	s20 =	simm.s32 $0x10600  }
0x388: {  	[tilespmem:s20], [sflag:$0x2] =	stream.indirect_vreg.gather [hbm4b:s1+s3], $0x80, v4, vm0, $0xb8;
	[tilespmem:$0x17080] =	vst v63  }
0x389: {  	v4 =	vld.msk [tilespmem:$0x3A0], $0xff;
	_ =	sdelay $0x4  }
0x38a: {  	v4 =	vperm.xlane v4, v1;
	_ =	sdelay $0x1  }
0x38b: {  	v4 =	vadd.s32 v2, v4;
	_ =	sdelay $0x3  }
0x38c: {  	s23 =	simm.s32 $0x12600  }
0x38d: {  	[tilespmem:s23], [sflag:$0x2] =	stream.indirect_vreg.gather [hbm4b:s1+s3], $0x80, v4, vm0, $0xb8;
	[tilespmem:$0x17080] =	vst v63  }
0x38e: {  	v4 =	vld [tilespmem:$0x3A8];
	_ =	sdelay $0x4  }
0x38f: {  	v5 =	vperm.xlane v4, v1;
	_ =	sdelay $0x1  }
0x390: {  	v4 =	vperm.xlane v4, v3;
	v5 =	vadd.s32 v2, v5;
	_ =	sdelay $0x1  }
0x391: {  	v4 =	vadd.s32 v2, v4;
	_ =	sdelay $0x1  }
0x392: {  	s25 =	simm.s32 $0xAA00  }
0x393: {  	[tilespmem:s25], [sflag:$0x2] =	stream.indirect_vreg.gather [hbm4b:s1+s3], $0x80, v5, vm0, $0xb8;
	[tilespmem:$0x17080] =	vst v63  }
0x394: {  	s17 =	simm.s32 $0xCA00  }
0x395: {  	[tilespmem:s17], [sflag:$0x2] =	stream.indirect_vreg.gather [hbm4b:s1+s3], $0x80, v4, vm0, $0xb8;
	[tilespmem:$0x17080] =	vst v63  }
0x396: {  	v4 =	vld [tilespmem:$0x3B8];
	_ =	sdelay $0x4  }
0x397: {  	v5 =	vperm.xlane v4, v1;
	_ =	sdelay $0x1  }
0x398: {  	v4 =	vperm.xlane v4, v3;
	v5 =	vadd.s32 v2, v5;
	_ =	sdelay $0x1  }
0x399: {  	v4 =	vadd.s32 v2, v4;
	_ =	sdelay $0x1  }
0x39a: {  	s18 =	simm.s32 $0xEA00  }
0x39b: {  	[tilespmem:s18], [sflag:$0x2] =	stream.indirect_vreg.gather [hbm4b:s1+s3], $0x80, v5, vm0, $0xb8;
	[tilespmem:$0x17080] =	vst v63  }
0x39c: {  	s19 =	simm.s32 $0x10A00  }
0x39d: {  	[tilespmem:s19], [sflag:$0x2] =	stream.indirect_vreg.gather [hbm4b:s1+s3], $0x80, v4, vm0, $0xb8;
	[tilespmem:$0x17080] =	vst v63  }
0x39e: {  	v4 =	vld.msk [tilespmem:$0x3C8], $0xff;
	_ =	sdelay $0x4  }
0x39f: {  	v4 =	vperm.xlane v4, v1;
	_ =	sdelay $0x1  }
0x3a0: {  	v4 =	vadd.s32 v2, v4;
	_ =	sdelay $0x3  }
0x3a1: {  	s20 =	simm.s32 $0x12A00  }
0x3a2: {  	[tilespmem:s20], [sflag:$0x2] =	stream.indirect_vreg.gather [hbm4b:s1+s3], $0x80, v4, vm0, $0xb8;
	[tilespmem:$0x17080] =	vst v63  }
0x3a3: {  	v4 =	vld [tilespmem:$0x3D0];
	_ =	sdelay $0x4  }
0x3a4: {  	v5 =	vperm.xlane v4, v1;
	_ =	sdelay $0x1  }
0x3a5: {  	v4 =	vperm.xlane v4, v3;
	v5 =	vadd.s32 v2, v5;
	_ =	sdelay $0x1  }
0x3a6: {  	v4 =	vadd.s32 v2, v4;
	_ =	sdelay $0x1  }
0x3a7: {  	s23 =	simm.s32 $0xAE00  }
0x3a8: {  	[tilespmem:s23], [sflag:$0x2] =	stream.indirect_vreg.gather [hbm4b:s1+s3], $0x80, v5, vm0, $0xb8;
	[tilespmem:$0x17080] =	vst v63  }
0x3a9: {  	s25 =	simm.s32 $0xCE00  }
0x3aa: {  	[tilespmem:s25], [sflag:$0x2] =	stream.indirect_vreg.gather [hbm4b:s1+s3], $0x80, v4, vm0, $0xb8;
	[tilespmem:$0x17080] =	vst v63  }
0x3ab: {  	v4 =	vld [tilespmem:$0x3E0];
	_ =	sdelay $0x4  }
0x3ac: {  	v5 =	vperm.xlane v4, v1;
	_ =	sdelay $0x1  }
0x3ad: {  	v4 =	vperm.xlane v4, v3;
	v5 =	vadd.s32 v2, v5;
	_ =	sdelay $0x1  }
0x3ae: {  	v4 =	vadd.s32 v2, v4;
	_ =	sdelay $0x1  }
0x3af: {  	s17 =	simm.s32 $0xEE00  }
0x3b0: {  	[tilespmem:s17], [sflag:$0x2] =	stream.indirect_vreg.gather [hbm4b:s1+s3], $0x80, v5, vm0, $0xb8;
	[tilespmem:$0x17080] =	vst v63  }
0x3b1: {  	s18 =	simm.s32 $0x10E00  }
0x3b2: {  	[tilespmem:s18], [sflag:$0x2] =	stream.indirect_vreg.gather [hbm4b:s1+s3], $0x80, v4, vm0, $0xb8;
	[tilespmem:$0x17080] =	vst v63  }
0x3b3: {  	v4 =	vld.msk [tilespmem:$0x3F0], $0xff;
	_ =	sdelay $0x4  }
0x3b4: {  	v4 =	vperm.xlane v4, v1;
	_ =	sdelay $0x1  }
0x3b5: {  	v4 =	vadd.s32 v2, v4;
	_ =	sdelay $0x3  }
0x3b6: {  	s19 =	simm.s32 $0x12E00  }
0x3b7: {  	[tilespmem:s19], [sflag:$0x2] =	stream.indirect_vreg.gather [hbm4b:s1+s3], $0x80, v4, vm0, $0xb8;
	[tilespmem:$0x17080] =	vst v63  }
0x3b8: {  	v4 =	vld [tilespmem:$0x3F8];
	_ =	sdelay $0x4  }
0x3b9: {  	v5 =	vperm.xlane v4, v1;
	_ =	sdelay $0x1  }
0x3ba: {  	v4 =	vperm.xlane v4, v3;
	v5 =	vadd.s32 v2, v5;
	_ =	sdelay $0x1  }
0x3bb: {  	v4 =	vadd.s32 v2, v4;
	_ =	sdelay $0x1  }
0x3bc: {  	s20 =	simm.s32 $0xB200  }
0x3bd: {  	[tilespmem:s20], [sflag:$0x2] =	stream.indirect_vreg.gather [hbm4b:s1+s3], $0x80, v5, vm0, $0xb8;
	[tilespmem:$0x17080] =	vst v63  }
0x3be: {  	s23 =	simm.s32 $0xD200  }
0x3bf: {  	[tilespmem:s23], [sflag:$0x2] =	stream.indirect_vreg.gather [hbm4b:s1+s3], $0x80, v4, vm0, $0xb8;
	[tilespmem:$0x17080] =	vst v63  }
0x3c0: {  	v4 =	vld [tilespmem:$0x408];
	_ =	sdelay $0x4  }
0x3c1: {  	v5 =	vperm.xlane v4, v1;
	_ =	sdelay $0x1  }
0x3c2: {  	v4 =	vperm.xlane v4, v3;
	v5 =	vadd.s32 v2, v5;
	_ =	sdelay $0x1  }
0x3c3: {  	v4 =	vadd.s32 v2, v4;
	_ =	sdelay $0x1  }
0x3c4: {  	s25 =	simm.s32 $0xF200  }
0x3c5: {  	[tilespmem:s25], [sflag:$0x2] =	stream.indirect_vreg.gather [hbm4b:s1+s3], $0x80, v5, vm0, $0xb8;
	[tilespmem:$0x17080] =	vst v63  }
0x3c6: {  	s17 =	simm.s32 $0x11200  }
0x3c7: {  	[tilespmem:s17], [sflag:$0x2] =	stream.indirect_vreg.gather [hbm4b:s1+s3], $0x80, v4, vm0, $0xb8;
	[tilespmem:$0x17080] =	vst v63  }
0x3c8: {  	v4 =	vld.msk [tilespmem:$0x418], $0xff;
	_ =	sdelay $0x4  }
0x3c9: {  	v4 =	vperm.xlane v4, v1;
	_ =	sdelay $0x1  }
0x3ca: {  	v4 =	vadd.s32 v2, v4;
	_ =	sdelay $0x3  }
0x3cb: {  	s18 =	simm.s32 $0x13200  }
0x3cc: {  	[tilespmem:s18], [sflag:$0x2] =	stream.indirect_vreg.gather [hbm4b:s1+s3], $0x80, v4, vm0, $0xb8;
	[tilespmem:$0x17080] =	vst v63  }
0x3cd: {  	v4 =	vld [tilespmem:$0x420];
	_ =	sdelay $0x4  }
0x3ce: {  	v5 =	vperm.xlane v4, v1;
	_ =	sdelay $0x1  }
0x3cf: {  	v4 =	vperm.xlane v4, v3;
	v5 =	vadd.s32 v2, v5;
	_ =	sdelay $0x1  }
0x3d0: {  	v4 =	vadd.s32 v2, v4;
	_ =	sdelay $0x1  }
0x3d1: {  	s19 =	simm.s32 $0xB600  }
0x3d2: {  	[tilespmem:s19], [sflag:$0x2] =	stream.indirect_vreg.gather [hbm4b:s1+s3], $0x80, v5, vm0, $0xb8;
	[tilespmem:$0x17080] =	vst v63  }
0x3d3: {  	s20 =	simm.s32 $0xD600  }
0x3d4: {  	[tilespmem:s20], [sflag:$0x2] =	stream.indirect_vreg.gather [hbm4b:s1+s3], $0x80, v4, vm0, $0xb8;
	[tilespmem:$0x17080] =	vst v63  }
0x3d5: {  	v4 =	vld [tilespmem:$0x430];
	_ =	sdelay $0x4  }
0x3d6: {  	v5 =	vperm.xlane v4, v1;
	_ =	sdelay $0x1  }
0x3d7: {  	v4 =	vperm.xlane v4, v3;
	v5 =	vadd.s32 v2, v5;
	_ =	sdelay $0x1  }
0x3d8: {  	v4 =	vadd.s32 v2, v4;
	_ =	sdelay $0x1  }
0x3d9: {  	s23 =	simm.s32 $0xF600  }
0x3da: {  	[tilespmem:s23], [sflag:$0x2] =	stream.indirect_vreg.gather [hbm4b:s1+s3], $0x80, v5, vm0, $0xb8;
	[tilespmem:$0x17080] =	vst v63  }
0x3db: {  	s25 =	simm.s32 $0x11600  }
0x3dc: {  	[tilespmem:s25], [sflag:$0x2] =	stream.indirect_vreg.gather [hbm4b:s1+s3], $0x80, v4, vm0, $0xb8;
	[tilespmem:$0x17080] =	vst v63  }
0x3dd: {  	v4 =	vld.msk [tilespmem:$0x440], $0xff;
	_ =	sdelay $0x4  }
0x3de: {  	v4 =	vperm.xlane v4, v1;
	_ =	sdelay $0x1  }
0x3df: {  	v4 =	vadd.s32 v2, v4;
	_ =	sdelay $0x3  }
0x3e0: {  	s17 =	simm.s32 $0x13600  }
0x3e1: {  	[tilespmem:s17], [sflag:$0x2] =	stream.indirect_vreg.gather [hbm4b:s1+s3], $0x80, v4, vm0, $0xb8;
	[tilespmem:$0x17080] =	vst v63  }
0x3e2: {  	v4 =	vld [tilespmem:$0x448];
	_ =	sdelay $0x4  }
0x3e3: {  	v5 =	vperm.xlane v4, v1;
	_ =	sdelay $0x1  }
0x3e4: {  	v4 =	vperm.xlane v4, v3;
	v5 =	vadd.s32 v2, v5;
	_ =	sdelay $0x1  }
0x3e5: {  	v4 =	vadd.s32 v2, v4;
	_ =	sdelay $0x1  }
0x3e6: {  	s18 =	simm.s32 $0xBA00  }
0x3e7: {  	[tilespmem:s18], [sflag:$0x2] =	stream.indirect_vreg.gather [hbm4b:s1+s3], $0x80, v5, vm0, $0xb8;
	[tilespmem:$0x17080] =	vst v63  }
0x3e8: {  	s19 =	simm.s32 $0xDA00  }
0x3e9: {  	[tilespmem:s19], [sflag:$0x2] =	stream.indirect_vreg.gather [hbm4b:s1+s3], $0x80, v4, vm0, $0xb8;
	[tilespmem:$0x17080] =	vst v63  }
0x3ea: {  	v4 =	vld [tilespmem:$0x458];
	_ =	sdelay $0x4  }
0x3eb: {  	v5 =	vperm.xlane v4, v1;
	_ =	sdelay $0x1  }
0x3ec: {  	v4 =	vperm.xlane v4, v3;
	v5 =	vadd.s32 v2, v5;
	_ =	sdelay $0x1  }
0x3ed: {  	v4 =	vadd.s32 v2, v4;
	_ =	sdelay $0x1  }
0x3ee: {  	s20 =	simm.s32 $0xFA00  }
0x3ef: {  	[tilespmem:s20], [sflag:$0x2] =	stream.indirect_vreg.gather [hbm4b:s1+s3], $0x80, v5, vm0, $0xb8;
	[tilespmem:$0x17080] =	vst v63  }
0x3f0: {  	s23 =	simm.s32 $0x11A00  }
0x3f1: {  	[tilespmem:s23], [sflag:$0x2] =	stream.indirect_vreg.gather [hbm4b:s1+s3], $0x80, v4, vm0, $0xb8;
	[tilespmem:$0x17080] =	vst v63  }
0x3f2: {  	v4 =	vld.msk [tilespmem:$0x468], $0xff;
	_ =	sdelay $0x4  }
0x3f3: {  	v4 =	vperm.xlane v4, v1;
	_ =	sdelay $0x1  }
0x3f4: {  	v4 =	vadd.s32 v2, v4;
	_ =	sdelay $0x3  }
0x3f5: {  	s25 =	simm.s32 $0x13A00  }
0x3f6: {  	[tilespmem:s25], [sflag:$0x2] =	stream.indirect_vreg.gather [hbm4b:s1+s3], $0x80, v4, vm0, $0xb8;
	[tilespmem:$0x17080] =	vst v63  }
0x3f7: {  	v4 =	vld [tilespmem:$0x470];
	_ =	sdelay $0x4  }
0x3f8: {  	v5 =	vperm.xlane v4, v1;
	_ =	sdelay $0x1  }
0x3f9: {  	v4 =	vperm.xlane v4, v3;
	v5 =	vadd.s32 v2, v5;
	_ =	sdelay $0x1  }
0x3fa: {  	v4 =	vadd.s32 v2, v4;
	_ =	sdelay $0x1  }
0x3fb: {  	s17 =	simm.s32 $0xBE00  }
0x3fc: {  	[tilespmem:s17], [sflag:$0x2] =	stream.indirect_vreg.gather [hbm4b:s1+s3], $0x80, v5, vm0, $0xb8;
	[tilespmem:$0x17080] =	vst v63  }
0x3fd: {  	s18 =	simm.s32 $0xDE00  }
0x3fe: {  	[tilespmem:s18], [sflag:$0x2] =	stream.indirect_vreg.gather [hbm4b:s1+s3], $0x80, v4, vm0, $0xb8;
	[tilespmem:$0x17080] =	vst v63  }
0x3ff: {  	v4 =	vld [tilespmem:$0x480];
	_ =	sdelay $0x4  }
0x400: {  	v5 =	vperm.xlane v4, v1;
	_ =	sdelay $0x1  }
0x401: {  	v4 =	vperm.xlane v4, v3;
	v5 =	vadd.s32 v2, v5;
	_ =	sdelay $0x1  }
0x402: {  	v4 =	vadd.s32 v2, v4;
	_ =	sdelay $0x1  }
0x403: {  	s19 =	simm.s32 $0xFE00  }
0x404: {  	[tilespmem:s19], [sflag:$0x2] =	stream.indirect_vreg.gather [hbm4b:s1+s3], $0x80, v5, vm0, $0xb8;
	[tilespmem:$0x17080] =	vst v63  }
0x405: {  	s20 =	simm.s32 $0x11E00  }
0x406: {  	[tilespmem:s20], [sflag:$0x2] =	stream.indirect_vreg.gather [hbm4b:s1+s3], $0x80, v4, vm0, $0xb8;
	[tilespmem:$0x17080] =	vst v63  }
0x407: {  	v4 =	vld.msk [tilespmem:$0x490], $0xff;
	_ =	sdelay $0x4  }
0x408: {  	v4 =	vperm.xlane v4, v1;
	_ =	sdelay $0x1  }
0x409: {  	v4 =	vadd.s32 v2, v4;
	_ =	sdelay $0x3  }
0x40a: {  	s13 =	sadd.s32 $0x1, s13;
	s23 =	simm.s32 $0x13E00  }
0x40b: {  	[tilespmem:s23], [sflag:$0x2] =	stream.indirect_vreg.gather [hbm4b:s1+s3], $0x80, v4, vm0, $0xb8;
	[tilespmem:$0x17080] =	vst v63  }
0x40c: {  	p0 =	sne.s32 s13, $0x4F;
	s25 =	simm.s32 $0x15A00  }
0x40d: {  	[tilespmem:s25], [sflag:$0x2] =	stream.indirect.gather [hbm4b:s6+s16], $0x80, s21, s16, $0xb8;
	[tilespmem:$0x17080] =	vst v63  }
.Ltmp2:
0x40e: {  	_ = 	snop;
	(pc) =	sbr.rel @p0 .LBB2_2-.Ltmp2, $4  }
0x40f: {  	_ = 	snop  }
0x410: {  	[tilespmem:s26], [sflag:$0x2] =	stream.indirect.gather [hbm4b:s8+s16], $0x1, s21, s16, $0xb8;
	[tilespmem:$0x17080] =	vst v63  }
0x411: {  	_ = 	snop  }
0x412: {  	[tilespmem:s29], [sflag:$0x2] =	stream.indirect.gather [hbm4b:s7+s16], $0x1, s28, s16, $0xb8;
	[tilespmem:$0x17080] =	vst v63  }
0x413: {  	_ =	swait.ge [sflag:s30], $0x1400  }
0x414: {  	[sflag:s30] =	ssyncset.done $0x0  }
0x415: {  	[sflag:s30] =	ssyncadd.s32 $0xFFFFEC00  }
0x416: {  	_ =	swait.ge [sflag:s30], $0x1400  }
0x417: {  	[sflag:s30] =	ssyncset.done $0x0  }
0x418: {  	[sflag:s30] =	ssyncadd.s32 $0xFFFFEC00  }
0x419: {  	_ =	swait.ge [sflag:s30], $0x1400  }
0x41a: {  	[sflag:s30] =	ssyncset.done $0x0  }
0x41b: {  	[sflag:s30] =	ssyncadd.s32 $0xFFFFEC00  }
0x41c: {  	_ =	swait.ge [sflag:s30], $0x1400  }
0x41d: {  	[sflag:s30] =	ssyncset.done $0x0  }
0x41e: {  	[sflag:s30] =	ssyncadd.s32 $0xFFFFEC00  }
0x41f: {  	_ =	swait.ge [sflag:s30], $0x1400  }
0x420: {  	[sflag:s30] =	ssyncset.done $0x0  }
0x421: {  	[sflag:s30] =	ssyncadd.s32 $0xFFFFEC00  }
0x422: {  	_ =	swait.ge [sflag:s30], $0x1400  }
0x423: {  	[sflag:s30] =	ssyncset.done $0x0  }
0x424: {  	[sflag:s30] =	ssyncadd.s32 $0xFFFFEC00  }
0x425: {  	_ =	swait.ge [sflag:s30], $0x1400  }
0x426: {  	[sflag:s30] =	ssyncset.done $0x0  }
0x427: {  	[sflag:s30] =	ssyncadd.s32 $0xFFFFEC00  }
0x428: {  	_ =	swait.ge [sflag:s30], $0x1400  }
0x429: {  	[sflag:s30] =	ssyncset.done $0x0  }
0x42a: {  	[sflag:s30] =	ssyncadd.s32 $0xFFFFEC00  }
0x42b: {  	_ =	swait.ge [sflag:s30], $0x28  }
0x42c: {  	[sflag:s30] =	ssyncset.done $0x0  }
0x42d: {  	[sflag:s30] =	ssyncadd.s32 $0xFFFFFFD8  }
0x42e: {  	_ =	swait.ge [sflag:s30], $0x28  }
0x42f: {  	[sflag:s30] =	ssyncset.done $0x0  }
0x430: {  	s14 =	simm.s32 $0x14630;
	[sflag:s30] =	ssyncadd.s32 $0xFFFFFFD8  }
0x431: {  	s13 =	simm.s32 $0x0;
	v4 =	vld [tilespmem:s14+$0xFFFFFFD0]  }
0x432: {  	s17 =	sand.u32 $0x7, s13  }
0x433: {  	s17 =	sshll.u32 s17, $0x7  }
0x434: {  	s17 =	sadd.s32 $0x0, s17  }
0x435: {  	s18 =	sor.u32 $0x1C00, s17  }
0x436: {  	[tilespmem:s18+$0x600] =	vst v4  }
0x437: {  	v4 =	vld [tilespmem:s14+$0xFFFFFFE0];
	_ =	sdelay $0x3  }
0x438: {  	s23 =	sor.u32 $0x1C10, s17  }
0x439: {  	[tilespmem:s23+$0x600] =	vst v4  }
0x43a: {  	v4 =	vld [tilespmem:s14+$0xFFFFFFF0];
	_ =	sdelay $0x3  }
0x43b: {  	s25 =	sor.u32 $0x1C20, s17  }
0x43c: {  	[tilespmem:s25+$0x600] =	vst v4  }
0x43d: {  	v4 =	vld [tilespmem:s14+$0x0];
	_ =	sdelay $0x3  }
0x43e: {  	s19 =	sor.u32 $0x1C30, s17  }
0x43f: {  	[tilespmem:s19+$0x600] =	vst v4  }
0x440: {  	v4 =	vld [tilespmem:s14+$0x10];
	_ =	sdelay $0x3  }
0x441: {  	s20 =	sor.u32 $0x1C40, s17  }
0x442: {  	[tilespmem:s20+$0x600] =	vst v4  }
0x443: {  	v4 =	vld [tilespmem:s14+$0x18];
	_ =	sdelay $0x3  }
0x444: {  	s23 =	sor.u32 $0x1C48, s17  }
0x445: {  	[tilespmem:s23+$0x600] =	vst v4  }
0x446: {  	v4 =	vld [tilespmem:s14+$0x28];
	_ =	sdelay $0x3  }
0x447: {  	s25 =	sor.u32 $0x1C58, s17  }
0x448: {  	s14 =	simm.s32 $0x146B0;
	[tilespmem:s25+$0x600] =	vst v4  }
0x449: {  	s18 =	simm.s32 $0x100;
	s17 =	simm.s32 $0x1;
	v4 =	vld [tilespmem:s14+$0xFFFFFFD0]  }
.LBB2_8:
0x44a: {  	p0 =	sne.s32 s18, $0x1380;
	s19 =	sand.u32 $0x7, s17  }
0x44b: {  	s13 =	sadd.s32 $0x400, s13;
	s19 =	sshll.u32 s19, $0x7  }
0x44c: {  	s19 =	sadd.s32 s19, s13  }
0x44d: {  	s20 =	sor.u32 $0x1C00, s19  }
0x44e: {  	[tilespmem:s20+$0x600] =	vst v4  }
0x44f: {  	v4 =	vld [tilespmem:s14+$0xFFFFFFE0];
	_ =	sdelay $0x3  }
0x450: {  	s20 =	sor.u32 $0x1C10, s19  }
0x451: {  	[tilespmem:s20+$0x600] =	vst v4  }
0x452: {  	v4 =	vld [tilespmem:s14+$0xFFFFFFF0];
	_ =	sdelay $0x3  }
0x453: {  	s20 =	sor.u32 $0x1C20, s19  }
0x454: {  	[tilespmem:s20+$0x600] =	vst v4  }
0x455: {  	v4 =	vld [tilespmem:s14+$0x0];
	_ =	sdelay $0x3  }
0x456: {  	s20 =	sor.u32 $0x1C30, s19  }
0x457: {  	[tilespmem:s20+$0x600] =	vst v4  }
0x458: {  	v4 =	vld [tilespmem:s14+$0x10];
	_ =	sdelay $0x3  }
0x459: {  	s20 =	sor.u32 $0x1C40, s19  }
0x45a: {  	[tilespmem:s20+$0x600] =	vst v4  }
0x45b: {  	v4 =	vld [tilespmem:s14+$0x18];
	_ =	sdelay $0x3  }
0x45c: {  	s20 =	sor.u32 $0x1C48, s19  }
0x45d: {  	[tilespmem:s20+$0x600] =	vst v4  }
0x45e: {  	v4 =	vld [tilespmem:s14+$0x28];
	_ =	sdelay $0x1  }
.Ltmp3:
0x45f: {  	(pc) =	sbr.rel @p0 .LBB2_8-.Ltmp3, $4  }
0x460: {  	_ = 	snop  }
0x461: {  	s19 =	sor.u32 $0x1C58, s19  }
0x462: {  	s14 =	sadd.s32 $0x80, s14;
	[tilespmem:s19+$0x600] =	vst v4  }
0x463: {  	s18 =	sadd.s32 $0x80, s18;
	s17 =	sadd.s32 $0x1, s17;
	v4 =	vld [tilespmem:s14+$0xFFFFFFD0]  }
0x464: {  	s17 =	sand.u32 $0x7, s17  }
0x465: {  	s13 =	sadd.s32 $0x400, s13;
	s17 =	sshll.u32 s17, $0x7  }
0x466: {  	s13 =	sadd.s32 s17, s13  }
0x467: {  	s17 =	sor.u32 $0x1C00, s13  }
0x468: {  	[tilespmem:s17+$0x600] =	vst v4  }
0x469: {  	v4 =	vld [tilespmem:s14+$0xFFFFFFE0];
	_ =	sdelay $0x3  }
0x46a: {  	s19 =	sor.u32 $0x1C10, s13  }
0x46b: {  	[tilespmem:s19+$0x600] =	vst v4  }
0x46c: {  	v4 =	vld [tilespmem:s14+$0xFFFFFFF0];
	_ =	sdelay $0x3  }
0x46d: {  	s20 =	sor.u32 $0x1C20, s13  }
0x46e: {  	[tilespmem:s20+$0x600] =	vst v4  }
0x46f: {  	v4 =	vld [tilespmem:s14+$0x0];
	_ =	sdelay $0x3  }
0x470: {  	s23 =	sor.u32 $0x1C30, s13  }
0x471: {  	[tilespmem:s23+$0x600] =	vst v4  }
0x472: {  	v4 =	vld [tilespmem:s14+$0x10];
	_ =	sdelay $0x3  }
0x473: {  	s25 =	sor.u32 $0x1C40, s13  }
0x474: {  	[tilespmem:s25+$0x600] =	vst v4  }
0x475: {  	v4 =	vld [tilespmem:s14+$0x18];
	_ =	sdelay $0x3  }
0x476: {  	s18 =	sor.u32 $0x1C48, s13  }
0x477: {  	[tilespmem:s18+$0x600] =	vst v4  }
0x478: {  	v4 =	vld [tilespmem:s14+$0x28];
	_ =	sdelay $0x3  }
0x479: {  	s13 =	sor.u32 $0x1C58, s13  }
0x47a: {  	s19 =	rddreg [dreg:$0x7];
	[tilespmem:s13+$0x600] =	vst v4;
	s13 =	simm.s32 $0x0  }
0x47b: {  	[hbm4b:s19+s13] =	stream.linear.scatter [tilespmem:s22], [sflag:$0x3], $0xA000, $0x38;
	[tilespmem:$0x17080] =	vst v63  }
0x47c: {  	v4 =	vld [tilespmem:$0x16E00]  }
0x47d: {  	v5 =	vld [tilespmem:$0x16F00]  }
0x47e: {  	v6 =	vld [tilespmem:$0x17000]  }
0x47f: {  	v7 =	vld [tilespmem:$0x16E10]  }
0x480: {  	v8 =	vld [tilespmem:$0x16F10]  }
0x481: {  	v9 =	vld [tilespmem:$0x16E18]  }
0x482: {  	v10 =	vld [tilespmem:$0x16F18];
	_ =	sdelay $0x1  }
0x483: {  	v4 =	vsub.f32 v4, v5;
	_ =	sdelay $0x1  }
0x484: {  	v5 =	vsub.f32 v7, v8;
	v4 =	vadd.f32 v4, v6  }
0x485: {  	v6 =	vsub.f32 v9, v10  }
0x486: {  	v5 =	vadd.f32 v5, v4  }
0x487: {  	v6 =	vsel vm0, $0x0, v6  }
0x488: {  	[tilespmem:$0x17000] =	vst v4;
	v4 =	vadd.f32 v6, v5  }
0x489: {  	[tilespmem:$0x17000] =	vst v5  }
0x48a: {  	[tilespmem:$0x17000] =	vst v4  }
0x48b: {  	_ =	swait.ge [sflag:s0], $0xA000  }
0x48c: {  	[sflag:s0] =	ssyncset.done $0x0  }
0x48d: {  	[sflag:s0] =	ssyncadd.s32 $0xFFFF6000  }
0x48e: {  	_ =	swait.ge [sflag:s2], $0x1400  }
0x48f: {  	[sflag:s2] =	ssyncset.done $0x0  }
0x490: {  	[sflag:s2] =	ssyncadd.s32 $0xFFFFEC00  }
0x491: {  	_ =	swait.ge [sflag:s2], $0x1400  }
0x492: {  	[sflag:s2] =	ssyncset.done $0x0  }
0x493: {  	[sflag:s2] =	ssyncadd.s32 $0xFFFFEC00  }
0x494: {  	_ =	swait.ge [sflag:s2], $0x1400  }
0x495: {  	[sflag:s2] =	ssyncset.done $0x0  }
0x496: {  	[sflag:s2] =	ssyncadd.s32 $0xFFFFEC00  }
0x497: {  	_ =	swait.ge [sflag:s2], $0x1400  }
0x498: {  	[sflag:s2] =	ssyncset.done $0x0  }
0x499: {  	[sflag:s2] =	ssyncadd.s32 $0xFFFFEC00  }
0x49a: {  	_ =	swait.ge [sflag:s2], $0x1400  }
0x49b: {  	[sflag:s2] =	ssyncset.done $0x0  }
0x49c: {  	[sflag:s2] =	ssyncadd.s32 $0xFFFFEC00  }
0x49d: {  	_ =	swait.ge [sflag:s2], $0x1400  }
0x49e: {  	[sflag:s2] =	ssyncset.done $0x0  }
0x49f: {  	[sflag:s2] =	ssyncadd.s32 $0xFFFFEC00  }
0x4a0: {  	_ =	swait.ge [sflag:s2], $0x1400  }
0x4a1: {  	[sflag:s2] =	ssyncset.done $0x0  }
0x4a2: {  	[sflag:s2] =	ssyncadd.s32 $0xFFFFEC00  }
0x4a3: {  	_ =	swait.ge [sflag:s2], $0x1400  }
0x4a4: {  	[sflag:s2] =	ssyncset.done $0x0  }
0x4a5: {  	[sflag:s2] =	ssyncadd.s32 $0xFFFFEC00  }
0x4a6: {  	_ =	swait.ge [sflag:s2], $0x28  }
0x4a7: {  	[sflag:s2] =	ssyncset.done $0x0  }
0x4a8: {  	[sflag:s2] =	ssyncadd.s32 $0xFFFFFFD8  }
0x4a9: {  	_ =	swait.ge [sflag:s2], $0x28  }
0x4aa: {  	[sflag:s2] =	ssyncset.done $0x0  }
0x4ab: {  	s14 =	simm.s32 $0x15A30;
	[sflag:s2] =	ssyncadd.s32 $0xFFFFFFD8  }
0x4ac: {  	v4 =	vld [tilespmem:s14+$0xFFFFFFD0]  }
0x4ad: {  	s20 =	sand.u32 $0x7, s13  }
0x4ae: {  	s17 =	sshll.u32 s20, $0x7  }
0x4af: {  	s17 =	sadd.s32 $0x0, s17  }
0x4b0: {  	s18 =	sor.u32 $0x1C00, s17  }
0x4b1: {  	[tilespmem:s18+$0xA600] =	vst v4  }
0x4b2: {  	v4 =	vld [tilespmem:s14+$0xFFFFFFE0];
	_ =	sdelay $0x3  }
0x4b3: {  	s23 =	sor.u32 $0x1C10, s17  }
0x4b4: {  	[tilespmem:s23+$0xA600] =	vst v4  }
0x4b5: {  	v4 =	vld [tilespmem:s14+$0xFFFFFFF0];
	_ =	sdelay $0x3  }
0x4b6: {  	s25 =	sor.u32 $0x1C20, s17  }
0x4b7: {  	[tilespmem:s25+$0xA600] =	vst v4  }
0x4b8: {  	v4 =	vld [tilespmem:s14+$0x0];
	_ =	sdelay $0x3  }
0x4b9: {  	s19 =	sor.u32 $0x1C30, s17  }
0x4ba: {  	[tilespmem:s19+$0xA600] =	vst v4  }
0x4bb: {  	v4 =	vld [tilespmem:s14+$0x10];
	_ =	sdelay $0x3  }
0x4bc: {  	s20 =	sor.u32 $0x1C40, s17  }
0x4bd: {  	[tilespmem:s20+$0xA600] =	vst v4  }
0x4be: {  	v4 =	vld [tilespmem:s14+$0x18];
	_ =	sdelay $0x3  }
0x4bf: {  	s23 =	sor.u32 $0x1C48, s17  }
0x4c0: {  	[tilespmem:s23+$0xA600] =	vst v4  }
0x4c1: {  	v4 =	vld [tilespmem:s14+$0x28];
	_ =	sdelay $0x3  }
0x4c2: {  	s25 =	sor.u32 $0x1C58, s17  }
0x4c3: {  	s14 =	simm.s32 $0x15AB0;
	[tilespmem:s25+$0xA600] =	vst v4  }
0x4c4: {  	s18 =	simm.s32 $0x100;
	s17 =	simm.s32 $0x1;
	v4 =	vld [tilespmem:s14+$0xFFFFFFD0]  }
.LBB2_10:
0x4c5: {  	p0 =	sne.s32 s18, $0x1380;
	s19 =	sand.u32 $0x7, s17  }
0x4c6: {  	s13 =	sadd.s32 $0x400, s13;
	s19 =	sshll.u32 s19, $0x7  }
0x4c7: {  	s19 =	sadd.s32 s19, s13  }
0x4c8: {  	s20 =	sor.u32 $0x1C00, s19  }
0x4c9: {  	[tilespmem:s20+$0xA600] =	vst v4  }
0x4ca: {  	v4 =	vld [tilespmem:s14+$0xFFFFFFE0];
	_ =	sdelay $0x3  }
0x4cb: {  	s20 =	sor.u32 $0x1C10, s19  }
0x4cc: {  	[tilespmem:s20+$0xA600] =	vst v4  }
0x4cd: {  	v4 =	vld [tilespmem:s14+$0xFFFFFFF0];
	_ =	sdelay $0x3  }
0x4ce: {  	s20 =	sor.u32 $0x1C20, s19  }
0x4cf: {  	[tilespmem:s20+$0xA600] =	vst v4  }
0x4d0: {  	v4 =	vld [tilespmem:s14+$0x0];
	_ =	sdelay $0x3  }
0x4d1: {  	s20 =	sor.u32 $0x1C30, s19  }
0x4d2: {  	[tilespmem:s20+$0xA600] =	vst v4  }
0x4d3: {  	v4 =	vld [tilespmem:s14+$0x10];
	_ =	sdelay $0x3  }
0x4d4: {  	s20 =	sor.u32 $0x1C40, s19  }
0x4d5: {  	[tilespmem:s20+$0xA600] =	vst v4  }
0x4d6: {  	v4 =	vld [tilespmem:s14+$0x18];
	_ =	sdelay $0x3  }
0x4d7: {  	s20 =	sor.u32 $0x1C48, s19  }
0x4d8: {  	[tilespmem:s20+$0xA600] =	vst v4  }
0x4d9: {  	v4 =	vld [tilespmem:s14+$0x28];
	_ =	sdelay $0x1  }
.Ltmp4:
0x4da: {  	(pc) =	sbr.rel @p0 .LBB2_10-.Ltmp4, $4  }
0x4db: {  	_ = 	snop  }
0x4dc: {  	s19 =	sor.u32 $0x1C58, s19  }
0x4dd: {  	s14 =	sadd.s32 $0x80, s14;
	[tilespmem:s19+$0xA600] =	vst v4  }
0x4de: {  	s18 =	sadd.s32 $0x80, s18;
	s17 =	sadd.s32 $0x1, s17;
	v4 =	vld [tilespmem:s14+$0xFFFFFFD0]  }
0x4df: {  	s17 =	sand.u32 $0x7, s17  }
0x4e0: {  	s13 =	sadd.s32 $0x400, s13;
	s17 =	sshll.u32 s17, $0x7  }
0x4e1: {  	s13 =	sadd.s32 s17, s13  }
0x4e2: {  	s17 =	sor.u32 $0x1C00, s13  }
0x4e3: {  	[tilespmem:s17+$0xA600] =	vst v4  }
0x4e4: {  	v4 =	vld [tilespmem:s14+$0xFFFFFFE0];
	_ =	sdelay $0x3  }
0x4e5: {  	s18 =	sor.u32 $0x1C10, s13  }
0x4e6: {  	[tilespmem:s18+$0xA600] =	vst v4  }
0x4e7: {  	v4 =	vld [tilespmem:s14+$0xFFFFFFF0];
	_ =	sdelay $0x3  }
0x4e8: {  	s19 =	sor.u32 $0x1C20, s13  }
0x4e9: {  	[tilespmem:s19+$0xA600] =	vst v4  }
0x4ea: {  	v4 =	vld [tilespmem:s14+$0x0];
	_ =	sdelay $0x3  }
0x4eb: {  	s20 =	sor.u32 $0x1C30, s13  }
0x4ec: {  	[tilespmem:s20+$0xA600] =	vst v4  }
0x4ed: {  	v4 =	vld [tilespmem:s14+$0x10];
	_ =	sdelay $0x3  }
0x4ee: {  	s23 =	sor.u32 $0x1C40, s13  }
0x4ef: {  	[tilespmem:s23+$0xA600] =	vst v4  }
0x4f0: {  	v4 =	vld [tilespmem:s14+$0x18];
	_ =	sdelay $0x3  }
0x4f1: {  	s25 =	sor.u32 $0x1C48, s13  }
0x4f2: {  	[tilespmem:s25+$0xA600] =	vst v4  }
0x4f3: {  	v4 =	vld [tilespmem:s14+$0x28];
	_ =	sdelay $0x3  }
0x4f4: {  	s13 =	sor.u32 $0x1C58, s13  }
0x4f5: {  	s18 =	rddreg [dreg:$0x8];
	[tilespmem:s13+$0xA600] =	vst v4  }
0x4f6: {  	[hbm4b:s18+s3] =	stream.linear.scatter [tilespmem:s24], [sflag:$0x4], $0xA000, $0x38;
	[tilespmem:$0x17080] =	vst v63  }
0x4f7: {  	v4 =	vld [tilespmem:$0x16E80]  }
0x4f8: {  	v5 =	vld [tilespmem:$0x16F80]  }
0x4f9: {  	v6 =	vld [tilespmem:$0x17000]  }
0x4fa: {  	v7 =	vld [tilespmem:$0x16E90]  }
0x4fb: {  	v8 =	vld [tilespmem:$0x16F90]  }
0x4fc: {  	v9 =	vld [tilespmem:$0x16E98]  }
0x4fd: {  	v10 =	vld [tilespmem:$0x16F98];
	_ =	sdelay $0x1  }
0x4fe: {  	v4 =	vsub.f32 v4, v5;
	_ =	sdelay $0x1  }
0x4ff: {  	v5 =	vsub.f32 v7, v8;
	v4 =	vadd.f32 v4, v6  }
0x500: {  	v63 =	vsub.f32 v9, v10  }
0x501: {  	v5 =	vadd.f32 v5, v4  }
0x502: {  	v6 =	vsel vm0, $0x0, v63  }
0x503: {  	[tilespmem:$0x17000] =	vst v4;
	v4 =	vadd.f32 v6, v5  }
0x504: {  	[tilespmem:$0x17000] =	vst v5  }
0x505: {  	[tilespmem:$0x17000] =	vst v4  }
0x506: {  	_ =	swait.ge [sflag:s12], $0xA000  }
0x507: {  	s20 =	simm.s32 $0x17000;
	[sflag:s12] =	ssyncset.done $0x0  }
0x508: {  	s14 =	simm.s32 $0x7;
	s19 =	rddreg [dreg:$0x9];
	[sflag:s12] =	ssyncadd.s32 $0xFFFF6000  }
0x509: {  	[hbm4b:s19+s3] =	stream.linear.scatter [tilespmem:s20], [sflag:$0x7], $0x10, $0x38;
	[tilespmem:$0x17080] =	vst v63  }
0x50a: {  	_ =	swait.ge [sflag:s14], $0x10  }
0x50b: {  	s23 =	rddreg [dreg:$0xb]  }
0x50c: {  	s25 =	rddreg [dreg:$0xa];
	s17 =	sadd.s32 $0x1, s23  }
0x50d: {  	p0 =	sne.s32 s17, s25  }
.Ltmp5:
0x50e: {  	_ = 	snop;
	(pc) =	sbr.rel @p0 .LBB2_1-.Ltmp5, $3  }
0x50f: {  	_ =	sdelay $0x1  }
0x510: {  	[sflag:s14] =	ssyncset.done $0x0  }
0x511: {  	[sflag:s14] =	ssyncadd.s32 $0xFFFFFFF0  }
0x512: {  	_ =	sfence.sel $0x180000  }
0x513: {  	[bflag:$0x0] =	sbarrier.arrive $0xFFFF  }
0x514: {  	_ =	strace $0x90000047  }
0x515: {  	s0 =	stileid.u32;
	[bflag:$0x2] =	sbarrier.arrive $0xFFFF  }
0x516: {  	p0 =	sne.s32 s0, $0x0;
	s0 =	rddreg [dreg:$0x2]  }
0x517: {  	s0 =	sadd.s32 @!p0 $0x100000, s0  }
0x518: {  	[sflag:s0] =	ssyncadd.tile.s32 @!p0 $0x1;
	_ =	shalt  }
.Lfunc_end2:
_tile_overlayer_lowered:
.L_overlay_start_2:
0x519: {  	(tag) =	ssettag $0x2  }
0x51a: {  	s0 =	rddreg [dreg:$0x0];
	s2 =	stileid.u32  }
0x51b: {  	s1 =	rddreg [dreg:$0x1];
	p0 =	sne.s32 s2, $0x0  }
0x51c: {  	s3 =	rddreg [dreg:$0x2];
	[bflag:$0x3] =	sbarrier.arrive $0xFFFF;
	s2 =	simm.s32 @!p0 $0x1C07  }
0x51d: {  	[timem:s3], [sflag:s2] =	dma.local @!p0 [hbm:s0], s1  }
0x51e: {  	s0 =	simm.s32 @!p0 $0x7  }
0x51f: {  	_ =	swait.ge @!p0 [sflag:s0], s1  }
0x520: {  	s1 =	ssub.s32 @!p0 $0x0, s1;
	[sflag:s0] =	ssyncset.done @!p0 $0x0  }
0x521: {  	[sflag:s0] =	ssyncadd.s32 @!p0 s1  }
0x522: {  	[bflag:$0x3] =	sbarrier.arrive $0xFFFF  }
0x523: {  	_ =	shalt  }

</sc_bundles>
